<compile_context>
chip_gen: v7x
topology: tpu7x:2x2x1
jax: 0.10.2.dev20260603
libtpu: 0.0.44.dev20260713+nightly
codegen_flags: <defaults>
</compile_context>

<pallas_src>
import functools

import jax
import jax.numpy as jnp
from jax import lax
from jax.experimental import pallas as pl
from jax.experimental.pallas import tpu as pltpu
from jax.experimental.pallas import tpu_sc as plsc

D = 64
S = 20
NUM_TOKENS = 1_000_000
NC = 2
NS = 16
NW = NC * NS
BSUB = 64
LANES = 16
NBG = BSUB // LANES


def _w2v_body(idx_in_hbm, idx_out_hbm, w_in_flat_hbm, w_out_hbm, out_hbm,
              in_idx, emb_idx, emb_buf, ctx_idx, ctx_buf, out_buf, sem):
    wid = lax.axis_index("s") * NC + lax.axis_index("c")
    lane = lax.iota(jnp.int32, LANES)
    bw = 512
    nsub = bw // BSUB
    nrow = BSUB * S

    def subtile(st, carry):
        b0 = wid * bw + st * BSUB
        pltpu.sync_copy(idx_in_hbm.at[pl.ds(b0, BSUB)], in_idx)
        for j in range(nrow // 128):
            pltpu.sync_copy(idx_out_hbm.at[pl.ds(b0 * S + j * 128, 128)],
                            ctx_idx.at[j])
        for g in range(NBG):
            iv = in_idx[pl.ds(g * LANES, LANES)]
            for d in range(D):
                k = d * BSUB + g * LANES
                emb_idx[k // 128, pl.ds(k % 128, LANES)] = iv + d * NUM_TOKENS
        copies = []
        for j in range(BSUB * D // 128):
            copies.append(pltpu.async_copy(
                w_in_flat_hbm.at[emb_idx.at[j]],
                emb_buf.at[pl.ds(j * 128, 128)], sem))
        for j in range(nrow // 128):
            copies.append(pltpu.async_copy(
                w_out_hbm.at[ctx_idx.at[j]],
                ctx_buf.at[pl.ds(j * 128, 128)], sem))
        for c in copies:
            c.wait()
        for bg in range(NBG):
            rows = [lane * S + (bg * LANES * S + s) for s in range(S)]

            def dbody(d, acc, rows=rows, bg=bg):
                emb_v = emb_buf[pl.ds(d * BSUB + bg * LANES, LANES)]
                dv = jnp.full((LANES,), d, jnp.int32)
                return tuple(
                    acc[s] + emb_v * plsc.load_gather(ctx_buf, [rows[s], dv])
                    for s in range(S))

            acc = lax.fori_loop(
                0, D, dbody,
                tuple(jnp.zeros((LANES,), jnp.float32) for _ in range(S)))
            for s in range(S):
                plsc.store_scatter(out_buf, [rows[s]], acc[s])
        pltpu.sync_copy(out_buf, out_hbm.at[pl.ds(b0 * S, nrow)])
        return carry

    lax.fori_loop(0, nsub, subtile, 0)


@jax.jit
def kernel(input_index_batch, output_indices_batch, W_in, W_out):
    B, s = output_indices_batch.shape
    mesh = plsc.VectorSubcoreMesh(
        core_axis_name="c", subcore_axis_name="s",
        num_cores=NC, num_subcores=NS)
    run = pl.kernel(
        _w2v_body, mesh=mesh,
        out_type=jax.ShapeDtypeStruct((B * S,), jnp.float32),
        scratch_types=[
            pltpu.VMEM((BSUB,), jnp.int32),
            pltpu.VMEM((BSUB * D // 128, 128), jnp.int32),
            pltpu.VMEM((BSUB * D,), jnp.float32),
            pltpu.VMEM((BSUB * S // 128, 128), jnp.int32),
            pltpu.VMEM((BSUB * S, D), jnp.float32),
            pltpu.VMEM((BSUB * S,), jnp.float32),
            pltpu.SemaphoreType.DMA,
        ],
        compiler_params=pltpu.CompilerParams(
            needs_layout_passes=False, use_tc_tiling_on_sc=False),
    )
    out = run(input_index_batch.astype(jnp.int32),
              output_indices_batch.reshape(-1).astype(jnp.int32),
              W_in.reshape(-1),
              W_out)
    return out.reshape(B, S)

# --- scband reference (transcript-rebuilt; emitter-appended) ---
"""Pipeline reference for scband-word2-vec-negative-samples-4982162064034 (READ-ONLY COPY).

The authoritative reference and input builder live on the scoring server;
editing this copy changes nothing except your own understanding.
"""

import jax, jax.numpy as jnp
import numpy as np


def setup_inputs(seed: int = 0) -> dict:
    key = jax.random.key(seed)
    k1, k2, k3, k4 = jax.random.split(key, 4)
    num_tokens = 1000000
    D = 64
    B = 16384
    S = 20
    input_index_batch = jax.random.randint(k1, (B,), 0, num_tokens, dtype=jnp.int64) if jax.config.jax_enable_x64 else jax.random.randint(k1, (B,), 0, num_tokens, dtype=jnp.int32)
    output_indices_batch = jax.random.randint(k2, (B, S), 0, num_tokens, dtype=jnp.int64) if jax.config.jax_enable_x64 else jax.random.randint(k2, (B, S), 0, num_tokens, dtype=jnp.int32)
    # Learned parameters sized per init_kwargs:
    # nn.Linear(num_tokens, wordvec_dim, bias=False).weight -> shape (wordvec_dim, num_tokens)
    W_in = jax.random.normal(k3, (D, num_tokens), dtype=jnp.float32) * 0.02
    # nn.Linear(wordvec_dim, num_tokens, bias=False).weight -> shape (num_tokens, wordvec_dim)
    W_out = jax.random.normal(k4, (num_tokens, D), dtype=jnp.float32) * 0.02
    return {
        "input_index_batch": input_index_batch,
        "output_indices_batch": output_indices_batch,
        "W_in": W_in,
        "W_out": W_out,
    }


def reference(input_index_batch, output_indices_batch, W_in, W_out):
    B = output_indices_batch.shape[0]
    S = output_indices_batch.shape[1]
    D = W_in.shape[0]
    # embedding_vectors = input.weight[:, input_index_batch].t().reshape(B, 1, D)
    emb = jnp.take(W_in, input_index_batch, axis=1).T.reshape(B, 1, D)
    # context_vectors = transpose(output.weight[output_indices_batch], 1, 2) -> (B, D, S)
    ctx = jnp.transpose(jnp.take(W_out, output_indices_batch, axis=0), (0, 2, 1))
    # (B,1,D) @ (B,D,S) -> (B,1,S) -> (B,S)
    return jnp.matmul(emb, ctx).reshape(B, S)

if __name__ == "__main__":
    import jax
    _d = setup_inputs()
    print(jax.jit(kernel)(*tuple(_d.values())))

</pallas_src>

<mosaic_0001>
#map = affine_map<(d0, d1) -> (0)>
#map1 = affine_map<(d0, d1) -> (0, 0)>
module attributes {stable_mosaic.version = 14 : i64} {
  func.func @_w2v_body(%arg0: i32, %arg1: i32, %arg2: memref<16384xi32, #tpu.memory_space<hbm>>, %arg3: memref<327680xi32, #tpu.memory_space<hbm>>, %arg4: memref<64000000xf32, #tpu.memory_space<hbm>>, %arg5: memref<1000000x64xf32, #tpu.memory_space<hbm>>, %arg6: memref<327680xf32, #tpu.memory_space<hbm>>, %arg7: memref<64xi32, #tpu.memory_space<vmem>>, %arg8: memref<32x128xi32, #tpu.memory_space<vmem>>, %arg9: memref<4096xf32, #tpu.memory_space<vmem>>, %arg10: memref<10x128xi32, #tpu.memory_space<vmem>>, %arg11: memref<1280x64xf32, #tpu.memory_space<vmem>>, %arg12: memref<1280xf32, #tpu.memory_space<vmem>>, %arg13: memref<!tpu.dma_semaphore, #tpu.memory_space<semaphore_mem>>) attributes {dimension_semantics = [#tpu.dimension_semantics<core_parallel>, #tpu.dimension_semantics<subcore_parallel>], iteration_bounds = array<i64: 2, 16>, scalar_prefetch = 0 : i64, scratch_operands = 7 : i64, tpu.core_type = #tpu.core_type<sc_vector_subcore>, window_params = [{transform_indices = #map}, {transform_indices = #map}, {transform_indices = #map}, {transform_indices = #map1}, {transform_indices = #map}]} {
    %mul3A = arith.constant 2 : i32
    %mul3A_0 = arith.muli %arg1, %mul3A : i32
    %add3A = arith.addi %mul3A_0, %arg0 : i32
    %iota3A = tpu.iota {dimensions = array<i32: 0>} : vector<16xi32>
    %scan3A = arith.constant 0 : i32
    %scan3A_1 = arith.constant 0 : i32
    %scan3A_2 = arith.constant 8 : i32
    %scan3A_3 = arith.addi %scan3A_1, %scan3A_2 : i32
    %scan3A_4 = arith.constant 1 : i32
    scf.for %scan3A_6 = %scan3A_1 to %scan3A_3 step %scan3A_4  : i32 {
      %mul3A_7 = arith.constant 512 : i32
      %mul3A_8 = arith.muli %add3A, %mul3A_7 : i32
      %mul3A_9 = arith.constant 64 : i32
      %mul3A_10 = arith.muli %scan3A_6, %mul3A_9 : i32
      %add3A_11 = arith.addi %mul3A_8, %mul3A_10 : i32
      "tpu.region"() ({
        %run_scoped3A_3234 = tpu.sem_alloc : memref<!tpu.dma_semaphore, #tpu.memory_space<semaphore_mem>>
        %dma_start3A_3235 = tpu.memref_slice %arg2[%add3A_11] : memref<16384xi32, #tpu.memory_space<hbm>> -> memref<64xi32, #tpu.memory_space<hbm>>
        %dma_start3A_3236 = tpu.memref_slice %arg2[%add3A_11] : memref<16384xi32, #tpu.memory_space<hbm>> -> memref<64xi32, #tpu.memory_space<hbm>>
        tpu.enqueue_dma source(%dma_start3A_3236 : memref<64xi32, #tpu.memory_space<hbm>>) target(%arg7 : memref<64xi32, #tpu.memory_space<vmem>>) target_semaphore(%run_scoped3A_3234 : memref<!tpu.dma_semaphore, #tpu.memory_space<semaphore_mem>>)
        %dma_wait3A_3237 = tpu.memref_slice %arg2[%add3A_11] : memref<16384xi32, #tpu.memory_space<hbm>> -> memref<64xi32, #tpu.memory_space<hbm>>
        %dma_wait3A_3238 = tpu.memref_slice %arg2[%add3A_11] : memref<16384xi32, #tpu.memory_space<hbm>> -> memref<64xi32, #tpu.memory_space<hbm>>
        tpu.wait_dma2 semaphore(%run_scoped3A_3234 : memref<!tpu.dma_semaphore, #tpu.memory_space<semaphore_mem>>) src(%dma_wait3A_3238 : memref<64xi32, #tpu.memory_space<hbm>>) dst(%arg7 : memref<64xi32, #tpu.memory_space<vmem>>)
        tpu.yield
      }) : () -> ()
      %mul3A_12 = arith.constant 20 : i32
      %mul3A_13 = arith.muli %add3A_11, %mul3A_12 : i32
      %add3A_14 = arith.constant 0 : i32
      %add3A_15 = arith.addi %mul3A_13, %add3A_14 : i32
      %run_scoped3A = arith.constant 0 : i32
      "tpu.region"() ({
        %run_scoped3A_3234 = tpu.sem_alloc : memref<!tpu.dma_semaphore, #tpu.memory_space<semaphore_mem>>
        %dma_start3A_3235 = arith.constant 0 : i32
        %dma_start3A_3236 = tpu.memref_slice %arg10[%run_scoped3A, %dma_start3A_3235] : memref<10x128xi32, #tpu.memory_space<vmem>> -> memref<1x128xi32, #tpu.memory_space<vmem>>
        %dma_start3A_3237 = tpu.memref_squeeze %dma_start3A_3236 : memref<1x128xi32, #tpu.memory_space<vmem>> -> memref<128xi32, #tpu.memory_space<vmem>>
        %dma_start3A_3238 = tpu.memref_slice %arg3[%add3A_15] : memref<327680xi32, #tpu.memory_space<hbm>> -> memref<128xi32, #tpu.memory_space<hbm>>
        %dma_start3A_3239 = arith.constant 0 : i32
        %dma_start3A_3240 = tpu.memref_slice %arg10[%run_scoped3A, %dma_start3A_3239] : memref<10x128xi32, #tpu.memory_space<vmem>> -> memref<1x128xi32, #tpu.memory_space<vmem>>
        %dma_start3A_3241 = tpu.memref_squeeze %dma_start3A_3240 : memref<1x128xi32, #tpu.memory_space<vmem>> -> memref<128xi32, #tpu.memory_space<vmem>>
        %dma_start3A_3242 = tpu.memref_slice %arg3[%add3A_15] : memref<327680xi32, #tpu.memory_space<hbm>> -> memref<128xi32, #tpu.memory_space<hbm>>
        tpu.enqueue_dma source(%dma_start3A_3242 : memref<128xi32, #tpu.memory_space<hbm>>) target(%dma_start3A_3241 : memref<128xi32, #tpu.memory_space<vmem>>) target_semaphore(%run_scoped3A_3234 : memref<!tpu.dma_semaphore, #tpu.memory_space<semaphore_mem>>)
        %dma_wait3A_3243 = arith.constant 0 : i32
        %dma_wait3A_3244 = tpu.memref_slice %arg10[%run_scoped3A, %dma_wait3A_3243] : memref<10x128xi32, #tpu.memory_space<vmem>> -> memref<1x128xi32, #tpu.memory_space<vmem>>
        %dma_wait3A_3245 = tpu.memref_squeeze %dma_wait3A_3244 : memref<1x128xi32, #tpu.memory_space<vmem>> -> memref<128xi32, #tpu.memory_space<vmem>>
        %dma_wait3A_3246 = tpu.memref_slice %arg3[%add3A_15] : memref<327680xi32, #tpu.memory_space<hbm>> -> memref<128xi32, #tpu.memory_space<hbm>>
        %dma_wait3A_3247 = arith.constant 0 : i32
        %dma_wait3A_3248 = tpu.memref_slice %arg10[%run_scoped3A, %dma_wait3A_3247] : memref<10x128xi32, #tpu.memory_space<vmem>> -> memref<1x128xi32, #tpu.memory_space<vmem>>
        %dma_wait3A_3249 = tpu.memref_squeeze %dma_wait3A_3248 : memref<1x128xi32, #tpu.memory_space<vmem>> -> memref<128xi32, #tpu.memory_space<vmem>>
        %dma_wait3A_3250 = tpu.memref_slice %arg3[%add3A_15] : memref<327680xi32, #tpu.memory_space<hbm>> -> memref<128xi32, #tpu.memory_space<hbm>>
        tpu.wait_dma2 semaphore(%run_scoped3A_3234 : memref<!tpu.dma_semaphore, #tpu.memory_space<semaphore_mem>>) src(%dma_wait3A_3250 : memref<128xi32, #tpu.memory_space<hbm>>) dst(%dma_wait3A_3249 : memref<128xi32, #tpu.memory_space<vmem>>)
        tpu.yield
      }) : () -> ()
      %mul3A_16 = arith.constant 20 : i32
      %mul3A_17 = arith.muli %add3A_11, %mul3A_16 : i32
      %add3A_18 = arith.constant 128 : i32
      %add3A_19 = arith.addi %mul3A_17, %add3A_18 : i32
      %run_scoped3A_20 = arith.constant 1 : i32
      "tpu.region"() ({
        %run_scoped3A_3234 = tpu.sem_alloc : memref<!tpu.dma_semaphore, #tpu.memory_space<semaphore_mem>>
        %dma_start3A_3235 = arith.constant 0 : i32
        %dma_start3A_3236 = tpu.memref_slice %arg10[%run_scoped3A_20, %dma_start3A_3235] : memref<10x128xi32, #tpu.memory_space<vmem>> -> memref<1x128xi32, #tpu.memory_space<vmem>>
        %dma_start3A_3237 = tpu.memref_squeeze %dma_start3A_3236 : memref<1x128xi32, #tpu.memory_space<vmem>> -> memref<128xi32, #tpu.memory_space<vmem>>
        %dma_start3A_3238 = tpu.memref_slice %arg3[%add3A_19] : memref<327680xi32, #tpu.memory_space<hbm>> -> memref<128xi32, #tpu.memory_space<hbm>>
        %dma_start3A_3239 = arith.constant 0 : i32
        %dma_start3A_3240 = tpu.memref_slice %arg10[%run_scoped3A_20, %dma_start3A_3239] : memref<10x128xi32, #tpu.memory_space<vmem>> -> memref<1x128xi32, #tpu.memory_space<vmem>>
        %dma_start3A_3241 = tpu.memref_squeeze %dma_start3A_3240 : memref<1x128xi32, #tpu.memory_space<vmem>> -> memref<128xi32, #tpu.memory_space<vmem>>
        %dma_start3A_3242 = tpu.memref_slice %arg3[%add3A_19] : memref<327680xi32, #tpu.memory_space<hbm>> -> memref<128xi32, #tpu.memory_space<hbm>>
        tpu.enqueue_dma source(%dma_start3A_3242 : memref<128xi32, #tpu.memory_space<hbm>>) target(%dma_start3A_3241 : memref<128xi32, #tpu.memory_space<vmem>>) target_semaphore(%run_scoped3A_3234 : memref<!tpu.dma_semaphore, #tpu.memory_space<semaphore_mem>>)
        %dma_wait3A_3243 = arith.constant 0 : i32
        %dma_wait3A_3244 = tpu.memref_slice %arg10[%run_scoped3A_20, %dma_wait3A_3243] : memref<10x128xi32, #tpu.memory_space<vmem>> -> memref<1x128xi32, #tpu.memory_space<vmem>>
        %dma_wait3A_3245 = tpu.memref_squeeze %dma_wait3A_3244 : memref<1x128xi32, #tpu.memory_space<vmem>> -> memref<128xi32, #tpu.memory_space<vmem>>
        %dma_wait3A_3246 = tpu.memref_slice %arg3[%add3A_19] : memref<327680xi32, #tpu.memory_space<hbm>> -> memref<128xi32, #tpu.memory_space<hbm>>
        %dma_wait3A_3247 = arith.constant 0 : i32
        %dma_wait3A_3248 = tpu.memref_slice %arg10[%run_scoped3A_20, %dma_wait3A_3247] : memref<10x128xi32, #tpu.memory_space<vmem>> -> memref<1x128xi32, #tpu.memory_space<vmem>>
        %dma_wait3A_3249 = tpu.memref_squeeze %dma_wait3A_3248 : memref<1x128xi32, #tpu.memory_space<vmem>> -> memref<128xi32, #tpu.memory_space<vmem>>
        %dma_wait3A_3250 = tpu.memref_slice %arg3[%add3A_19] : memref<327680xi32, #tpu.memory_space<hbm>> -> memref<128xi32, #tpu.memory_space<hbm>>
        tpu.wait_dma2 semaphore(%run_scoped3A_3234 : memref<!tpu.dma_semaphore, #tpu.memory_space<semaphore_mem>>) src(%dma_wait3A_3250 : memref<128xi32, #tpu.memory_space<hbm>>) dst(%dma_wait3A_3249 : memref<128xi32, #tpu.memory_space<vmem>>)
        tpu.yield
      }) : () -> ()
      %mul3A_21 = arith.constant 20 : i32
      %mul3A_22 = arith.muli %add3A_11, %mul3A_21 : i32
      %add3A_23 = arith.constant 256 : i32
      %add3A_24 = arith.addi %mul3A_22, %add3A_23 : i32
      %run_scoped3A_25 = arith.constant 2 : i32
      "tpu.region"() ({
        %run_scoped3A_3234 = tpu.sem_alloc : memref<!tpu.dma_semaphore, #tpu.memory_space<semaphore_mem>>
        %dma_start3A_3235 = arith.constant 0 : i32
        %dma_start3A_3236 = tpu.memref_slice %arg10[%run_scoped3A_25, %dma_start3A_3235] : memref<10x128xi32, #tpu.memory_space<vmem>> -> memref<1x128xi32, #tpu.memory_space<vmem>>
        %dma_start3A_3237 = tpu.memref_squeeze %dma_start3A_3236 : memref<1x128xi32, #tpu.memory_space<vmem>> -> memref<128xi32, #tpu.memory_space<vmem>>
        %dma_start3A_3238 = tpu.memref_slice %arg3[%add3A_24] : memref<327680xi32, #tpu.memory_space<hbm>> -> memref<128xi32, #tpu.memory_space<hbm>>
        %dma_start3A_3239 = arith.constant 0 : i32
        %dma_start3A_3240 = tpu.memref_slice %arg10[%run_scoped3A_25, %dma_start3A_3239] : memref<10x128xi32, #tpu.memory_space<vmem>> -> memref<1x128xi32, #tpu.memory_space<vmem>>
        %dma_start3A_3241 = tpu.memref_squeeze %dma_start3A_3240 : memref<1x128xi32, #tpu.memory_space<vmem>> -> memref<128xi32, #tpu.memory_space<vmem>>
        %dma_start3A_3242 = tpu.memref_slice %arg3[%add3A_24] : memref<327680xi32, #tpu.memory_space<hbm>> -> memref<128xi32, #tpu.memory_space<hbm>>
        tpu.enqueue_dma source(%dma_start3A_3242 : memref<128xi32, #tpu.memory_space<hbm>>) target(%dma_start3A_3241 : memref<128xi32, #tpu.memory_space<vmem>>) target_semaphore(%run_scoped3A_3234 : memref<!tpu.dma_semaphore, #tpu.memory_space<semaphore_mem>>)
        %dma_wait3A_3243 = arith.constant 0 : i32
        %dma_wait3A_3244 = tpu.memref_slice %arg10[%run_scoped3A_25, %dma_wait3A_3243] : memref<10x128xi32, #tpu.memory_space<vmem>> -> memref<1x128xi32, #tpu.memory_space<vmem>>
        %dma_wait3A_3245 = tpu.memref_squeeze %dma_wait3A_3244 : memref<1x128xi32, #tpu.memory_space<vmem>> -> memref<128xi32, #tpu.memory_space<vmem>>
        %dma_wait3A_3246 = tpu.memref_slice %arg3[%add3A_24] : memref<327680xi32, #tpu.memory_space<hbm>> -> memref<128xi32, #tpu.memory_space<hbm>>
        %dma_wait3A_3247 = arith.constant 0 : i32
        %dma_wait3A_3248 = tpu.memref_slice %arg10[%run_scoped3A_25, %dma_wait3A_3247] : memref<10x128xi32, #tpu.memory_space<vmem>> -> memref<1x128xi32, #tpu.memory_space<vmem>>
        %dma_wait3A_3249 = tpu.memref_squeeze %dma_wait3A_3248 : memref<1x128xi32, #tpu.memory_space<vmem>> -> memref<128xi32, #tpu.memory_space<vmem>>
        %dma_wait3A_3250 = tpu.memref_slice %arg3[%add3A_24] : memref<327680xi32, #tpu.memory_space<hbm>> -> memref<128xi32, #tpu.memory_space<hbm>>
        tpu.wait_dma2 semaphore(%run_scoped3A_3234 : memref<!tpu.dma_semaphore, #tpu.memory_space<semaphore_mem>>) src(%dma_wait3A_3250 : memref<128xi32, #tpu.memory_space<hbm>>) dst(%dma_wait3A_3249 : memref<128xi32, #tpu.memory_space<vmem>>)
        tpu.yield
      }) : () -> ()
      %mul3A_26 = arith.constant 20 : i32
      %mul3A_27 = arith.muli %add3A_11, %mul3A_26 : i32
      %add3A_28 = arith.constant 384 : i32
      %add3A_29 = arith.addi %mul3A_27, %add3A_28 : i32
      %run_scoped3A_30 = arith.constant 3 : i32
      "tpu.region"() ({
        %run_scoped3A_3234 = tpu.sem_alloc : memref<!tpu.dma_semaphore, #tpu.memory_space<semaphore_mem>>
        %dma_start3A_3235 = arith.constant 0 : i32
        %dma_start3A_3236 = tpu.memref_slice %arg10[%run_scoped3A_30, %dma_start3A_3235] : memref<10x128xi32, #tpu.memory_space<vmem>> -> memref<1x128xi32, #tpu.memory_space<vmem>>
        %dma_start3A_3237 = tpu.memref_squeeze %dma_start3A_3236 : memref<1x128xi32, #tpu.memory_space<vmem>> -> memref<128xi32, #tpu.memory_space<vmem>>
        %dma_start3A_3238 = tpu.memref_slice %arg3[%add3A_29] : memref<327680xi32, #tpu.memory_space<hbm>> -> memref<128xi32, #tpu.memory_space<hbm>>
        %dma_start3A_3239 = arith.constant 0 : i32
        %dma_start3A_3240 = tpu.memref_slice %arg10[%run_scoped3A_30, %dma_start3A_3239] : memref<10x128xi32, #tpu.memory_space<vmem>> -> memref<1x128xi32, #tpu.memory_space<vmem>>
        %dma_start3A_3241 = tpu.memref_squeeze %dma_start3A_3240 : memref<1x128xi32, #tpu.memory_space<vmem>> -> memref<128xi32, #tpu.memory_space<vmem>>
        %dma_start3A_3242 = tpu.memref_slice %arg3[%add3A_29] : memref<327680xi32, #tpu.memory_space<hbm>> -> memref<128xi32, #tpu.memory_space<hbm>>
        tpu.enqueue_dma source(%dma_start3A_3242 : memref<128xi32, #tpu.memory_space<hbm>>) target(%dma_start3A_3241 : memref<128xi32, #tpu.memory_space<vmem>>) target_semaphore(%run_scoped3A_3234 : memref<!tpu.dma_semaphore, #tpu.memory_space<semaphore_mem>>)
        %dma_wait3A_3243 = arith.constant 0 : i32
        %dma_wait3A_3244 = tpu.memref_slice %arg10[%run_scoped3A_30, %dma_wait3A_3243] : memref<10x128xi32, #tpu.memory_space<vmem>> -> memref<1x128xi32, #tpu.memory_space<vmem>>
        %dma_wait3A_3245 = tpu.memref_squeeze %dma_wait3A_3244 : memref<1x128xi32, #tpu.memory_space<vmem>> -> memref<128xi32, #tpu.memory_space<vmem>>
        %dma_wait3A_3246 = tpu.memref_slice %arg3[%add3A_29] : memref<327680xi32, #tpu.memory_space<hbm>> -> memref<128xi32, #tpu.memory_space<hbm>>
        %dma_wait3A_3247 = arith.constant 0 : i32
        %dma_wait3A_3248 = tpu.memref_slice %arg10[%run_scoped3A_30, %dma_wait3A_3247] : memref<10x128xi32, #tpu.memory_space<vmem>> -> memref<1x128xi32, #tpu.memory_space<vmem>>
        %dma_wait3A_3249 = tpu.memref_squeeze %dma_wait3A_3248 : memref<1x128xi32, #tpu.memory_space<vmem>> -> memref<128xi32, #tpu.memory_space<vmem>>
        %dma_wait3A_3250 = tpu.memref_slice %arg3[%add3A_29] : memref<327680xi32, #tpu.memory_space<hbm>> -> memref<128xi32, #tpu.memory_space<hbm>>
        tpu.wait_dma2 semaphore(%run_scoped3A_3234 : memref<!tpu.dma_semaphore, #tpu.memory_space<semaphore_mem>>) src(%dma_wait3A_3250 : memref<128xi32, #tpu.memory_space<hbm>>) dst(%dma_wait3A_3249 : memref<128xi32, #tpu.memory_space<vmem>>)
        tpu.yield
      }) : () -> ()
      %mul3A_31 = arith.constant 20 : i32
      %mul3A_32 = arith.muli %add3A_11, %mul3A_31 : i32
      %add3A_33 = arith.constant 512 : i32
      %add3A_34 = arith.addi %mul3A_32, %add3A_33 : i32
      %run_scoped3A_35 = arith.constant 4 : i32
      "tpu.region"() ({
        %run_scoped3A_3234 = tpu.sem_alloc : memref<!tpu.dma_semaphore, #tpu.memory_space<semaphore_mem>>
        %dma_start3A_3235 = arith.constant 0 : i32
        %dma_start3A_3236 = tpu.memref_slice %arg10[%run_scoped3A_35, %dma_start3A_3235] : memref<10x128xi32, #tpu.memory_space<vmem>> -> memref<1x128xi32, #tpu.memory_space<vmem>>
        %dma_start3A_3237 = tpu.memref_squeeze %dma_start3A_3236 : memref<1x128xi32, #tpu.memory_space<vmem>> -> memref<128xi32, #tpu.memory_space<vmem>>
        %dma_start3A_3238 = tpu.memref_slice %arg3[%add3A_34] : memref<327680xi32, #tpu.memory_space<hbm>> -> memref<128xi32, #tpu.memory_space<hbm>>
        %dma_start3A_3239 = arith.constant 0 : i32
        %dma_start3A_3240 = tpu.memref_slice %arg10[%run_scoped3A_35, %dma_start3A_3239] : memref<10x128xi32, #tpu.memory_space<vmem>> -> memref<1x128xi32, #tpu.memory_space<vmem>>
        %dma_start3A_3241 = tpu.memref_squeeze %dma_start3A_3240 : memref<1x128xi32, #tpu.memory_space<vmem>> -> memref<128xi32, #tpu.memory_space<vmem>>
        %dma_start3A_3242 = tpu.memref_slice %arg3[%add3A_34] : memref<327680xi32, #tpu.memory_space<hbm>> -> memref<128xi32, #tpu.memory_space<hbm>>
        tpu.enqueue_dma source(%dma_start3A_3242 : memref<128xi32, #tpu.memory_space<hbm>>) target(%dma_start3A_3241 : memref<128xi32, #tpu.memory_space<vmem>>) target_semaphore(%run_scoped3A_3234 : memref<!tpu.dma_semaphore, #tpu.memory_space<semaphore_mem>>)
        %dma_wait3A_3243 = arith.constant 0 : i32
        %dma_wait3A_3244 = tpu.memref_slice %arg10[%run_scoped3A_35, %dma_wait3A_3243] : memref<10x128xi32, #tpu.memory_space<vmem>> -> memref<1x128xi32, #tpu.memory_space<vmem>>
        %dma_wait3A_3245 = tpu.memref_squeeze %dma_wait3A_3244 : memref<1x128xi32, #tpu.memory_space<vmem>> -> memref<128xi32, #tpu.memory_space<vmem>>
        %dma_wait3A_3246 = tpu.memref_slice %arg3[%add3A_34] : memref<327680xi32, #tpu.memory_space<hbm>> -> memref<128xi32, #tpu.memory_space<hbm>>
        %dma_wait3A_3247 = arith.constant 0 : i32
        %dma_wait3A_3248 = tpu.memref_slice %arg10[%run_scoped3A_35, %dma_wait3A_3247] : memref<10x128xi32, #tpu.memory_space<vmem>> -> memref<1x128xi32, #tpu.memory_space<vmem>>
        %dma_wait3A_3249 = tpu.memref_squeeze %dma_wait3A_3248 : memref<1x128xi32, #tpu.memory_space<vmem>> -> memref<128xi32, #tpu.memory_space<vmem>>
        %dma_wait3A_3250 = tpu.memref_slice %arg3[%add3A_34] : memref<327680xi32, #tpu.memory_space<hbm>> -> memref<128xi32, #tpu.memory_space<hbm>>
        tpu.wait_dma2 semaphore(%run_scoped3A_3234 : memref<!tpu.dma_semaphore, #tpu.memory_space<semaphore_mem>>) src(%dma_wait3A_3250 : memref<128xi32, #tpu.memory_space<hbm>>) dst(%dma_wait3A_3249 : memref<128xi32, #tpu.memory_space<vmem>>)
        tpu.yield
      }) : () -> ()
      %mul3A_36 = arith.constant 20 : i32
      %mul3A_37 = arith.muli %add3A_11, %mul3A_36 : i32
      %add3A_38 = arith.constant 640 : i32
      %add3A_39 = arith.addi %mul3A_37, %add3A_38 : i32
      %run_scoped3A_40 = arith.constant 5 : i32
      "tpu.region"() ({
        %run_scoped3A_3234 = tpu.sem_alloc : memref<!tpu.dma_semaphore, #tpu.memory_space<semaphore_mem>>
        %dma_start3A_3235 = arith.constant 0 : i32
        %dma_start3A_3236 = tpu.memref_slice %arg10[%run_scoped3A_40, %dma_start3A_3235] : memref<10x128xi32, #tpu.memory_space<vmem>> -> memref<1x128xi32, #tpu.memory_space<vmem>>
        %dma_start3A_3237 = tpu.memref_squeeze %dma_start3A_3236 : memref<1x128xi32, #tpu.memory_space<vmem>> -> memref<128xi32, #tpu.memory_space<vmem>>
        %dma_start3A_3238 = tpu.memref_slice %arg3[%add3A_39] : memref<327680xi32, #tpu.memory_space<hbm>> -> memref<128xi32, #tpu.memory_space<hbm>>
        %dma_start3A_3239 = arith.constant 0 : i32
        %dma_start3A_3240 = tpu.memref_slice %arg10[%run_scoped3A_40, %dma_start3A_3239] : memref<10x128xi32, #tpu.memory_space<vmem>> -> memref<1x128xi32, #tpu.memory_space<vmem>>
        %dma_start3A_3241 = tpu.memref_squeeze %dma_start3A_3240 : memref<1x128xi32, #tpu.memory_space<vmem>> -> memref<128xi32, #tpu.memory_space<vmem>>
        %dma_start3A_3242 = tpu.memref_slice %arg3[%add3A_39] : memref<327680xi32, #tpu.memory_space<hbm>> -> memref<128xi32, #tpu.memory_space<hbm>>
        tpu.enqueue_dma source(%dma_start3A_3242 : memref<128xi32, #tpu.memory_space<hbm>>) target(%dma_start3A_3241 : memref<128xi32, #tpu.memory_space<vmem>>) target_semaphore(%run_scoped3A_3234 : memref<!tpu.dma_semaphore, #tpu.memory_space<semaphore_mem>>)
        %dma_wait3A_3243 = arith.constant 0 : i32
        %dma_wait3A_3244 = tpu.memref_slice %arg10[%run_scoped3A_40, %dma_wait3A_3243] : memref<10x128xi32, #tpu.memory_space<vmem>> -> memref<1x128xi32, #tpu.memory_space<vmem>>
        %dma_wait3A_3245 = tpu.memref_squeeze %dma_wait3A_3244 : memref<1x128xi32, #tpu.memory_space<vmem>> -> memref<128xi32, #tpu.memory_space<vmem>>
        %dma_wait3A_3246 = tpu.memref_slice %arg3[%add3A_39] : memref<327680xi32, #tpu.memory_space<hbm>> -> memref<128xi32, #tpu.memory_space<hbm>>
        %dma_wait3A_3247 = arith.constant 0 : i32
        %dma_wait3A_3248 = tpu.memref_slice %arg10[%run_scoped3A_40, %dma_wait3A_3247] : memref<10x128xi32, #tpu.memory_space<vmem>> -> memref<1x128xi32, #tpu.memory_space<vmem>>
        %dma_wait3A_3249 = tpu.memref_squeeze %dma_wait3A_3248 : memref<1x128xi32, #tpu.memory_space<vmem>> -> memref<128xi32, #tpu.memory_space<vmem>>
        %dma_wait3A_3250 = tpu.memref_slice %arg3[%add3A_39] : memref<327680xi32, #tpu.memory_space<hbm>> -> memref<128xi32, #tpu.memory_space<hbm>>
        tpu.wait_dma2 semaphore(%run_scoped3A_3234 : memref<!tpu.dma_semaphore, #tpu.memory_space<semaphore_mem>>) src(%dma_wait3A_3250 : memref<128xi32, #tpu.memory_space<hbm>>) dst(%dma_wait3A_3249 : memref<128xi32, #tpu.memory_space<vmem>>)
        tpu.yield
      }) : () -> ()
      %mul3A_41 = arith.constant 20 : i32
      %mul3A_42 = arith.muli %add3A_11, %mul3A_41 : i32
      %add3A_43 = arith.constant 768 : i32
      %add3A_44 = arith.addi %mul3A_42, %add3A_43 : i32
      %run_scoped3A_45 = arith.constant 6 : i32
      "tpu.region"() ({
        %run_scoped3A_3234 = tpu.sem_alloc : memref<!tpu.dma_semaphore, #tpu.memory_space<semaphore_mem>>
        %dma_start3A_3235 = arith.constant 0 : i32
        %dma_start3A_3236 = tpu.memref_slice %arg10[%run_scoped3A_45, %dma_start3A_3235] : memref<10x128xi32, #tpu.memory_space<vmem>> -> memref<1x128xi32, #tpu.memory_space<vmem>>
        %dma_start3A_3237 = tpu.memref_squeeze %dma_start3A_3236 : memref<1x128xi32, #tpu.memory_space<vmem>> -> memref<128xi32, #tpu.memory_space<vmem>>
        %dma_start3A_3238 = tpu.memref_slice %arg3[%add3A_44] : memref<327680xi32, #tpu.memory_space<hbm>> -> memref<128xi32, #tpu.memory_space<hbm>>
        %dma_start3A_3239 = arith.constant 0 : i32
        %dma_start3A_3240 = tpu.memref_slice %arg10[%run_scoped3A_45, %dma_start3A_3239] : memref<10x128xi32, #tpu.memory_space<vmem>> -> memref<1x128xi32, #tpu.memory_space<vmem>>
        %dma_start3A_3241 = tpu.memref_squeeze %dma_start3A_3240 : memref<1x128xi32, #tpu.memory_space<vmem>> -> memref<128xi32, #tpu.memory_space<vmem>>
        %dma_start3A_3242 = tpu.memref_slice %arg3[%add3A_44] : memref<327680xi32, #tpu.memory_space<hbm>> -> memref<128xi32, #tpu.memory_space<hbm>>
        tpu.enqueue_dma source(%dma_start3A_3242 : memref<128xi32, #tpu.memory_space<hbm>>) target(%dma_start3A_3241 : memref<128xi32, #tpu.memory_space<vmem>>) target_semaphore(%run_scoped3A_3234 : memref<!tpu.dma_semaphore, #tpu.memory_space<semaphore_mem>>)
        %dma_wait3A_3243 = arith.constant 0 : i32
        %dma_wait3A_3244 = tpu.memref_slice %arg10[%run_scoped3A_45, %dma_wait3A_3243] : memref<10x128xi32, #tpu.memory_space<vmem>> -> memref<1x128xi32, #tpu.memory_space<vmem>>
        %dma_wait3A_3245 = tpu.memref_squeeze %dma_wait3A_3244 : memref<1x128xi32, #tpu.memory_space<vmem>> -> memref<128xi32, #tpu.memory_space<vmem>>
        %dma_wait3A_3246 = tpu.memref_slice %arg3[%add3A_44] : memref<327680xi32, #tpu.memory_space<hbm>> -> memref<128xi32, #tpu.memory_space<hbm>>
        %dma_wait3A_3247 = arith.constant 0 : i32
        %dma_wait3A_3248 = tpu.memref_slice %arg10[%run_scoped3A_45, %dma_wait3A_3247] : memref<10x128xi32, #tpu.memory_space<vmem>> -> memref<1x128xi32, #tpu.memory_space<vmem>>
        %dma_wait3A_3249 = tpu.memref_squeeze %dma_wait3A_3248 : memref<1x128xi32, #tpu.memory_space<vmem>> -> memref<128xi32, #tpu.memory_space<vmem>>
        %dma_wait3A_3250 = tpu.memref_slice %arg3[%add3A_44] : memref<327680xi32, #tpu.memory_space<hbm>> -> memref<128xi32, #tpu.memory_space<hbm>>
        tpu.wait_dma2 semaphore(%run_scoped3A_3234 : memref<!tpu.dma_semaphore, #tpu.memory_space<semaphore_mem>>) src(%dma_wait3A_3250 : memref<128xi32, #tpu.memory_space<hbm>>) dst(%dma_wait3A_3249 : memref<128xi32, #tpu.memory_space<vmem>>)
        tpu.yield
      }) : () -> ()
      %mul3A_46 = arith.constant 20 : i32
      %mul3A_47 = arith.muli %add3A_11, %mul3A_46 : i32
      %add3A_48 = arith.constant 896 : i32
      %add3A_49 = arith.addi %mul3A_47, %add3A_48 : i32
      %run_scoped3A_50 = arith.constant 7 : i32
      "tpu.region"() ({
        %run_scoped3A_3234 = tpu.sem_alloc : memref<!tpu.dma_semaphore, #tpu.memory_space<semaphore_mem>>
        %dma_start3A_3235 = arith.constant 0 : i32
        %dma_start3A_3236 = tpu.memref_slice %arg10[%run_scoped3A_50, %dma_start3A_3235] : memref<10x128xi32, #tpu.memory_space<vmem>> -> memref<1x128xi32, #tpu.memory_space<vmem>>
        %dma_start3A_3237 = tpu.memref_squeeze %dma_start3A_3236 : memref<1x128xi32, #tpu.memory_space<vmem>> -> memref<128xi32, #tpu.memory_space<vmem>>
        %dma_start3A_3238 = tpu.memref_slice %arg3[%add3A_49] : memref<327680xi32, #tpu.memory_space<hbm>> -> memref<128xi32, #tpu.memory_space<hbm>>
        %dma_start3A_3239 = arith.constant 0 : i32
        %dma_start3A_3240 = tpu.memref_slice %arg10[%run_scoped3A_50, %dma_start3A_3239] : memref<10x128xi32, #tpu.memory_space<vmem>> -> memref<1x128xi32, #tpu.memory_space<vmem>>
        %dma_start3A_3241 = tpu.memref_squeeze %dma_start3A_3240 : memref<1x128xi32, #tpu.memory_space<vmem>> -> memref<128xi32, #tpu.memory_space<vmem>>
        %dma_start3A_3242 = tpu.memref_slice %arg3[%add3A_49] : memref<327680xi32, #tpu.memory_space<hbm>> -> memref<128xi32, #tpu.memory_space<hbm>>
        tpu.enqueue_dma source(%dma_start3A_3242 : memref<128xi32, #tpu.memory_space<hbm>>) target(%dma_start3A_3241 : memref<128xi32, #tpu.memory_space<vmem>>) target_semaphore(%run_scoped3A_3234 : memref<!tpu.dma_semaphore, #tpu.memory_space<semaphore_mem>>)
        %dma_wait3A_3243 = arith.constant 0 : i32
        %dma_wait3A_3244 = tpu.memref_slice %arg10[%run_scoped3A_50, %dma_wait3A_3243] : memref<10x128xi32, #tpu.memory_space<vmem>> -> memref<1x128xi32, #tpu.memory_space<vmem>>
        %dma_wait3A_3245 = tpu.memref_squeeze %dma_wait3A_3244 : memref<1x128xi32, #tpu.memory_space<vmem>> -> memref<128xi32, #tpu.memory_space<vmem>>
        %dma_wait3A_3246 = tpu.memref_slice %arg3[%add3A_49] : memref<327680xi32, #tpu.memory_space<hbm>> -> memref<128xi32, #tpu.memory_space<hbm>>
        %dma_wait3A_3247 = arith.constant 0 : i32
        %dma_wait3A_3248 = tpu.memref_slice %arg10[%run_scoped3A_50, %dma_wait3A_3247] : memref<10x128xi32, #tpu.memory_space<vmem>> -> memref<1x128xi32, #tpu.memory_space<vmem>>
        %dma_wait3A_3249 = tpu.memref_squeeze %dma_wait3A_3248 : memref<1x128xi32, #tpu.memory_space<vmem>> -> memref<128xi32, #tpu.memory_space<vmem>>
        %dma_wait3A_3250 = tpu.memref_slice %arg3[%add3A_49] : memref<327680xi32, #tpu.memory_space<hbm>> -> memref<128xi32, #tpu.memory_space<hbm>>
        tpu.wait_dma2 semaphore(%run_scoped3A_3234 : memref<!tpu.dma_semaphore, #tpu.memory_space<semaphore_mem>>) src(%dma_wait3A_3250 : memref<128xi32, #tpu.memory_space<hbm>>) dst(%dma_wait3A_3249 : memref<128xi32, #tpu.memory_space<vmem>>)
        tpu.yield
      }) : () -> ()
      %mul3A_51 = arith.constant 20 : i32
      %mul3A_52 = arith.muli %add3A_11, %mul3A_51 : i32
      %add3A_53 = arith.constant 1024 : i32
      %add3A_54 = arith.addi %mul3A_52, %add3A_53 : i32
      %run_scoped3A_55 = arith.constant 8 : i32
      "tpu.region"() ({
        %run_scoped3A_3234 = tpu.sem_alloc : memref<!tpu.dma_semaphore, #tpu.memory_space<semaphore_mem>>
        %dma_start3A_3235 = arith.constant 0 : i32
        %dma_start3A_3236 = tpu.memref_slice %arg10[%run_scoped3A_55, %dma_start3A_3235] : memref<10x128xi32, #tpu.memory_space<vmem>> -> memref<1x128xi32, #tpu.memory_space<vmem>>
        %dma_start3A_3237 = tpu.memref_squeeze %dma_start3A_3236 : memref<1x128xi32, #tpu.memory_space<vmem>> -> memref<128xi32, #tpu.memory_space<vmem>>
        %dma_start3A_3238 = tpu.memref_slice %arg3[%add3A_54] : memref<327680xi32, #tpu.memory_space<hbm>> -> memref<128xi32, #tpu.memory_space<hbm>>
        %dma_start3A_3239 = arith.constant 0 : i32
        %dma_start3A_3240 = tpu.memref_slice %arg10[%run_scoped3A_55, %dma_start3A_3239] : memref<10x128xi32, #tpu.memory_space<vmem>> -> memref<1x128xi32, #tpu.memory_space<vmem>>
        %dma_start3A_3241 = tpu.memref_squeeze %dma_start3A_3240 : memref<1x128xi32, #tpu.memory_space<vmem>> -> memref<128xi32, #tpu.memory_space<vmem>>
        %dma_start3A_3242 = tpu.memref_slice %arg3[%add3A_54] : memref<327680xi32, #tpu.memory_space<hbm>> -> memref<128xi32, #tpu.memory_space<hbm>>
        tpu.enqueue_dma source(%dma_start3A_3242 : memref<128xi32, #tpu.memory_space<hbm>>) target(%dma_start3A_3241 : memref<128xi32, #tpu.memory_space<vmem>>) target_semaphore(%run_scoped3A_3234 : memref<!tpu.dma_semaphore, #tpu.memory_space<semaphore_mem>>)
        %dma_wait3A_3243 = arith.constant 0 : i32
        %dma_wait3A_3244 = tpu.memref_slice %arg10[%run_scoped3A_55, %dma_wait3A_3243] : memref<10x128xi32, #tpu.memory_space<vmem>> -> memref<1x128xi32, #tpu.memory_space<vmem>>
        %dma_wait3A_3245 = tpu.memref_squeeze %dma_wait3A_3244 : memref<1x128xi32, #tpu.memory_space<vmem>> -> memref<128xi32, #tpu.memory_space<vmem>>
        %dma_wait3A_3246 = tpu.memref_slice %arg3[%add3A_54] : memref<327680xi32, #tpu.memory_space<hbm>> -> memref<128xi32, #tpu.memory_space<hbm>>
        %dma_wait3A_3247 = arith.constant 0 : i32
        %dma_wait3A_3248 = tpu.memref_slice %arg10[%run_scoped3A_55, %dma_wait3A_3247] : memref<10x128xi32, #tpu.memory_space<vmem>> -> memref<1x128xi32, #tpu.memory_space<vmem>>
        %dma_wait3A_3249 = tpu.memref_squeeze %dma_wait3A_3248 : memref<1x128xi32, #tpu.memory_space<vmem>> -> memref<128xi32, #tpu.memory_space<vmem>>
        %dma_wait3A_3250 = tpu.memref_slice %arg3[%add3A_54] : memref<327680xi32, #tpu.memory_space<hbm>> -> memref<128xi32, #tpu.memory_space<hbm>>
        tpu.wait_dma2 semaphore(%run_scoped3A_3234 : memref<!tpu.dma_semaphore, #tpu.memory_space<semaphore_mem>>) src(%dma_wait3A_3250 : memref<128xi32, #tpu.memory_space<hbm>>) dst(%dma_wait3A_3249 : memref<128xi32, #tpu.memory_space<vmem>>)
        tpu.yield
      }) : () -> ()
      %mul3A_56 = arith.constant 20 : i32
      %mul3A_57 = arith.muli %add3A_11, %mul3A_56 : i32
      %add3A_58 = arith.constant 1152 : i32
      %add3A_59 = arith.addi %mul3A_57, %add3A_58 : i32
      %run_scoped3A_60 = arith.constant 9 : i32
      "tpu.region"() ({
        %run_scoped3A_3234 = tpu.sem_alloc : memref<!tpu.dma_semaphore, #tpu.memory_space<semaphore_mem>>
        %dma_start3A_3235 = arith.constant 0 : i32
        %dma_start3A_3236 = tpu.memref_slice %arg10[%run_scoped3A_60, %dma_start3A_3235] : memref<10x128xi32, #tpu.memory_space<vmem>> -> memref<1x128xi32, #tpu.memory_space<vmem>>
        %dma_start3A_3237 = tpu.memref_squeeze %dma_start3A_3236 : memref<1x128xi32, #tpu.memory_space<vmem>> -> memref<128xi32, #tpu.memory_space<vmem>>
        %dma_start3A_3238 = tpu.memref_slice %arg3[%add3A_59] : memref<327680xi32, #tpu.memory_space<hbm>> -> memref<128xi32, #tpu.memory_space<hbm>>
        %dma_start3A_3239 = arith.constant 0 : i32
        %dma_start3A_3240 = tpu.memref_slice %arg10[%run_scoped3A_60, %dma_start3A_3239] : memref<10x128xi32, #tpu.memory_space<vmem>> -> memref<1x128xi32, #tpu.memory_space<vmem>>
        %dma_start3A_3241 = tpu.memref_squeeze %dma_start3A_3240 : memref<1x128xi32, #tpu.memory_space<vmem>> -> memref<128xi32, #tpu.memory_space<vmem>>
        %dma_start3A_3242 = tpu.memref_slice %arg3[%add3A_59] : memref<327680xi32, #tpu.memory_space<hbm>> -> memref<128xi32, #tpu.memory_space<hbm>>
        tpu.enqueue_dma source(%dma_start3A_3242 : memref<128xi32, #tpu.memory_space<hbm>>) target(%dma_start3A_3241 : memref<128xi32, #tpu.memory_space<vmem>>) target_semaphore(%run_scoped3A_3234 : memref<!tpu.dma_semaphore, #tpu.memory_space<semaphore_mem>>)
        %dma_wait3A_3243 = arith.constant 0 : i32
        %dma_wait3A_3244 = tpu.memref_slice %arg10[%run_scoped3A_60, %dma_wait3A_3243] : memref<10x128xi32, #tpu.memory_space<vmem>> -> memref<1x128xi32, #tpu.memory_space<vmem>>
        %dma_wait3A_3245 = tpu.memref_squeeze %dma_wait3A_3244 : memref<1x128xi32, #tpu.memory_space<vmem>> -> memref<128xi32, #tpu.memory_space<vmem>>
        %dma_wait3A_3246 = tpu.memref_slice %arg3[%add3A_59] : memref<327680xi32, #tpu.memory_space<hbm>> -> memref<128xi32, #tpu.memory_space<hbm>>
        %dma_wait3A_3247 = arith.constant 0 : i32
        %dma_wait3A_3248 = tpu.memref_slice %arg10[%run_scoped3A_60, %dma_wait3A_3247] : memref<10x128xi32, #tpu.memory_space<vmem>> -> memref<1x128xi32, #tpu.memory_space<vmem>>
        %dma_wait3A_3249 = tpu.memref_squeeze %dma_wait3A_3248 : memref<1x128xi32, #tpu.memory_space<vmem>> -> memref<128xi32, #tpu.memory_space<vmem>>
        %dma_wait3A_3250 = tpu.memref_slice %arg3[%add3A_59] : memref<327680xi32, #tpu.memory_space<hbm>> -> memref<128xi32, #tpu.memory_space<hbm>>
        tpu.wait_dma2 semaphore(%run_scoped3A_3234 : memref<!tpu.dma_semaphore, #tpu.memory_space<semaphore_mem>>) src(%dma_wait3A_3250 : memref<128xi32, #tpu.memory_space<hbm>>) dst(%dma_wait3A_3249 : memref<128xi32, #tpu.memory_space<vmem>>)
        tpu.yield
      }) : () -> ()
      %get3A = arith.constant 0 : index
      %get3A_61 = tpu.vector_load %arg7[%get3A] {strides = array<i32>} : memref<64xi32, #tpu.memory_space<vmem>>, vector<16xi32>,
      %add3A_62 = arith.constant 0 : i32
      %add3A_63 = vector.broadcast %add3A_62 : i32 to vector<16xi32>
      %add3A_64 = arith.addi %get3A_61, %add3A_63 : vector<16xi32>
      %swap3A = arith.constant 0 : i32
      %swap3A_65 = arith.index_cast %swap3A : i32 to index
      %swap3A_66 = arith.constant 0 : index
      %swap3A_67 = tpu.vector_load %arg8[%swap3A_65, %swap3A_66] {strides = array<i32>} : memref<32x128xi32, #tpu.memory_space<vmem>>, vector<16xi32>,
      tpu.vector_store %arg8[%swap3A_65, %swap3A_66], %add3A_64 {strides = array<i32>} : memref<32x128xi32, #tpu.memory_space<vmem>>, vector<16xi32>,
      %add3A_68 = arith.constant 1000000 : i32
      %add3A_69 = vector.broadcast %add3A_68 : i32 to vector<16xi32>
      %add3A_70 = arith.addi %get3A_61, %add3A_69 : vector<16xi32>
      %swap3A_71 = arith.constant 0 : i32
      %swap3A_72 = arith.index_cast %swap3A_71 : i32 to index
      %swap3A_73 = arith.constant 64 : index
      %swap3A_74 = tpu.vector_load %arg8[%swap3A_72, %swap3A_73] {strides = array<i32>} : memref<32x128xi32, #tpu.memory_space<vmem>>, vector<16xi32>,
      tpu.vector_store %arg8[%swap3A_72, %swap3A_73], %add3A_70 {strides = array<i32>} : memref<32x128xi32, #tpu.memory_space<vmem>>, vector<16xi32>,
      %add3A_75 = arith.constant 2000000 : i32
      %add3A_76 = vector.broadcast %add3A_75 : i32 to vector<16xi32>
      %add3A_77 = arith.addi %get3A_61, %add3A_76 : vector<16xi32>
      %swap3A_78 = arith.constant 1 : i32
      %swap3A_79 = arith.index_cast %swap3A_78 : i32 to index
      %swap3A_80 = arith.constant 0 : index
      %swap3A_81 = tpu.vector_load %arg8[%swap3A_79, %swap3A_80] {strides = array<i32>} : memref<32x128xi32, #tpu.memory_space<vmem>>, vector<16xi32>,
      tpu.vector_store %arg8[%swap3A_79, %swap3A_80], %add3A_77 {strides = array<i32>} : memref<32x128xi32, #tpu.memory_space<vmem>>, vector<16xi32>,
      %add3A_82 = arith.constant 3000000 : i32
      %add3A_83 = vector.broadcast %add3A_82 : i32 to vector<16xi32>
      %add3A_84 = arith.addi %get3A_61, %add3A_83 : vector<16xi32>
      %swap3A_85 = arith.constant 1 : i32
      %swap3A_86 = arith.index_cast %swap3A_85 : i32 to index
      %swap3A_87 = arith.constant 64 : index
      %swap3A_88 = tpu.vector_load %arg8[%swap3A_86, %swap3A_87] {strides = array<i32>} : memref<32x128xi32, #tpu.memory_space<vmem>>, vector<16xi32>,
      tpu.vector_store %arg8[%swap3A_86, %swap3A_87], %add3A_84 {strides = array<i32>} : memref<32x128xi32, #tpu.memory_space<vmem>>, vector<16xi32>,
      %add3A_89 = arith.constant 4000000 : i32
      %add3A_90 = vector.broadcast %add3A_89 : i32 to vector<16xi32>
      %add3A_91 = arith.addi %get3A_61, %add3A_90 : vector<16xi32>
      %swap3A_92 = arith.constant 2 : i32
      %swap3A_93 = arith.index_cast %swap3A_92 : i32 to index
      %swap3A_94 = arith.constant 0 : index
      %swap3A_95 = tpu.vector_load %arg8[%swap3A_93, %swap3A_94] {strides = array<i32>} : memref<32x128xi32, #tpu.memory_space<vmem>>, vector<16xi32>,
      tpu.vector_store %arg8[%swap3A_93, %swap3A_94], %add3A_91 {strides = array<i32>} : memref<32x128xi32, #tpu.memory_space<vmem>>, vector<16xi32>,
      %add3A_96 = arith.constant 5000000 : i32
      %add3A_97 = vector.broadcast %add3A_96 : i32 to vector<16xi32>
      %add3A_98 = arith.addi %get3A_61, %add3A_97 : vector<16xi32>
      %swap3A_99 = arith.constant 2 : i32
      %swap3A_100 = arith.index_cast %swap3A_99 : i32 to index
      %swap3A_101 = arith.constant 64 : index
      %swap3A_102 = tpu.vector_load %arg8[%swap3A_100, %swap3A_101] {strides = array<i32>} : memref<32x128xi32, #tpu.memory_space<vmem>>, vector<16xi32>,
      tpu.vector_store %arg8[%swap3A_100, %swap3A_101], %add3A_98 {strides = array<i32>} : memref<32x128xi32, #tpu.memory_space<vmem>>, vector<16xi32>,
      %add3A_103 = arith.constant 6000000 : i32
      %add3A_104 = vector.broadcast %add3A_103 : i32 to vector<16xi32>
      %add3A_105 = arith.addi %get3A_61, %add3A_104 : vector<16xi32>
      %swap3A_106 = arith.constant 3 : i32
      %swap3A_107 = arith.index_cast %swap3A_106 : i32 to index
      %swap3A_108 = arith.constant 0 : index
      %swap3A_109 = tpu.vector_load %arg8[%swap3A_107, %swap3A_108] {strides = array<i32>} : memref<32x128xi32, #tpu.memory_space<vmem>>, vector<16xi32>,
      tpu.vector_store %arg8[%swap3A_107, %swap3A_108], %add3A_105 {strides = array<i32>} : memref<32x128xi32, #tpu.memory_space<vmem>>, vector<16xi32>,
      %add3A_110 = arith.constant 7000000 : i32
      %add3A_111 = vector.broadcast %add3A_110 : i32 to vector<16xi32>
      %add3A_112 = arith.addi %get3A_61, %add3A_111 : vector<16xi32>
      %swap3A_113 = arith.constant 3 : i32
      %swap3A_114 = arith.index_cast %swap3A_113 : i32 to index
      %swap3A_115 = arith.constant 64 : index
      %swap3A_116 = tpu.vector_load %arg8[%swap3A_114, %swap3A_115] {strides = array<i32>} : memref<32x128xi32, #tpu.memory_space<vmem>>, vector<16xi32>,
      tpu.vector_store %arg8[%swap3A_114, %swap3A_115], %add3A_112 {strides = array<i32>} : memref<32x128xi32, #tpu.memory_space<vmem>>, vector<16xi32>,
      %add3A_117 = arith.constant 8000000 : i32
      %add3A_118 = vector.broadcast %add3A_117 : i32 to vector<16xi32>
      %add3A_119 = arith.addi %get3A_61, %add3A_118 : vector<16xi32>
      %swap3A_120 = arith.constant 4 : i32
      %swap3A_121 = arith.index_cast %swap3A_120 : i32 to index
      %swap3A_122 = arith.constant 0 : index
      %swap3A_123 = tpu.vector_load %arg8[%swap3A_121, %swap3A_122] {strides = array<i32>} : memref<32x128xi32, #tpu.memory_space<vmem>>, vector<16xi32>,
      tpu.vector_store %arg8[%swap3A_121, %swap3A_122], %add3A_119 {strides = array<i32>} : memref<32x128xi32, #tpu.memory_space<vmem>>, vector<16xi32>,
      %add3A_124 = arith.constant 9000000 : i32
      %add3A_125 = vector.broadcast %add3A_124 : i32 to vector<16xi32>
      %add3A_126 = arith.addi %get3A_61, %add3A_125 : vector<16xi32>
      %swap3A_127 = arith.constant 4 : i32
      %swap3A_128 = arith.index_cast %swap3A_127 : i32 to index
      %swap3A_129 = arith.constant 64 : index
      %swap3A_130 = tpu.vector_load %arg8[%swap3A_128, %swap3A_129] {strides = array<i32>} : memref<32x128xi32, #tpu.memory_space<vmem>>, vector<16xi32>,
      tpu.vector_store %arg8[%swap3A_128, %swap3A_129], %add3A_126 {strides = array<i32>} : memref<32x128xi32, #tpu.memory_space<vmem>>, vector<16xi32>,
      %add3A_131 = arith.constant 10000000 : i32
      %add3A_132 = vector.broadcast %add3A_131 : i32 to vector<16xi32>
      %add3A_133 = arith.addi %get3A_61, %add3A_132 : vector<16xi32>
      %swap3A_134 = arith.constant 5 : i32
      %swap3A_135 = arith.index_cast %swap3A_134 : i32 to index
      %swap3A_136 = arith.constant 0 : index
      %swap3A_137 = tpu.vector_load %arg8[%swap3A_135, %swap3A_136] {strides = array<i32>} : memref<32x128xi32, #tpu.memory_space<vmem>>, vector<16xi32>,
      tpu.vector_store %arg8[%swap3A_135, %swap3A_136], %add3A_133 {strides = array<i32>} : memref<32x128xi32, #tpu.memory_space<vmem>>, vector<16xi32>,
      %add3A_138 = arith.constant 11000000 : i32
      %add3A_139 = vector.broadcast %add3A_138 : i32 to vector<16xi32>
      %add3A_140 = arith.addi %get3A_61, %add3A_139 : vector<16xi32>
      %swap3A_141 = arith.constant 5 : i32
      %swap3A_142 = arith.index_cast %swap3A_141 : i32 to index
      %swap3A_143 = arith.constant 64 : index
      %swap3A_144 = tpu.vector_load %arg8[%swap3A_142, %swap3A_143] {strides = array<i32>} : memref<32x128xi32, #tpu.memory_space<vmem>>, vector<16xi32>,
      tpu.vector_store %arg8[%swap3A_142, %swap3A_143], %add3A_140 {strides = array<i32>} : memref<32x128xi32, #tpu.memory_space<vmem>>, vector<16xi32>,
      %add3A_145 = arith.constant 12000000 : i32
      %add3A_146 = vector.broadcast %add3A_145 : i32 to vector<16xi32>
      %add3A_147 = arith.addi %get3A_61, %add3A_146 : vector<16xi32>
      %swap3A_148 = arith.constant 6 : i32
      %swap3A_149 = arith.index_cast %swap3A_148 : i32 to index
      %swap3A_150 = arith.constant 0 : index
      %swap3A_151 = tpu.vector_load %arg8[%swap3A_149, %swap3A_150] {strides = array<i32>} : memref<32x128xi32, #tpu.memory_space<vmem>>, vector<16xi32>,
      tpu.vector_store %arg8[%swap3A_149, %swap3A_150], %add3A_147 {strides = array<i32>} : memref<32x128xi32, #tpu.memory_space<vmem>>, vector<16xi32>,
      %add3A_152 = arith.constant 13000000 : i32
      %add3A_153 = vector.broadcast %add3A_152 : i32 to vector<16xi32>
      %add3A_154 = arith.addi %get3A_61, %add3A_153 : vector<16xi32>
      %swap3A_155 = arith.constant 6 : i32
      %swap3A_156 = arith.index_cast %swap3A_155 : i32 to index
      %swap3A_157 = arith.constant 64 : index
      %swap3A_158 = tpu.vector_load %arg8[%swap3A_156, %swap3A_157] {strides = array<i32>} : memref<32x128xi32, #tpu.memory_space<vmem>>, vector<16xi32>,
      tpu.vector_store %arg8[%swap3A_156, %swap3A_157], %add3A_154 {strides = array<i32>} : memref<32x128xi32, #tpu.memory_space<vmem>>, vector<16xi32>,
      %add3A_159 = arith.constant 14000000 : i32
      %add3A_160 = vector.broadcast %add3A_159 : i32 to vector<16xi32>
      %add3A_161 = arith.addi %get3A_61, %add3A_160 : vector<16xi32>
      %swap3A_162 = arith.constant 7 : i32
      %swap3A_163 = arith.index_cast %swap3A_162 : i32 to index
      %swap3A_164 = arith.constant 0 : index
      %swap3A_165 = tpu.vector_load %arg8[%swap3A_163, %swap3A_164] {strides = array<i32>} : memref<32x128xi32, #tpu.memory_space<vmem>>, vector<16xi32>,
      tpu.vector_store %arg8[%swap3A_163, %swap3A_164], %add3A_161 {strides = array<i32>} : memref<32x128xi32, #tpu.memory_space<vmem>>, vector<16xi32>,
      %add3A_166 = arith.constant 15000000 : i32
      %add3A_167 = vector.broadcast %add3A_166 : i32 to vector<16xi32>
      %add3A_168 = arith.addi %get3A_61, %add3A_167 : vector<16xi32>
      %swap3A_169 = arith.constant 7 : i32
      %swap3A_170 = arith.index_cast %swap3A_169 : i32 to index
      %swap3A_171 = arith.constant 64 : index
      %swap3A_172 = tpu.vector_load %arg8[%swap3A_170, %swap3A_171] {strides = array<i32>} : memref<32x128xi32, #tpu.memory_space<vmem>>, vector<16xi32>,
      tpu.vector_store %arg8[%swap3A_170, %swap3A_171], %add3A_168 {strides = array<i32>} : memref<32x128xi32, #tpu.memory_space<vmem>>, vector<16xi32>,
      %add3A_173 = arith.constant 16000000 : i32
      %add3A_174 = vector.broadcast %add3A_173 : i32 to vector<16xi32>
      %add3A_175 = arith.addi %get3A_61, %add3A_174 : vector<16xi32>
      %swap3A_176 = arith.constant 8 : i32
      %swap3A_177 = arith.index_cast %swap3A_176 : i32 to index
      %swap3A_178 = arith.constant 0 : index
      %swap3A_179 = tpu.vector_load %arg8[%swap3A_177, %swap3A_178] {strides = array<i32>} : memref<32x128xi32, #tpu.memory_space<vmem>>, vector<16xi32>,
      tpu.vector_store %arg8[%swap3A_177, %swap3A_178], %add3A_175 {strides = array<i32>} : memref<32x128xi32, #tpu.memory_space<vmem>>, vector<16xi32>,
      %add3A_180 = arith.constant 17000000 : i32
      %add3A_181 = vector.broadcast %add3A_180 : i32 to vector<16xi32>
      %add3A_182 = arith.addi %get3A_61, %add3A_181 : vector<16xi32>
      %swap3A_183 = arith.constant 8 : i32
      %swap3A_184 = arith.index_cast %swap3A_183 : i32 to index
      %swap3A_185 = arith.constant 64 : index
      %swap3A_186 = tpu.vector_load %arg8[%swap3A_184, %swap3A_185] {strides = array<i32>} : memref<32x128xi32, #tpu.memory_space<vmem>>, vector<16xi32>,
      tpu.vector_store %arg8[%swap3A_184, %swap3A_185], %add3A_182 {strides = array<i32>} : memref<32x128xi32, #tpu.memory_space<vmem>>, vector<16xi32>,
      %add3A_187 = arith.constant 18000000 : i32
      %add3A_188 = vector.broadcast %add3A_187 : i32 to vector<16xi32>
      %add3A_189 = arith.addi %get3A_61, %add3A_188 : vector<16xi32>
      %swap3A_190 = arith.constant 9 : i32
      %swap3A_191 = arith.index_cast %swap3A_190 : i32 to index
      %swap3A_192 = arith.constant 0 : index
      %swap3A_193 = tpu.vector_load %arg8[%swap3A_191, %swap3A_192] {strides = array<i32>} : memref<32x128xi32, #tpu.memory_space<vmem>>, vector<16xi32>,
      tpu.vector_store %arg8[%swap3A_191, %swap3A_192], %add3A_189 {strides = array<i32>} : memref<32x128xi32, #tpu.memory_space<vmem>>, vector<16xi32>,
      %add3A_194 = arith.constant 19000000 : i32
      %add3A_195 = vector.broadcast %add3A_194 : i32 to vector<16xi32>
      %add3A_196 = arith.addi %get3A_61, %add3A_195 : vector<16xi32>
      %swap3A_197 = arith.constant 9 : i32
      %swap3A_198 = arith.index_cast %swap3A_197 : i32 to index
      %swap3A_199 = arith.constant 64 : index
      %swap3A_200 = tpu.vector_load %arg8[%swap3A_198, %swap3A_199] {strides = array<i32>} : memref<32x128xi32, #tpu.memory_space<vmem>>, vector<16xi32>,
      tpu.vector_store %arg8[%swap3A_198, %swap3A_199], %add3A_196 {strides = array<i32>} : memref<32x128xi32, #tpu.memory_space<vmem>>, vector<16xi32>,
      %add3A_201 = arith.constant 20000000 : i32
      %add3A_202 = vector.broadcast %add3A_201 : i32 to vector<16xi32>
      %add3A_203 = arith.addi %get3A_61, %add3A_202 : vector<16xi32>
      %swap3A_204 = arith.constant 10 : i32
      %swap3A_205 = arith.index_cast %swap3A_204 : i32 to index
      %swap3A_206 = arith.constant 0 : index
      %swap3A_207 = tpu.vector_load %arg8[%swap3A_205, %swap3A_206] {strides = array<i32>} : memref<32x128xi32, #tpu.memory_space<vmem>>, vector<16xi32>,
      tpu.vector_store %arg8[%swap3A_205, %swap3A_206], %add3A_203 {strides = array<i32>} : memref<32x128xi32, #tpu.memory_space<vmem>>, vector<16xi32>,
      %add3A_208 = arith.constant 21000000 : i32
      %add3A_209 = vector.broadcast %add3A_208 : i32 to vector<16xi32>
      %add3A_210 = arith.addi %get3A_61, %add3A_209 : vector<16xi32>
      %swap3A_211 = arith.constant 10 : i32
      %swap3A_212 = arith.index_cast %swap3A_211 : i32 to index
      %swap3A_213 = arith.constant 64 : index
      %swap3A_214 = tpu.vector_load %arg8[%swap3A_212, %swap3A_213] {strides = array<i32>} : memref<32x128xi32, #tpu.memory_space<vmem>>, vector<16xi32>,
      tpu.vector_store %arg8[%swap3A_212, %swap3A_213], %add3A_210 {strides = array<i32>} : memref<32x128xi32, #tpu.memory_space<vmem>>, vector<16xi32>,
      %add3A_215 = arith.constant 22000000 : i32
      %add3A_216 = vector.broadcast %add3A_215 : i32 to vector<16xi32>
      %add3A_217 = arith.addi %get3A_61, %add3A_216 : vector<16xi32>
      %swap3A_218 = arith.constant 11 : i32
      %swap3A_219 = arith.index_cast %swap3A_218 : i32 to index
      %swap3A_220 = arith.constant 0 : index
      %swap3A_221 = tpu.vector_load %arg8[%swap3A_219, %swap3A_220] {strides = array<i32>} : memref<32x128xi32, #tpu.memory_space<vmem>>, vector<16xi32>,
      tpu.vector_store %arg8[%swap3A_219, %swap3A_220], %add3A_217 {strides = array<i32>} : memref<32x128xi32, #tpu.memory_space<vmem>>, vector<16xi32>,
      %add3A_222 = arith.constant 23000000 : i32
      %add3A_223 = vector.broadcast %add3A_222 : i32 to vector<16xi32>
      %add3A_224 = arith.addi %get3A_61, %add3A_223 : vector<16xi32>
      %swap3A_225 = arith.constant 11 : i32
      %swap3A_226 = arith.index_cast %swap3A_225 : i32 to index
      %swap3A_227 = arith.constant 64 : index
      %swap3A_228 = tpu.vector_load %arg8[%swap3A_226, %swap3A_227] {strides = array<i32>} : memref<32x128xi32, #tpu.memory_space<vmem>>, vector<16xi32>,
      tpu.vector_store %arg8[%swap3A_226, %swap3A_227], %add3A_224 {strides = array<i32>} : memref<32x128xi32, #tpu.memory_space<vmem>>, vector<16xi32>,
      %add3A_229 = arith.constant 24000000 : i32
      %add3A_230 = vector.broadcast %add3A_229 : i32 to vector<16xi32>
      %add3A_231 = arith.addi %get3A_61, %add3A_230 : vector<16xi32>
      %swap3A_232 = arith.constant 12 : i32
      %swap3A_233 = arith.index_cast %swap3A_232 : i32 to index
      %swap3A_234 = arith.constant 0 : index
      %swap3A_235 = tpu.vector_load %arg8[%swap3A_233, %swap3A_234] {strides = array<i32>} : memref<32x128xi32, #tpu.memory_space<vmem>>, vector<16xi32>,
      tpu.vector_store %arg8[%swap3A_233, %swap3A_234], %add3A_231 {strides = array<i32>} : memref<32x128xi32, #tpu.memory_space<vmem>>, vector<16xi32>,
      %add3A_236 = arith.constant 25000000 : i32
      %add3A_237 = vector.broadcast %add3A_236 : i32 to vector<16xi32>
      %add3A_238 = arith.addi %get3A_61, %add3A_237 : vector<16xi32>
      %swap3A_239 = arith.constant 12 : i32
      %swap3A_240 = arith.index_cast %swap3A_239 : i32 to index
      %swap3A_241 = arith.constant 64 : index
      %swap3A_242 = tpu.vector_load %arg8[%swap3A_240, %swap3A_241] {strides = array<i32>} : memref<32x128xi32, #tpu.memory_space<vmem>>, vector<16xi32>,
      tpu.vector_store %arg8[%swap3A_240, %swap3A_241], %add3A_238 {strides = array<i32>} : memref<32x128xi32, #tpu.memory_space<vmem>>, vector<16xi32>,
      %add3A_243 = arith.constant 26000000 : i32
      %add3A_244 = vector.broadcast %add3A_243 : i32 to vector<16xi32>
      %add3A_245 = arith.addi %get3A_61, %add3A_244 : vector<16xi32>
      %swap3A_246 = arith.constant 13 : i32
      %swap3A_247 = arith.index_cast %swap3A_246 : i32 to index
      %swap3A_248 = arith.constant 0 : index
      %swap3A_249 = tpu.vector_load %arg8[%swap3A_247, %swap3A_248] {strides = array<i32>} : memref<32x128xi32, #tpu.memory_space<vmem>>, vector<16xi32>,
      tpu.vector_store %arg8[%swap3A_247, %swap3A_248], %add3A_245 {strides = array<i32>} : memref<32x128xi32, #tpu.memory_space<vmem>>, vector<16xi32>,
      %add3A_250 = arith.constant 27000000 : i32
      %add3A_251 = vector.broadcast %add3A_250 : i32 to vector<16xi32>
      %add3A_252 = arith.addi %get3A_61, %add3A_251 : vector<16xi32>
      %swap3A_253 = arith.constant 13 : i32
      %swap3A_254 = arith.index_cast %swap3A_253 : i32 to index
      %swap3A_255 = arith.constant 64 : index
      %swap3A_256 = tpu.vector_load %arg8[%swap3A_254, %swap3A_255] {strides = array<i32>} : memref<32x128xi32, #tpu.memory_space<vmem>>, vector<16xi32>,
      tpu.vector_store %arg8[%swap3A_254, %swap3A_255], %add3A_252 {strides = array<i32>} : memref<32x128xi32, #tpu.memory_space<vmem>>, vector<16xi32>,
      %add3A_257 = arith.constant 28000000 : i32
      %add3A_258 = vector.broadcast %add3A_257 : i32 to vector<16xi32>
      %add3A_259 = arith.addi %get3A_61, %add3A_258 : vector<16xi32>
      %swap3A_260 = arith.constant 14 : i32
      %swap3A_261 = arith.index_cast %swap3A_260 : i32 to index
      %swap3A_262 = arith.constant 0 : index
      %swap3A_263 = tpu.vector_load %arg8[%swap3A_261, %swap3A_262] {strides = array<i32>} : memref<32x128xi32, #tpu.memory_space<vmem>>, vector<16xi32>,
      tpu.vector_store %arg8[%swap3A_261, %swap3A_262], %add3A_259 {strides = array<i32>} : memref<32x128xi32, #tpu.memory_space<vmem>>, vector<16xi32>,
      %add3A_264 = arith.constant 29000000 : i32
      %add3A_265 = vector.broadcast %add3A_264 : i32 to vector<16xi32>
      %add3A_266 = arith.addi %get3A_61, %add3A_265 : vector<16xi32>
      %swap3A_267 = arith.constant 14 : i32
      %swap3A_268 = arith.index_cast %swap3A_267 : i32 to index
      %swap3A_269 = arith.constant 64 : index
      %swap3A_270 = tpu.vector_load %arg8[%swap3A_268, %swap3A_269] {strides = array<i32>} : memref<32x128xi32, #tpu.memory_space<vmem>>, vector<16xi32>,
      tpu.vector_store %arg8[%swap3A_268, %swap3A_269], %add3A_266 {strides = array<i32>} : memref<32x128xi32, #tpu.memory_space<vmem>>, vector<16xi32>,
      %add3A_271 = arith.constant 30000000 : i32
      %add3A_272 = vector.broadcast %add3A_271 : i32 to vector<16xi32>
      %add3A_273 = arith.addi %get3A_61, %add3A_272 : vector<16xi32>
      %swap3A_274 = arith.constant 15 : i32
      %swap3A_275 = arith.index_cast %swap3A_274 : i32 to index
      %swap3A_276 = arith.constant 0 : index
      %swap3A_277 = tpu.vector_load %arg8[%swap3A_275, %swap3A_276] {strides = array<i32>} : memref<32x128xi32, #tpu.memory_space<vmem>>, vector<16xi32>,
      tpu.vector_store %arg8[%swap3A_275, %swap3A_276], %add3A_273 {strides = array<i32>} : memref<32x128xi32, #tpu.memory_space<vmem>>, vector<16xi32>,
      %add3A_278 = arith.constant 31000000 : i32
      %add3A_279 = vector.broadcast %add3A_278 : i32 to vector<16xi32>
      %add3A_280 = arith.addi %get3A_61, %add3A_279 : vector<16xi32>
      %swap3A_281 = arith.constant 15 : i32
      %swap3A_282 = arith.index_cast %swap3A_281 : i32 to index
      %swap3A_283 = arith.constant 64 : index
      %swap3A_284 = tpu.vector_load %arg8[%swap3A_282, %swap3A_283] {strides = array<i32>} : memref<32x128xi32, #tpu.memory_space<vmem>>, vector<16xi32>,
      tpu.vector_store %arg8[%swap3A_282, %swap3A_283], %add3A_280 {strides = array<i32>} : memref<32x128xi32, #tpu.memory_space<vmem>>, vector<16xi32>,
      %add3A_285 = arith.constant 32000000 : i32
      %add3A_286 = vector.broadcast %add3A_285 : i32 to vector<16xi32>
      %add3A_287 = arith.addi %get3A_61, %add3A_286 : vector<16xi32>
      %swap3A_288 = arith.constant 16 : i32
      %swap3A_289 = arith.index_cast %swap3A_288 : i32 to index
      %swap3A_290 = arith.constant 0 : index
      %swap3A_291 = tpu.vector_load %arg8[%swap3A_289, %swap3A_290] {strides = array<i32>} : memref<32x128xi32, #tpu.memory_space<vmem>>, vector<16xi32>,
      tpu.vector_store %arg8[%swap3A_289, %swap3A_290], %add3A_287 {strides = array<i32>} : memref<32x128xi32, #tpu.memory_space<vmem>>, vector<16xi32>,
      %add3A_292 = arith.constant 33000000 : i32
      %add3A_293 = vector.broadcast %add3A_292 : i32 to vector<16xi32>
      %add3A_294 = arith.addi %get3A_61, %add3A_293 : vector<16xi32>
      %swap3A_295 = arith.constant 16 : i32
      %swap3A_296 = arith.index_cast %swap3A_295 : i32 to index
      %swap3A_297 = arith.constant 64 : index
      %swap3A_298 = tpu.vector_load %arg8[%swap3A_296, %swap3A_297] {strides = array<i32>} : memref<32x128xi32, #tpu.memory_space<vmem>>, vector<16xi32>,
      tpu.vector_store %arg8[%swap3A_296, %swap3A_297], %add3A_294 {strides = array<i32>} : memref<32x128xi32, #tpu.memory_space<vmem>>, vector<16xi32>,
      %add3A_299 = arith.constant 34000000 : i32
      %add3A_300 = vector.broadcast %add3A_299 : i32 to vector<16xi32>
      %add3A_301 = arith.addi %get3A_61, %add3A_300 : vector<16xi32>
      %swap3A_302 = arith.constant 17 : i32
      %swap3A_303 = arith.index_cast %swap3A_302 : i32 to index
      %swap3A_304 = arith.constant 0 : index
      %swap3A_305 = tpu.vector_load %arg8[%swap3A_303, %swap3A_304] {strides = array<i32>} : memref<32x128xi32, #tpu.memory_space<vmem>>, vector<16xi32>,
      tpu.vector_store %arg8[%swap3A_303, %swap3A_304], %add3A_301 {strides = array<i32>} : memref<32x128xi32, #tpu.memory_space<vmem>>, vector<16xi32>,
      %add3A_306 = arith.constant 35000000 : i32
      %add3A_307 = vector.broadcast %add3A_306 : i32 to vector<16xi32>
      %add3A_308 = arith.addi %get3A_61, %add3A_307 : vector<16xi32>
      %swap3A_309 = arith.constant 17 : i32
      %swap3A_310 = arith.index_cast %swap3A_309 : i32 to index
      %swap3A_311 = arith.constant 64 : index
      %swap3A_312 = tpu.vector_load %arg8[%swap3A_310, %swap3A_311] {strides = array<i32>} : memref<32x128xi32, #tpu.memory_space<vmem>>, vector<16xi32>,
      tpu.vector_store %arg8[%swap3A_310, %swap3A_311], %add3A_308 {strides = array<i32>} : memref<32x128xi32, #tpu.memory_space<vmem>>, vector<16xi32>,
      %add3A_313 = arith.constant 36000000 : i32
      %add3A_314 = vector.broadcast %add3A_313 : i32 to vector<16xi32>
      %add3A_315 = arith.addi %get3A_61, %add3A_314 : vector<16xi32>
      %swap3A_316 = arith.constant 18 : i32
      %swap3A_317 = arith.index_cast %swap3A_316 : i32 to index
      %swap3A_318 = arith.constant 0 : index
      %swap3A_319 = tpu.vector_load %arg8[%swap3A_317, %swap3A_318] {strides = array<i32>} : memref<32x128xi32, #tpu.memory_space<vmem>>, vector<16xi32>,
      tpu.vector_store %arg8[%swap3A_317, %swap3A_318], %add3A_315 {strides = array<i32>} : memref<32x128xi32, #tpu.memory_space<vmem>>, vector<16xi32>,
      %add3A_320 = arith.constant 37000000 : i32
      %add3A_321 = vector.broadcast %add3A_320 : i32 to vector<16xi32>
      %add3A_322 = arith.addi %get3A_61, %add3A_321 : vector<16xi32>
      %swap3A_323 = arith.constant 18 : i32
      %swap3A_324 = arith.index_cast %swap3A_323 : i32 to index
      %swap3A_325 = arith.constant 64 : index
      %swap3A_326 = tpu.vector_load %arg8[%swap3A_324, %swap3A_325] {strides = array<i32>} : memref<32x128xi32, #tpu.memory_space<vmem>>, vector<16xi32>,
      tpu.vector_store %arg8[%swap3A_324, %swap3A_325], %add3A_322 {strides = array<i32>} : memref<32x128xi32, #tpu.memory_space<vmem>>, vector<16xi32>,
      %add3A_327 = arith.constant 38000000 : i32
      %add3A_328 = vector.broadcast %add3A_327 : i32 to vector<16xi32>
      %add3A_329 = arith.addi %get3A_61, %add3A_328 : vector<16xi32>
      %swap3A_330 = arith.constant 19 : i32
      %swap3A_331 = arith.index_cast %swap3A_330 : i32 to index
      %swap3A_332 = arith.constant 0 : index
      %swap3A_333 = tpu.vector_load %arg8[%swap3A_331, %swap3A_332] {strides = array<i32>} : memref<32x128xi32, #tpu.memory_space<vmem>>, vector<16xi32>,
      tpu.vector_store %arg8[%swap3A_331, %swap3A_332], %add3A_329 {strides = array<i32>} : memref<32x128xi32, #tpu.memory_space<vmem>>, vector<16xi32>,
      %add3A_334 = arith.constant 39000000 : i32
      %add3A_335 = vector.broadcast %add3A_334 : i32 to vector<16xi32>
      %add3A_336 = arith.addi %get3A_61, %add3A_335 : vector<16xi32>
      %swap3A_337 = arith.constant 19 : i32
      %swap3A_338 = arith.index_cast %swap3A_337 : i32 to index
      %swap3A_339 = arith.constant 64 : index
      %swap3A_340 = tpu.vector_load %arg8[%swap3A_338, %swap3A_339] {strides = array<i32>} : memref<32x128xi32, #tpu.memory_space<vmem>>, vector<16xi32>,
      tpu.vector_store %arg8[%swap3A_338, %swap3A_339], %add3A_336 {strides = array<i32>} : memref<32x128xi32, #tpu.memory_space<vmem>>, vector<16xi32>,
      %add3A_341 = arith.constant 40000000 : i32
      %add3A_342 = vector.broadcast %add3A_341 : i32 to vector<16xi32>
      %add3A_343 = arith.addi %get3A_61, %add3A_342 : vector<16xi32>
      %swap3A_344 = arith.constant 20 : i32
      %swap3A_345 = arith.index_cast %swap3A_344 : i32 to index
      %swap3A_346 = arith.constant 0 : index
      %swap3A_347 = tpu.vector_load %arg8[%swap3A_345, %swap3A_346] {strides = array<i32>} : memref<32x128xi32, #tpu.memory_space<vmem>>, vector<16xi32>,
      tpu.vector_store %arg8[%swap3A_345, %swap3A_346], %add3A_343 {strides = array<i32>} : memref<32x128xi32, #tpu.memory_space<vmem>>, vector<16xi32>,
      %add3A_348 = arith.constant 41000000 : i32
      %add3A_349 = vector.broadcast %add3A_348 : i32 to vector<16xi32>
      %add3A_350 = arith.addi %get3A_61, %add3A_349 : vector<16xi32>
      %swap3A_351 = arith.constant 20 : i32
      %swap3A_352 = arith.index_cast %swap3A_351 : i32 to index
      %swap3A_353 = arith.constant 64 : index
      %swap3A_354 = tpu.vector_load %arg8[%swap3A_352, %swap3A_353] {strides = array<i32>} : memref<32x128xi32, #tpu.memory_space<vmem>>, vector<16xi32>,
      tpu.vector_store %arg8[%swap3A_352, %swap3A_353], %add3A_350 {strides = array<i32>} : memref<32x128xi32, #tpu.memory_space<vmem>>, vector<16xi32>,
      %add3A_355 = arith.constant 42000000 : i32
      %add3A_356 = vector.broadcast %add3A_355 : i32 to vector<16xi32>
      %add3A_357 = arith.addi %get3A_61, %add3A_356 : vector<16xi32>
      %swap3A_358 = arith.constant 21 : i32
      %swap3A_359 = arith.index_cast %swap3A_358 : i32 to index
      %swap3A_360 = arith.constant 0 : index
      %swap3A_361 = tpu.vector_load %arg8[%swap3A_359, %swap3A_360] {strides = array<i32>} : memref<32x128xi32, #tpu.memory_space<vmem>>, vector<16xi32>,
      tpu.vector_store %arg8[%swap3A_359, %swap3A_360], %add3A_357 {strides = array<i32>} : memref<32x128xi32, #tpu.memory_space<vmem>>, vector<16xi32>,
      %add3A_362 = arith.constant 43000000 : i32
      %add3A_363 = vector.broadcast %add3A_362 : i32 to vector<16xi32>
      %add3A_364 = arith.addi %get3A_61, %add3A_363 : vector<16xi32>
      %swap3A_365 = arith.constant 21 : i32
      %swap3A_366 = arith.index_cast %swap3A_365 : i32 to index
      %swap3A_367 = arith.constant 64 : index
      %swap3A_368 = tpu.vector_load %arg8[%swap3A_366, %swap3A_367] {strides = array<i32>} : memref<32x128xi32, #tpu.memory_space<vmem>>, vector<16xi32>,
      tpu.vector_store %arg8[%swap3A_366, %swap3A_367], %add3A_364 {strides = array<i32>} : memref<32x128xi32, #tpu.memory_space<vmem>>, vector<16xi32>,
      %add3A_369 = arith.constant 44000000 : i32
      %add3A_370 = vector.broadcast %add3A_369 : i32 to vector<16xi32>
      %add3A_371 = arith.addi %get3A_61, %add3A_370 : vector<16xi32>
      %swap3A_372 = arith.constant 22 : i32
      %swap3A_373 = arith.index_cast %swap3A_372 : i32 to index
      %swap3A_374 = arith.constant 0 : index
      %swap3A_375 = tpu.vector_load %arg8[%swap3A_373, %swap3A_374] {strides = array<i32>} : memref<32x128xi32, #tpu.memory_space<vmem>>, vector<16xi32>,
      tpu.vector_store %arg8[%swap3A_373, %swap3A_374], %add3A_371 {strides = array<i32>} : memref<32x128xi32, #tpu.memory_space<vmem>>, vector<16xi32>,
      %add3A_376 = arith.constant 45000000 : i32
      %add3A_377 = vector.broadcast %add3A_376 : i32 to vector<16xi32>
      %add3A_378 = arith.addi %get3A_61, %add3A_377 : vector<16xi32>
      %swap3A_379 = arith.constant 22 : i32
      %swap3A_380 = arith.index_cast %swap3A_379 : i32 to index
      %swap3A_381 = arith.constant 64 : index
      %swap3A_382 = tpu.vector_load %arg8[%swap3A_380, %swap3A_381] {strides = array<i32>} : memref<32x128xi32, #tpu.memory_space<vmem>>, vector<16xi32>,
      tpu.vector_store %arg8[%swap3A_380, %swap3A_381], %add3A_378 {strides = array<i32>} : memref<32x128xi32, #tpu.memory_space<vmem>>, vector<16xi32>,
      %add3A_383 = arith.constant 46000000 : i32
      %add3A_384 = vector.broadcast %add3A_383 : i32 to vector<16xi32>
      %add3A_385 = arith.addi %get3A_61, %add3A_384 : vector<16xi32>
      %swap3A_386 = arith.constant 23 : i32
      %swap3A_387 = arith.index_cast %swap3A_386 : i32 to index
      %swap3A_388 = arith.constant 0 : index
      %swap3A_389 = tpu.vector_load %arg8[%swap3A_387, %swap3A_388] {strides = array<i32>} : memref<32x128xi32, #tpu.memory_space<vmem>>, vector<16xi32>,
      tpu.vector_store %arg8[%swap3A_387, %swap3A_388], %add3A_385 {strides = array<i32>} : memref<32x128xi32, #tpu.memory_space<vmem>>, vector<16xi32>,
      %add3A_390 = arith.constant 47000000 : i32
      %add3A_391 = vector.broadcast %add3A_390 : i32 to vector<16xi32>
      %add3A_392 = arith.addi %get3A_61, %add3A_391 : vector<16xi32>
      %swap3A_393 = arith.constant 23 : i32
      %swap3A_394 = arith.index_cast %swap3A_393 : i32 to index
      %swap3A_395 = arith.constant 64 : index
      %swap3A_396 = tpu.vector_load %arg8[%swap3A_394, %swap3A_395] {strides = array<i32>} : memref<32x128xi32, #tpu.memory_space<vmem>>, vector<16xi32>,
      tpu.vector_store %arg8[%swap3A_394, %swap3A_395], %add3A_392 {strides = array<i32>} : memref<32x128xi32, #tpu.memory_space<vmem>>, vector<16xi32>,
      %add3A_397 = arith.constant 48000000 : i32
      %add3A_398 = vector.broadcast %add3A_397 : i32 to vector<16xi32>
      %add3A_399 = arith.addi %get3A_61, %add3A_398 : vector<16xi32>
      %swap3A_400 = arith.constant 24 : i32
      %swap3A_401 = arith.index_cast %swap3A_400 : i32 to index
      %swap3A_402 = arith.constant 0 : index
      %swap3A_403 = tpu.vector_load %arg8[%swap3A_401, %swap3A_402] {strides = array<i32>} : memref<32x128xi32, #tpu.memory_space<vmem>>, vector<16xi32>,
      tpu.vector_store %arg8[%swap3A_401, %swap3A_402], %add3A_399 {strides = array<i32>} : memref<32x128xi32, #tpu.memory_space<vmem>>, vector<16xi32>,
      %add3A_404 = arith.constant 49000000 : i32
      %add3A_405 = vector.broadcast %add3A_404 : i32 to vector<16xi32>
      %add3A_406 = arith.addi %get3A_61, %add3A_405 : vector<16xi32>
      %swap3A_407 = arith.constant 24 : i32
      %swap3A_408 = arith.index_cast %swap3A_407 : i32 to index
      %swap3A_409 = arith.constant 64 : index
      %swap3A_410 = tpu.vector_load %arg8[%swap3A_408, %swap3A_409] {strides = array<i32>} : memref<32x128xi32, #tpu.memory_space<vmem>>, vector<16xi32>,
      tpu.vector_store %arg8[%swap3A_408, %swap3A_409], %add3A_406 {strides = array<i32>} : memref<32x128xi32, #tpu.memory_space<vmem>>, vector<16xi32>,
      %add3A_411 = arith.constant 50000000 : i32
      %add3A_412 = vector.broadcast %add3A_411 : i32 to vector<16xi32>
      %add3A_413 = arith.addi %get3A_61, %add3A_412 : vector<16xi32>
      %swap3A_414 = arith.constant 25 : i32
      %swap3A_415 = arith.index_cast %swap3A_414 : i32 to index
      %swap3A_416 = arith.constant 0 : index
      %swap3A_417 = tpu.vector_load %arg8[%swap3A_415, %swap3A_416] {strides = array<i32>} : memref<32x128xi32, #tpu.memory_space<vmem>>, vector<16xi32>,
      tpu.vector_store %arg8[%swap3A_415, %swap3A_416], %add3A_413 {strides = array<i32>} : memref<32x128xi32, #tpu.memory_space<vmem>>, vector<16xi32>,
      %add3A_418 = arith.constant 51000000 : i32
      %add3A_419 = vector.broadcast %add3A_418 : i32 to vector<16xi32>
      %add3A_420 = arith.addi %get3A_61, %add3A_419 : vector<16xi32>
      %swap3A_421 = arith.constant 25 : i32
      %swap3A_422 = arith.index_cast %swap3A_421 : i32 to index
      %swap3A_423 = arith.constant 64 : index
      %swap3A_424 = tpu.vector_load %arg8[%swap3A_422, %swap3A_423] {strides = array<i32>} : memref<32x128xi32, #tpu.memory_space<vmem>>, vector<16xi32>,
      tpu.vector_store %arg8[%swap3A_422, %swap3A_423], %add3A_420 {strides = array<i32>} : memref<32x128xi32, #tpu.memory_space<vmem>>, vector<16xi32>,
      %add3A_425 = arith.constant 52000000 : i32
      %add3A_426 = vector.broadcast %add3A_425 : i32 to vector<16xi32>
      %add3A_427 = arith.addi %get3A_61, %add3A_426 : vector<16xi32>
      %swap3A_428 = arith.constant 26 : i32
      %swap3A_429 = arith.index_cast %swap3A_428 : i32 to index
      %swap3A_430 = arith.constant 0 : index
      %swap3A_431 = tpu.vector_load %arg8[%swap3A_429, %swap3A_430] {strides = array<i32>} : memref<32x128xi32, #tpu.memory_space<vmem>>, vector<16xi32>,
      tpu.vector_store %arg8[%swap3A_429, %swap3A_430], %add3A_427 {strides = array<i32>} : memref<32x128xi32, #tpu.memory_space<vmem>>, vector<16xi32>,
      %add3A_432 = arith.constant 53000000 : i32
      %add3A_433 = vector.broadcast %add3A_432 : i32 to vector<16xi32>
      %add3A_434 = arith.addi %get3A_61, %add3A_433 : vector<16xi32>
      %swap3A_435 = arith.constant 26 : i32
      %swap3A_436 = arith.index_cast %swap3A_435 : i32 to index
      %swap3A_437 = arith.constant 64 : index
      %swap3A_438 = tpu.vector_load %arg8[%swap3A_436, %swap3A_437] {strides = array<i32>} : memref<32x128xi32, #tpu.memory_space<vmem>>, vector<16xi32>,
      tpu.vector_store %arg8[%swap3A_436, %swap3A_437], %add3A_434 {strides = array<i32>} : memref<32x128xi32, #tpu.memory_space<vmem>>, vector<16xi32>,
      %add3A_439 = arith.constant 54000000 : i32
      %add3A_440 = vector.broadcast %add3A_439 : i32 to vector<16xi32>
      %add3A_441 = arith.addi %get3A_61, %add3A_440 : vector<16xi32>
      %swap3A_442 = arith.constant 27 : i32
      %swap3A_443 = arith.index_cast %swap3A_442 : i32 to index
      %swap3A_444 = arith.constant 0 : index
      %swap3A_445 = tpu.vector_load %arg8[%swap3A_443, %swap3A_444] {strides = array<i32>} : memref<32x128xi32, #tpu.memory_space<vmem>>, vector<16xi32>,
      tpu.vector_store %arg8[%swap3A_443, %swap3A_444], %add3A_441 {strides = array<i32>} : memref<32x128xi32, #tpu.memory_space<vmem>>, vector<16xi32>,
      %add3A_446 = arith.constant 55000000 : i32
      %add3A_447 = vector.broadcast %add3A_446 : i32 to vector<16xi32>
      %add3A_448 = arith.addi %get3A_61, %add3A_447 : vector<16xi32>
      %swap3A_449 = arith.constant 27 : i32
      %swap3A_450 = arith.index_cast %swap3A_449 : i32 to index
      %swap3A_451 = arith.constant 64 : index
      %swap3A_452 = tpu.vector_load %arg8[%swap3A_450, %swap3A_451] {strides = array<i32>} : memref<32x128xi32, #tpu.memory_space<vmem>>, vector<16xi32>,
      tpu.vector_store %arg8[%swap3A_450, %swap3A_451], %add3A_448 {strides = array<i32>} : memref<32x128xi32, #tpu.memory_space<vmem>>, vector<16xi32>,
      %add3A_453 = arith.constant 56000000 : i32
      %add3A_454 = vector.broadcast %add3A_453 : i32 to vector<16xi32>
      %add3A_455 = arith.addi %get3A_61, %add3A_454 : vector<16xi32>
      %swap3A_456 = arith.constant 28 : i32
      %swap3A_457 = arith.index_cast %swap3A_456 : i32 to index
      %swap3A_458 = arith.constant 0 : index
      %swap3A_459 = tpu.vector_load %arg8[%swap3A_457, %swap3A_458] {strides = array<i32>} : memref<32x128xi32, #tpu.memory_space<vmem>>, vector<16xi32>,
      tpu.vector_store %arg8[%swap3A_457, %swap3A_458], %add3A_455 {strides = array<i32>} : memref<32x128xi32, #tpu.memory_space<vmem>>, vector<16xi32>,
      %add3A_460 = arith.constant 57000000 : i32
      %add3A_461 = vector.broadcast %add3A_460 : i32 to vector<16xi32>
      %add3A_462 = arith.addi %get3A_61, %add3A_461 : vector<16xi32>
      %swap3A_463 = arith.constant 28 : i32
      %swap3A_464 = arith.index_cast %swap3A_463 : i32 to index
      %swap3A_465 = arith.constant 64 : index
      %swap3A_466 = tpu.vector_load %arg8[%swap3A_464, %swap3A_465] {strides = array<i32>} : memref<32x128xi32, #tpu.memory_space<vmem>>, vector<16xi32>,
      tpu.vector_store %arg8[%swap3A_464, %swap3A_465], %add3A_462 {strides = array<i32>} : memref<32x128xi32, #tpu.memory_space<vmem>>, vector<16xi32>,
      %add3A_467 = arith.constant 58000000 : i32
      %add3A_468 = vector.broadcast %add3A_467 : i32 to vector<16xi32>
      %add3A_469 = arith.addi %get3A_61, %add3A_468 : vector<16xi32>
      %swap3A_470 = arith.constant 29 : i32
      %swap3A_471 = arith.index_cast %swap3A_470 : i32 to index
      %swap3A_472 = arith.constant 0 : index
      %swap3A_473 = tpu.vector_load %arg8[%swap3A_471, %swap3A_472] {strides = array<i32>} : memref<32x128xi32, #tpu.memory_space<vmem>>, vector<16xi32>,
      tpu.vector_store %arg8[%swap3A_471, %swap3A_472], %add3A_469 {strides = array<i32>} : memref<32x128xi32, #tpu.memory_space<vmem>>, vector<16xi32>,
      %add3A_474 = arith.constant 59000000 : i32
      %add3A_475 = vector.broadcast %add3A_474 : i32 to vector<16xi32>
      %add3A_476 = arith.addi %get3A_61, %add3A_475 : vector<16xi32>
      %swap3A_477 = arith.constant 29 : i32
      %swap3A_478 = arith.index_cast %swap3A_477 : i32 to index
      %swap3A_479 = arith.constant 64 : index
      %swap3A_480 = tpu.vector_load %arg8[%swap3A_478, %swap3A_479] {strides = array<i32>} : memref<32x128xi32, #tpu.memory_space<vmem>>, vector<16xi32>,
      tpu.vector_store %arg8[%swap3A_478, %swap3A_479], %add3A_476 {strides = array<i32>} : memref<32x128xi32, #tpu.memory_space<vmem>>, vector<16xi32>,
      %add3A_481 = arith.constant 60000000 : i32
      %add3A_482 = vector.broadcast %add3A_481 : i32 to vector<16xi32>
      %add3A_483 = arith.addi %get3A_61, %add3A_482 : vector<16xi32>
      %swap3A_484 = arith.constant 30 : i32
      %swap3A_485 = arith.index_cast %swap3A_484 : i32 to index
      %swap3A_486 = arith.constant 0 : index
      %swap3A_487 = tpu.vector_load %arg8[%swap3A_485, %swap3A_486] {strides = array<i32>} : memref<32x128xi32, #tpu.memory_space<vmem>>, vector<16xi32>,
      tpu.vector_store %arg8[%swap3A_485, %swap3A_486], %add3A_483 {strides = array<i32>} : memref<32x128xi32, #tpu.memory_space<vmem>>, vector<16xi32>,
      %add3A_488 = arith.constant 61000000 : i32
      %add3A_489 = vector.broadcast %add3A_488 : i32 to vector<16xi32>
      %add3A_490 = arith.addi %get3A_61, %add3A_489 : vector<16xi32>
      %swap3A_491 = arith.constant 30 : i32
      %swap3A_492 = arith.index_cast %swap3A_491 : i32 to index
      %swap3A_493 = arith.constant 64 : index
      %swap3A_494 = tpu.vector_load %arg8[%swap3A_492, %swap3A_493] {strides = array<i32>} : memref<32x128xi32, #tpu.memory_space<vmem>>, vector<16xi32>,
      tpu.vector_store %arg8[%swap3A_492, %swap3A_493], %add3A_490 {strides = array<i32>} : memref<32x128xi32, #tpu.memory_space<vmem>>, vector<16xi32>,
      %add3A_495 = arith.constant 62000000 : i32
      %add3A_496 = vector.broadcast %add3A_495 : i32 to vector<16xi32>
      %add3A_497 = arith.addi %get3A_61, %add3A_496 : vector<16xi32>
      %swap3A_498 = arith.constant 31 : i32
      %swap3A_499 = arith.index_cast %swap3A_498 : i32 to index
      %swap3A_500 = arith.constant 0 : index
      %swap3A_501 = tpu.vector_load %arg8[%swap3A_499, %swap3A_500] {strides = array<i32>} : memref<32x128xi32, #tpu.memory_space<vmem>>, vector<16xi32>,
      tpu.vector_store %arg8[%swap3A_499, %swap3A_500], %add3A_497 {strides = array<i32>} : memref<32x128xi32, #tpu.memory_space<vmem>>, vector<16xi32>,
      %add3A_502 = arith.constant 63000000 : i32
      %add3A_503 = vector.broadcast %add3A_502 : i32 to vector<16xi32>
      %add3A_504 = arith.addi %get3A_61, %add3A_503 : vector<16xi32>
      %swap3A_505 = arith.constant 31 : i32
      %swap3A_506 = arith.index_cast %swap3A_505 : i32 to index
      %swap3A_507 = arith.constant 64 : index
      %swap3A_508 = tpu.vector_load %arg8[%swap3A_506, %swap3A_507] {strides = array<i32>} : memref<32x128xi32, #tpu.memory_space<vmem>>, vector<16xi32>,
      tpu.vector_store %arg8[%swap3A_506, %swap3A_507], %add3A_504 {strides = array<i32>} : memref<32x128xi32, #tpu.memory_space<vmem>>, vector<16xi32>,
      %get3A_509 = arith.constant 16 : index
      %get3A_510 = tpu.vector_load %arg7[%get3A_509] {strides = array<i32>} : memref<64xi32, #tpu.memory_space<vmem>>, vector<16xi32>,
      %add3A_511 = arith.constant 0 : i32
      %add3A_512 = vector.broadcast %add3A_511 : i32 to vector<16xi32>
      %add3A_513 = arith.addi %get3A_510, %add3A_512 : vector<16xi32>
      %swap3A_514 = arith.constant 0 : i32
      %swap3A_515 = arith.index_cast %swap3A_514 : i32 to index
      %swap3A_516 = arith.constant 16 : index
      %swap3A_517 = tpu.vector_load %arg8[%swap3A_515, %swap3A_516] {strides = array<i32>} : memref<32x128xi32, #tpu.memory_space<vmem>>, vector<16xi32>,
      tpu.vector_store %arg8[%swap3A_515, %swap3A_516], %add3A_513 {strides = array<i32>} : memref<32x128xi32, #tpu.memory_space<vmem>>, vector<16xi32>,
      %add3A_518 = arith.constant 1000000 : i32
      %add3A_519 = vector.broadcast %add3A_518 : i32 to vector<16xi32>
      %add3A_520 = arith.addi %get3A_510, %add3A_519 : vector<16xi32>
      %swap3A_521 = arith.constant 0 : i32
      %swap3A_522 = arith.index_cast %swap3A_521 : i32 to index
      %swap3A_523 = arith.constant 80 : index
      %swap3A_524 = tpu.vector_load %arg8[%swap3A_522, %swap3A_523] {strides = array<i32>} : memref<32x128xi32, #tpu.memory_space<vmem>>, vector<16xi32>,
      tpu.vector_store %arg8[%swap3A_522, %swap3A_523], %add3A_520 {strides = array<i32>} : memref<32x128xi32, #tpu.memory_space<vmem>>, vector<16xi32>,
      %add3A_525 = arith.constant 2000000 : i32
      %add3A_526 = vector.broadcast %add3A_525 : i32 to vector<16xi32>
      %add3A_527 = arith.addi %get3A_510, %add3A_526 : vector<16xi32>
      %swap3A_528 = arith.constant 1 : i32
      %swap3A_529 = arith.index_cast %swap3A_528 : i32 to index
      %swap3A_530 = arith.constant 16 : index
      %swap3A_531 = tpu.vector_load %arg8[%swap3A_529, %swap3A_530] {strides = array<i32>} : memref<32x128xi32, #tpu.memory_space<vmem>>, vector<16xi32>,
      tpu.vector_store %arg8[%swap3A_529, %swap3A_530], %add3A_527 {strides = array<i32>} : memref<32x128xi32, #tpu.memory_space<vmem>>, vector<16xi32>,
      %add3A_532 = arith.constant 3000000 : i32
      %add3A_533 = vector.broadcast %add3A_532 : i32 to vector<16xi32>
      %add3A_534 = arith.addi %get3A_510, %add3A_533 : vector<16xi32>
      %swap3A_535 = arith.constant 1 : i32
      %swap3A_536 = arith.index_cast %swap3A_535 : i32 to index
      %swap3A_537 = arith.constant 80 : index
      %swap3A_538 = tpu.vector_load %arg8[%swap3A_536, %swap3A_537] {strides = array<i32>} : memref<32x128xi32, #tpu.memory_space<vmem>>, vector<16xi32>,
      tpu.vector_store %arg8[%swap3A_536, %swap3A_537], %add3A_534 {strides = array<i32>} : memref<32x128xi32, #tpu.memory_space<vmem>>, vector<16xi32>,
      %add3A_539 = arith.constant 4000000 : i32
      %add3A_540 = vector.broadcast %add3A_539 : i32 to vector<16xi32>
      %add3A_541 = arith.addi %get3A_510, %add3A_540 : vector<16xi32>
      %swap3A_542 = arith.constant 2 : i32
      %swap3A_543 = arith.index_cast %swap3A_542 : i32 to index
      %swap3A_544 = arith.constant 16 : index
      %swap3A_545 = tpu.vector_load %arg8[%swap3A_543, %swap3A_544] {strides = array<i32>} : memref<32x128xi32, #tpu.memory_space<vmem>>, vector<16xi32>,
      tpu.vector_store %arg8[%swap3A_543, %swap3A_544], %add3A_541 {strides = array<i32>} : memref<32x128xi32, #tpu.memory_space<vmem>>, vector<16xi32>,
      %add3A_546 = arith.constant 5000000 : i32
      %add3A_547 = vector.broadcast %add3A_546 : i32 to vector<16xi32>
      %add3A_548 = arith.addi %get3A_510, %add3A_547 : vector<16xi32>
      %swap3A_549 = arith.constant 2 : i32
      %swap3A_550 = arith.index_cast %swap3A_549 : i32 to index
      %swap3A_551 = arith.constant 80 : index
      %swap3A_552 = tpu.vector_load %arg8[%swap3A_550, %swap3A_551] {strides = array<i32>} : memref<32x128xi32, #tpu.memory_space<vmem>>, vector<16xi32>,
      tpu.vector_store %arg8[%swap3A_550, %swap3A_551], %add3A_548 {strides = array<i32>} : memref<32x128xi32, #tpu.memory_space<vmem>>, vector<16xi32>,
      %add3A_553 = arith.constant 6000000 : i32
      %add3A_554 = vector.broadcast %add3A_553 : i32 to vector<16xi32>
      %add3A_555 = arith.addi %get3A_510, %add3A_554 : vector<16xi32>
      %swap3A_556 = arith.constant 3 : i32
      %swap3A_557 = arith.index_cast %swap3A_556 : i32 to index
      %swap3A_558 = arith.constant 16 : index
      %swap3A_559 = tpu.vector_load %arg8[%swap3A_557, %swap3A_558] {strides = array<i32>} : memref<32x128xi32, #tpu.memory_space<vmem>>, vector<16xi32>,
      tpu.vector_store %arg8[%swap3A_557, %swap3A_558], %add3A_555 {strides = array<i32>} : memref<32x128xi32, #tpu.memory_space<vmem>>, vector<16xi32>,
      %add3A_560 = arith.constant 7000000 : i32
      %add3A_561 = vector.broadcast %add3A_560 : i32 to vector<16xi32>
      %add3A_562 = arith.addi %get3A_510, %add3A_561 : vector<16xi32>
      %swap3A_563 = arith.constant 3 : i32
      %swap3A_564 = arith.index_cast %swap3A_563 : i32 to index
      %swap3A_565 = arith.constant 80 : index
      %swap3A_566 = tpu.vector_load %arg8[%swap3A_564, %swap3A_565] {strides = array<i32>} : memref<32x128xi32, #tpu.memory_space<vmem>>, vector<16xi32>,
      tpu.vector_store %arg8[%swap3A_564, %swap3A_565], %add3A_562 {strides = array<i32>} : memref<32x128xi32, #tpu.memory_space<vmem>>, vector<16xi32>,
      %add3A_567 = arith.constant 8000000 : i32
      %add3A_568 = vector.broadcast %add3A_567 : i32 to vector<16xi32>
      %add3A_569 = arith.addi %get3A_510, %add3A_568 : vector<16xi32>
      %swap3A_570 = arith.constant 4 : i32
      %swap3A_571 = arith.index_cast %swap3A_570 : i32 to index
      %swap3A_572 = arith.constant 16 : index
      %swap3A_573 = tpu.vector_load %arg8[%swap3A_571, %swap3A_572] {strides = array<i32>} : memref<32x128xi32, #tpu.memory_space<vmem>>, vector<16xi32>,
      tpu.vector_store %arg8[%swap3A_571, %swap3A_572], %add3A_569 {strides = array<i32>} : memref<32x128xi32, #tpu.memory_space<vmem>>, vector<16xi32>,
      %add3A_574 = arith.constant 9000000 : i32
      %add3A_575 = vector.broadcast %add3A_574 : i32 to vector<16xi32>
      %add3A_576 = arith.addi %get3A_510, %add3A_575 : vector<16xi32>
      %swap3A_577 = arith.constant 4 : i32
      %swap3A_578 = arith.index_cast %swap3A_577 : i32 to index
      %swap3A_579 = arith.constant 80 : index
      %swap3A_580 = tpu.vector_load %arg8[%swap3A_578, %swap3A_579] {strides = array<i32>} : memref<32x128xi32, #tpu.memory_space<vmem>>, vector<16xi32>,
      tpu.vector_store %arg8[%swap3A_578, %swap3A_579], %add3A_576 {strides = array<i32>} : memref<32x128xi32, #tpu.memory_space<vmem>>, vector<16xi32>,
      %add3A_581 = arith.constant 10000000 : i32
      %add3A_582 = vector.broadcast %add3A_581 : i32 to vector<16xi32>
      %add3A_583 = arith.addi %get3A_510, %add3A_582 : vector<16xi32>
      %swap3A_584 = arith.constant 5 : i32
      %swap3A_585 = arith.index_cast %swap3A_584 : i32 to index
      %swap3A_586 = arith.constant 16 : index
      %swap3A_587 = tpu.vector_load %arg8[%swap3A_585, %swap3A_586] {strides = array<i32>} : memref<32x128xi32, #tpu.memory_space<vmem>>, vector<16xi32>,
      tpu.vector_store %arg8[%swap3A_585, %swap3A_586], %add3A_583 {strides = array<i32>} : memref<32x128xi32, #tpu.memory_space<vmem>>, vector<16xi32>,
      %add3A_588 = arith.constant 11000000 : i32
      %add3A_589 = vector.broadcast %add3A_588 : i32 to vector<16xi32>
      %add3A_590 = arith.addi %get3A_510, %add3A_589 : vector<16xi32>
      %swap3A_591 = arith.constant 5 : i32
      %swap3A_592 = arith.index_cast %swap3A_591 : i32 to index
      %swap3A_593 = arith.constant 80 : index
      %swap3A_594 = tpu.vector_load %arg8[%swap3A_592, %swap3A_593] {strides = array<i32>} : memref<32x128xi32, #tpu.memory_space<vmem>>, vector<16xi32>,
      tpu.vector_store %arg8[%swap3A_592, %swap3A_593], %add3A_590 {strides = array<i32>} : memref<32x128xi32, #tpu.memory_space<vmem>>, vector<16xi32>,
      %add3A_595 = arith.constant 12000000 : i32
      %add3A_596 = vector.broadcast %add3A_595 : i32 to vector<16xi32>
      %add3A_597 = arith.addi %get3A_510, %add3A_596 : vector<16xi32>
      %swap3A_598 = arith.constant 6 : i32
      %swap3A_599 = arith.index_cast %swap3A_598 : i32 to index
      %swap3A_600 = arith.constant 16 : index
      %swap3A_601 = tpu.vector_load %arg8[%swap3A_599, %swap3A_600] {strides = array<i32>} : memref<32x128xi32, #tpu.memory_space<vmem>>, vector<16xi32>,
      tpu.vector_store %arg8[%swap3A_599, %swap3A_600], %add3A_597 {strides = array<i32>} : memref<32x128xi32, #tpu.memory_space<vmem>>, vector<16xi32>,
      %add3A_602 = arith.constant 13000000 : i32
      %add3A_603 = vector.broadcast %add3A_602 : i32 to vector<16xi32>
      %add3A_604 = arith.addi %get3A_510, %add3A_603 : vector<16xi32>
      %swap3A_605 = arith.constant 6 : i32
      %swap3A_606 = arith.index_cast %swap3A_605 : i32 to index
      %swap3A_607 = arith.constant 80 : index
      %swap3A_608 = tpu.vector_load %arg8[%swap3A_606, %swap3A_607] {strides = array<i32>} : memref<32x128xi32, #tpu.memory_space<vmem>>, vector<16xi32>,
      tpu.vector_store %arg8[%swap3A_606, %swap3A_607], %add3A_604 {strides = array<i32>} : memref<32x128xi32, #tpu.memory_space<vmem>>, vector<16xi32>,
      %add3A_609 = arith.constant 14000000 : i32
      %add3A_610 = vector.broadcast %add3A_609 : i32 to vector<16xi32>
      %add3A_611 = arith.addi %get3A_510, %add3A_610 : vector<16xi32>
      %swap3A_612 = arith.constant 7 : i32
      %swap3A_613 = arith.index_cast %swap3A_612 : i32 to index
      %swap3A_614 = arith.constant 16 : index
      %swap3A_615 = tpu.vector_load %arg8[%swap3A_613, %swap3A_614] {strides = array<i32>} : memref<32x128xi32, #tpu.memory_space<vmem>>, vector<16xi32>,
      tpu.vector_store %arg8[%swap3A_613, %swap3A_614], %add3A_611 {strides = array<i32>} : memref<32x128xi32, #tpu.memory_space<vmem>>, vector<16xi32>,
      %add3A_616 = arith.constant 15000000 : i32
      %add3A_617 = vector.broadcast %add3A_616 : i32 to vector<16xi32>
      %add3A_618 = arith.addi %get3A_510, %add3A_617 : vector<16xi32>
      %swap3A_619 = arith.constant 7 : i32
      %swap3A_620 = arith.index_cast %swap3A_619 : i32 to index
      %swap3A_621 = arith.constant 80 : index
      %swap3A_622 = tpu.vector_load %arg8[%swap3A_620, %swap3A_621] {strides = array<i32>} : memref<32x128xi32, #tpu.memory_space<vmem>>, vector<16xi32>,
      tpu.vector_store %arg8[%swap3A_620, %swap3A_621], %add3A_618 {strides = array<i32>} : memref<32x128xi32, #tpu.memory_space<vmem>>, vector<16xi32>,
      %add3A_623 = arith.constant 16000000 : i32
      %add3A_624 = vector.broadcast %add3A_623 : i32 to vector<16xi32>
      %add3A_625 = arith.addi %get3A_510, %add3A_624 : vector<16xi32>
      %swap3A_626 = arith.constant 8 : i32
      %swap3A_627 = arith.index_cast %swap3A_626 : i32 to index
      %swap3A_628 = arith.constant 16 : index
      %swap3A_629 = tpu.vector_load %arg8[%swap3A_627, %swap3A_628] {strides = array<i32>} : memref<32x128xi32, #tpu.memory_space<vmem>>, vector<16xi32>,
      tpu.vector_store %arg8[%swap3A_627, %swap3A_628], %add3A_625 {strides = array<i32>} : memref<32x128xi32, #tpu.memory_space<vmem>>, vector<16xi32>,
      %add3A_630 = arith.constant 17000000 : i32
      %add3A_631 = vector.broadcast %add3A_630 : i32 to vector<16xi32>
      %add3A_632 = arith.addi %get3A_510, %add3A_631 : vector<16xi32>
      %swap3A_633 = arith.constant 8 : i32
      %swap3A_634 = arith.index_cast %swap3A_633 : i32 to index
      %swap3A_635 = arith.constant 80 : index
      %swap3A_636 = tpu.vector_load %arg8[%swap3A_634, %swap3A_635] {strides = array<i32>} : memref<32x128xi32, #tpu.memory_space<vmem>>, vector<16xi32>,
      tpu.vector_store %arg8[%swap3A_634, %swap3A_635], %add3A_632 {strides = array<i32>} : memref<32x128xi32, #tpu.memory_space<vmem>>, vector<16xi32>,
      %add3A_637 = arith.constant 18000000 : i32
      %add3A_638 = vector.broadcast %add3A_637 : i32 to vector<16xi32>
      %add3A_639 = arith.addi %get3A_510, %add3A_638 : vector<16xi32>
      %swap3A_640 = arith.constant 9 : i32
      %swap3A_641 = arith.index_cast %swap3A_640 : i32 to index
      %swap3A_642 = arith.constant 16 : index
      %swap3A_643 = tpu.vector_load %arg8[%swap3A_641, %swap3A_642] {strides = array<i32>} : memref<32x128xi32, #tpu.memory_space<vmem>>, vector<16xi32>,
      tpu.vector_store %arg8[%swap3A_641, %swap3A_642], %add3A_639 {strides = array<i32>} : memref<32x128xi32, #tpu.memory_space<vmem>>, vector<16xi32>,
      %add3A_644 = arith.constant 19000000 : i32
      %add3A_645 = vector.broadcast %add3A_644 : i32 to vector<16xi32>
      %add3A_646 = arith.addi %get3A_510, %add3A_645 : vector<16xi32>
      %swap3A_647 = arith.constant 9 : i32
      %swap3A_648 = arith.index_cast %swap3A_647 : i32 to index
      %swap3A_649 = arith.constant 80 : index
      %swap3A_650 = tpu.vector_load %arg8[%swap3A_648, %swap3A_649] {strides = array<i32>} : memref<32x128xi32, #tpu.memory_space<vmem>>, vector<16xi32>,
      tpu.vector_store %arg8[%swap3A_648, %swap3A_649], %add3A_646 {strides = array<i32>} : memref<32x128xi32, #tpu.memory_space<vmem>>, vector<16xi32>,
      %add3A_651 = arith.constant 20000000 : i32
      %add3A_652 = vector.broadcast %add3A_651 : i32 to vector<16xi32>
      %add3A_653 = arith.addi %get3A_510, %add3A_652 : vector<16xi32>
      %swap3A_654 = arith.constant 10 : i32
      %swap3A_655 = arith.index_cast %swap3A_654 : i32 to index
      %swap3A_656 = arith.constant 16 : index
      %swap3A_657 = tpu.vector_load %arg8[%swap3A_655, %swap3A_656] {strides = array<i32>} : memref<32x128xi32, #tpu.memory_space<vmem>>, vector<16xi32>,
      tpu.vector_store %arg8[%swap3A_655, %swap3A_656], %add3A_653 {strides = array<i32>} : memref<32x128xi32, #tpu.memory_space<vmem>>, vector<16xi32>,
      %add3A_658 = arith.constant 21000000 : i32
      %add3A_659 = vector.broadcast %add3A_658 : i32 to vector<16xi32>
      %add3A_660 = arith.addi %get3A_510, %add3A_659 : vector<16xi32>
      %swap3A_661 = arith.constant 10 : i32
      %swap3A_662 = arith.index_cast %swap3A_661 : i32 to index
      %swap3A_663 = arith.constant 80 : index
      %swap3A_664 = tpu.vector_load %arg8[%swap3A_662, %swap3A_663] {strides = array<i32>} : memref<32x128xi32, #tpu.memory_space<vmem>>, vector<16xi32>,
      tpu.vector_store %arg8[%swap3A_662, %swap3A_663], %add3A_660 {strides = array<i32>} : memref<32x128xi32, #tpu.memory_space<vmem>>, vector<16xi32>,
      %add3A_665 = arith.constant 22000000 : i32
      %add3A_666 = vector.broadcast %add3A_665 : i32 to vector<16xi32>
      %add3A_667 = arith.addi %get3A_510, %add3A_666 : vector<16xi32>
      %swap3A_668 = arith.constant 11 : i32
      %swap3A_669 = arith.index_cast %swap3A_668 : i32 to index
      %swap3A_670 = arith.constant 16 : index
      %swap3A_671 = tpu.vector_load %arg8[%swap3A_669, %swap3A_670] {strides = array<i32>} : memref<32x128xi32, #tpu.memory_space<vmem>>, vector<16xi32>,
      tpu.vector_store %arg8[%swap3A_669, %swap3A_670], %add3A_667 {strides = array<i32>} : memref<32x128xi32, #tpu.memory_space<vmem>>, vector<16xi32>,
      %add3A_672 = arith.constant 23000000 : i32
      %add3A_673 = vector.broadcast %add3A_672 : i32 to vector<16xi32>
      %add3A_674 = arith.addi %get3A_510, %add3A_673 : vector<16xi32>
      %swap3A_675 = arith.constant 11 : i32
      %swap3A_676 = arith.index_cast %swap3A_675 : i32 to index
      %swap3A_677 = arith.constant 80 : index
      %swap3A_678 = tpu.vector_load %arg8[%swap3A_676, %swap3A_677] {strides = array<i32>} : memref<32x128xi32, #tpu.memory_space<vmem>>, vector<16xi32>,
      tpu.vector_store %arg8[%swap3A_676, %swap3A_677], %add3A_674 {strides = array<i32>} : memref<32x128xi32, #tpu.memory_space<vmem>>, vector<16xi32>,
      %add3A_679 = arith.constant 24000000 : i32
      %add3A_680 = vector.broadcast %add3A_679 : i32 to vector<16xi32>
      %add3A_681 = arith.addi %get3A_510, %add3A_680 : vector<16xi32>
      %swap3A_682 = arith.constant 12 : i32
      %swap3A_683 = arith.index_cast %swap3A_682 : i32 to index
      %swap3A_684 = arith.constant 16 : index
      %swap3A_685 = tpu.vector_load %arg8[%swap3A_683, %swap3A_684] {strides = array<i32>} : memref<32x128xi32, #tpu.memory_space<vmem>>, vector<16xi32>,
      tpu.vector_store %arg8[%swap3A_683, %swap3A_684], %add3A_681 {strides = array<i32>} : memref<32x128xi32, #tpu.memory_space<vmem>>, vector<16xi32>,
      %add3A_686 = arith.constant 25000000 : i32
      %add3A_687 = vector.broadcast %add3A_686 : i32 to vector<16xi32>
      %add3A_688 = arith.addi %get3A_510, %add3A_687 : vector<16xi32>
      %swap3A_689 = arith.constant 12 : i32
      %swap3A_690 = arith.index_cast %swap3A_689 : i32 to index
      %swap3A_691 = arith.constant 80 : index
      %swap3A_692 = tpu.vector_load %arg8[%swap3A_690, %swap3A_691] {strides = array<i32>} : memref<32x128xi32, #tpu.memory_space<vmem>>, vector<16xi32>,
      tpu.vector_store %arg8[%swap3A_690, %swap3A_691], %add3A_688 {strides = array<i32>} : memref<32x128xi32, #tpu.memory_space<vmem>>, vector<16xi32>,
      %add3A_693 = arith.constant 26000000 : i32
      %add3A_694 = vector.broadcast %add3A_693 : i32 to vector<16xi32>
      %add3A_695 = arith.addi %get3A_510, %add3A_694 : vector<16xi32>
      %swap3A_696 = arith.constant 13 : i32
      %swap3A_697 = arith.index_cast %swap3A_696 : i32 to index
      %swap3A_698 = arith.constant 16 : index
      %swap3A_699 = tpu.vector_load %arg8[%swap3A_697, %swap3A_698] {strides = array<i32>} : memref<32x128xi32, #tpu.memory_space<vmem>>, vector<16xi32>,
      tpu.vector_store %arg8[%swap3A_697, %swap3A_698], %add3A_695 {strides = array<i32>} : memref<32x128xi32, #tpu.memory_space<vmem>>, vector<16xi32>,
      %add3A_700 = arith.constant 27000000 : i32
      %add3A_701 = vector.broadcast %add3A_700 : i32 to vector<16xi32>
      %add3A_702 = arith.addi %get3A_510, %add3A_701 : vector<16xi32>
      %swap3A_703 = arith.constant 13 : i32
      %swap3A_704 = arith.index_cast %swap3A_703 : i32 to index
      %swap3A_705 = arith.constant 80 : index
      %swap3A_706 = tpu.vector_load %arg8[%swap3A_704, %swap3A_705] {strides = array<i32>} : memref<32x128xi32, #tpu.memory_space<vmem>>, vector<16xi32>,
      tpu.vector_store %arg8[%swap3A_704, %swap3A_705], %add3A_702 {strides = array<i32>} : memref<32x128xi32, #tpu.memory_space<vmem>>, vector<16xi32>,
      %add3A_707 = arith.constant 28000000 : i32
      %add3A_708 = vector.broadcast %add3A_707 : i32 to vector<16xi32>
      %add3A_709 = arith.addi %get3A_510, %add3A_708 : vector<16xi32>
      %swap3A_710 = arith.constant 14 : i32
      %swap3A_711 = arith.index_cast %swap3A_710 : i32 to index
      %swap3A_712 = arith.constant 16 : index
      %swap3A_713 = tpu.vector_load %arg8[%swap3A_711, %swap3A_712] {strides = array<i32>} : memref<32x128xi32, #tpu.memory_space<vmem>>, vector<16xi32>,
      tpu.vector_store %arg8[%swap3A_711, %swap3A_712], %add3A_709 {strides = array<i32>} : memref<32x128xi32, #tpu.memory_space<vmem>>, vector<16xi32>,
      %add3A_714 = arith.constant 29000000 : i32
      %add3A_715 = vector.broadcast %add3A_714 : i32 to vector<16xi32>
      %add3A_716 = arith.addi %get3A_510, %add3A_715 : vector<16xi32>
      %swap3A_717 = arith.constant 14 : i32
      %swap3A_718 = arith.index_cast %swap3A_717 : i32 to index
      %swap3A_719 = arith.constant 80 : index
      %swap3A_720 = tpu.vector_load %arg8[%swap3A_718, %swap3A_719] {strides = array<i32>} : memref<32x128xi32, #tpu.memory_space<vmem>>, vector<16xi32>,
      tpu.vector_store %arg8[%swap3A_718, %swap3A_719], %add3A_716 {strides = array<i32>} : memref<32x128xi32, #tpu.memory_space<vmem>>, vector<16xi32>,
      %add3A_721 = arith.constant 30000000 : i32
      %add3A_722 = vector.broadcast %add3A_721 : i32 to vector<16xi32>
      %add3A_723 = arith.addi %get3A_510, %add3A_722 : vector<16xi32>
      %swap3A_724 = arith.constant 15 : i32
      %swap3A_725 = arith.index_cast %swap3A_724 : i32 to index
      %swap3A_726 = arith.constant 16 : index
      %swap3A_727 = tpu.vector_load %arg8[%swap3A_725, %swap3A_726] {strides = array<i32>} : memref<32x128xi32, #tpu.memory_space<vmem>>, vector<16xi32>,
      tpu.vector_store %arg8[%swap3A_725, %swap3A_726], %add3A_723 {strides = array<i32>} : memref<32x128xi32, #tpu.memory_space<vmem>>, vector<16xi32>,
      %add3A_728 = arith.constant 31000000 : i32
      %add3A_729 = vector.broadcast %add3A_728 : i32 to vector<16xi32>
      %add3A_730 = arith.addi %get3A_510, %add3A_729 : vector<16xi32>
      %swap3A_731 = arith.constant 15 : i32
      %swap3A_732 = arith.index_cast %swap3A_731 : i32 to index
      %swap3A_733 = arith.constant 80 : index
      %swap3A_734 = tpu.vector_load %arg8[%swap3A_732, %swap3A_733] {strides = array<i32>} : memref<32x128xi32, #tpu.memory_space<vmem>>, vector<16xi32>,
      tpu.vector_store %arg8[%swap3A_732, %swap3A_733], %add3A_730 {strides = array<i32>} : memref<32x128xi32, #tpu.memory_space<vmem>>, vector<16xi32>,
      %add3A_735 = arith.constant 32000000 : i32
      %add3A_736 = vector.broadcast %add3A_735 : i32 to vector<16xi32>
      %add3A_737 = arith.addi %get3A_510, %add3A_736 : vector<16xi32>
      %swap3A_738 = arith.constant 16 : i32
      %swap3A_739 = arith.index_cast %swap3A_738 : i32 to index
      %swap3A_740 = arith.constant 16 : index
      %swap3A_741 = tpu.vector_load %arg8[%swap3A_739, %swap3A_740] {strides = array<i32>} : memref<32x128xi32, #tpu.memory_space<vmem>>, vector<16xi32>,
      tpu.vector_store %arg8[%swap3A_739, %swap3A_740], %add3A_737 {strides = array<i32>} : memref<32x128xi32, #tpu.memory_space<vmem>>, vector<16xi32>,
      %add3A_742 = arith.constant 33000000 : i32
      %add3A_743 = vector.broadcast %add3A_742 : i32 to vector<16xi32>
      %add3A_744 = arith.addi %get3A_510, %add3A_743 : vector<16xi32>
      %swap3A_745 = arith.constant 16 : i32
      %swap3A_746 = arith.index_cast %swap3A_745 : i32 to index
      %swap3A_747 = arith.constant 80 : index
      %swap3A_748 = tpu.vector_load %arg8[%swap3A_746, %swap3A_747] {strides = array<i32>} : memref<32x128xi32, #tpu.memory_space<vmem>>, vector<16xi32>,
      tpu.vector_store %arg8[%swap3A_746, %swap3A_747], %add3A_744 {strides = array<i32>} : memref<32x128xi32, #tpu.memory_space<vmem>>, vector<16xi32>,
      %add3A_749 = arith.constant 34000000 : i32
      %add3A_750 = vector.broadcast %add3A_749 : i32 to vector<16xi32>
      %add3A_751 = arith.addi %get3A_510, %add3A_750 : vector<16xi32>
      %swap3A_752 = arith.constant 17 : i32
      %swap3A_753 = arith.index_cast %swap3A_752 : i32 to index
      %swap3A_754 = arith.constant 16 : index
      %swap3A_755 = tpu.vector_load %arg8[%swap3A_753, %swap3A_754] {strides = array<i32>} : memref<32x128xi32, #tpu.memory_space<vmem>>, vector<16xi32>,
      tpu.vector_store %arg8[%swap3A_753, %swap3A_754], %add3A_751 {strides = array<i32>} : memref<32x128xi32, #tpu.memory_space<vmem>>, vector<16xi32>,
      %add3A_756 = arith.constant 35000000 : i32
      %add3A_757 = vector.broadcast %add3A_756 : i32 to vector<16xi32>
      %add3A_758 = arith.addi %get3A_510, %add3A_757 : vector<16xi32>
      %swap3A_759 = arith.constant 17 : i32
      %swap3A_760 = arith.index_cast %swap3A_759 : i32 to index
      %swap3A_761 = arith.constant 80 : index
      %swap3A_762 = tpu.vector_load %arg8[%swap3A_760, %swap3A_761] {strides = array<i32>} : memref<32x128xi32, #tpu.memory_space<vmem>>, vector<16xi32>,
      tpu.vector_store %arg8[%swap3A_760, %swap3A_761], %add3A_758 {strides = array<i32>} : memref<32x128xi32, #tpu.memory_space<vmem>>, vector<16xi32>,
      %add3A_763 = arith.constant 36000000 : i32
      %add3A_764 = vector.broadcast %add3A_763 : i32 to vector<16xi32>
      %add3A_765 = arith.addi %get3A_510, %add3A_764 : vector<16xi32>
      %swap3A_766 = arith.constant 18 : i32
      %swap3A_767 = arith.index_cast %swap3A_766 : i32 to index
      %swap3A_768 = arith.constant 16 : index
      %swap3A_769 = tpu.vector_load %arg8[%swap3A_767, %swap3A_768] {strides = array<i32>} : memref<32x128xi32, #tpu.memory_space<vmem>>, vector<16xi32>,
      tpu.vector_store %arg8[%swap3A_767, %swap3A_768], %add3A_765 {strides = array<i32>} : memref<32x128xi32, #tpu.memory_space<vmem>>, vector<16xi32>,
      %add3A_770 = arith.constant 37000000 : i32
      %add3A_771 = vector.broadcast %add3A_770 : i32 to vector<16xi32>
      %add3A_772 = arith.addi %get3A_510, %add3A_771 : vector<16xi32>
      %swap3A_773 = arith.constant 18 : i32
      %swap3A_774 = arith.index_cast %swap3A_773 : i32 to index
      %swap3A_775 = arith.constant 80 : index
      %swap3A_776 = tpu.vector_load %arg8[%swap3A_774, %swap3A_775] {strides = array<i32>} : memref<32x128xi32, #tpu.memory_space<vmem>>, vector<16xi32>,
      tpu.vector_store %arg8[%swap3A_774, %swap3A_775], %add3A_772 {strides = array<i32>} : memref<32x128xi32, #tpu.memory_space<vmem>>, vector<16xi32>,
      %add3A_777 = arith.constant 38000000 : i32
      %add3A_778 = vector.broadcast %add3A_777 : i32 to vector<16xi32>
      %add3A_779 = arith.addi %get3A_510, %add3A_778 : vector<16xi32>
      %swap3A_780 = arith.constant 19 : i32
      %swap3A_781 = arith.index_cast %swap3A_780 : i32 to index
      %swap3A_782 = arith.constant 16 : index
      %swap3A_783 = tpu.vector_load %arg8[%swap3A_781, %swap3A_782] {strides = array<i32>} : memref<32x128xi32, #tpu.memory_space<vmem>>, vector<16xi32>,
      tpu.vector_store %arg8[%swap3A_781, %swap3A_782], %add3A_779 {strides = array<i32>} : memref<32x128xi32, #tpu.memory_space<vmem>>, vector<16xi32>,
      %add3A_784 = arith.constant 39000000 : i32
      %add3A_785 = vector.broadcast %add3A_784 : i32 to vector<16xi32>
      %add3A_786 = arith.addi %get3A_510, %add3A_785 : vector<16xi32>
      %swap3A_787 = arith.constant 19 : i32
      %swap3A_788 = arith.index_cast %swap3A_787 : i32 to index
      %swap3A_789 = arith.constant 80 : index
      %swap3A_790 = tpu.vector_load %arg8[%swap3A_788, %swap3A_789] {strides = array<i32>} : memref<32x128xi32, #tpu.memory_space<vmem>>, vector<16xi32>,
      tpu.vector_store %arg8[%swap3A_788, %swap3A_789], %add3A_786 {strides = array<i32>} : memref<32x128xi32, #tpu.memory_space<vmem>>, vector<16xi32>,
      %add3A_791 = arith.constant 40000000 : i32
      %add3A_792 = vector.broadcast %add3A_791 : i32 to vector<16xi32>
      %add3A_793 = arith.addi %get3A_510, %add3A_792 : vector<16xi32>
      %swap3A_794 = arith.constant 20 : i32
      %swap3A_795 = arith.index_cast %swap3A_794 : i32 to index
      %swap3A_796 = arith.constant 16 : index
      %swap3A_797 = tpu.vector_load %arg8[%swap3A_795, %swap3A_796] {strides = array<i32>} : memref<32x128xi32, #tpu.memory_space<vmem>>, vector<16xi32>,
      tpu.vector_store %arg8[%swap3A_795, %swap3A_796], %add3A_793 {strides = array<i32>} : memref<32x128xi32, #tpu.memory_space<vmem>>, vector<16xi32>,
      %add3A_798 = arith.constant 41000000 : i32
      %add3A_799 = vector.broadcast %add3A_798 : i32 to vector<16xi32>
      %add3A_800 = arith.addi %get3A_510, %add3A_799 : vector<16xi32>
      %swap3A_801 = arith.constant 20 : i32
      %swap3A_802 = arith.index_cast %swap3A_801 : i32 to index
      %swap3A_803 = arith.constant 80 : index
      %swap3A_804 = tpu.vector_load %arg8[%swap3A_802, %swap3A_803] {strides = array<i32>} : memref<32x128xi32, #tpu.memory_space<vmem>>, vector<16xi32>,
      tpu.vector_store %arg8[%swap3A_802, %swap3A_803], %add3A_800 {strides = array<i32>} : memref<32x128xi32, #tpu.memory_space<vmem>>, vector<16xi32>,
      %add3A_805 = arith.constant 42000000 : i32
      %add3A_806 = vector.broadcast %add3A_805 : i32 to vector<16xi32>
      %add3A_807 = arith.addi %get3A_510, %add3A_806 : vector<16xi32>
      %swap3A_808 = arith.constant 21 : i32
      %swap3A_809 = arith.index_cast %swap3A_808 : i32 to index
      %swap3A_810 = arith.constant 16 : index
      %swap3A_811 = tpu.vector_load %arg8[%swap3A_809, %swap3A_810] {strides = array<i32>} : memref<32x128xi32, #tpu.memory_space<vmem>>, vector<16xi32>,
      tpu.vector_store %arg8[%swap3A_809, %swap3A_810], %add3A_807 {strides = array<i32>} : memref<32x128xi32, #tpu.memory_space<vmem>>, vector<16xi32>,
      %add3A_812 = arith.constant 43000000 : i32
      %add3A_813 = vector.broadcast %add3A_812 : i32 to vector<16xi32>
      %add3A_814 = arith.addi %get3A_510, %add3A_813 : vector<16xi32>
      %swap3A_815 = arith.constant 21 : i32
      %swap3A_816 = arith.index_cast %swap3A_815 : i32 to index
      %swap3A_817 = arith.constant 80 : index
      %swap3A_818 = tpu.vector_load %arg8[%swap3A_816, %swap3A_817] {strides = array<i32>} : memref<32x128xi32, #tpu.memory_space<vmem>>, vector<16xi32>,
      tpu.vector_store %arg8[%swap3A_816, %swap3A_817], %add3A_814 {strides = array<i32>} : memref<32x128xi32, #tpu.memory_space<vmem>>, vector<16xi32>,
      %add3A_819 = arith.constant 44000000 : i32
      %add3A_820 = vector.broadcast %add3A_819 : i32 to vector<16xi32>
      %add3A_821 = arith.addi %get3A_510, %add3A_820 : vector<16xi32>
      %swap3A_822 = arith.constant 22 : i32
      %swap3A_823 = arith.index_cast %swap3A_822 : i32 to index
      %swap3A_824 = arith.constant 16 : index
      %swap3A_825 = tpu.vector_load %arg8[%swap3A_823, %swap3A_824] {strides = array<i32>} : memref<32x128xi32, #tpu.memory_space<vmem>>, vector<16xi32>,
      tpu.vector_store %arg8[%swap3A_823, %swap3A_824], %add3A_821 {strides = array<i32>} : memref<32x128xi32, #tpu.memory_space<vmem>>, vector<16xi32>,
      %add3A_826 = arith.constant 45000000 : i32
      %add3A_827 = vector.broadcast %add3A_826 : i32 to vector<16xi32>
      %add3A_828 = arith.addi %get3A_510, %add3A_827 : vector<16xi32>
      %swap3A_829 = arith.constant 22 : i32
      %swap3A_830 = arith.index_cast %swap3A_829 : i32 to index
      %swap3A_831 = arith.constant 80 : index
      %swap3A_832 = tpu.vector_load %arg8[%swap3A_830, %swap3A_831] {strides = array<i32>} : memref<32x128xi32, #tpu.memory_space<vmem>>, vector<16xi32>,
      tpu.vector_store %arg8[%swap3A_830, %swap3A_831], %add3A_828 {strides = array<i32>} : memref<32x128xi32, #tpu.memory_space<vmem>>, vector<16xi32>,
      %add3A_833 = arith.constant 46000000 : i32
      %add3A_834 = vector.broadcast %add3A_833 : i32 to vector<16xi32>
      %add3A_835 = arith.addi %get3A_510, %add3A_834 : vector<16xi32>
      %swap3A_836 = arith.constant 23 : i32
      %swap3A_837 = arith.index_cast %swap3A_836 : i32 to index
      %swap3A_838 = arith.constant 16 : index
      %swap3A_839 = tpu.vector_load %arg8[%swap3A_837, %swap3A_838] {strides = array<i32>} : memref<32x128xi32, #tpu.memory_space<vmem>>, vector<16xi32>,
      tpu.vector_store %arg8[%swap3A_837, %swap3A_838], %add3A_835 {strides = array<i32>} : memref<32x128xi32, #tpu.memory_space<vmem>>, vector<16xi32>,
      %add3A_840 = arith.constant 47000000 : i32
      %add3A_841 = vector.broadcast %add3A_840 : i32 to vector<16xi32>
      %add3A_842 = arith.addi %get3A_510, %add3A_841 : vector<16xi32>
      %swap3A_843 = arith.constant 23 : i32
      %swap3A_844 = arith.index_cast %swap3A_843 : i32 to index
      %swap3A_845 = arith.constant 80 : index
      %swap3A_846 = tpu.vector_load %arg8[%swap3A_844, %swap3A_845] {strides = array<i32>} : memref<32x128xi32, #tpu.memory_space<vmem>>, vector<16xi32>,
      tpu.vector_store %arg8[%swap3A_844, %swap3A_845], %add3A_842 {strides = array<i32>} : memref<32x128xi32, #tpu.memory_space<vmem>>, vector<16xi32>,
      %add3A_847 = arith.constant 48000000 : i32
      %add3A_848 = vector.broadcast %add3A_847 : i32 to vector<16xi32>
      %add3A_849 = arith.addi %get3A_510, %add3A_848 : vector<16xi32>
      %swap3A_850 = arith.constant 24 : i32
      %swap3A_851 = arith.index_cast %swap3A_850 : i32 to index
      %swap3A_852 = arith.constant 16 : index
      %swap3A_853 = tpu.vector_load %arg8[%swap3A_851, %swap3A_852] {strides = array<i32>} : memref<32x128xi32, #tpu.memory_space<vmem>>, vector<16xi32>,
      tpu.vector_store %arg8[%swap3A_851, %swap3A_852], %add3A_849 {strides = array<i32>} : memref<32x128xi32, #tpu.memory_space<vmem>>, vector<16xi32>,
      %add3A_854 = arith.constant 49000000 : i32
      %add3A_855 = vector.broadcast %add3A_854 : i32 to vector<16xi32>
      %add3A_856 = arith.addi %get3A_510, %add3A_855 : vector<16xi32>
      %swap3A_857 = arith.constant 24 : i32
      %swap3A_858 = arith.index_cast %swap3A_857 : i32 to index
      %swap3A_859 = arith.constant 80 : index
      %swap3A_860 = tpu.vector_load %arg8[%swap3A_858, %swap3A_859] {strides = array<i32>} : memref<32x128xi32, #tpu.memory_space<vmem>>, vector<16xi32>,
      tpu.vector_store %arg8[%swap3A_858, %swap3A_859], %add3A_856 {strides = array<i32>} : memref<32x128xi32, #tpu.memory_space<vmem>>, vector<16xi32>,
      %add3A_861 = arith.constant 50000000 : i32
      %add3A_862 = vector.broadcast %add3A_861 : i32 to vector<16xi32>
      %add3A_863 = arith.addi %get3A_510, %add3A_862 : vector<16xi32>
      %swap3A_864 = arith.constant 25 : i32
      %swap3A_865 = arith.index_cast %swap3A_864 : i32 to index
      %swap3A_866 = arith.constant 16 : index
      %swap3A_867 = tpu.vector_load %arg8[%swap3A_865, %swap3A_866] {strides = array<i32>} : memref<32x128xi32, #tpu.memory_space<vmem>>, vector<16xi32>,
      tpu.vector_store %arg8[%swap3A_865, %swap3A_866], %add3A_863 {strides = array<i32>} : memref<32x128xi32, #tpu.memory_space<vmem>>, vector<16xi32>,
      %add3A_868 = arith.constant 51000000 : i32
      %add3A_869 = vector.broadcast %add3A_868 : i32 to vector<16xi32>
      %add3A_870 = arith.addi %get3A_510, %add3A_869 : vector<16xi32>
      %swap3A_871 = arith.constant 25 : i32
      %swap3A_872 = arith.index_cast %swap3A_871 : i32 to index
      %swap3A_873 = arith.constant 80 : index
      %swap3A_874 = tpu.vector_load %arg8[%swap3A_872, %swap3A_873] {strides = array<i32>} : memref<32x128xi32, #tpu.memory_space<vmem>>, vector<16xi32>,
      tpu.vector_store %arg8[%swap3A_872, %swap3A_873], %add3A_870 {strides = array<i32>} : memref<32x128xi32, #tpu.memory_space<vmem>>, vector<16xi32>,
      %add3A_875 = arith.constant 52000000 : i32
      %add3A_876 = vector.broadcast %add3A_875 : i32 to vector<16xi32>
      %add3A_877 = arith.addi %get3A_510, %add3A_876 : vector<16xi32>
      %swap3A_878 = arith.constant 26 : i32
      %swap3A_879 = arith.index_cast %swap3A_878 : i32 to index
      %swap3A_880 = arith.constant 16 : index
      %swap3A_881 = tpu.vector_load %arg8[%swap3A_879, %swap3A_880] {strides = array<i32>} : memref<32x128xi32, #tpu.memory_space<vmem>>, vector<16xi32>,
      tpu.vector_store %arg8[%swap3A_879, %swap3A_880], %add3A_877 {strides = array<i32>} : memref<32x128xi32, #tpu.memory_space<vmem>>, vector<16xi32>,
      %add3A_882 = arith.constant 53000000 : i32
      %add3A_883 = vector.broadcast %add3A_882 : i32 to vector<16xi32>
      %add3A_884 = arith.addi %get3A_510, %add3A_883 : vector<16xi32>
      %swap3A_885 = arith.constant 26 : i32
      %swap3A_886 = arith.index_cast %swap3A_885 : i32 to index
      %swap3A_887 = arith.constant 80 : index
      %swap3A_888 = tpu.vector_load %arg8[%swap3A_886, %swap3A_887] {strides = array<i32>} : memref<32x128xi32, #tpu.memory_space<vmem>>, vector<16xi32>,
      tpu.vector_store %arg8[%swap3A_886, %swap3A_887], %add3A_884 {strides = array<i32>} : memref<32x128xi32, #tpu.memory_space<vmem>>, vector<16xi32>,
      %add3A_889 = arith.constant 54000000 : i32
      %add3A_890 = vector.broadcast %add3A_889 : i32 to vector<16xi32>
      %add3A_891 = arith.addi %get3A_510, %add3A_890 : vector<16xi32>
      %swap3A_892 = arith.constant 27 : i32
      %swap3A_893 = arith.index_cast %swap3A_892 : i32 to index
      %swap3A_894 = arith.constant 16 : index
      %swap3A_895 = tpu.vector_load %arg8[%swap3A_893, %swap3A_894] {strides = array<i32>} : memref<32x128xi32, #tpu.memory_space<vmem>>, vector<16xi32>,
      tpu.vector_store %arg8[%swap3A_893, %swap3A_894], %add3A_891 {strides = array<i32>} : memref<32x128xi32, #tpu.memory_space<vmem>>, vector<16xi32>,
      %add3A_896 = arith.constant 55000000 : i32
      %add3A_897 = vector.broadcast %add3A_896 : i32 to vector<16xi32>
      %add3A_898 = arith.addi %get3A_510, %add3A_897 : vector<16xi32>
      %swap3A_899 = arith.constant 27 : i32
      %swap3A_900 = arith.index_cast %swap3A_899 : i32 to index
      %swap3A_901 = arith.constant 80 : index
      %swap3A_902 = tpu.vector_load %arg8[%swap3A_900, %swap3A_901] {strides = array<i32>} : memref<32x128xi32, #tpu.memory_space<vmem>>, vector<16xi32>,
      tpu.vector_store %arg8[%swap3A_900, %swap3A_901], %add3A_898 {strides = array<i32>} : memref<32x128xi32, #tpu.memory_space<vmem>>, vector<16xi32>,
      %add3A_903 = arith.constant 56000000 : i32
      %add3A_904 = vector.broadcast %add3A_903 : i32 to vector<16xi32>
      %add3A_905 = arith.addi %get3A_510, %add3A_904 : vector<16xi32>
      %swap3A_906 = arith.constant 28 : i32
      %swap3A_907 = arith.index_cast %swap3A_906 : i32 to index
      %swap3A_908 = arith.constant 16 : index
      %swap3A_909 = tpu.vector_load %arg8[%swap3A_907, %swap3A_908] {strides = array<i32>} : memref<32x128xi32, #tpu.memory_space<vmem>>, vector<16xi32>,
      tpu.vector_store %arg8[%swap3A_907, %swap3A_908], %add3A_905 {strides = array<i32>} : memref<32x128xi32, #tpu.memory_space<vmem>>, vector<16xi32>,
      %add3A_910 = arith.constant 57000000 : i32
      %add3A_911 = vector.broadcast %add3A_910 : i32 to vector<16xi32>
      %add3A_912 = arith.addi %get3A_510, %add3A_911 : vector<16xi32>
      %swap3A_913 = arith.constant 28 : i32
      %swap3A_914 = arith.index_cast %swap3A_913 : i32 to index
      %swap3A_915 = arith.constant 80 : index
      %swap3A_916 = tpu.vector_load %arg8[%swap3A_914, %swap3A_915] {strides = array<i32>} : memref<32x128xi32, #tpu.memory_space<vmem>>, vector<16xi32>,
      tpu.vector_store %arg8[%swap3A_914, %swap3A_915], %add3A_912 {strides = array<i32>} : memref<32x128xi32, #tpu.memory_space<vmem>>, vector<16xi32>,
      %add3A_917 = arith.constant 58000000 : i32
      %add3A_918 = vector.broadcast %add3A_917 : i32 to vector<16xi32>
      %add3A_919 = arith.addi %get3A_510, %add3A_918 : vector<16xi32>
      %swap3A_920 = arith.constant 29 : i32
      %swap3A_921 = arith.index_cast %swap3A_920 : i32 to index
      %swap3A_922 = arith.constant 16 : index
      %swap3A_923 = tpu.vector_load %arg8[%swap3A_921, %swap3A_922] {strides = array<i32>} : memref<32x128xi32, #tpu.memory_space<vmem>>, vector<16xi32>,
      tpu.vector_store %arg8[%swap3A_921, %swap3A_922], %add3A_919 {strides = array<i32>} : memref<32x128xi32, #tpu.memory_space<vmem>>, vector<16xi32>,
      %add3A_924 = arith.constant 59000000 : i32
      %add3A_925 = vector.broadcast %add3A_924 : i32 to vector<16xi32>
      %add3A_926 = arith.addi %get3A_510, %add3A_925 : vector<16xi32>
      %swap3A_927 = arith.constant 29 : i32
      %swap3A_928 = arith.index_cast %swap3A_927 : i32 to index
      %swap3A_929 = arith.constant 80 : index
      %swap3A_930 = tpu.vector_load %arg8[%swap3A_928, %swap3A_929] {strides = array<i32>} : memref<32x128xi32, #tpu.memory_space<vmem>>, vector<16xi32>,
      tpu.vector_store %arg8[%swap3A_928, %swap3A_929], %add3A_926 {strides = array<i32>} : memref<32x128xi32, #tpu.memory_space<vmem>>, vector<16xi32>,
      %add3A_931 = arith.constant 60000000 : i32
      %add3A_932 = vector.broadcast %add3A_931 : i32 to vector<16xi32>
      %add3A_933 = arith.addi %get3A_510, %add3A_932 : vector<16xi32>
      %swap3A_934 = arith.constant 30 : i32
      %swap3A_935 = arith.index_cast %swap3A_934 : i32 to index
      %swap3A_936 = arith.constant 16 : index
      %swap3A_937 = tpu.vector_load %arg8[%swap3A_935, %swap3A_936] {strides = array<i32>} : memref<32x128xi32, #tpu.memory_space<vmem>>, vector<16xi32>,
      tpu.vector_store %arg8[%swap3A_935, %swap3A_936], %add3A_933 {strides = array<i32>} : memref<32x128xi32, #tpu.memory_space<vmem>>, vector<16xi32>,
      %add3A_938 = arith.constant 61000000 : i32
      %add3A_939 = vector.broadcast %add3A_938 : i32 to vector<16xi32>
      %add3A_940 = arith.addi %get3A_510, %add3A_939 : vector<16xi32>
      %swap3A_941 = arith.constant 30 : i32
      %swap3A_942 = arith.index_cast %swap3A_941 : i32 to index
      %swap3A_943 = arith.constant 80 : index
      %swap3A_944 = tpu.vector_load %arg8[%swap3A_942, %swap3A_943] {strides = array<i32>} : memref<32x128xi32, #tpu.memory_space<vmem>>, vector<16xi32>,
      tpu.vector_store %arg8[%swap3A_942, %swap3A_943], %add3A_940 {strides = array<i32>} : memref<32x128xi32, #tpu.memory_space<vmem>>, vector<16xi32>,
      %add3A_945 = arith.constant 62000000 : i32
      %add3A_946 = vector.broadcast %add3A_945 : i32 to vector<16xi32>
      %add3A_947 = arith.addi %get3A_510, %add3A_946 : vector<16xi32>
      %swap3A_948 = arith.constant 31 : i32
      %swap3A_949 = arith.index_cast %swap3A_948 : i32 to index
      %swap3A_950 = arith.constant 16 : index
      %swap3A_951 = tpu.vector_load %arg8[%swap3A_949, %swap3A_950] {strides = array<i32>} : memref<32x128xi32, #tpu.memory_space<vmem>>, vector<16xi32>,
      tpu.vector_store %arg8[%swap3A_949, %swap3A_950], %add3A_947 {strides = array<i32>} : memref<32x128xi32, #tpu.memory_space<vmem>>, vector<16xi32>,
      %add3A_952 = arith.constant 63000000 : i32
      %add3A_953 = vector.broadcast %add3A_952 : i32 to vector<16xi32>
      %add3A_954 = arith.addi %get3A_510, %add3A_953 : vector<16xi32>
      %swap3A_955 = arith.constant 31 : i32
      %swap3A_956 = arith.index_cast %swap3A_955 : i32 to index
      %swap3A_957 = arith.constant 80 : index
      %swap3A_958 = tpu.vector_load %arg8[%swap3A_956, %swap3A_957] {strides = array<i32>} : memref<32x128xi32, #tpu.memory_space<vmem>>, vector<16xi32>,
      tpu.vector_store %arg8[%swap3A_956, %swap3A_957], %add3A_954 {strides = array<i32>} : memref<32x128xi32, #tpu.memory_space<vmem>>, vector<16xi32>,
      %get3A_959 = arith.constant 32 : index
      %get3A_960 = tpu.vector_load %arg7[%get3A_959] {strides = array<i32>} : memref<64xi32, #tpu.memory_space<vmem>>, vector<16xi32>,
      %add3A_961 = arith.constant 0 : i32
      %add3A_962 = vector.broadcast %add3A_961 : i32 to vector<16xi32>
      %add3A_963 = arith.addi %get3A_960, %add3A_962 : vector<16xi32>
      %swap3A_964 = arith.constant 0 : i32
      %swap3A_965 = arith.index_cast %swap3A_964 : i32 to index
      %swap3A_966 = arith.constant 32 : index
      %swap3A_967 = tpu.vector_load %arg8[%swap3A_965, %swap3A_966] {strides = array<i32>} : memref<32x128xi32, #tpu.memory_space<vmem>>, vector<16xi32>,
      tpu.vector_store %arg8[%swap3A_965, %swap3A_966], %add3A_963 {strides = array<i32>} : memref<32x128xi32, #tpu.memory_space<vmem>>, vector<16xi32>,
      %add3A_968 = arith.constant 1000000 : i32
      %add3A_969 = vector.broadcast %add3A_968 : i32 to vector<16xi32>
      %add3A_970 = arith.addi %get3A_960, %add3A_969 : vector<16xi32>
      %swap3A_971 = arith.constant 0 : i32
      %swap3A_972 = arith.index_cast %swap3A_971 : i32 to index
      %swap3A_973 = arith.constant 96 : index
      %swap3A_974 = tpu.vector_load %arg8[%swap3A_972, %swap3A_973] {strides = array<i32>} : memref<32x128xi32, #tpu.memory_space<vmem>>, vector<16xi32>,
      tpu.vector_store %arg8[%swap3A_972, %swap3A_973], %add3A_970 {strides = array<i32>} : memref<32x128xi32, #tpu.memory_space<vmem>>, vector<16xi32>,
      %add3A_975 = arith.constant 2000000 : i32
      %add3A_976 = vector.broadcast %add3A_975 : i32 to vector<16xi32>
      %add3A_977 = arith.addi %get3A_960, %add3A_976 : vector<16xi32>
      %swap3A_978 = arith.constant 1 : i32
      %swap3A_979 = arith.index_cast %swap3A_978 : i32 to index
      %swap3A_980 = arith.constant 32 : index
      %swap3A_981 = tpu.vector_load %arg8[%swap3A_979, %swap3A_980] {strides = array<i32>} : memref<32x128xi32, #tpu.memory_space<vmem>>, vector<16xi32>,
      tpu.vector_store %arg8[%swap3A_979, %swap3A_980], %add3A_977 {strides = array<i32>} : memref<32x128xi32, #tpu.memory_space<vmem>>, vector<16xi32>,
      %add3A_982 = arith.constant 3000000 : i32
      %add3A_983 = vector.broadcast %add3A_982 : i32 to vector<16xi32>
      %add3A_984 = arith.addi %get3A_960, %add3A_983 : vector<16xi32>
      %swap3A_985 = arith.constant 1 : i32
      %swap3A_986 = arith.index_cast %swap3A_985 : i32 to index
      %swap3A_987 = arith.constant 96 : index
      %swap3A_988 = tpu.vector_load %arg8[%swap3A_986, %swap3A_987] {strides = array<i32>} : memref<32x128xi32, #tpu.memory_space<vmem>>, vector<16xi32>,
      tpu.vector_store %arg8[%swap3A_986, %swap3A_987], %add3A_984 {strides = array<i32>} : memref<32x128xi32, #tpu.memory_space<vmem>>, vector<16xi32>,
      %add3A_989 = arith.constant 4000000 : i32
      %add3A_990 = vector.broadcast %add3A_989 : i32 to vector<16xi32>
      %add3A_991 = arith.addi %get3A_960, %add3A_990 : vector<16xi32>
      %swap3A_992 = arith.constant 2 : i32
      %swap3A_993 = arith.index_cast %swap3A_992 : i32 to index
      %swap3A_994 = arith.constant 32 : index
      %swap3A_995 = tpu.vector_load %arg8[%swap3A_993, %swap3A_994] {strides = array<i32>} : memref<32x128xi32, #tpu.memory_space<vmem>>, vector<16xi32>,
      tpu.vector_store %arg8[%swap3A_993, %swap3A_994], %add3A_991 {strides = array<i32>} : memref<32x128xi32, #tpu.memory_space<vmem>>, vector<16xi32>,
      %add3A_996 = arith.constant 5000000 : i32
      %add3A_997 = vector.broadcast %add3A_996 : i32 to vector<16xi32>
      %add3A_998 = arith.addi %get3A_960, %add3A_997 : vector<16xi32>
      %swap3A_999 = arith.constant 2 : i32
      %swap3A_1000 = arith.index_cast %swap3A_999 : i32 to index
      %swap3A_1001 = arith.constant 96 : index
      %swap3A_1002 = tpu.vector_load %arg8[%swap3A_1000, %swap3A_1001] {strides = array<i32>} : memref<32x128xi32, #tpu.memory_space<vmem>>, vector<16xi32>,
      tpu.vector_store %arg8[%swap3A_1000, %swap3A_1001], %add3A_998 {strides = array<i32>} : memref<32x128xi32, #tpu.memory_space<vmem>>, vector<16xi32>,
      %add3A_1003 = arith.constant 6000000 : i32
      %add3A_1004 = vector.broadcast %add3A_1003 : i32 to vector<16xi32>
      %add3A_1005 = arith.addi %get3A_960, %add3A_1004 : vector<16xi32>
      %swap3A_1006 = arith.constant 3 : i32
      %swap3A_1007 = arith.index_cast %swap3A_1006 : i32 to index
      %swap3A_1008 = arith.constant 32 : index
      %swap3A_1009 = tpu.vector_load %arg8[%swap3A_1007, %swap3A_1008] {strides = array<i32>} : memref<32x128xi32, #tpu.memory_space<vmem>>, vector<16xi32>,
      tpu.vector_store %arg8[%swap3A_1007, %swap3A_1008], %add3A_1005 {strides = array<i32>} : memref<32x128xi32, #tpu.memory_space<vmem>>, vector<16xi32>,
      %add3A_1010 = arith.constant 7000000 : i32
      %add3A_1011 = vector.broadcast %add3A_1010 : i32 to vector<16xi32>
      %add3A_1012 = arith.addi %get3A_960, %add3A_1011 : vector<16xi32>
      %swap3A_1013 = arith.constant 3 : i32
      %swap3A_1014 = arith.index_cast %swap3A_1013 : i32 to index
      %swap3A_1015 = arith.constant 96 : index
      %swap3A_1016 = tpu.vector_load %arg8[%swap3A_1014, %swap3A_1015] {strides = array<i32>} : memref<32x128xi32, #tpu.memory_space<vmem>>, vector<16xi32>,
      tpu.vector_store %arg8[%swap3A_1014, %swap3A_1015], %add3A_1012 {strides = array<i32>} : memref<32x128xi32, #tpu.memory_space<vmem>>, vector<16xi32>,
      %add3A_1017 = arith.constant 8000000 : i32
      %add3A_1018 = vector.broadcast %add3A_1017 : i32 to vector<16xi32>
      %add3A_1019 = arith.addi %get3A_960, %add3A_1018 : vector<16xi32>
      %swap3A_1020 = arith.constant 4 : i32
      %swap3A_1021 = arith.index_cast %swap3A_1020 : i32 to index
      %swap3A_1022 = arith.constant 32 : index
      %swap3A_1023 = tpu.vector_load %arg8[%swap3A_1021, %swap3A_1022] {strides = array<i32>} : memref<32x128xi32, #tpu.memory_space<vmem>>, vector<16xi32>,
      tpu.vector_store %arg8[%swap3A_1021, %swap3A_1022], %add3A_1019 {strides = array<i32>} : memref<32x128xi32, #tpu.memory_space<vmem>>, vector<16xi32>,
      %add3A_1024 = arith.constant 9000000 : i32
      %add3A_1025 = vector.broadcast %add3A_1024 : i32 to vector<16xi32>
      %add3A_1026 = arith.addi %get3A_960, %add3A_1025 : vector<16xi32>
      %swap3A_1027 = arith.constant 4 : i32
      %swap3A_1028 = arith.index_cast %swap3A_1027 : i32 to index
      %swap3A_1029 = arith.constant 96 : index
      %swap3A_1030 = tpu.vector_load %arg8[%swap3A_1028, %swap3A_1029] {strides = array<i32>} : memref<32x128xi32, #tpu.memory_space<vmem>>, vector<16xi32>,
      tpu.vector_store %arg8[%swap3A_1028, %swap3A_1029], %add3A_1026 {strides = array<i32>} : memref<32x128xi32, #tpu.memory_space<vmem>>, vector<16xi32>,
      %add3A_1031 = arith.constant 10000000 : i32
      %add3A_1032 = vector.broadcast %add3A_1031 : i32 to vector<16xi32>
      %add3A_1033 = arith.addi %get3A_960, %add3A_1032 : vector<16xi32>
      %swap3A_1034 = arith.constant 5 : i32
      %swap3A_1035 = arith.index_cast %swap3A_1034 : i32 to index
      %swap3A_1036 = arith.constant 32 : index
      %swap3A_1037 = tpu.vector_load %arg8[%swap3A_1035, %swap3A_1036] {strides = array<i32>} : memref<32x128xi32, #tpu.memory_space<vmem>>, vector<16xi32>,
      tpu.vector_store %arg8[%swap3A_1035, %swap3A_1036], %add3A_1033 {strides = array<i32>} : memref<32x128xi32, #tpu.memory_space<vmem>>, vector<16xi32>,
      %add3A_1038 = arith.constant 11000000 : i32
      %add3A_1039 = vector.broadcast %add3A_1038 : i32 to vector<16xi32>
      %add3A_1040 = arith.addi %get3A_960, %add3A_1039 : vector<16xi32>
      %swap3A_1041 = arith.constant 5 : i32
      %swap3A_1042 = arith.index_cast %swap3A_1041 : i32 to index
      %swap3A_1043 = arith.constant 96 : index
      %swap3A_1044 = tpu.vector_load %arg8[%swap3A_1042, %swap3A_1043] {strides = array<i32>} : memref<32x128xi32, #tpu.memory_space<vmem>>, vector<16xi32>,
      tpu.vector_store %arg8[%swap3A_1042, %swap3A_1043], %add3A_1040 {strides = array<i32>} : memref<32x128xi32, #tpu.memory_space<vmem>>, vector<16xi32>,
      %add3A_1045 = arith.constant 12000000 : i32
      %add3A_1046 = vector.broadcast %add3A_1045 : i32 to vector<16xi32>
      %add3A_1047 = arith.addi %get3A_960, %add3A_1046 : vector<16xi32>
      %swap3A_1048 = arith.constant 6 : i32
      %swap3A_1049 = arith.index_cast %swap3A_1048 : i32 to index
      %swap3A_1050 = arith.constant 32 : index
      %swap3A_1051 = tpu.vector_load %arg8[%swap3A_1049, %swap3A_1050] {strides = array<i32>} : memref<32x128xi32, #tpu.memory_space<vmem>>, vector<16xi32>,
      tpu.vector_store %arg8[%swap3A_1049, %swap3A_1050], %add3A_1047 {strides = array<i32>} : memref<32x128xi32, #tpu.memory_space<vmem>>, vector<16xi32>,
      %add3A_1052 = arith.constant 13000000 : i32
      %add3A_1053 = vector.broadcast %add3A_1052 : i32 to vector<16xi32>
      %add3A_1054 = arith.addi %get3A_960, %add3A_1053 : vector<16xi32>
      %swap3A_1055 = arith.constant 6 : i32
      %swap3A_1056 = arith.index_cast %swap3A_1055 : i32 to index
      %swap3A_1057 = arith.constant 96 : index
      %swap3A_1058 = tpu.vector_load %arg8[%swap3A_1056, %swap3A_1057] {strides = array<i32>} : memref<32x128xi32, #tpu.memory_space<vmem>>, vector<16xi32>,
      tpu.vector_store %arg8[%swap3A_1056, %swap3A_1057], %add3A_1054 {strides = array<i32>} : memref<32x128xi32, #tpu.memory_space<vmem>>, vector<16xi32>,
      %add3A_1059 = arith.constant 14000000 : i32
      %add3A_1060 = vector.broadcast %add3A_1059 : i32 to vector<16xi32>
      %add3A_1061 = arith.addi %get3A_960, %add3A_1060 : vector<16xi32>
      %swap3A_1062 = arith.constant 7 : i32
      %swap3A_1063 = arith.index_cast %swap3A_1062 : i32 to index
      %swap3A_1064 = arith.constant 32 : index
      %swap3A_1065 = tpu.vector_load %arg8[%swap3A_1063, %swap3A_1064] {strides = array<i32>} : memref<32x128xi32, #tpu.memory_space<vmem>>, vector<16xi32>,
      tpu.vector_store %arg8[%swap3A_1063, %swap3A_1064], %add3A_1061 {strides = array<i32>} : memref<32x128xi32, #tpu.memory_space<vmem>>, vector<16xi32>,
      %add3A_1066 = arith.constant 15000000 : i32
      %add3A_1067 = vector.broadcast %add3A_1066 : i32 to vector<16xi32>
      %add3A_1068 = arith.addi %get3A_960, %add3A_1067 : vector<16xi32>
      %swap3A_1069 = arith.constant 7 : i32
      %swap3A_1070 = arith.index_cast %swap3A_1069 : i32 to index
      %swap3A_1071 = arith.constant 96 : index
      %swap3A_1072 = tpu.vector_load %arg8[%swap3A_1070, %swap3A_1071] {strides = array<i32>} : memref<32x128xi32, #tpu.memory_space<vmem>>, vector<16xi32>,
      tpu.vector_store %arg8[%swap3A_1070, %swap3A_1071], %add3A_1068 {strides = array<i32>} : memref<32x128xi32, #tpu.memory_space<vmem>>, vector<16xi32>,
      %add3A_1073 = arith.constant 16000000 : i32
      %add3A_1074 = vector.broadcast %add3A_1073 : i32 to vector<16xi32>
      %add3A_1075 = arith.addi %get3A_960, %add3A_1074 : vector<16xi32>
      %swap3A_1076 = arith.constant 8 : i32
      %swap3A_1077 = arith.index_cast %swap3A_1076 : i32 to index
      %swap3A_1078 = arith.constant 32 : index
      %swap3A_1079 = tpu.vector_load %arg8[%swap3A_1077, %swap3A_1078] {strides = array<i32>} : memref<32x128xi32, #tpu.memory_space<vmem>>, vector<16xi32>,
      tpu.vector_store %arg8[%swap3A_1077, %swap3A_1078], %add3A_1075 {strides = array<i32>} : memref<32x128xi32, #tpu.memory_space<vmem>>, vector<16xi32>,
      %add3A_1080 = arith.constant 17000000 : i32
      %add3A_1081 = vector.broadcast %add3A_1080 : i32 to vector<16xi32>
      %add3A_1082 = arith.addi %get3A_960, %add3A_1081 : vector<16xi32>
      %swap3A_1083 = arith.constant 8 : i32
      %swap3A_1084 = arith.index_cast %swap3A_1083 : i32 to index
      %swap3A_1085 = arith.constant 96 : index
      %swap3A_1086 = tpu.vector_load %arg8[%swap3A_1084, %swap3A_1085] {strides = array<i32>} : memref<32x128xi32, #tpu.memory_space<vmem>>, vector<16xi32>,
      tpu.vector_store %arg8[%swap3A_1084, %swap3A_1085], %add3A_1082 {strides = array<i32>} : memref<32x128xi32, #tpu.memory_space<vmem>>, vector<16xi32>,
      %add3A_1087 = arith.constant 18000000 : i32
      %add3A_1088 = vector.broadcast %add3A_1087 : i32 to vector<16xi32>
      %add3A_1089 = arith.addi %get3A_960, %add3A_1088 : vector<16xi32>
      %swap3A_1090 = arith.constant 9 : i32
      %swap3A_1091 = arith.index_cast %swap3A_1090 : i32 to index
      %swap3A_1092 = arith.constant 32 : index
      %swap3A_1093 = tpu.vector_load %arg8[%swap3A_1091, %swap3A_1092] {strides = array<i32>} : memref<32x128xi32, #tpu.memory_space<vmem>>, vector<16xi32>,
      tpu.vector_store %arg8[%swap3A_1091, %swap3A_1092], %add3A_1089 {strides = array<i32>} : memref<32x128xi32, #tpu.memory_space<vmem>>, vector<16xi32>,
      %add3A_1094 = arith.constant 19000000 : i32
      %add3A_1095 = vector.broadcast %add3A_1094 : i32 to vector<16xi32>
      %add3A_1096 = arith.addi %get3A_960, %add3A_1095 : vector<16xi32>
      %swap3A_1097 = arith.constant 9 : i32
      %swap3A_1098 = arith.index_cast %swap3A_1097 : i32 to index
      %swap3A_1099 = arith.constant 96 : index
      %swap3A_1100 = tpu.vector_load %arg8[%swap3A_1098, %swap3A_1099] {strides = array<i32>} : memref<32x128xi32, #tpu.memory_space<vmem>>, vector<16xi32>,
      tpu.vector_store %arg8[%swap3A_1098, %swap3A_1099], %add3A_1096 {strides = array<i32>} : memref<32x128xi32, #tpu.memory_space<vmem>>, vector<16xi32>,
      %add3A_1101 = arith.constant 20000000 : i32
      %add3A_1102 = vector.broadcast %add3A_1101 : i32 to vector<16xi32>
      %add3A_1103 = arith.addi %get3A_960, %add3A_1102 : vector<16xi32>
      %swap3A_1104 = arith.constant 10 : i32
      %swap3A_1105 = arith.index_cast %swap3A_1104 : i32 to index
      %swap3A_1106 = arith.constant 32 : index
      %swap3A_1107 = tpu.vector_load %arg8[%swap3A_1105, %swap3A_1106] {strides = array<i32>} : memref<32x128xi32, #tpu.memory_space<vmem>>, vector<16xi32>,
      tpu.vector_store %arg8[%swap3A_1105, %swap3A_1106], %add3A_1103 {strides = array<i32>} : memref<32x128xi32, #tpu.memory_space<vmem>>, vector<16xi32>,
      %add3A_1108 = arith.constant 21000000 : i32
      %add3A_1109 = vector.broadcast %add3A_1108 : i32 to vector<16xi32>
      %add3A_1110 = arith.addi %get3A_960, %add3A_1109 : vector<16xi32>
      %swap3A_1111 = arith.constant 10 : i32
      %swap3A_1112 = arith.index_cast %swap3A_1111 : i32 to index
      %swap3A_1113 = arith.constant 96 : index
      %swap3A_1114 = tpu.vector_load %arg8[%swap3A_1112, %swap3A_1113] {strides = array<i32>} : memref<32x128xi32, #tpu.memory_space<vmem>>, vector<16xi32>,
      tpu.vector_store %arg8[%swap3A_1112, %swap3A_1113], %add3A_1110 {strides = array<i32>} : memref<32x128xi32, #tpu.memory_space<vmem>>, vector<16xi32>,
      %add3A_1115 = arith.constant 22000000 : i32
      %add3A_1116 = vector.broadcast %add3A_1115 : i32 to vector<16xi32>
      %add3A_1117 = arith.addi %get3A_960, %add3A_1116 : vector<16xi32>
      %swap3A_1118 = arith.constant 11 : i32
      %swap3A_1119 = arith.index_cast %swap3A_1118 : i32 to index
      %swap3A_1120 = arith.constant 32 : index
      %swap3A_1121 = tpu.vector_load %arg8[%swap3A_1119, %swap3A_1120] {strides = array<i32>} : memref<32x128xi32, #tpu.memory_space<vmem>>, vector<16xi32>,
      tpu.vector_store %arg8[%swap3A_1119, %swap3A_1120], %add3A_1117 {strides = array<i32>} : memref<32x128xi32, #tpu.memory_space<vmem>>, vector<16xi32>,
      %add3A_1122 = arith.constant 23000000 : i32
      %add3A_1123 = vector.broadcast %add3A_1122 : i32 to vector<16xi32>
      %add3A_1124 = arith.addi %get3A_960, %add3A_1123 : vector<16xi32>
      %swap3A_1125 = arith.constant 11 : i32
      %swap3A_1126 = arith.index_cast %swap3A_1125 : i32 to index
      %swap3A_1127 = arith.constant 96 : index
      %swap3A_1128 = tpu.vector_load %arg8[%swap3A_1126, %swap3A_1127] {strides = array<i32>} : memref<32x128xi32, #tpu.memory_space<vmem>>, vector<16xi32>,
      tpu.vector_store %arg8[%swap3A_1126, %swap3A_1127], %add3A_1124 {strides = array<i32>} : memref<32x128xi32, #tpu.memory_space<vmem>>, vector<16xi32>,
      %add3A_1129 = arith.constant 24000000 : i32
      %add3A_1130 = vector.broadcast %add3A_1129 : i32 to vector<16xi32>
      %add3A_1131 = arith.addi %get3A_960, %add3A_1130 : vector<16xi32>
      %swap3A_1132 = arith.constant 12 : i32
      %swap3A_1133 = arith.index_cast %swap3A_1132 : i32 to index
      %swap3A_1134 = arith.constant 32 : index
      %swap3A_1135 = tpu.vector_load %arg8[%swap3A_1133, %swap3A_1134] {strides = array<i32>} : memref<32x128xi32, #tpu.memory_space<vmem>>, vector<16xi32>,
      tpu.vector_store %arg8[%swap3A_1133, %swap3A_1134], %add3A_1131 {strides = array<i32>} : memref<32x128xi32, #tpu.memory_space<vmem>>, vector<16xi32>,
      %add3A_1136 = arith.constant 25000000 : i32
      %add3A_1137 = vector.broadcast %add3A_1136 : i32 to vector<16xi32>
      %add3A_1138 = arith.addi %get3A_960, %add3A_1137 : vector<16xi32>
      %swap3A_1139 = arith.constant 12 : i32
      %swap3A_1140 = arith.index_cast %swap3A_1139 : i32 to index
      %swap3A_1141 = arith.constant 96 : index
      %swap3A_1142 = tpu.vector_load %arg8[%swap3A_1140, %swap3A_1141] {strides = array<i32>} : memref<32x128xi32, #tpu.memory_space<vmem>>, vector<16xi32>,
      tpu.vector_store %arg8[%swap3A_1140, %swap3A_1141], %add3A_1138 {strides = array<i32>} : memref<32x128xi32, #tpu.memory_space<vmem>>, vector<16xi32>,
      %add3A_1143 = arith.constant 26000000 : i32
      %add3A_1144 = vector.broadcast %add3A_1143 : i32 to vector<16xi32>
      %add3A_1145 = arith.addi %get3A_960, %add3A_1144 : vector<16xi32>
      %swap3A_1146 = arith.constant 13 : i32
      %swap3A_1147 = arith.index_cast %swap3A_1146 : i32 to index
      %swap3A_1148 = arith.constant 32 : index
      %swap3A_1149 = tpu.vector_load %arg8[%swap3A_1147, %swap3A_1148] {strides = array<i32>} : memref<32x128xi32, #tpu.memory_space<vmem>>, vector<16xi32>,
      tpu.vector_store %arg8[%swap3A_1147, %swap3A_1148], %add3A_1145 {strides = array<i32>} : memref<32x128xi32, #tpu.memory_space<vmem>>, vector<16xi32>,
      %add3A_1150 = arith.constant 27000000 : i32
      %add3A_1151 = vector.broadcast %add3A_1150 : i32 to vector<16xi32>
      %add3A_1152 = arith.addi %get3A_960, %add3A_1151 : vector<16xi32>
      %swap3A_1153 = arith.constant 13 : i32
      %swap3A_1154 = arith.index_cast %swap3A_1153 : i32 to index
      %swap3A_1155 = arith.constant 96 : index
      %swap3A_1156 = tpu.vector_load %arg8[%swap3A_1154, %swap3A_1155] {strides = array<i32>} : memref<32x128xi32, #tpu.memory_space<vmem>>, vector<16xi32>,
      tpu.vector_store %arg8[%swap3A_1154, %swap3A_1155], %add3A_1152 {strides = array<i32>} : memref<32x128xi32, #tpu.memory_space<vmem>>, vector<16xi32>,
      %add3A_1157 = arith.constant 28000000 : i32
      %add3A_1158 = vector.broadcast %add3A_1157 : i32 to vector<16xi32>
      %add3A_1159 = arith.addi %get3A_960, %add3A_1158 : vector<16xi32>
      %swap3A_1160 = arith.constant 14 : i32
      %swap3A_1161 = arith.index_cast %swap3A_1160 : i32 to index
      %swap3A_1162 = arith.constant 32 : index
      %swap3A_1163 = tpu.vector_load %arg8[%swap3A_1161, %swap3A_1162] {strides = array<i32>} : memref<32x128xi32, #tpu.memory_space<vmem>>, vector<16xi32>,
      tpu.vector_store %arg8[%swap3A_1161, %swap3A_1162], %add3A_1159 {strides = array<i32>} : memref<32x128xi32, #tpu.memory_space<vmem>>, vector<16xi32>,
      %add3A_1164 = arith.constant 29000000 : i32
      %add3A_1165 = vector.broadcast %add3A_1164 : i32 to vector<16xi32>
      %add3A_1166 = arith.addi %get3A_960, %add3A_1165 : vector<16xi32>
      %swap3A_1167 = arith.constant 14 : i32
      %swap3A_1168 = arith.index_cast %swap3A_1167 : i32 to index
      %swap3A_1169 = arith.constant 96 : index
      %swap3A_1170 = tpu.vector_load %arg8[%swap3A_1168, %swap3A_1169] {strides = array<i32>} : memref<32x128xi32, #tpu.memory_space<vmem>>, vector<16xi32>,
      tpu.vector_store %arg8[%swap3A_1168, %swap3A_1169], %add3A_1166 {strides = array<i32>} : memref<32x128xi32, #tpu.memory_space<vmem>>, vector<16xi32>,
      %add3A_1171 = arith.constant 30000000 : i32
      %add3A_1172 = vector.broadcast %add3A_1171 : i32 to vector<16xi32>
      %add3A_1173 = arith.addi %get3A_960, %add3A_1172 : vector<16xi32>
      %swap3A_1174 = arith.constant 15 : i32
      %swap3A_1175 = arith.index_cast %swap3A_1174 : i32 to index
      %swap3A_1176 = arith.constant 32 : index
      %swap3A_1177 = tpu.vector_load %arg8[%swap3A_1175, %swap3A_1176] {strides = array<i32>} : memref<32x128xi32, #tpu.memory_space<vmem>>, vector<16xi32>,
      tpu.vector_store %arg8[%swap3A_1175, %swap3A_1176], %add3A_1173 {strides = array<i32>} : memref<32x128xi32, #tpu.memory_space<vmem>>, vector<16xi32>,
      %add3A_1178 = arith.constant 31000000 : i32
      %add3A_1179 = vector.broadcast %add3A_1178 : i32 to vector<16xi32>
      %add3A_1180 = arith.addi %get3A_960, %add3A_1179 : vector<16xi32>
      %swap3A_1181 = arith.constant 15 : i32
      %swap3A_1182 = arith.index_cast %swap3A_1181 : i32 to index
      %swap3A_1183 = arith.constant 96 : index
      %swap3A_1184 = tpu.vector_load %arg8[%swap3A_1182, %swap3A_1183] {strides = array<i32>} : memref<32x128xi32, #tpu.memory_space<vmem>>, vector<16xi32>,
      tpu.vector_store %arg8[%swap3A_1182, %swap3A_1183], %add3A_1180 {strides = array<i32>} : memref<32x128xi32, #tpu.memory_space<vmem>>, vector<16xi32>,
      %add3A_1185 = arith.constant 32000000 : i32
      %add3A_1186 = vector.broadcast %add3A_1185 : i32 to vector<16xi32>
      %add3A_1187 = arith.addi %get3A_960, %add3A_1186 : vector<16xi32>
      %swap3A_1188 = arith.constant 16 : i32
      %swap3A_1189 = arith.index_cast %swap3A_1188 : i32 to index
      %swap3A_1190 = arith.constant 32 : index
      %swap3A_1191 = tpu.vector_load %arg8[%swap3A_1189, %swap3A_1190] {strides = array<i32>} : memref<32x128xi32, #tpu.memory_space<vmem>>, vector<16xi32>,
      tpu.vector_store %arg8[%swap3A_1189, %swap3A_1190], %add3A_1187 {strides = array<i32>} : memref<32x128xi32, #tpu.memory_space<vmem>>, vector<16xi32>,
      %add3A_1192 = arith.constant 33000000 : i32
      %add3A_1193 = vector.broadcast %add3A_1192 : i32 to vector<16xi32>
      %add3A_1194 = arith.addi %get3A_960, %add3A_1193 : vector<16xi32>
      %swap3A_1195 = arith.constant 16 : i32
      %swap3A_1196 = arith.index_cast %swap3A_1195 : i32 to index
      %swap3A_1197 = arith.constant 96 : index
      %swap3A_1198 = tpu.vector_load %arg8[%swap3A_1196, %swap3A_1197] {strides = array<i32>} : memref<32x128xi32, #tpu.memory_space<vmem>>, vector<16xi32>,
      tpu.vector_store %arg8[%swap3A_1196, %swap3A_1197], %add3A_1194 {strides = array<i32>} : memref<32x128xi32, #tpu.memory_space<vmem>>, vector<16xi32>,
      %add3A_1199 = arith.constant 34000000 : i32
      %add3A_1200 = vector.broadcast %add3A_1199 : i32 to vector<16xi32>
      %add3A_1201 = arith.addi %get3A_960, %add3A_1200 : vector<16xi32>
      %swap3A_1202 = arith.constant 17 : i32
      %swap3A_1203 = arith.index_cast %swap3A_1202 : i32 to index
      %swap3A_1204 = arith.constant 32 : index
      %swap3A_1205 = tpu.vector_load %arg8[%swap3A_1203, %swap3A_1204] {strides = array<i32>} : memref<32x128xi32, #tpu.memory_space<vmem>>, vector<16xi32>,
      tpu.vector_store %arg8[%swap3A_1203, %swap3A_1204], %add3A_1201 {strides = array<i32>} : memref<32x128xi32, #tpu.memory_space<vmem>>, vector<16xi32>,
      %add3A_1206 = arith.constant 35000000 : i32
      %add3A_1207 = vector.broadcast %add3A_1206 : i32 to vector<16xi32>
      %add3A_1208 = arith.addi %get3A_960, %add3A_1207 : vector<16xi32>
      %swap3A_1209 = arith.constant 17 : i32
      %swap3A_1210 = arith.index_cast %swap3A_1209 : i32 to index
      %swap3A_1211 = arith.constant 96 : index
      %swap3A_1212 = tpu.vector_load %arg8[%swap3A_1210, %swap3A_1211] {strides = array<i32>} : memref<32x128xi32, #tpu.memory_space<vmem>>, vector<16xi32>,
      tpu.vector_store %arg8[%swap3A_1210, %swap3A_1211], %add3A_1208 {strides = array<i32>} : memref<32x128xi32, #tpu.memory_space<vmem>>, vector<16xi32>,
      %add3A_1213 = arith.constant 36000000 : i32
      %add3A_1214 = vector.broadcast %add3A_1213 : i32 to vector<16xi32>
      %add3A_1215 = arith.addi %get3A_960, %add3A_1214 : vector<16xi32>
      %swap3A_1216 = arith.constant 18 : i32
      %swap3A_1217 = arith.index_cast %swap3A_1216 : i32 to index
      %swap3A_1218 = arith.constant 32 : index
      %swap3A_1219 = tpu.vector_load %arg8[%swap3A_1217, %swap3A_1218] {strides = array<i32>} : memref<32x128xi32, #tpu.memory_space<vmem>>, vector<16xi32>,
      tpu.vector_store %arg8[%swap3A_1217, %swap3A_1218], %add3A_1215 {strides = array<i32>} : memref<32x128xi32, #tpu.memory_space<vmem>>, vector<16xi32>,
      %add3A_1220 = arith.constant 37000000 : i32
      %add3A_1221 = vector.broadcast %add3A_1220 : i32 to vector<16xi32>
      %add3A_1222 = arith.addi %get3A_960, %add3A_1221 : vector<16xi32>
      %swap3A_1223 = arith.constant 18 : i32
      %swap3A_1224 = arith.index_cast %swap3A_1223 : i32 to index
      %swap3A_1225 = arith.constant 96 : index
      %swap3A_1226 = tpu.vector_load %arg8[%swap3A_1224, %swap3A_1225] {strides = array<i32>} : memref<32x128xi32, #tpu.memory_space<vmem>>, vector<16xi32>,
      tpu.vector_store %arg8[%swap3A_1224, %swap3A_1225], %add3A_1222 {strides = array<i32>} : memref<32x128xi32, #tpu.memory_space<vmem>>, vector<16xi32>,
      %add3A_1227 = arith.constant 38000000 : i32
      %add3A_1228 = vector.broadcast %add3A_1227 : i32 to vector<16xi32>
      %add3A_1229 = arith.addi %get3A_960, %add3A_1228 : vector<16xi32>
      %swap3A_1230 = arith.constant 19 : i32
      %swap3A_1231 = arith.index_cast %swap3A_1230 : i32 to index
      %swap3A_1232 = arith.constant 32 : index
      %swap3A_1233 = tpu.vector_load %arg8[%swap3A_1231, %swap3A_1232] {strides = array<i32>} : memref<32x128xi32, #tpu.memory_space<vmem>>, vector<16xi32>,
      tpu.vector_store %arg8[%swap3A_1231, %swap3A_1232], %add3A_1229 {strides = array<i32>} : memref<32x128xi32, #tpu.memory_space<vmem>>, vector<16xi32>,
      %add3A_1234 = arith.constant 39000000 : i32
      %add3A_1235 = vector.broadcast %add3A_1234 : i32 to vector<16xi32>
      %add3A_1236 = arith.addi %get3A_960, %add3A_1235 : vector<16xi32>
      %swap3A_1237 = arith.constant 19 : i32
      %swap3A_1238 = arith.index_cast %swap3A_1237 : i32 to index
      %swap3A_1239 = arith.constant 96 : index
      %swap3A_1240 = tpu.vector_load %arg8[%swap3A_1238, %swap3A_1239] {strides = array<i32>} : memref<32x128xi32, #tpu.memory_space<vmem>>, vector<16xi32>,
      tpu.vector_store %arg8[%swap3A_1238, %swap3A_1239], %add3A_1236 {strides = array<i32>} : memref<32x128xi32, #tpu.memory_space<vmem>>, vector<16xi32>,
      %add3A_1241 = arith.constant 40000000 : i32
      %add3A_1242 = vector.broadcast %add3A_1241 : i32 to vector<16xi32>
      %add3A_1243 = arith.addi %get3A_960, %add3A_1242 : vector<16xi32>
      %swap3A_1244 = arith.constant 20 : i32
      %swap3A_1245 = arith.index_cast %swap3A_1244 : i32 to index
      %swap3A_1246 = arith.constant 32 : index
      %swap3A_1247 = tpu.vector_load %arg8[%swap3A_1245, %swap3A_1246] {strides = array<i32>} : memref<32x128xi32, #tpu.memory_space<vmem>>, vector<16xi32>,
      tpu.vector_store %arg8[%swap3A_1245, %swap3A_1246], %add3A_1243 {strides = array<i32>} : memref<32x128xi32, #tpu.memory_space<vmem>>, vector<16xi32>,
      %add3A_1248 = arith.constant 41000000 : i32
      %add3A_1249 = vector.broadcast %add3A_1248 : i32 to vector<16xi32>
      %add3A_1250 = arith.addi %get3A_960, %add3A_1249 : vector<16xi32>
      %swap3A_1251 = arith.constant 20 : i32
      %swap3A_1252 = arith.index_cast %swap3A_1251 : i32 to index
      %swap3A_1253 = arith.constant 96 : index
      %swap3A_1254 = tpu.vector_load %arg8[%swap3A_1252, %swap3A_1253] {strides = array<i32>} : memref<32x128xi32, #tpu.memory_space<vmem>>, vector<16xi32>,
      tpu.vector_store %arg8[%swap3A_1252, %swap3A_1253], %add3A_1250 {strides = array<i32>} : memref<32x128xi32, #tpu.memory_space<vmem>>, vector<16xi32>,
      %add3A_1255 = arith.constant 42000000 : i32
      %add3A_1256 = vector.broadcast %add3A_1255 : i32 to vector<16xi32>
      %add3A_1257 = arith.addi %get3A_960, %add3A_1256 : vector<16xi32>
      %swap3A_1258 = arith.constant 21 : i32
      %swap3A_1259 = arith.index_cast %swap3A_1258 : i32 to index
      %swap3A_1260 = arith.constant 32 : index
      %swap3A_1261 = tpu.vector_load %arg8[%swap3A_1259, %swap3A_1260] {strides = array<i32>} : memref<32x128xi32, #tpu.memory_space<vmem>>, vector<16xi32>,
      tpu.vector_store %arg8[%swap3A_1259, %swap3A_1260], %add3A_1257 {strides = array<i32>} : memref<32x128xi32, #tpu.memory_space<vmem>>, vector<16xi32>,
      %add3A_1262 = arith.constant 43000000 : i32
      %add3A_1263 = vector.broadcast %add3A_1262 : i32 to vector<16xi32>
      %add3A_1264 = arith.addi %get3A_960, %add3A_1263 : vector<16xi32>
      %swap3A_1265 = arith.constant 21 : i32
      %swap3A_1266 = arith.index_cast %swap3A_1265 : i32 to index
      %swap3A_1267 = arith.constant 96 : index
      %swap3A_1268 = tpu.vector_load %arg8[%swap3A_1266, %swap3A_1267] {strides = array<i32>} : memref<32x128xi32, #tpu.memory_space<vmem>>, vector<16xi32>,
      tpu.vector_store %arg8[%swap3A_1266, %swap3A_1267], %add3A_1264 {strides = array<i32>} : memref<32x128xi32, #tpu.memory_space<vmem>>, vector<16xi32>,
      %add3A_1269 = arith.constant 44000000 : i32
      %add3A_1270 = vector.broadcast %add3A_1269 : i32 to vector<16xi32>
      %add3A_1271 = arith.addi %get3A_960, %add3A_1270 : vector<16xi32>
      %swap3A_1272 = arith.constant 22 : i32
      %swap3A_1273 = arith.index_cast %swap3A_1272 : i32 to index
      %swap3A_1274 = arith.constant 32 : index
      %swap3A_1275 = tpu.vector_load %arg8[%swap3A_1273, %swap3A_1274] {strides = array<i32>} : memref<32x128xi32, #tpu.memory_space<vmem>>, vector<16xi32>,
      tpu.vector_store %arg8[%swap3A_1273, %swap3A_1274], %add3A_1271 {strides = array<i32>} : memref<32x128xi32, #tpu.memory_space<vmem>>, vector<16xi32>,
      %add3A_1276 = arith.constant 45000000 : i32
      %add3A_1277 = vector.broadcast %add3A_1276 : i32 to vector<16xi32>
      %add3A_1278 = arith.addi %get3A_960, %add3A_1277 : vector<16xi32>
      %swap3A_1279 = arith.constant 22 : i32
      %swap3A_1280 = arith.index_cast %swap3A_1279 : i32 to index
      %swap3A_1281 = arith.constant 96 : index
      %swap3A_1282 = tpu.vector_load %arg8[%swap3A_1280, %swap3A_1281] {strides = array<i32>} : memref<32x128xi32, #tpu.memory_space<vmem>>, vector<16xi32>,
      tpu.vector_store %arg8[%swap3A_1280, %swap3A_1281], %add3A_1278 {strides = array<i32>} : memref<32x128xi32, #tpu.memory_space<vmem>>, vector<16xi32>,
      %add3A_1283 = arith.constant 46000000 : i32
      %add3A_1284 = vector.broadcast %add3A_1283 : i32 to vector<16xi32>
      %add3A_1285 = arith.addi %get3A_960, %add3A_1284 : vector<16xi32>
      %swap3A_1286 = arith.constant 23 : i32
      %swap3A_1287 = arith.index_cast %swap3A_1286 : i32 to index
      %swap3A_1288 = arith.constant 32 : index
      %swap3A_1289 = tpu.vector_load %arg8[%swap3A_1287, %swap3A_1288] {strides = array<i32>} : memref<32x128xi32, #tpu.memory_space<vmem>>, vector<16xi32>,
      tpu.vector_store %arg8[%swap3A_1287, %swap3A_1288], %add3A_1285 {strides = array<i32>} : memref<32x128xi32, #tpu.memory_space<vmem>>, vector<16xi32>,
      %add3A_1290 = arith.constant 47000000 : i32
      %add3A_1291 = vector.broadcast %add3A_1290 : i32 to vector<16xi32>
      %add3A_1292 = arith.addi %get3A_960, %add3A_1291 : vector<16xi32>
      %swap3A_1293 = arith.constant 23 : i32
      %swap3A_1294 = arith.index_cast %swap3A_1293 : i32 to index
      %swap3A_1295 = arith.constant 96 : index
      %swap3A_1296 = tpu.vector_load %arg8[%swap3A_1294, %swap3A_1295] {strides = array<i32>} : memref<32x128xi32, #tpu.memory_space<vmem>>, vector<16xi32>,
      tpu.vector_store %arg8[%swap3A_1294, %swap3A_1295], %add3A_1292 {strides = array<i32>} : memref<32x128xi32, #tpu.memory_space<vmem>>, vector<16xi32>,
      %add3A_1297 = arith.constant 48000000 : i32
      %add3A_1298 = vector.broadcast %add3A_1297 : i32 to vector<16xi32>
      %add3A_1299 = arith.addi %get3A_960, %add3A_1298 : vector<16xi32>
      %swap3A_1300 = arith.constant 24 : i32
      %swap3A_1301 = arith.index_cast %swap3A_1300 : i32 to index
      %swap3A_1302 = arith.constant 32 : index
      %swap3A_1303 = tpu.vector_load %arg8[%swap3A_1301, %swap3A_1302] {strides = array<i32>} : memref<32x128xi32, #tpu.memory_space<vmem>>, vector<16xi32>,
      tpu.vector_store %arg8[%swap3A_1301, %swap3A_1302], %add3A_1299 {strides = array<i32>} : memref<32x128xi32, #tpu.memory_space<vmem>>, vector<16xi32>,
      %add3A_1304 = arith.constant 49000000 : i32
      %add3A_1305 = vector.broadcast %add3A_1304 : i32 to vector<16xi32>
      %add3A_1306 = arith.addi %get3A_960, %add3A_1305 : vector<16xi32>
      %swap3A_1307 = arith.constant 24 : i32
      %swap3A_1308 = arith.index_cast %swap3A_1307 : i32 to index
      %swap3A_1309 = arith.constant 96 : index
      %swap3A_1310 = tpu.vector_load %arg8[%swap3A_1308, %swap3A_1309] {strides = array<i32>} : memref<32x128xi32, #tpu.memory_space<vmem>>, vector<16xi32>,
      tpu.vector_store %arg8[%swap3A_1308, %swap3A_1309], %add3A_1306 {strides = array<i32>} : memref<32x128xi32, #tpu.memory_space<vmem>>, vector<16xi32>,
      %add3A_1311 = arith.constant 50000000 : i32
      %add3A_1312 = vector.broadcast %add3A_1311 : i32 to vector<16xi32>
      %add3A_1313 = arith.addi %get3A_960, %add3A_1312 : vector<16xi32>
      %swap3A_1314 = arith.constant 25 : i32
      %swap3A_1315 = arith.index_cast %swap3A_1314 : i32 to index
      %swap3A_1316 = arith.constant 32 : index
      %swap3A_1317 = tpu.vector_load %arg8[%swap3A_1315, %swap3A_1316] {strides = array<i32>} : memref<32x128xi32, #tpu.memory_space<vmem>>, vector<16xi32>,
      tpu.vector_store %arg8[%swap3A_1315, %swap3A_1316], %add3A_1313 {strides = array<i32>} : memref<32x128xi32, #tpu.memory_space<vmem>>, vector<16xi32>,
      %add3A_1318 = arith.constant 51000000 : i32
      %add3A_1319 = vector.broadcast %add3A_1318 : i32 to vector<16xi32>
      %add3A_1320 = arith.addi %get3A_960, %add3A_1319 : vector<16xi32>
      %swap3A_1321 = arith.constant 25 : i32
      %swap3A_1322 = arith.index_cast %swap3A_1321 : i32 to index
      %swap3A_1323 = arith.constant 96 : index
      %swap3A_1324 = tpu.vector_load %arg8[%swap3A_1322, %swap3A_1323] {strides = array<i32>} : memref<32x128xi32, #tpu.memory_space<vmem>>, vector<16xi32>,
      tpu.vector_store %arg8[%swap3A_1322, %swap3A_1323], %add3A_1320 {strides = array<i32>} : memref<32x128xi32, #tpu.memory_space<vmem>>, vector<16xi32>,
      %add3A_1325 = arith.constant 52000000 : i32
      %add3A_1326 = vector.broadcast %add3A_1325 : i32 to vector<16xi32>
      %add3A_1327 = arith.addi %get3A_960, %add3A_1326 : vector<16xi32>
      %swap3A_1328 = arith.constant 26 : i32
      %swap3A_1329 = arith.index_cast %swap3A_1328 : i32 to index
      %swap3A_1330 = arith.constant 32 : index
      %swap3A_1331 = tpu.vector_load %arg8[%swap3A_1329, %swap3A_1330] {strides = array<i32>} : memref<32x128xi32, #tpu.memory_space<vmem>>, vector<16xi32>,
      tpu.vector_store %arg8[%swap3A_1329, %swap3A_1330], %add3A_1327 {strides = array<i32>} : memref<32x128xi32, #tpu.memory_space<vmem>>, vector<16xi32>,
      %add3A_1332 = arith.constant 53000000 : i32
      %add3A_1333 = vector.broadcast %add3A_1332 : i32 to vector<16xi32>
      %add3A_1334 = arith.addi %get3A_960, %add3A_1333 : vector<16xi32>
      %swap3A_1335 = arith.constant 26 : i32
      %swap3A_1336 = arith.index_cast %swap3A_1335 : i32 to index
      %swap3A_1337 = arith.constant 96 : index
      %swap3A_1338 = tpu.vector_load %arg8[%swap3A_1336, %swap3A_1337] {strides = array<i32>} : memref<32x128xi32, #tpu.memory_space<vmem>>, vector<16xi32>,
      tpu.vector_store %arg8[%swap3A_1336, %swap3A_1337], %add3A_1334 {strides = array<i32>} : memref<32x128xi32, #tpu.memory_space<vmem>>, vector<16xi32>,
      %add3A_1339 = arith.constant 54000000 : i32
      %add3A_1340 = vector.broadcast %add3A_1339 : i32 to vector<16xi32>
      %add3A_1341 = arith.addi %get3A_960, %add3A_1340 : vector<16xi32>
      %swap3A_1342 = arith.constant 27 : i32
      %swap3A_1343 = arith.index_cast %swap3A_1342 : i32 to index
      %swap3A_1344 = arith.constant 32 : index
      %swap3A_1345 = tpu.vector_load %arg8[%swap3A_1343, %swap3A_1344] {strides = array<i32>} : memref<32x128xi32, #tpu.memory_space<vmem>>, vector<16xi32>,
      tpu.vector_store %arg8[%swap3A_1343, %swap3A_1344], %add3A_1341 {strides = array<i32>} : memref<32x128xi32, #tpu.memory_space<vmem>>, vector<16xi32>,
      %add3A_1346 = arith.constant 55000000 : i32
      %add3A_1347 = vector.broadcast %add3A_1346 : i32 to vector<16xi32>
      %add3A_1348 = arith.addi %get3A_960, %add3A_1347 : vector<16xi32>
      %swap3A_1349 = arith.constant 27 : i32
      %swap3A_1350 = arith.index_cast %swap3A_1349 : i32 to index
      %swap3A_1351 = arith.constant 96 : index
      %swap3A_1352 = tpu.vector_load %arg8[%swap3A_1350, %swap3A_1351] {strides = array<i32>} : memref<32x128xi32, #tpu.memory_space<vmem>>, vector<16xi32>,
      tpu.vector_store %arg8[%swap3A_1350, %swap3A_1351], %add3A_1348 {strides = array<i32>} : memref<32x128xi32, #tpu.memory_space<vmem>>, vector<16xi32>,
      %add3A_1353 = arith.constant 56000000 : i32
      %add3A_1354 = vector.broadcast %add3A_1353 : i32 to vector<16xi32>
      %add3A_1355 = arith.addi %get3A_960, %add3A_1354 : vector<16xi32>
      %swap3A_1356 = arith.constant 28 : i32
      %swap3A_1357 = arith.index_cast %swap3A_1356 : i32 to index
      %swap3A_1358 = arith.constant 32 : index
      %swap3A_1359 = tpu.vector_load %arg8[%swap3A_1357, %swap3A_1358] {strides = array<i32>} : memref<32x128xi32, #tpu.memory_space<vmem>>, vector<16xi32>,
      tpu.vector_store %arg8[%swap3A_1357, %swap3A_1358], %add3A_1355 {strides = array<i32>} : memref<32x128xi32, #tpu.memory_space<vmem>>, vector<16xi32>,
      %add3A_1360 = arith.constant 57000000 : i32
      %add3A_1361 = vector.broadcast %add3A_1360 : i32 to vector<16xi32>
      %add3A_1362 = arith.addi %get3A_960, %add3A_1361 : vector<16xi32>
      %swap3A_1363 = arith.constant 28 : i32
      %swap3A_1364 = arith.index_cast %swap3A_1363 : i32 to index
      %swap3A_1365 = arith.constant 96 : index
      %swap3A_1366 = tpu.vector_load %arg8[%swap3A_1364, %swap3A_1365] {strides = array<i32>} : memref<32x128xi32, #tpu.memory_space<vmem>>, vector<16xi32>,
      tpu.vector_store %arg8[%swap3A_1364, %swap3A_1365], %add3A_1362 {strides = array<i32>} : memref<32x128xi32, #tpu.memory_space<vmem>>, vector<16xi32>,
      %add3A_1367 = arith.constant 58000000 : i32
      %add3A_1368 = vector.broadcast %add3A_1367 : i32 to vector<16xi32>
      %add3A_1369 = arith.addi %get3A_960, %add3A_1368 : vector<16xi32>
      %swap3A_1370 = arith.constant 29 : i32
      %swap3A_1371 = arith.index_cast %swap3A_1370 : i32 to index
      %swap3A_1372 = arith.constant 32 : index
      %swap3A_1373 = tpu.vector_load %arg8[%swap3A_1371, %swap3A_1372] {strides = array<i32>} : memref<32x128xi32, #tpu.memory_space<vmem>>, vector<16xi32>,
      tpu.vector_store %arg8[%swap3A_1371, %swap3A_1372], %add3A_1369 {strides = array<i32>} : memref<32x128xi32, #tpu.memory_space<vmem>>, vector<16xi32>,
      %add3A_1374 = arith.constant 59000000 : i32
      %add3A_1375 = vector.broadcast %add3A_1374 : i32 to vector<16xi32>
      %add3A_1376 = arith.addi %get3A_960, %add3A_1375 : vector<16xi32>
      %swap3A_1377 = arith.constant 29 : i32
      %swap3A_1378 = arith.index_cast %swap3A_1377 : i32 to index
      %swap3A_1379 = arith.constant 96 : index
      %swap3A_1380 = tpu.vector_load %arg8[%swap3A_1378, %swap3A_1379] {strides = array<i32>} : memref<32x128xi32, #tpu.memory_space<vmem>>, vector<16xi32>,
      tpu.vector_store %arg8[%swap3A_1378, %swap3A_1379], %add3A_1376 {strides = array<i32>} : memref<32x128xi32, #tpu.memory_space<vmem>>, vector<16xi32>,
      %add3A_1381 = arith.constant 60000000 : i32
      %add3A_1382 = vector.broadcast %add3A_1381 : i32 to vector<16xi32>
      %add3A_1383 = arith.addi %get3A_960, %add3A_1382 : vector<16xi32>
      %swap3A_1384 = arith.constant 30 : i32
      %swap3A_1385 = arith.index_cast %swap3A_1384 : i32 to index
      %swap3A_1386 = arith.constant 32 : index
      %swap3A_1387 = tpu.vector_load %arg8[%swap3A_1385, %swap3A_1386] {strides = array<i32>} : memref<32x128xi32, #tpu.memory_space<vmem>>, vector<16xi32>,
      tpu.vector_store %arg8[%swap3A_1385, %swap3A_1386], %add3A_1383 {strides = array<i32>} : memref<32x128xi32, #tpu.memory_space<vmem>>, vector<16xi32>,
      %add3A_1388 = arith.constant 61000000 : i32
      %add3A_1389 = vector.broadcast %add3A_1388 : i32 to vector<16xi32>
      %add3A_1390 = arith.addi %get3A_960, %add3A_1389 : vector<16xi32>
      %swap3A_1391 = arith.constant 30 : i32
      %swap3A_1392 = arith.index_cast %swap3A_1391 : i32 to index
      %swap3A_1393 = arith.constant 96 : index
      %swap3A_1394 = tpu.vector_load %arg8[%swap3A_1392, %swap3A_1393] {strides = array<i32>} : memref<32x128xi32, #tpu.memory_space<vmem>>, vector<16xi32>,
      tpu.vector_store %arg8[%swap3A_1392, %swap3A_1393], %add3A_1390 {strides = array<i32>} : memref<32x128xi32, #tpu.memory_space<vmem>>, vector<16xi32>,
      %add3A_1395 = arith.constant 62000000 : i32
      %add3A_1396 = vector.broadcast %add3A_1395 : i32 to vector<16xi32>
      %add3A_1397 = arith.addi %get3A_960, %add3A_1396 : vector<16xi32>
      %swap3A_1398 = arith.constant 31 : i32
      %swap3A_1399 = arith.index_cast %swap3A_1398 : i32 to index
      %swap3A_1400 = arith.constant 32 : index
      %swap3A_1401 = tpu.vector_load %arg8[%swap3A_1399, %swap3A_1400] {strides = array<i32>} : memref<32x128xi32, #tpu.memory_space<vmem>>, vector<16xi32>,
      tpu.vector_store %arg8[%swap3A_1399, %swap3A_1400], %add3A_1397 {strides = array<i32>} : memref<32x128xi32, #tpu.memory_space<vmem>>, vector<16xi32>,
      %add3A_1402 = arith.constant 63000000 : i32
      %add3A_1403 = vector.broadcast %add3A_1402 : i32 to vector<16xi32>
      %add3A_1404 = arith.addi %get3A_960, %add3A_1403 : vector<16xi32>
      %swap3A_1405 = arith.constant 31 : i32
      %swap3A_1406 = arith.index_cast %swap3A_1405 : i32 to index
      %swap3A_1407 = arith.constant 96 : index
      %swap3A_1408 = tpu.vector_load %arg8[%swap3A_1406, %swap3A_1407] {strides = array<i32>} : memref<32x128xi32, #tpu.memory_space<vmem>>, vector<16xi32>,
      tpu.vector_store %arg8[%swap3A_1406, %swap3A_1407], %add3A_1404 {strides = array<i32>} : memref<32x128xi32, #tpu.memory_space<vmem>>, vector<16xi32>,
      %get3A_1409 = arith.constant 48 : index
      %get3A_1410 = tpu.vector_load %arg7[%get3A_1409] {strides = array<i32>} : memref<64xi32, #tpu.memory_space<vmem>>, vector<16xi32>,
      %add3A_1411 = arith.constant 0 : i32
      %add3A_1412 = vector.broadcast %add3A_1411 : i32 to vector<16xi32>
      %add3A_1413 = arith.addi %get3A_1410, %add3A_1412 : vector<16xi32>
      %swap3A_1414 = arith.constant 0 : i32
      %swap3A_1415 = arith.index_cast %swap3A_1414 : i32 to index
      %swap3A_1416 = arith.constant 48 : index
      %swap3A_1417 = tpu.vector_load %arg8[%swap3A_1415, %swap3A_1416] {strides = array<i32>} : memref<32x128xi32, #tpu.memory_space<vmem>>, vector<16xi32>,
      tpu.vector_store %arg8[%swap3A_1415, %swap3A_1416], %add3A_1413 {strides = array<i32>} : memref<32x128xi32, #tpu.memory_space<vmem>>, vector<16xi32>,
      %add3A_1418 = arith.constant 1000000 : i32
      %add3A_1419 = vector.broadcast %add3A_1418 : i32 to vector<16xi32>
      %add3A_1420 = arith.addi %get3A_1410, %add3A_1419 : vector<16xi32>
      %swap3A_1421 = arith.constant 0 : i32
      %swap3A_1422 = arith.index_cast %swap3A_1421 : i32 to index
      %swap3A_1423 = arith.constant 112 : index
      %swap3A_1424 = tpu.vector_load %arg8[%swap3A_1422, %swap3A_1423] {strides = array<i32>} : memref<32x128xi32, #tpu.memory_space<vmem>>, vector<16xi32>,
      tpu.vector_store %arg8[%swap3A_1422, %swap3A_1423], %add3A_1420 {strides = array<i32>} : memref<32x128xi32, #tpu.memory_space<vmem>>, vector<16xi32>,
      %add3A_1425 = arith.constant 2000000 : i32
      %add3A_1426 = vector.broadcast %add3A_1425 : i32 to vector<16xi32>
      %add3A_1427 = arith.addi %get3A_1410, %add3A_1426 : vector<16xi32>
      %swap3A_1428 = arith.constant 1 : i32
      %swap3A_1429 = arith.index_cast %swap3A_1428 : i32 to index
      %swap3A_1430 = arith.constant 48 : index
      %swap3A_1431 = tpu.vector_load %arg8[%swap3A_1429, %swap3A_1430] {strides = array<i32>} : memref<32x128xi32, #tpu.memory_space<vmem>>, vector<16xi32>,
      tpu.vector_store %arg8[%swap3A_1429, %swap3A_1430], %add3A_1427 {strides = array<i32>} : memref<32x128xi32, #tpu.memory_space<vmem>>, vector<16xi32>,
      %add3A_1432 = arith.constant 3000000 : i32
      %add3A_1433 = vector.broadcast %add3A_1432 : i32 to vector<16xi32>
      %add3A_1434 = arith.addi %get3A_1410, %add3A_1433 : vector<16xi32>
      %swap3A_1435 = arith.constant 1 : i32
      %swap3A_1436 = arith.index_cast %swap3A_1435 : i32 to index
      %swap3A_1437 = arith.constant 112 : index
      %swap3A_1438 = tpu.vector_load %arg8[%swap3A_1436, %swap3A_1437] {strides = array<i32>} : memref<32x128xi32, #tpu.memory_space<vmem>>, vector<16xi32>,
      tpu.vector_store %arg8[%swap3A_1436, %swap3A_1437], %add3A_1434 {strides = array<i32>} : memref<32x128xi32, #tpu.memory_space<vmem>>, vector<16xi32>,
      %add3A_1439 = arith.constant 4000000 : i32
      %add3A_1440 = vector.broadcast %add3A_1439 : i32 to vector<16xi32>
      %add3A_1441 = arith.addi %get3A_1410, %add3A_1440 : vector<16xi32>
      %swap3A_1442 = arith.constant 2 : i32
      %swap3A_1443 = arith.index_cast %swap3A_1442 : i32 to index
      %swap3A_1444 = arith.constant 48 : index
      %swap3A_1445 = tpu.vector_load %arg8[%swap3A_1443, %swap3A_1444] {strides = array<i32>} : memref<32x128xi32, #tpu.memory_space<vmem>>, vector<16xi32>,
      tpu.vector_store %arg8[%swap3A_1443, %swap3A_1444], %add3A_1441 {strides = array<i32>} : memref<32x128xi32, #tpu.memory_space<vmem>>, vector<16xi32>,
      %add3A_1446 = arith.constant 5000000 : i32
      %add3A_1447 = vector.broadcast %add3A_1446 : i32 to vector<16xi32>
      %add3A_1448 = arith.addi %get3A_1410, %add3A_1447 : vector<16xi32>
      %swap3A_1449 = arith.constant 2 : i32
      %swap3A_1450 = arith.index_cast %swap3A_1449 : i32 to index
      %swap3A_1451 = arith.constant 112 : index
      %swap3A_1452 = tpu.vector_load %arg8[%swap3A_1450, %swap3A_1451] {strides = array<i32>} : memref<32x128xi32, #tpu.memory_space<vmem>>, vector<16xi32>,
      tpu.vector_store %arg8[%swap3A_1450, %swap3A_1451], %add3A_1448 {strides = array<i32>} : memref<32x128xi32, #tpu.memory_space<vmem>>, vector<16xi32>,
      %add3A_1453 = arith.constant 6000000 : i32
      %add3A_1454 = vector.broadcast %add3A_1453 : i32 to vector<16xi32>
      %add3A_1455 = arith.addi %get3A_1410, %add3A_1454 : vector<16xi32>
      %swap3A_1456 = arith.constant 3 : i32
      %swap3A_1457 = arith.index_cast %swap3A_1456 : i32 to index
      %swap3A_1458 = arith.constant 48 : index
      %swap3A_1459 = tpu.vector_load %arg8[%swap3A_1457, %swap3A_1458] {strides = array<i32>} : memref<32x128xi32, #tpu.memory_space<vmem>>, vector<16xi32>,
      tpu.vector_store %arg8[%swap3A_1457, %swap3A_1458], %add3A_1455 {strides = array<i32>} : memref<32x128xi32, #tpu.memory_space<vmem>>, vector<16xi32>,
      %add3A_1460 = arith.constant 7000000 : i32
      %add3A_1461 = vector.broadcast %add3A_1460 : i32 to vector<16xi32>
      %add3A_1462 = arith.addi %get3A_1410, %add3A_1461 : vector<16xi32>
      %swap3A_1463 = arith.constant 3 : i32
      %swap3A_1464 = arith.index_cast %swap3A_1463 : i32 to index
      %swap3A_1465 = arith.constant 112 : index
      %swap3A_1466 = tpu.vector_load %arg8[%swap3A_1464, %swap3A_1465] {strides = array<i32>} : memref<32x128xi32, #tpu.memory_space<vmem>>, vector<16xi32>,
      tpu.vector_store %arg8[%swap3A_1464, %swap3A_1465], %add3A_1462 {strides = array<i32>} : memref<32x128xi32, #tpu.memory_space<vmem>>, vector<16xi32>,
      %add3A_1467 = arith.constant 8000000 : i32
      %add3A_1468 = vector.broadcast %add3A_1467 : i32 to vector<16xi32>
      %add3A_1469 = arith.addi %get3A_1410, %add3A_1468 : vector<16xi32>
      %swap3A_1470 = arith.constant 4 : i32
      %swap3A_1471 = arith.index_cast %swap3A_1470 : i32 to index
      %swap3A_1472 = arith.constant 48 : index
      %swap3A_1473 = tpu.vector_load %arg8[%swap3A_1471, %swap3A_1472] {strides = array<i32>} : memref<32x128xi32, #tpu.memory_space<vmem>>, vector<16xi32>,
      tpu.vector_store %arg8[%swap3A_1471, %swap3A_1472], %add3A_1469 {strides = array<i32>} : memref<32x128xi32, #tpu.memory_space<vmem>>, vector<16xi32>,
      %add3A_1474 = arith.constant 9000000 : i32
      %add3A_1475 = vector.broadcast %add3A_1474 : i32 to vector<16xi32>
      %add3A_1476 = arith.addi %get3A_1410, %add3A_1475 : vector<16xi32>
      %swap3A_1477 = arith.constant 4 : i32
      %swap3A_1478 = arith.index_cast %swap3A_1477 : i32 to index
      %swap3A_1479 = arith.constant 112 : index
      %swap3A_1480 = tpu.vector_load %arg8[%swap3A_1478, %swap3A_1479] {strides = array<i32>} : memref<32x128xi32, #tpu.memory_space<vmem>>, vector<16xi32>,
      tpu.vector_store %arg8[%swap3A_1478, %swap3A_1479], %add3A_1476 {strides = array<i32>} : memref<32x128xi32, #tpu.memory_space<vmem>>, vector<16xi32>,
      %add3A_1481 = arith.constant 10000000 : i32
      %add3A_1482 = vector.broadcast %add3A_1481 : i32 to vector<16xi32>
      %add3A_1483 = arith.addi %get3A_1410, %add3A_1482 : vector<16xi32>
      %swap3A_1484 = arith.constant 5 : i32
      %swap3A_1485 = arith.index_cast %swap3A_1484 : i32 to index
      %swap3A_1486 = arith.constant 48 : index
      %swap3A_1487 = tpu.vector_load %arg8[%swap3A_1485, %swap3A_1486] {strides = array<i32>} : memref<32x128xi32, #tpu.memory_space<vmem>>, vector<16xi32>,
      tpu.vector_store %arg8[%swap3A_1485, %swap3A_1486], %add3A_1483 {strides = array<i32>} : memref<32x128xi32, #tpu.memory_space<vmem>>, vector<16xi32>,
      %add3A_1488 = arith.constant 11000000 : i32
      %add3A_1489 = vector.broadcast %add3A_1488 : i32 to vector<16xi32>
      %add3A_1490 = arith.addi %get3A_1410, %add3A_1489 : vector<16xi32>
      %swap3A_1491 = arith.constant 5 : i32
      %swap3A_1492 = arith.index_cast %swap3A_1491 : i32 to index
      %swap3A_1493 = arith.constant 112 : index
      %swap3A_1494 = tpu.vector_load %arg8[%swap3A_1492, %swap3A_1493] {strides = array<i32>} : memref<32x128xi32, #tpu.memory_space<vmem>>, vector<16xi32>,
      tpu.vector_store %arg8[%swap3A_1492, %swap3A_1493], %add3A_1490 {strides = array<i32>} : memref<32x128xi32, #tpu.memory_space<vmem>>, vector<16xi32>,
      %add3A_1495 = arith.constant 12000000 : i32
      %add3A_1496 = vector.broadcast %add3A_1495 : i32 to vector<16xi32>
      %add3A_1497 = arith.addi %get3A_1410, %add3A_1496 : vector<16xi32>
      %swap3A_1498 = arith.constant 6 : i32
      %swap3A_1499 = arith.index_cast %swap3A_1498 : i32 to index
      %swap3A_1500 = arith.constant 48 : index
      %swap3A_1501 = tpu.vector_load %arg8[%swap3A_1499, %swap3A_1500] {strides = array<i32>} : memref<32x128xi32, #tpu.memory_space<vmem>>, vector<16xi32>,
      tpu.vector_store %arg8[%swap3A_1499, %swap3A_1500], %add3A_1497 {strides = array<i32>} : memref<32x128xi32, #tpu.memory_space<vmem>>, vector<16xi32>,
      %add3A_1502 = arith.constant 13000000 : i32
      %add3A_1503 = vector.broadcast %add3A_1502 : i32 to vector<16xi32>
      %add3A_1504 = arith.addi %get3A_1410, %add3A_1503 : vector<16xi32>
      %swap3A_1505 = arith.constant 6 : i32
      %swap3A_1506 = arith.index_cast %swap3A_1505 : i32 to index
      %swap3A_1507 = arith.constant 112 : index
      %swap3A_1508 = tpu.vector_load %arg8[%swap3A_1506, %swap3A_1507] {strides = array<i32>} : memref<32x128xi32, #tpu.memory_space<vmem>>, vector<16xi32>,
      tpu.vector_store %arg8[%swap3A_1506, %swap3A_1507], %add3A_1504 {strides = array<i32>} : memref<32x128xi32, #tpu.memory_space<vmem>>, vector<16xi32>,
      %add3A_1509 = arith.constant 14000000 : i32
      %add3A_1510 = vector.broadcast %add3A_1509 : i32 to vector<16xi32>
      %add3A_1511 = arith.addi %get3A_1410, %add3A_1510 : vector<16xi32>
      %swap3A_1512 = arith.constant 7 : i32
      %swap3A_1513 = arith.index_cast %swap3A_1512 : i32 to index
      %swap3A_1514 = arith.constant 48 : index
      %swap3A_1515 = tpu.vector_load %arg8[%swap3A_1513, %swap3A_1514] {strides = array<i32>} : memref<32x128xi32, #tpu.memory_space<vmem>>, vector<16xi32>,
      tpu.vector_store %arg8[%swap3A_1513, %swap3A_1514], %add3A_1511 {strides = array<i32>} : memref<32x128xi32, #tpu.memory_space<vmem>>, vector<16xi32>,
      %add3A_1516 = arith.constant 15000000 : i32
      %add3A_1517 = vector.broadcast %add3A_1516 : i32 to vector<16xi32>
      %add3A_1518 = arith.addi %get3A_1410, %add3A_1517 : vector<16xi32>
      %swap3A_1519 = arith.constant 7 : i32
      %swap3A_1520 = arith.index_cast %swap3A_1519 : i32 to index
      %swap3A_1521 = arith.constant 112 : index
      %swap3A_1522 = tpu.vector_load %arg8[%swap3A_1520, %swap3A_1521] {strides = array<i32>} : memref<32x128xi32, #tpu.memory_space<vmem>>, vector<16xi32>,
      tpu.vector_store %arg8[%swap3A_1520, %swap3A_1521], %add3A_1518 {strides = array<i32>} : memref<32x128xi32, #tpu.memory_space<vmem>>, vector<16xi32>,
      %add3A_1523 = arith.constant 16000000 : i32
      %add3A_1524 = vector.broadcast %add3A_1523 : i32 to vector<16xi32>
      %add3A_1525 = arith.addi %get3A_1410, %add3A_1524 : vector<16xi32>
      %swap3A_1526 = arith.constant 8 : i32
      %swap3A_1527 = arith.index_cast %swap3A_1526 : i32 to index
      %swap3A_1528 = arith.constant 48 : index
      %swap3A_1529 = tpu.vector_load %arg8[%swap3A_1527, %swap3A_1528] {strides = array<i32>} : memref<32x128xi32, #tpu.memory_space<vmem>>, vector<16xi32>,
      tpu.vector_store %arg8[%swap3A_1527, %swap3A_1528], %add3A_1525 {strides = array<i32>} : memref<32x128xi32, #tpu.memory_space<vmem>>, vector<16xi32>,
      %add3A_1530 = arith.constant 17000000 : i32
      %add3A_1531 = vector.broadcast %add3A_1530 : i32 to vector<16xi32>
      %add3A_1532 = arith.addi %get3A_1410, %add3A_1531 : vector<16xi32>
      %swap3A_1533 = arith.constant 8 : i32
      %swap3A_1534 = arith.index_cast %swap3A_1533 : i32 to index
      %swap3A_1535 = arith.constant 112 : index
      %swap3A_1536 = tpu.vector_load %arg8[%swap3A_1534, %swap3A_1535] {strides = array<i32>} : memref<32x128xi32, #tpu.memory_space<vmem>>, vector<16xi32>,
      tpu.vector_store %arg8[%swap3A_1534, %swap3A_1535], %add3A_1532 {strides = array<i32>} : memref<32x128xi32, #tpu.memory_space<vmem>>, vector<16xi32>,
      %add3A_1537 = arith.constant 18000000 : i32
      %add3A_1538 = vector.broadcast %add3A_1537 : i32 to vector<16xi32>
      %add3A_1539 = arith.addi %get3A_1410, %add3A_1538 : vector<16xi32>
      %swap3A_1540 = arith.constant 9 : i32
      %swap3A_1541 = arith.index_cast %swap3A_1540 : i32 to index
      %swap3A_1542 = arith.constant 48 : index
      %swap3A_1543 = tpu.vector_load %arg8[%swap3A_1541, %swap3A_1542] {strides = array<i32>} : memref<32x128xi32, #tpu.memory_space<vmem>>, vector<16xi32>,
      tpu.vector_store %arg8[%swap3A_1541, %swap3A_1542], %add3A_1539 {strides = array<i32>} : memref<32x128xi32, #tpu.memory_space<vmem>>, vector<16xi32>,
      %add3A_1544 = arith.constant 19000000 : i32
      %add3A_1545 = vector.broadcast %add3A_1544 : i32 to vector<16xi32>
      %add3A_1546 = arith.addi %get3A_1410, %add3A_1545 : vector<16xi32>
      %swap3A_1547 = arith.constant 9 : i32
      %swap3A_1548 = arith.index_cast %swap3A_1547 : i32 to index
      %swap3A_1549 = arith.constant 112 : index
      %swap3A_1550 = tpu.vector_load %arg8[%swap3A_1548, %swap3A_1549] {strides = array<i32>} : memref<32x128xi32, #tpu.memory_space<vmem>>, vector<16xi32>,
      tpu.vector_store %arg8[%swap3A_1548, %swap3A_1549], %add3A_1546 {strides = array<i32>} : memref<32x128xi32, #tpu.memory_space<vmem>>, vector<16xi32>,
      %add3A_1551 = arith.constant 20000000 : i32
      %add3A_1552 = vector.broadcast %add3A_1551 : i32 to vector<16xi32>
      %add3A_1553 = arith.addi %get3A_1410, %add3A_1552 : vector<16xi32>
      %swap3A_1554 = arith.constant 10 : i32
      %swap3A_1555 = arith.index_cast %swap3A_1554 : i32 to index
      %swap3A_1556 = arith.constant 48 : index
      %swap3A_1557 = tpu.vector_load %arg8[%swap3A_1555, %swap3A_1556] {strides = array<i32>} : memref<32x128xi32, #tpu.memory_space<vmem>>, vector<16xi32>,
      tpu.vector_store %arg8[%swap3A_1555, %swap3A_1556], %add3A_1553 {strides = array<i32>} : memref<32x128xi32, #tpu.memory_space<vmem>>, vector<16xi32>,
      %add3A_1558 = arith.constant 21000000 : i32
      %add3A_1559 = vector.broadcast %add3A_1558 : i32 to vector<16xi32>
      %add3A_1560 = arith.addi %get3A_1410, %add3A_1559 : vector<16xi32>
      %swap3A_1561 = arith.constant 10 : i32
      %swap3A_1562 = arith.index_cast %swap3A_1561 : i32 to index
      %swap3A_1563 = arith.constant 112 : index
      %swap3A_1564 = tpu.vector_load %arg8[%swap3A_1562, %swap3A_1563] {strides = array<i32>} : memref<32x128xi32, #tpu.memory_space<vmem>>, vector<16xi32>,
      tpu.vector_store %arg8[%swap3A_1562, %swap3A_1563], %add3A_1560 {strides = array<i32>} : memref<32x128xi32, #tpu.memory_space<vmem>>, vector<16xi32>,
      %add3A_1565 = arith.constant 22000000 : i32
      %add3A_1566 = vector.broadcast %add3A_1565 : i32 to vector<16xi32>
      %add3A_1567 = arith.addi %get3A_1410, %add3A_1566 : vector<16xi32>
      %swap3A_1568 = arith.constant 11 : i32
      %swap3A_1569 = arith.index_cast %swap3A_1568 : i32 to index
      %swap3A_1570 = arith.constant 48 : index
      %swap3A_1571 = tpu.vector_load %arg8[%swap3A_1569, %swap3A_1570] {strides = array<i32>} : memref<32x128xi32, #tpu.memory_space<vmem>>, vector<16xi32>,
      tpu.vector_store %arg8[%swap3A_1569, %swap3A_1570], %add3A_1567 {strides = array<i32>} : memref<32x128xi32, #tpu.memory_space<vmem>>, vector<16xi32>,
      %add3A_1572 = arith.constant 23000000 : i32
      %add3A_1573 = vector.broadcast %add3A_1572 : i32 to vector<16xi32>
      %add3A_1574 = arith.addi %get3A_1410, %add3A_1573 : vector<16xi32>
      %swap3A_1575 = arith.constant 11 : i32
      %swap3A_1576 = arith.index_cast %swap3A_1575 : i32 to index
      %swap3A_1577 = arith.constant 112 : index
      %swap3A_1578 = tpu.vector_load %arg8[%swap3A_1576, %swap3A_1577] {strides = array<i32>} : memref<32x128xi32, #tpu.memory_space<vmem>>, vector<16xi32>,
      tpu.vector_store %arg8[%swap3A_1576, %swap3A_1577], %add3A_1574 {strides = array<i32>} : memref<32x128xi32, #tpu.memory_space<vmem>>, vector<16xi32>,
      %add3A_1579 = arith.constant 24000000 : i32
      %add3A_1580 = vector.broadcast %add3A_1579 : i32 to vector<16xi32>
      %add3A_1581 = arith.addi %get3A_1410, %add3A_1580 : vector<16xi32>
      %swap3A_1582 = arith.constant 12 : i32
      %swap3A_1583 = arith.index_cast %swap3A_1582 : i32 to index
      %swap3A_1584 = arith.constant 48 : index
      %swap3A_1585 = tpu.vector_load %arg8[%swap3A_1583, %swap3A_1584] {strides = array<i32>} : memref<32x128xi32, #tpu.memory_space<vmem>>, vector<16xi32>,
      tpu.vector_store %arg8[%swap3A_1583, %swap3A_1584], %add3A_1581 {strides = array<i32>} : memref<32x128xi32, #tpu.memory_space<vmem>>, vector<16xi32>,
      %add3A_1586 = arith.constant 25000000 : i32
      %add3A_1587 = vector.broadcast %add3A_1586 : i32 to vector<16xi32>
      %add3A_1588 = arith.addi %get3A_1410, %add3A_1587 : vector<16xi32>
      %swap3A_1589 = arith.constant 12 : i32
      %swap3A_1590 = arith.index_cast %swap3A_1589 : i32 to index
      %swap3A_1591 = arith.constant 112 : index
      %swap3A_1592 = tpu.vector_load %arg8[%swap3A_1590, %swap3A_1591] {strides = array<i32>} : memref<32x128xi32, #tpu.memory_space<vmem>>, vector<16xi32>,
      tpu.vector_store %arg8[%swap3A_1590, %swap3A_1591], %add3A_1588 {strides = array<i32>} : memref<32x128xi32, #tpu.memory_space<vmem>>, vector<16xi32>,
      %add3A_1593 = arith.constant 26000000 : i32
      %add3A_1594 = vector.broadcast %add3A_1593 : i32 to vector<16xi32>
      %add3A_1595 = arith.addi %get3A_1410, %add3A_1594 : vector<16xi32>
      %swap3A_1596 = arith.constant 13 : i32
      %swap3A_1597 = arith.index_cast %swap3A_1596 : i32 to index
      %swap3A_1598 = arith.constant 48 : index
      %swap3A_1599 = tpu.vector_load %arg8[%swap3A_1597, %swap3A_1598] {strides = array<i32>} : memref<32x128xi32, #tpu.memory_space<vmem>>, vector<16xi32>,
      tpu.vector_store %arg8[%swap3A_1597, %swap3A_1598], %add3A_1595 {strides = array<i32>} : memref<32x128xi32, #tpu.memory_space<vmem>>, vector<16xi32>,
      %add3A_1600 = arith.constant 27000000 : i32
      %add3A_1601 = vector.broadcast %add3A_1600 : i32 to vector<16xi32>
      %add3A_1602 = arith.addi %get3A_1410, %add3A_1601 : vector<16xi32>
      %swap3A_1603 = arith.constant 13 : i32
      %swap3A_1604 = arith.index_cast %swap3A_1603 : i32 to index
      %swap3A_1605 = arith.constant 112 : index
      %swap3A_1606 = tpu.vector_load %arg8[%swap3A_1604, %swap3A_1605] {strides = array<i32>} : memref<32x128xi32, #tpu.memory_space<vmem>>, vector<16xi32>,
      tpu.vector_store %arg8[%swap3A_1604, %swap3A_1605], %add3A_1602 {strides = array<i32>} : memref<32x128xi32, #tpu.memory_space<vmem>>, vector<16xi32>,
      %add3A_1607 = arith.constant 28000000 : i32
      %add3A_1608 = vector.broadcast %add3A_1607 : i32 to vector<16xi32>
      %add3A_1609 = arith.addi %get3A_1410, %add3A_1608 : vector<16xi32>
      %swap3A_1610 = arith.constant 14 : i32
      %swap3A_1611 = arith.index_cast %swap3A_1610 : i32 to index
      %swap3A_1612 = arith.constant 48 : index
      %swap3A_1613 = tpu.vector_load %arg8[%swap3A_1611, %swap3A_1612] {strides = array<i32>} : memref<32x128xi32, #tpu.memory_space<vmem>>, vector<16xi32>,
      tpu.vector_store %arg8[%swap3A_1611, %swap3A_1612], %add3A_1609 {strides = array<i32>} : memref<32x128xi32, #tpu.memory_space<vmem>>, vector<16xi32>,
      %add3A_1614 = arith.constant 29000000 : i32
      %add3A_1615 = vector.broadcast %add3A_1614 : i32 to vector<16xi32>
      %add3A_1616 = arith.addi %get3A_1410, %add3A_1615 : vector<16xi32>
      %swap3A_1617 = arith.constant 14 : i32
      %swap3A_1618 = arith.index_cast %swap3A_1617 : i32 to index
      %swap3A_1619 = arith.constant 112 : index
      %swap3A_1620 = tpu.vector_load %arg8[%swap3A_1618, %swap3A_1619] {strides = array<i32>} : memref<32x128xi32, #tpu.memory_space<vmem>>, vector<16xi32>,
      tpu.vector_store %arg8[%swap3A_1618, %swap3A_1619], %add3A_1616 {strides = array<i32>} : memref<32x128xi32, #tpu.memory_space<vmem>>, vector<16xi32>,
      %add3A_1621 = arith.constant 30000000 : i32
      %add3A_1622 = vector.broadcast %add3A_1621 : i32 to vector<16xi32>
      %add3A_1623 = arith.addi %get3A_1410, %add3A_1622 : vector<16xi32>
      %swap3A_1624 = arith.constant 15 : i32
      %swap3A_1625 = arith.index_cast %swap3A_1624 : i32 to index
      %swap3A_1626 = arith.constant 48 : index
      %swap3A_1627 = tpu.vector_load %arg8[%swap3A_1625, %swap3A_1626] {strides = array<i32>} : memref<32x128xi32, #tpu.memory_space<vmem>>, vector<16xi32>,
      tpu.vector_store %arg8[%swap3A_1625, %swap3A_1626], %add3A_1623 {strides = array<i32>} : memref<32x128xi32, #tpu.memory_space<vmem>>, vector<16xi32>,
      %add3A_1628 = arith.constant 31000000 : i32
      %add3A_1629 = vector.broadcast %add3A_1628 : i32 to vector<16xi32>
      %add3A_1630 = arith.addi %get3A_1410, %add3A_1629 : vector<16xi32>
      %swap3A_1631 = arith.constant 15 : i32
      %swap3A_1632 = arith.index_cast %swap3A_1631 : i32 to index
      %swap3A_1633 = arith.constant 112 : index
      %swap3A_1634 = tpu.vector_load %arg8[%swap3A_1632, %swap3A_1633] {strides = array<i32>} : memref<32x128xi32, #tpu.memory_space<vmem>>, vector<16xi32>,
      tpu.vector_store %arg8[%swap3A_1632, %swap3A_1633], %add3A_1630 {strides = array<i32>} : memref<32x128xi32, #tpu.memory_space<vmem>>, vector<16xi32>,
      %add3A_1635 = arith.constant 32000000 : i32
      %add3A_1636 = vector.broadcast %add3A_1635 : i32 to vector<16xi32>
      %add3A_1637 = arith.addi %get3A_1410, %add3A_1636 : vector<16xi32>
      %swap3A_1638 = arith.constant 16 : i32
      %swap3A_1639 = arith.index_cast %swap3A_1638 : i32 to index
      %swap3A_1640 = arith.constant 48 : index
      %swap3A_1641 = tpu.vector_load %arg8[%swap3A_1639, %swap3A_1640] {strides = array<i32>} : memref<32x128xi32, #tpu.memory_space<vmem>>, vector<16xi32>,
      tpu.vector_store %arg8[%swap3A_1639, %swap3A_1640], %add3A_1637 {strides = array<i32>} : memref<32x128xi32, #tpu.memory_space<vmem>>, vector<16xi32>,
      %add3A_1642 = arith.constant 33000000 : i32
      %add3A_1643 = vector.broadcast %add3A_1642 : i32 to vector<16xi32>
      %add3A_1644 = arith.addi %get3A_1410, %add3A_1643 : vector<16xi32>
      %swap3A_1645 = arith.constant 16 : i32
      %swap3A_1646 = arith.index_cast %swap3A_1645 : i32 to index
      %swap3A_1647 = arith.constant 112 : index
      %swap3A_1648 = tpu.vector_load %arg8[%swap3A_1646, %swap3A_1647] {strides = array<i32>} : memref<32x128xi32, #tpu.memory_space<vmem>>, vector<16xi32>,
      tpu.vector_store %arg8[%swap3A_1646, %swap3A_1647], %add3A_1644 {strides = array<i32>} : memref<32x128xi32, #tpu.memory_space<vmem>>, vector<16xi32>,
      %add3A_1649 = arith.constant 34000000 : i32
      %add3A_1650 = vector.broadcast %add3A_1649 : i32 to vector<16xi32>
      %add3A_1651 = arith.addi %get3A_1410, %add3A_1650 : vector<16xi32>
      %swap3A_1652 = arith.constant 17 : i32
      %swap3A_1653 = arith.index_cast %swap3A_1652 : i32 to index
      %swap3A_1654 = arith.constant 48 : index
      %swap3A_1655 = tpu.vector_load %arg8[%swap3A_1653, %swap3A_1654] {strides = array<i32>} : memref<32x128xi32, #tpu.memory_space<vmem>>, vector<16xi32>,
      tpu.vector_store %arg8[%swap3A_1653, %swap3A_1654], %add3A_1651 {strides = array<i32>} : memref<32x128xi32, #tpu.memory_space<vmem>>, vector<16xi32>,
      %add3A_1656 = arith.constant 35000000 : i32
      %add3A_1657 = vector.broadcast %add3A_1656 : i32 to vector<16xi32>
      %add3A_1658 = arith.addi %get3A_1410, %add3A_1657 : vector<16xi32>
      %swap3A_1659 = arith.constant 17 : i32
      %swap3A_1660 = arith.index_cast %swap3A_1659 : i32 to index
      %swap3A_1661 = arith.constant 112 : index
      %swap3A_1662 = tpu.vector_load %arg8[%swap3A_1660, %swap3A_1661] {strides = array<i32>} : memref<32x128xi32, #tpu.memory_space<vmem>>, vector<16xi32>,
      tpu.vector_store %arg8[%swap3A_1660, %swap3A_1661], %add3A_1658 {strides = array<i32>} : memref<32x128xi32, #tpu.memory_space<vmem>>, vector<16xi32>,
      %add3A_1663 = arith.constant 36000000 : i32
      %add3A_1664 = vector.broadcast %add3A_1663 : i32 to vector<16xi32>
      %add3A_1665 = arith.addi %get3A_1410, %add3A_1664 : vector<16xi32>
      %swap3A_1666 = arith.constant 18 : i32
      %swap3A_1667 = arith.index_cast %swap3A_1666 : i32 to index
      %swap3A_1668 = arith.constant 48 : index
      %swap3A_1669 = tpu.vector_load %arg8[%swap3A_1667, %swap3A_1668] {strides = array<i32>} : memref<32x128xi32, #tpu.memory_space<vmem>>, vector<16xi32>,
      tpu.vector_store %arg8[%swap3A_1667, %swap3A_1668], %add3A_1665 {strides = array<i32>} : memref<32x128xi32, #tpu.memory_space<vmem>>, vector<16xi32>,
      %add3A_1670 = arith.constant 37000000 : i32
      %add3A_1671 = vector.broadcast %add3A_1670 : i32 to vector<16xi32>
      %add3A_1672 = arith.addi %get3A_1410, %add3A_1671 : vector<16xi32>
      %swap3A_1673 = arith.constant 18 : i32
      %swap3A_1674 = arith.index_cast %swap3A_1673 : i32 to index
      %swap3A_1675 = arith.constant 112 : index
      %swap3A_1676 = tpu.vector_load %arg8[%swap3A_1674, %swap3A_1675] {strides = array<i32>} : memref<32x128xi32, #tpu.memory_space<vmem>>, vector<16xi32>,
      tpu.vector_store %arg8[%swap3A_1674, %swap3A_1675], %add3A_1672 {strides = array<i32>} : memref<32x128xi32, #tpu.memory_space<vmem>>, vector<16xi32>,
      %add3A_1677 = arith.constant 38000000 : i32
      %add3A_1678 = vector.broadcast %add3A_1677 : i32 to vector<16xi32>
      %add3A_1679 = arith.addi %get3A_1410, %add3A_1678 : vector<16xi32>
      %swap3A_1680 = arith.constant 19 : i32
      %swap3A_1681 = arith.index_cast %swap3A_1680 : i32 to index
      %swap3A_1682 = arith.constant 48 : index
      %swap3A_1683 = tpu.vector_load %arg8[%swap3A_1681, %swap3A_1682] {strides = array<i32>} : memref<32x128xi32, #tpu.memory_space<vmem>>, vector<16xi32>,
      tpu.vector_store %arg8[%swap3A_1681, %swap3A_1682], %add3A_1679 {strides = array<i32>} : memref<32x128xi32, #tpu.memory_space<vmem>>, vector<16xi32>,
      %add3A_1684 = arith.constant 39000000 : i32
      %add3A_1685 = vector.broadcast %add3A_1684 : i32 to vector<16xi32>
      %add3A_1686 = arith.addi %get3A_1410, %add3A_1685 : vector<16xi32>
      %swap3A_1687 = arith.constant 19 : i32
      %swap3A_1688 = arith.index_cast %swap3A_1687 : i32 to index
      %swap3A_1689 = arith.constant 112 : index
      %swap3A_1690 = tpu.vector_load %arg8[%swap3A_1688, %swap3A_1689] {strides = array<i32>} : memref<32x128xi32, #tpu.memory_space<vmem>>, vector<16xi32>,
      tpu.vector_store %arg8[%swap3A_1688, %swap3A_1689], %add3A_1686 {strides = array<i32>} : memref<32x128xi32, #tpu.memory_space<vmem>>, vector<16xi32>,
      %add3A_1691 = arith.constant 40000000 : i32
      %add3A_1692 = vector.broadcast %add3A_1691 : i32 to vector<16xi32>
      %add3A_1693 = arith.addi %get3A_1410, %add3A_1692 : vector<16xi32>
      %swap3A_1694 = arith.constant 20 : i32
      %swap3A_1695 = arith.index_cast %swap3A_1694 : i32 to index
      %swap3A_1696 = arith.constant 48 : index
      %swap3A_1697 = tpu.vector_load %arg8[%swap3A_1695, %swap3A_1696] {strides = array<i32>} : memref<32x128xi32, #tpu.memory_space<vmem>>, vector<16xi32>,
      tpu.vector_store %arg8[%swap3A_1695, %swap3A_1696], %add3A_1693 {strides = array<i32>} : memref<32x128xi32, #tpu.memory_space<vmem>>, vector<16xi32>,
      %add3A_1698 = arith.constant 41000000 : i32
      %add3A_1699 = vector.broadcast %add3A_1698 : i32 to vector<16xi32>
      %add3A_1700 = arith.addi %get3A_1410, %add3A_1699 : vector<16xi32>
      %swap3A_1701 = arith.constant 20 : i32
      %swap3A_1702 = arith.index_cast %swap3A_1701 : i32 to index
      %swap3A_1703 = arith.constant 112 : index
      %swap3A_1704 = tpu.vector_load %arg8[%swap3A_1702, %swap3A_1703] {strides = array<i32>} : memref<32x128xi32, #tpu.memory_space<vmem>>, vector<16xi32>,
      tpu.vector_store %arg8[%swap3A_1702, %swap3A_1703], %add3A_1700 {strides = array<i32>} : memref<32x128xi32, #tpu.memory_space<vmem>>, vector<16xi32>,
      %add3A_1705 = arith.constant 42000000 : i32
      %add3A_1706 = vector.broadcast %add3A_1705 : i32 to vector<16xi32>
      %add3A_1707 = arith.addi %get3A_1410, %add3A_1706 : vector<16xi32>
      %swap3A_1708 = arith.constant 21 : i32
      %swap3A_1709 = arith.index_cast %swap3A_1708 : i32 to index
      %swap3A_1710 = arith.constant 48 : index
      %swap3A_1711 = tpu.vector_load %arg8[%swap3A_1709, %swap3A_1710] {strides = array<i32>} : memref<32x128xi32, #tpu.memory_space<vmem>>, vector<16xi32>,
      tpu.vector_store %arg8[%swap3A_1709, %swap3A_1710], %add3A_1707 {strides = array<i32>} : memref<32x128xi32, #tpu.memory_space<vmem>>, vector<16xi32>,
      %add3A_1712 = arith.constant 43000000 : i32
      %add3A_1713 = vector.broadcast %add3A_1712 : i32 to vector<16xi32>
      %add3A_1714 = arith.addi %get3A_1410, %add3A_1713 : vector<16xi32>
      %swap3A_1715 = arith.constant 21 : i32
      %swap3A_1716 = arith.index_cast %swap3A_1715 : i32 to index
      %swap3A_1717 = arith.constant 112 : index
      %swap3A_1718 = tpu.vector_load %arg8[%swap3A_1716, %swap3A_1717] {strides = array<i32>} : memref<32x128xi32, #tpu.memory_space<vmem>>, vector<16xi32>,
      tpu.vector_store %arg8[%swap3A_1716, %swap3A_1717], %add3A_1714 {strides = array<i32>} : memref<32x128xi32, #tpu.memory_space<vmem>>, vector<16xi32>,
      %add3A_1719 = arith.constant 44000000 : i32
      %add3A_1720 = vector.broadcast %add3A_1719 : i32 to vector<16xi32>
      %add3A_1721 = arith.addi %get3A_1410, %add3A_1720 : vector<16xi32>
      %swap3A_1722 = arith.constant 22 : i32
      %swap3A_1723 = arith.index_cast %swap3A_1722 : i32 to index
      %swap3A_1724 = arith.constant 48 : index
      %swap3A_1725 = tpu.vector_load %arg8[%swap3A_1723, %swap3A_1724] {strides = array<i32>} : memref<32x128xi32, #tpu.memory_space<vmem>>, vector<16xi32>,
      tpu.vector_store %arg8[%swap3A_1723, %swap3A_1724], %add3A_1721 {strides = array<i32>} : memref<32x128xi32, #tpu.memory_space<vmem>>, vector<16xi32>,
      %add3A_1726 = arith.constant 45000000 : i32
      %add3A_1727 = vector.broadcast %add3A_1726 : i32 to vector<16xi32>
      %add3A_1728 = arith.addi %get3A_1410, %add3A_1727 : vector<16xi32>
      %swap3A_1729 = arith.constant 22 : i32
      %swap3A_1730 = arith.index_cast %swap3A_1729 : i32 to index
      %swap3A_1731 = arith.constant 112 : index
      %swap3A_1732 = tpu.vector_load %arg8[%swap3A_1730, %swap3A_1731] {strides = array<i32>} : memref<32x128xi32, #tpu.memory_space<vmem>>, vector<16xi32>,
      tpu.vector_store %arg8[%swap3A_1730, %swap3A_1731], %add3A_1728 {strides = array<i32>} : memref<32x128xi32, #tpu.memory_space<vmem>>, vector<16xi32>,
      %add3A_1733 = arith.constant 46000000 : i32
      %add3A_1734 = vector.broadcast %add3A_1733 : i32 to vector<16xi32>
      %add3A_1735 = arith.addi %get3A_1410, %add3A_1734 : vector<16xi32>
      %swap3A_1736 = arith.constant 23 : i32
      %swap3A_1737 = arith.index_cast %swap3A_1736 : i32 to index
      %swap3A_1738 = arith.constant 48 : index
      %swap3A_1739 = tpu.vector_load %arg8[%swap3A_1737, %swap3A_1738] {strides = array<i32>} : memref<32x128xi32, #tpu.memory_space<vmem>>, vector<16xi32>,
      tpu.vector_store %arg8[%swap3A_1737, %swap3A_1738], %add3A_1735 {strides = array<i32>} : memref<32x128xi32, #tpu.memory_space<vmem>>, vector<16xi32>,
      %add3A_1740 = arith.constant 47000000 : i32
      %add3A_1741 = vector.broadcast %add3A_1740 : i32 to vector<16xi32>
      %add3A_1742 = arith.addi %get3A_1410, %add3A_1741 : vector<16xi32>
      %swap3A_1743 = arith.constant 23 : i32
      %swap3A_1744 = arith.index_cast %swap3A_1743 : i32 to index
      %swap3A_1745 = arith.constant 112 : index
      %swap3A_1746 = tpu.vector_load %arg8[%swap3A_1744, %swap3A_1745] {strides = array<i32>} : memref<32x128xi32, #tpu.memory_space<vmem>>, vector<16xi32>,
      tpu.vector_store %arg8[%swap3A_1744, %swap3A_1745], %add3A_1742 {strides = array<i32>} : memref<32x128xi32, #tpu.memory_space<vmem>>, vector<16xi32>,
      %add3A_1747 = arith.constant 48000000 : i32
      %add3A_1748 = vector.broadcast %add3A_1747 : i32 to vector<16xi32>
      %add3A_1749 = arith.addi %get3A_1410, %add3A_1748 : vector<16xi32>
      %swap3A_1750 = arith.constant 24 : i32
      %swap3A_1751 = arith.index_cast %swap3A_1750 : i32 to index
      %swap3A_1752 = arith.constant 48 : index
      %swap3A_1753 = tpu.vector_load %arg8[%swap3A_1751, %swap3A_1752] {strides = array<i32>} : memref<32x128xi32, #tpu.memory_space<vmem>>, vector<16xi32>,
      tpu.vector_store %arg8[%swap3A_1751, %swap3A_1752], %add3A_1749 {strides = array<i32>} : memref<32x128xi32, #tpu.memory_space<vmem>>, vector<16xi32>,
      %add3A_1754 = arith.constant 49000000 : i32
      %add3A_1755 = vector.broadcast %add3A_1754 : i32 to vector<16xi32>
      %add3A_1756 = arith.addi %get3A_1410, %add3A_1755 : vector<16xi32>
      %swap3A_1757 = arith.constant 24 : i32
      %swap3A_1758 = arith.index_cast %swap3A_1757 : i32 to index
      %swap3A_1759 = arith.constant 112 : index
      %swap3A_1760 = tpu.vector_load %arg8[%swap3A_1758, %swap3A_1759] {strides = array<i32>} : memref<32x128xi32, #tpu.memory_space<vmem>>, vector<16xi32>,
      tpu.vector_store %arg8[%swap3A_1758, %swap3A_1759], %add3A_1756 {strides = array<i32>} : memref<32x128xi32, #tpu.memory_space<vmem>>, vector<16xi32>,
      %add3A_1761 = arith.constant 50000000 : i32
      %add3A_1762 = vector.broadcast %add3A_1761 : i32 to vector<16xi32>
      %add3A_1763 = arith.addi %get3A_1410, %add3A_1762 : vector<16xi32>
      %swap3A_1764 = arith.constant 25 : i32
      %swap3A_1765 = arith.index_cast %swap3A_1764 : i32 to index
      %swap3A_1766 = arith.constant 48 : index
      %swap3A_1767 = tpu.vector_load %arg8[%swap3A_1765, %swap3A_1766] {strides = array<i32>} : memref<32x128xi32, #tpu.memory_space<vmem>>, vector<16xi32>,
      tpu.vector_store %arg8[%swap3A_1765, %swap3A_1766], %add3A_1763 {strides = array<i32>} : memref<32x128xi32, #tpu.memory_space<vmem>>, vector<16xi32>,
      %add3A_1768 = arith.constant 51000000 : i32
      %add3A_1769 = vector.broadcast %add3A_1768 : i32 to vector<16xi32>
      %add3A_1770 = arith.addi %get3A_1410, %add3A_1769 : vector<16xi32>
      %swap3A_1771 = arith.constant 25 : i32
      %swap3A_1772 = arith.index_cast %swap3A_1771 : i32 to index
      %swap3A_1773 = arith.constant 112 : index
      %swap3A_1774 = tpu.vector_load %arg8[%swap3A_1772, %swap3A_1773] {strides = array<i32>} : memref<32x128xi32, #tpu.memory_space<vmem>>, vector<16xi32>,
      tpu.vector_store %arg8[%swap3A_1772, %swap3A_1773], %add3A_1770 {strides = array<i32>} : memref<32x128xi32, #tpu.memory_space<vmem>>, vector<16xi32>,
      %add3A_1775 = arith.constant 52000000 : i32
      %add3A_1776 = vector.broadcast %add3A_1775 : i32 to vector<16xi32>
      %add3A_1777 = arith.addi %get3A_1410, %add3A_1776 : vector<16xi32>
      %swap3A_1778 = arith.constant 26 : i32
      %swap3A_1779 = arith.index_cast %swap3A_1778 : i32 to index
      %swap3A_1780 = arith.constant 48 : index
      %swap3A_1781 = tpu.vector_load %arg8[%swap3A_1779, %swap3A_1780] {strides = array<i32>} : memref<32x128xi32, #tpu.memory_space<vmem>>, vector<16xi32>,
      tpu.vector_store %arg8[%swap3A_1779, %swap3A_1780], %add3A_1777 {strides = array<i32>} : memref<32x128xi32, #tpu.memory_space<vmem>>, vector<16xi32>,
      %add3A_1782 = arith.constant 53000000 : i32
      %add3A_1783 = vector.broadcast %add3A_1782 : i32 to vector<16xi32>
      %add3A_1784 = arith.addi %get3A_1410, %add3A_1783 : vector<16xi32>
      %swap3A_1785 = arith.constant 26 : i32
      %swap3A_1786 = arith.index_cast %swap3A_1785 : i32 to index
      %swap3A_1787 = arith.constant 112 : index
      %swap3A_1788 = tpu.vector_load %arg8[%swap3A_1786, %swap3A_1787] {strides = array<i32>} : memref<32x128xi32, #tpu.memory_space<vmem>>, vector<16xi32>,
      tpu.vector_store %arg8[%swap3A_1786, %swap3A_1787], %add3A_1784 {strides = array<i32>} : memref<32x128xi32, #tpu.memory_space<vmem>>, vector<16xi32>,
      %add3A_1789 = arith.constant 54000000 : i32
      %add3A_1790 = vector.broadcast %add3A_1789 : i32 to vector<16xi32>
      %add3A_1791 = arith.addi %get3A_1410, %add3A_1790 : vector<16xi32>
      %swap3A_1792 = arith.constant 27 : i32
      %swap3A_1793 = arith.index_cast %swap3A_1792 : i32 to index
      %swap3A_1794 = arith.constant 48 : index
      %swap3A_1795 = tpu.vector_load %arg8[%swap3A_1793, %swap3A_1794] {strides = array<i32>} : memref<32x128xi32, #tpu.memory_space<vmem>>, vector<16xi32>,
      tpu.vector_store %arg8[%swap3A_1793, %swap3A_1794], %add3A_1791 {strides = array<i32>} : memref<32x128xi32, #tpu.memory_space<vmem>>, vector<16xi32>,
      %add3A_1796 = arith.constant 55000000 : i32
      %add3A_1797 = vector.broadcast %add3A_1796 : i32 to vector<16xi32>
      %add3A_1798 = arith.addi %get3A_1410, %add3A_1797 : vector<16xi32>
      %swap3A_1799 = arith.constant 27 : i32
      %swap3A_1800 = arith.index_cast %swap3A_1799 : i32 to index
      %swap3A_1801 = arith.constant 112 : index
      %swap3A_1802 = tpu.vector_load %arg8[%swap3A_1800, %swap3A_1801] {strides = array<i32>} : memref<32x128xi32, #tpu.memory_space<vmem>>, vector<16xi32>,
      tpu.vector_store %arg8[%swap3A_1800, %swap3A_1801], %add3A_1798 {strides = array<i32>} : memref<32x128xi32, #tpu.memory_space<vmem>>, vector<16xi32>,
      %add3A_1803 = arith.constant 56000000 : i32
      %add3A_1804 = vector.broadcast %add3A_1803 : i32 to vector<16xi32>
      %add3A_1805 = arith.addi %get3A_1410, %add3A_1804 : vector<16xi32>
      %swap3A_1806 = arith.constant 28 : i32
      %swap3A_1807 = arith.index_cast %swap3A_1806 : i32 to index
      %swap3A_1808 = arith.constant 48 : index
      %swap3A_1809 = tpu.vector_load %arg8[%swap3A_1807, %swap3A_1808] {strides = array<i32>} : memref<32x128xi32, #tpu.memory_space<vmem>>, vector<16xi32>,
      tpu.vector_store %arg8[%swap3A_1807, %swap3A_1808], %add3A_1805 {strides = array<i32>} : memref<32x128xi32, #tpu.memory_space<vmem>>, vector<16xi32>,
      %add3A_1810 = arith.constant 57000000 : i32
      %add3A_1811 = vector.broadcast %add3A_1810 : i32 to vector<16xi32>
      %add3A_1812 = arith.addi %get3A_1410, %add3A_1811 : vector<16xi32>
      %swap3A_1813 = arith.constant 28 : i32
      %swap3A_1814 = arith.index_cast %swap3A_1813 : i32 to index
      %swap3A_1815 = arith.constant 112 : index
      %swap3A_1816 = tpu.vector_load %arg8[%swap3A_1814, %swap3A_1815] {strides = array<i32>} : memref<32x128xi32, #tpu.memory_space<vmem>>, vector<16xi32>,
      tpu.vector_store %arg8[%swap3A_1814, %swap3A_1815], %add3A_1812 {strides = array<i32>} : memref<32x128xi32, #tpu.memory_space<vmem>>, vector<16xi32>,
      %add3A_1817 = arith.constant 58000000 : i32
      %add3A_1818 = vector.broadcast %add3A_1817 : i32 to vector<16xi32>
      %add3A_1819 = arith.addi %get3A_1410, %add3A_1818 : vector<16xi32>
      %swap3A_1820 = arith.constant 29 : i32
      %swap3A_1821 = arith.index_cast %swap3A_1820 : i32 to index
      %swap3A_1822 = arith.constant 48 : index
      %swap3A_1823 = tpu.vector_load %arg8[%swap3A_1821, %swap3A_1822] {strides = array<i32>} : memref<32x128xi32, #tpu.memory_space<vmem>>, vector<16xi32>,
      tpu.vector_store %arg8[%swap3A_1821, %swap3A_1822], %add3A_1819 {strides = array<i32>} : memref<32x128xi32, #tpu.memory_space<vmem>>, vector<16xi32>,
      %add3A_1824 = arith.constant 59000000 : i32
      %add3A_1825 = vector.broadcast %add3A_1824 : i32 to vector<16xi32>
      %add3A_1826 = arith.addi %get3A_1410, %add3A_1825 : vector<16xi32>
      %swap3A_1827 = arith.constant 29 : i32
      %swap3A_1828 = arith.index_cast %swap3A_1827 : i32 to index
      %swap3A_1829 = arith.constant 112 : index
      %swap3A_1830 = tpu.vector_load %arg8[%swap3A_1828, %swap3A_1829] {strides = array<i32>} : memref<32x128xi32, #tpu.memory_space<vmem>>, vector<16xi32>,
      tpu.vector_store %arg8[%swap3A_1828, %swap3A_1829], %add3A_1826 {strides = array<i32>} : memref<32x128xi32, #tpu.memory_space<vmem>>, vector<16xi32>,
      %add3A_1831 = arith.constant 60000000 : i32
      %add3A_1832 = vector.broadcast %add3A_1831 : i32 to vector<16xi32>
      %add3A_1833 = arith.addi %get3A_1410, %add3A_1832 : vector<16xi32>
      %swap3A_1834 = arith.constant 30 : i32
      %swap3A_1835 = arith.index_cast %swap3A_1834 : i32 to index
      %swap3A_1836 = arith.constant 48 : index
      %swap3A_1837 = tpu.vector_load %arg8[%swap3A_1835, %swap3A_1836] {strides = array<i32>} : memref<32x128xi32, #tpu.memory_space<vmem>>, vector<16xi32>,
      tpu.vector_store %arg8[%swap3A_1835, %swap3A_1836], %add3A_1833 {strides = array<i32>} : memref<32x128xi32, #tpu.memory_space<vmem>>, vector<16xi32>,
      %add3A_1838 = arith.constant 61000000 : i32
      %add3A_1839 = vector.broadcast %add3A_1838 : i32 to vector<16xi32>
      %add3A_1840 = arith.addi %get3A_1410, %add3A_1839 : vector<16xi32>
      %swap3A_1841 = arith.constant 30 : i32
      %swap3A_1842 = arith.index_cast %swap3A_1841 : i32 to index
      %swap3A_1843 = arith.constant 112 : index
      %swap3A_1844 = tpu.vector_load %arg8[%swap3A_1842, %swap3A_1843] {strides = array<i32>} : memref<32x128xi32, #tpu.memory_space<vmem>>, vector<16xi32>,
      tpu.vector_store %arg8[%swap3A_1842, %swap3A_1843], %add3A_1840 {strides = array<i32>} : memref<32x128xi32, #tpu.memory_space<vmem>>, vector<16xi32>,
      %add3A_1845 = arith.constant 62000000 : i32
      %add3A_1846 = vector.broadcast %add3A_1845 : i32 to vector<16xi32>
      %add3A_1847 = arith.addi %get3A_1410, %add3A_1846 : vector<16xi32>
      %swap3A_1848 = arith.constant 31 : i32
      %swap3A_1849 = arith.index_cast %swap3A_1848 : i32 to index
      %swap3A_1850 = arith.constant 48 : index
      %swap3A_1851 = tpu.vector_load %arg8[%swap3A_1849, %swap3A_1850] {strides = array<i32>} : memref<32x128xi32, #tpu.memory_space<vmem>>, vector<16xi32>,
      tpu.vector_store %arg8[%swap3A_1849, %swap3A_1850], %add3A_1847 {strides = array<i32>} : memref<32x128xi32, #tpu.memory_space<vmem>>, vector<16xi32>,
      %add3A_1852 = arith.constant 63000000 : i32
      %add3A_1853 = vector.broadcast %add3A_1852 : i32 to vector<16xi32>
      %add3A_1854 = arith.addi %get3A_1410, %add3A_1853 : vector<16xi32>
      %swap3A_1855 = arith.constant 31 : i32
      %swap3A_1856 = arith.index_cast %swap3A_1855 : i32 to index
      %swap3A_1857 = arith.constant 112 : index
      %swap3A_1858 = tpu.vector_load %arg8[%swap3A_1856, %swap3A_1857] {strides = array<i32>} : memref<32x128xi32, #tpu.memory_space<vmem>>, vector<16xi32>,
      tpu.vector_store %arg8[%swap3A_1856, %swap3A_1857], %add3A_1854 {strides = array<i32>} : memref<32x128xi32, #tpu.memory_space<vmem>>, vector<16xi32>,
      %dma_start3A = arith.constant 0 : i32
      %dma_start3A_1859 = arith.constant 0 : i32
      %dma_start3A_1860 = tpu.memref_slice %arg9[%dma_start3A_1859] : memref<4096xf32, #tpu.memory_space<vmem>> -> memref<128xf32, #tpu.memory_space<vmem>>
      %dma_start3A_1861 = arith.constant 0 : i32
      %dma_start3A_1862 = tpu.memref_slice %arg8[%dma_start3A, %dma_start3A_1861] : memref<32x128xi32, #tpu.memory_space<vmem>> -> memref<1x128xi32, #tpu.memory_space<vmem>>
      %dma_start3A_1863 = tpu.memref_squeeze %dma_start3A_1862 : memref<1x128xi32, #tpu.memory_space<vmem>> -> memref<128xi32, #tpu.memory_space<vmem>>
      %dma_start3A_1864 = arith.constant 0 : i32
      %dma_start3A_1865 = tpu.memref_slice %arg4[%dma_start3A_1864] : memref<64000000xf32, #tpu.memory_space<hbm>> -> memref<64000000xf32, #tpu.memory_space<hbm>>
      tpu.enqueue_indirect_dma source(%dma_start3A_1865 : memref<64000000xf32, #tpu.memory_space<hbm>>) target(%dma_start3A_1860 : memref<128xf32, #tpu.memory_space<vmem>>) offsets(%dma_start3A_1863 : memref<128xi32, #tpu.memory_space<vmem>>) semaphore(%arg13 : memref<!tpu.dma_semaphore, #tpu.memory_space<semaphore_mem>>)
      %dma_start3A_1866 = arith.constant 1 : i32
      %dma_start3A_1867 = arith.constant 128 : i32
      %dma_start3A_1868 = tpu.memref_slice %arg9[%dma_start3A_1867] : memref<4096xf32, #tpu.memory_space<vmem>> -> memref<128xf32, #tpu.memory_space<vmem>>
      %dma_start3A_1869 = arith.constant 0 : i32
      %dma_start3A_1870 = tpu.memref_slice %arg8[%dma_start3A_1866, %dma_start3A_1869] : memref<32x128xi32, #tpu.memory_space<vmem>> -> memref<1x128xi32, #tpu.memory_space<vmem>>
      %dma_start3A_1871 = tpu.memref_squeeze %dma_start3A_1870 : memref<1x128xi32, #tpu.memory_space<vmem>> -> memref<128xi32, #tpu.memory_space<vmem>>
      %dma_start3A_1872 = arith.constant 0 : i32
      %dma_start3A_1873 = tpu.memref_slice %arg4[%dma_start3A_1872] : memref<64000000xf32, #tpu.memory_space<hbm>> -> memref<64000000xf32, #tpu.memory_space<hbm>>
      tpu.enqueue_indirect_dma source(%dma_start3A_1873 : memref<64000000xf32, #tpu.memory_space<hbm>>) target(%dma_start3A_1868 : memref<128xf32, #tpu.memory_space<vmem>>) offsets(%dma_start3A_1871 : memref<128xi32, #tpu.memory_space<vmem>>) semaphore(%arg13 : memref<!tpu.dma_semaphore, #tpu.memory_space<semaphore_mem>>)
      %dma_start3A_1874 = arith.constant 2 : i32
      %dma_start3A_1875 = arith.constant 256 : i32
      %dma_start3A_1876 = tpu.memref_slice %arg9[%dma_start3A_1875] : memref<4096xf32, #tpu.memory_space<vmem>> -> memref<128xf32, #tpu.memory_space<vmem>>
      %dma_start3A_1877 = arith.constant 0 : i32
      %dma_start3A_1878 = tpu.memref_slice %arg8[%dma_start3A_1874, %dma_start3A_1877] : memref<32x128xi32, #tpu.memory_space<vmem>> -> memref<1x128xi32, #tpu.memory_space<vmem>>
      %dma_start3A_1879 = tpu.memref_squeeze %dma_start3A_1878 : memref<1x128xi32, #tpu.memory_space<vmem>> -> memref<128xi32, #tpu.memory_space<vmem>>
      %dma_start3A_1880 = arith.constant 0 : i32
      %dma_start3A_1881 = tpu.memref_slice %arg4[%dma_start3A_1880] : memref<64000000xf32, #tpu.memory_space<hbm>> -> memref<64000000xf32, #tpu.memory_space<hbm>>
      tpu.enqueue_indirect_dma source(%dma_start3A_1881 : memref<64000000xf32, #tpu.memory_space<hbm>>) target(%dma_start3A_1876 : memref<128xf32, #tpu.memory_space<vmem>>) offsets(%dma_start3A_1879 : memref<128xi32, #tpu.memory_space<vmem>>) semaphore(%arg13 : memref<!tpu.dma_semaphore, #tpu.memory_space<semaphore_mem>>)
      %dma_start3A_1882 = arith.constant 3 : i32
      %dma_start3A_1883 = arith.constant 384 : i32
      %dma_start3A_1884 = tpu.memref_slice %arg9[%dma_start3A_1883] : memref<4096xf32, #tpu.memory_space<vmem>> -> memref<128xf32, #tpu.memory_space<vmem>>
      %dma_start3A_1885 = arith.constant 0 : i32
      %dma_start3A_1886 = tpu.memref_slice %arg8[%dma_start3A_1882, %dma_start3A_1885] : memref<32x128xi32, #tpu.memory_space<vmem>> -> memref<1x128xi32, #tpu.memory_space<vmem>>
      %dma_start3A_1887 = tpu.memref_squeeze %dma_start3A_1886 : memref<1x128xi32, #tpu.memory_space<vmem>> -> memref<128xi32, #tpu.memory_space<vmem>>
      %dma_start3A_1888 = arith.constant 0 : i32
      %dma_start3A_1889 = tpu.memref_slice %arg4[%dma_start3A_1888] : memref<64000000xf32, #tpu.memory_space<hbm>> -> memref<64000000xf32, #tpu.memory_space<hbm>>
      tpu.enqueue_indirect_dma source(%dma_start3A_1889 : memref<64000000xf32, #tpu.memory_space<hbm>>) target(%dma_start3A_1884 : memref<128xf32, #tpu.memory_space<vmem>>) offsets(%dma_start3A_1887 : memref<128xi32, #tpu.memory_space<vmem>>) semaphore(%arg13 : memref<!tpu.dma_semaphore, #tpu.memory_space<semaphore_mem>>)
      %dma_start3A_1890 = arith.constant 4 : i32
      %dma_start3A_1891 = arith.constant 512 : i32
      %dma_start3A_1892 = tpu.memref_slice %arg9[%dma_start3A_1891] : memref<4096xf32, #tpu.memory_space<vmem>> -> memref<128xf32, #tpu.memory_space<vmem>>
      %dma_start3A_1893 = arith.constant 0 : i32
      %dma_start3A_1894 = tpu.memref_slice %arg8[%dma_start3A_1890, %dma_start3A_1893] : memref<32x128xi32, #tpu.memory_space<vmem>> -> memref<1x128xi32, #tpu.memory_space<vmem>>
      %dma_start3A_1895 = tpu.memref_squeeze %dma_start3A_1894 : memref<1x128xi32, #tpu.memory_space<vmem>> -> memref<128xi32, #tpu.memory_space<vmem>>
      %dma_start3A_1896 = arith.constant 0 : i32
      %dma_start3A_1897 = tpu.memref_slice %arg4[%dma_start3A_1896] : memref<64000000xf32, #tpu.memory_space<hbm>> -> memref<64000000xf32, #tpu.memory_space<hbm>>
      tpu.enqueue_indirect_dma source(%dma_start3A_1897 : memref<64000000xf32, #tpu.memory_space<hbm>>) target(%dma_start3A_1892 : memref<128xf32, #tpu.memory_space<vmem>>) offsets(%dma_start3A_1895 : memref<128xi32, #tpu.memory_space<vmem>>) semaphore(%arg13 : memref<!tpu.dma_semaphore, #tpu.memory_space<semaphore_mem>>)
      %dma_start3A_1898 = arith.constant 5 : i32
      %dma_start3A_1899 = arith.constant 640 : i32
      %dma_start3A_1900 = tpu.memref_slice %arg9[%dma_start3A_1899] : memref<4096xf32, #tpu.memory_space<vmem>> -> memref<128xf32, #tpu.memory_space<vmem>>
      %dma_start3A_1901 = arith.constant 0 : i32
      %dma_start3A_1902 = tpu.memref_slice %arg8[%dma_start3A_1898, %dma_start3A_1901] : memref<32x128xi32, #tpu.memory_space<vmem>> -> memref<1x128xi32, #tpu.memory_space<vmem>>
      %dma_start3A_1903 = tpu.memref_squeeze %dma_start3A_1902 : memref<1x128xi32, #tpu.memory_space<vmem>> -> memref<128xi32, #tpu.memory_space<vmem>>
      %dma_start3A_1904 = arith.constant 0 : i32
      %dma_start3A_1905 = tpu.memref_slice %arg4[%dma_start3A_1904] : memref<64000000xf32, #tpu.memory_space<hbm>> -> memref<64000000xf32, #tpu.memory_space<hbm>>
      tpu.enqueue_indirect_dma source(%dma_start3A_1905 : memref<64000000xf32, #tpu.memory_space<hbm>>) target(%dma_start3A_1900 : memref<128xf32, #tpu.memory_space<vmem>>) offsets(%dma_start3A_1903 : memref<128xi32, #tpu.memory_space<vmem>>) semaphore(%arg13 : memref<!tpu.dma_semaphore, #tpu.memory_space<semaphore_mem>>)
      %dma_start3A_1906 = arith.constant 6 : i32
      %dma_start3A_1907 = arith.constant 768 : i32
      %dma_start3A_1908 = tpu.memref_slice %arg9[%dma_start3A_1907] : memref<4096xf32, #tpu.memory_space<vmem>> -> memref<128xf32, #tpu.memory_space<vmem>>
      %dma_start3A_1909 = arith.constant 0 : i32
      %dma_start3A_1910 = tpu.memref_slice %arg8[%dma_start3A_1906, %dma_start3A_1909] : memref<32x128xi32, #tpu.memory_space<vmem>> -> memref<1x128xi32, #tpu.memory_space<vmem>>
      %dma_start3A_1911 = tpu.memref_squeeze %dma_start3A_1910 : memref<1x128xi32, #tpu.memory_space<vmem>> -> memref<128xi32, #tpu.memory_space<vmem>>
      %dma_start3A_1912 = arith.constant 0 : i32
      %dma_start3A_1913 = tpu.memref_slice %arg4[%dma_start3A_1912] : memref<64000000xf32, #tpu.memory_space<hbm>> -> memref<64000000xf32, #tpu.memory_space<hbm>>
      tpu.enqueue_indirect_dma source(%dma_start3A_1913 : memref<64000000xf32, #tpu.memory_space<hbm>>) target(%dma_start3A_1908 : memref<128xf32, #tpu.memory_space<vmem>>) offsets(%dma_start3A_1911 : memref<128xi32, #tpu.memory_space<vmem>>) semaphore(%arg13 : memref<!tpu.dma_semaphore, #tpu.memory_space<semaphore_mem>>)
      %dma_start3A_1914 = arith.constant 7 : i32
      %dma_start3A_1915 = arith.constant 896 : i32
      %dma_start3A_1916 = tpu.memref_slice %arg9[%dma_start3A_1915] : memref<4096xf32, #tpu.memory_space<vmem>> -> memref<128xf32, #tpu.memory_space<vmem>>
      %dma_start3A_1917 = arith.constant 0 : i32
      %dma_start3A_1918 = tpu.memref_slice %arg8[%dma_start3A_1914, %dma_start3A_1917] : memref<32x128xi32, #tpu.memory_space<vmem>> -> memref<1x128xi32, #tpu.memory_space<vmem>>
      %dma_start3A_1919 = tpu.memref_squeeze %dma_start3A_1918 : memref<1x128xi32, #tpu.memory_space<vmem>> -> memref<128xi32, #tpu.memory_space<vmem>>
      %dma_start3A_1920 = arith.constant 0 : i32
      %dma_start3A_1921 = tpu.memref_slice %arg4[%dma_start3A_1920] : memref<64000000xf32, #tpu.memory_space<hbm>> -> memref<64000000xf32, #tpu.memory_space<hbm>>
      tpu.enqueue_indirect_dma source(%dma_start3A_1921 : memref<64000000xf32, #tpu.memory_space<hbm>>) target(%dma_start3A_1916 : memref<128xf32, #tpu.memory_space<vmem>>) offsets(%dma_start3A_1919 : memref<128xi32, #tpu.memory_space<vmem>>) semaphore(%arg13 : memref<!tpu.dma_semaphore, #tpu.memory_space<semaphore_mem>>)
      %dma_start3A_1922 = arith.constant 8 : i32
      %dma_start3A_1923 = arith.constant 1024 : i32
      %dma_start3A_1924 = tpu.memref_slice %arg9[%dma_start3A_1923] : memref<4096xf32, #tpu.memory_space<vmem>> -> memref<128xf32, #tpu.memory_space<vmem>>
      %dma_start3A_1925 = arith.constant 0 : i32
      %dma_start3A_1926 = tpu.memref_slice %arg8[%dma_start3A_1922, %dma_start3A_1925] : memref<32x128xi32, #tpu.memory_space<vmem>> -> memref<1x128xi32, #tpu.memory_space<vmem>>
      %dma_start3A_1927 = tpu.memref_squeeze %dma_start3A_1926 : memref<1x128xi32, #tpu.memory_space<vmem>> -> memref<128xi32, #tpu.memory_space<vmem>>
      %dma_start3A_1928 = arith.constant 0 : i32
      %dma_start3A_1929 = tpu.memref_slice %arg4[%dma_start3A_1928] : memref<64000000xf32, #tpu.memory_space<hbm>> -> memref<64000000xf32, #tpu.memory_space<hbm>>
      tpu.enqueue_indirect_dma source(%dma_start3A_1929 : memref<64000000xf32, #tpu.memory_space<hbm>>) target(%dma_start3A_1924 : memref<128xf32, #tpu.memory_space<vmem>>) offsets(%dma_start3A_1927 : memref<128xi32, #tpu.memory_space<vmem>>) semaphore(%arg13 : memref<!tpu.dma_semaphore, #tpu.memory_space<semaphore_mem>>)
      %dma_start3A_1930 = arith.constant 9 : i32
      %dma_start3A_1931 = arith.constant 1152 : i32
      %dma_start3A_1932 = tpu.memref_slice %arg9[%dma_start3A_1931] : memref<4096xf32, #tpu.memory_space<vmem>> -> memref<128xf32, #tpu.memory_space<vmem>>
      %dma_start3A_1933 = arith.constant 0 : i32
      %dma_start3A_1934 = tpu.memref_slice %arg8[%dma_start3A_1930, %dma_start3A_1933] : memref<32x128xi32, #tpu.memory_space<vmem>> -> memref<1x128xi32, #tpu.memory_space<vmem>>
      %dma_start3A_1935 = tpu.memref_squeeze %dma_start3A_1934 : memref<1x128xi32, #tpu.memory_space<vmem>> -> memref<128xi32, #tpu.memory_space<vmem>>
      %dma_start3A_1936 = arith.constant 0 : i32
      %dma_start3A_1937 = tpu.memref_slice %arg4[%dma_start3A_1936] : memref<64000000xf32, #tpu.memory_space<hbm>> -> memref<64000000xf32, #tpu.memory_space<hbm>>
      tpu.enqueue_indirect_dma source(%dma_start3A_1937 : memref<64000000xf32, #tpu.memory_space<hbm>>) target(%dma_start3A_1932 : memref<128xf32, #tpu.memory_space<vmem>>) offsets(%dma_start3A_1935 : memref<128xi32, #tpu.memory_space<vmem>>) semaphore(%arg13 : memref<!tpu.dma_semaphore, #tpu.memory_space<semaphore_mem>>)
      %dma_start3A_1938 = arith.constant 10 : i32
      %dma_start3A_1939 = arith.constant 1280 : i32
      %dma_start3A_1940 = tpu.memref_slice %arg9[%dma_start3A_1939] : memref<4096xf32, #tpu.memory_space<vmem>> -> memref<128xf32, #tpu.memory_space<vmem>>
      %dma_start3A_1941 = arith.constant 0 : i32
      %dma_start3A_1942 = tpu.memref_slice %arg8[%dma_start3A_1938, %dma_start3A_1941] : memref<32x128xi32, #tpu.memory_space<vmem>> -> memref<1x128xi32, #tpu.memory_space<vmem>>
      %dma_start3A_1943 = tpu.memref_squeeze %dma_start3A_1942 : memref<1x128xi32, #tpu.memory_space<vmem>> -> memref<128xi32, #tpu.memory_space<vmem>>
      %dma_start3A_1944 = arith.constant 0 : i32
      %dma_start3A_1945 = tpu.memref_slice %arg4[%dma_start3A_1944] : memref<64000000xf32, #tpu.memory_space<hbm>> -> memref<64000000xf32, #tpu.memory_space<hbm>>
      tpu.enqueue_indirect_dma source(%dma_start3A_1945 : memref<64000000xf32, #tpu.memory_space<hbm>>) target(%dma_start3A_1940 : memref<128xf32, #tpu.memory_space<vmem>>) offsets(%dma_start3A_1943 : memref<128xi32, #tpu.memory_space<vmem>>) semaphore(%arg13 : memref<!tpu.dma_semaphore, #tpu.memory_space<semaphore_mem>>)
      %dma_start3A_1946 = arith.constant 11 : i32
      %dma_start3A_1947 = arith.constant 1408 : i32
      %dma_start3A_1948 = tpu.memref_slice %arg9[%dma_start3A_1947] : memref<4096xf32, #tpu.memory_space<vmem>> -> memref<128xf32, #tpu.memory_space<vmem>>
      %dma_start3A_1949 = arith.constant 0 : i32
      %dma_start3A_1950 = tpu.memref_slice %arg8[%dma_start3A_1946, %dma_start3A_1949] : memref<32x128xi32, #tpu.memory_space<vmem>> -> memref<1x128xi32, #tpu.memory_space<vmem>>
      %dma_start3A_1951 = tpu.memref_squeeze %dma_start3A_1950 : memref<1x128xi32, #tpu.memory_space<vmem>> -> memref<128xi32, #tpu.memory_space<vmem>>
      %dma_start3A_1952 = arith.constant 0 : i32
      %dma_start3A_1953 = tpu.memref_slice %arg4[%dma_start3A_1952] : memref<64000000xf32, #tpu.memory_space<hbm>> -> memref<64000000xf32, #tpu.memory_space<hbm>>
      tpu.enqueue_indirect_dma source(%dma_start3A_1953 : memref<64000000xf32, #tpu.memory_space<hbm>>) target(%dma_start3A_1948 : memref<128xf32, #tpu.memory_space<vmem>>) offsets(%dma_start3A_1951 : memref<128xi32, #tpu.memory_space<vmem>>) semaphore(%arg13 : memref<!tpu.dma_semaphore, #tpu.memory_space<semaphore_mem>>)
      %dma_start3A_1954 = arith.constant 12 : i32
      %dma_start3A_1955 = arith.constant 1536 : i32
      %dma_start3A_1956 = tpu.memref_slice %arg9[%dma_start3A_1955] : memref<4096xf32, #tpu.memory_space<vmem>> -> memref<128xf32, #tpu.memory_space<vmem>>
      %dma_start3A_1957 = arith.constant 0 : i32
      %dma_start3A_1958 = tpu.memref_slice %arg8[%dma_start3A_1954, %dma_start3A_1957] : memref<32x128xi32, #tpu.memory_space<vmem>> -> memref<1x128xi32, #tpu.memory_space<vmem>>
      %dma_start3A_1959 = tpu.memref_squeeze %dma_start3A_1958 : memref<1x128xi32, #tpu.memory_space<vmem>> -> memref<128xi32, #tpu.memory_space<vmem>>
      %dma_start3A_1960 = arith.constant 0 : i32
      %dma_start3A_1961 = tpu.memref_slice %arg4[%dma_start3A_1960] : memref<64000000xf32, #tpu.memory_space<hbm>> -> memref<64000000xf32, #tpu.memory_space<hbm>>
      tpu.enqueue_indirect_dma source(%dma_start3A_1961 : memref<64000000xf32, #tpu.memory_space<hbm>>) target(%dma_start3A_1956 : memref<128xf32, #tpu.memory_space<vmem>>) offsets(%dma_start3A_1959 : memref<128xi32, #tpu.memory_space<vmem>>) semaphore(%arg13 : memref<!tpu.dma_semaphore, #tpu.memory_space<semaphore_mem>>)
      %dma_start3A_1962 = arith.constant 13 : i32
      %dma_start3A_1963 = arith.constant 1664 : i32
      %dma_start3A_1964 = tpu.memref_slice %arg9[%dma_start3A_1963] : memref<4096xf32, #tpu.memory_space<vmem>> -> memref<128xf32, #tpu.memory_space<vmem>>
      %dma_start3A_1965 = arith.constant 0 : i32
      %dma_start3A_1966 = tpu.memref_slice %arg8[%dma_start3A_1962, %dma_start3A_1965] : memref<32x128xi32, #tpu.memory_space<vmem>> -> memref<1x128xi32, #tpu.memory_space<vmem>>
      %dma_start3A_1967 = tpu.memref_squeeze %dma_start3A_1966 : memref<1x128xi32, #tpu.memory_space<vmem>> -> memref<128xi32, #tpu.memory_space<vmem>>
      %dma_start3A_1968 = arith.constant 0 : i32
      %dma_start3A_1969 = tpu.memref_slice %arg4[%dma_start3A_1968] : memref<64000000xf32, #tpu.memory_space<hbm>> -> memref<64000000xf32, #tpu.memory_space<hbm>>
      tpu.enqueue_indirect_dma source(%dma_start3A_1969 : memref<64000000xf32, #tpu.memory_space<hbm>>) target(%dma_start3A_1964 : memref<128xf32, #tpu.memory_space<vmem>>) offsets(%dma_start3A_1967 : memref<128xi32, #tpu.memory_space<vmem>>) semaphore(%arg13 : memref<!tpu.dma_semaphore, #tpu.memory_space<semaphore_mem>>)
      %dma_start3A_1970 = arith.constant 14 : i32
      %dma_start3A_1971 = arith.constant 1792 : i32
      %dma_start3A_1972 = tpu.memref_slice %arg9[%dma_start3A_1971] : memref<4096xf32, #tpu.memory_space<vmem>> -> memref<128xf32, #tpu.memory_space<vmem>>
      %dma_start3A_1973 = arith.constant 0 : i32
      %dma_start3A_1974 = tpu.memref_slice %arg8[%dma_start3A_1970, %dma_start3A_1973] : memref<32x128xi32, #tpu.memory_space<vmem>> -> memref<1x128xi32, #tpu.memory_space<vmem>>
      %dma_start3A_1975 = tpu.memref_squeeze %dma_start3A_1974 : memref<1x128xi32, #tpu.memory_space<vmem>> -> memref<128xi32, #tpu.memory_space<vmem>>
      %dma_start3A_1976 = arith.constant 0 : i32
      %dma_start3A_1977 = tpu.memref_slice %arg4[%dma_start3A_1976] : memref<64000000xf32, #tpu.memory_space<hbm>> -> memref<64000000xf32, #tpu.memory_space<hbm>>
      tpu.enqueue_indirect_dma source(%dma_start3A_1977 : memref<64000000xf32, #tpu.memory_space<hbm>>) target(%dma_start3A_1972 : memref<128xf32, #tpu.memory_space<vmem>>) offsets(%dma_start3A_1975 : memref<128xi32, #tpu.memory_space<vmem>>) semaphore(%arg13 : memref<!tpu.dma_semaphore, #tpu.memory_space<semaphore_mem>>)
      %dma_start3A_1978 = arith.constant 15 : i32
      %dma_start3A_1979 = arith.constant 1920 : i32
      %dma_start3A_1980 = tpu.memref_slice %arg9[%dma_start3A_1979] : memref<4096xf32, #tpu.memory_space<vmem>> -> memref<128xf32, #tpu.memory_space<vmem>>
      %dma_start3A_1981 = arith.constant 0 : i32
      %dma_start3A_1982 = tpu.memref_slice %arg8[%dma_start3A_1978, %dma_start3A_1981] : memref<32x128xi32, #tpu.memory_space<vmem>> -> memref<1x128xi32, #tpu.memory_space<vmem>>
      %dma_start3A_1983 = tpu.memref_squeeze %dma_start3A_1982 : memref<1x128xi32, #tpu.memory_space<vmem>> -> memref<128xi32, #tpu.memory_space<vmem>>
      %dma_start3A_1984 = arith.constant 0 : i32
      %dma_start3A_1985 = tpu.memref_slice %arg4[%dma_start3A_1984] : memref<64000000xf32, #tpu.memory_space<hbm>> -> memref<64000000xf32, #tpu.memory_space<hbm>>
      tpu.enqueue_indirect_dma source(%dma_start3A_1985 : memref<64000000xf32, #tpu.memory_space<hbm>>) target(%dma_start3A_1980 : memref<128xf32, #tpu.memory_space<vmem>>) offsets(%dma_start3A_1983 : memref<128xi32, #tpu.memory_space<vmem>>) semaphore(%arg13 : memref<!tpu.dma_semaphore, #tpu.memory_space<semaphore_mem>>)
      %dma_start3A_1986 = arith.constant 16 : i32
      %dma_start3A_1987 = arith.constant 2048 : i32
      %dma_start3A_1988 = tpu.memref_slice %arg9[%dma_start3A_1987] : memref<4096xf32, #tpu.memory_space<vmem>> -> memref<128xf32, #tpu.memory_space<vmem>>
      %dma_start3A_1989 = arith.constant 0 : i32
      %dma_start3A_1990 = tpu.memref_slice %arg8[%dma_start3A_1986, %dma_start3A_1989] : memref<32x128xi32, #tpu.memory_space<vmem>> -> memref<1x128xi32, #tpu.memory_space<vmem>>
      %dma_start3A_1991 = tpu.memref_squeeze %dma_start3A_1990 : memref<1x128xi32, #tpu.memory_space<vmem>> -> memref<128xi32, #tpu.memory_space<vmem>>
      %dma_start3A_1992 = arith.constant 0 : i32
      %dma_start3A_1993 = tpu.memref_slice %arg4[%dma_start3A_1992] : memref<64000000xf32, #tpu.memory_space<hbm>> -> memref<64000000xf32, #tpu.memory_space<hbm>>
      tpu.enqueue_indirect_dma source(%dma_start3A_1993 : memref<64000000xf32, #tpu.memory_space<hbm>>) target(%dma_start3A_1988 : memref<128xf32, #tpu.memory_space<vmem>>) offsets(%dma_start3A_1991 : memref<128xi32, #tpu.memory_space<vmem>>) semaphore(%arg13 : memref<!tpu.dma_semaphore, #tpu.memory_space<semaphore_mem>>)
      %dma_start3A_1994 = arith.constant 17 : i32
      %dma_start3A_1995 = arith.constant 2176 : i32
      %dma_start3A_1996 = tpu.memref_slice %arg9[%dma_start3A_1995] : memref<4096xf32, #tpu.memory_space<vmem>> -> memref<128xf32, #tpu.memory_space<vmem>>
      %dma_start3A_1997 = arith.constant 0 : i32
      %dma_start3A_1998 = tpu.memref_slice %arg8[%dma_start3A_1994, %dma_start3A_1997] : memref<32x128xi32, #tpu.memory_space<vmem>> -> memref<1x128xi32, #tpu.memory_space<vmem>>
      %dma_start3A_1999 = tpu.memref_squeeze %dma_start3A_1998 : memref<1x128xi32, #tpu.memory_space<vmem>> -> memref<128xi32, #tpu.memory_space<vmem>>
      %dma_start3A_2000 = arith.constant 0 : i32
      %dma_start3A_2001 = tpu.memref_slice %arg4[%dma_start3A_2000] : memref<64000000xf32, #tpu.memory_space<hbm>> -> memref<64000000xf32, #tpu.memory_space<hbm>>
      tpu.enqueue_indirect_dma source(%dma_start3A_2001 : memref<64000000xf32, #tpu.memory_space<hbm>>) target(%dma_start3A_1996 : memref<128xf32, #tpu.memory_space<vmem>>) offsets(%dma_start3A_1999 : memref<128xi32, #tpu.memory_space<vmem>>) semaphore(%arg13 : memref<!tpu.dma_semaphore, #tpu.memory_space<semaphore_mem>>)
      %dma_start3A_2002 = arith.constant 18 : i32
      %dma_start3A_2003 = arith.constant 2304 : i32
      %dma_start3A_2004 = tpu.memref_slice %arg9[%dma_start3A_2003] : memref<4096xf32, #tpu.memory_space<vmem>> -> memref<128xf32, #tpu.memory_space<vmem>>
      %dma_start3A_2005 = arith.constant 0 : i32
      %dma_start3A_2006 = tpu.memref_slice %arg8[%dma_start3A_2002, %dma_start3A_2005] : memref<32x128xi32, #tpu.memory_space<vmem>> -> memref<1x128xi32, #tpu.memory_space<vmem>>
      %dma_start3A_2007 = tpu.memref_squeeze %dma_start3A_2006 : memref<1x128xi32, #tpu.memory_space<vmem>> -> memref<128xi32, #tpu.memory_space<vmem>>
      %dma_start3A_2008 = arith.constant 0 : i32
      %dma_start3A_2009 = tpu.memref_slice %arg4[%dma_start3A_2008] : memref<64000000xf32, #tpu.memory_space<hbm>> -> memref<64000000xf32, #tpu.memory_space<hbm>>
      tpu.enqueue_indirect_dma source(%dma_start3A_2009 : memref<64000000xf32, #tpu.memory_space<hbm>>) target(%dma_start3A_2004 : memref<128xf32, #tpu.memory_space<vmem>>) offsets(%dma_start3A_2007 : memref<128xi32, #tpu.memory_space<vmem>>) semaphore(%arg13 : memref<!tpu.dma_semaphore, #tpu.memory_space<semaphore_mem>>)
      %dma_start3A_2010 = arith.constant 19 : i32
      %dma_start3A_2011 = arith.constant 2432 : i32
      %dma_start3A_2012 = tpu.memref_slice %arg9[%dma_start3A_2011] : memref<4096xf32, #tpu.memory_space<vmem>> -> memref<128xf32, #tpu.memory_space<vmem>>
      %dma_start3A_2013 = arith.constant 0 : i32
      %dma_start3A_2014 = tpu.memref_slice %arg8[%dma_start3A_2010, %dma_start3A_2013] : memref<32x128xi32, #tpu.memory_space<vmem>> -> memref<1x128xi32, #tpu.memory_space<vmem>>
      %dma_start3A_2015 = tpu.memref_squeeze %dma_start3A_2014 : memref<1x128xi32, #tpu.memory_space<vmem>> -> memref<128xi32, #tpu.memory_space<vmem>>
      %dma_start3A_2016 = arith.constant 0 : i32
      %dma_start3A_2017 = tpu.memref_slice %arg4[%dma_start3A_2016] : memref<64000000xf32, #tpu.memory_space<hbm>> -> memref<64000000xf32, #tpu.memory_space<hbm>>
      tpu.enqueue_indirect_dma source(%dma_start3A_2017 : memref<64000000xf32, #tpu.memory_space<hbm>>) target(%dma_start3A_2012 : memref<128xf32, #tpu.memory_space<vmem>>) offsets(%dma_start3A_2015 : memref<128xi32, #tpu.memory_space<vmem>>) semaphore(%arg13 : memref<!tpu.dma_semaphore, #tpu.memory_space<semaphore_mem>>)
      %dma_start3A_2018 = arith.constant 20 : i32
      %dma_start3A_2019 = arith.constant 2560 : i32
      %dma_start3A_2020 = tpu.memref_slice %arg9[%dma_start3A_2019] : memref<4096xf32, #tpu.memory_space<vmem>> -> memref<128xf32, #tpu.memory_space<vmem>>
      %dma_start3A_2021 = arith.constant 0 : i32
      %dma_start3A_2022 = tpu.memref_slice %arg8[%dma_start3A_2018, %dma_start3A_2021] : memref<32x128xi32, #tpu.memory_space<vmem>> -> memref<1x128xi32, #tpu.memory_space<vmem>>
      %dma_start3A_2023 = tpu.memref_squeeze %dma_start3A_2022 : memref<1x128xi32, #tpu.memory_space<vmem>> -> memref<128xi32, #tpu.memory_space<vmem>>
      %dma_start3A_2024 = arith.constant 0 : i32
      %dma_start3A_2025 = tpu.memref_slice %arg4[%dma_start3A_2024] : memref<64000000xf32, #tpu.memory_space<hbm>> -> memref<64000000xf32, #tpu.memory_space<hbm>>
      tpu.enqueue_indirect_dma source(%dma_start3A_2025 : memref<64000000xf32, #tpu.memory_space<hbm>>) target(%dma_start3A_2020 : memref<128xf32, #tpu.memory_space<vmem>>) offsets(%dma_start3A_2023 : memref<128xi32, #tpu.memory_space<vmem>>) semaphore(%arg13 : memref<!tpu.dma_semaphore, #tpu.memory_space<semaphore_mem>>)
      %dma_start3A_2026 = arith.constant 21 : i32
      %dma_start3A_2027 = arith.constant 2688 : i32
      %dma_start3A_2028 = tpu.memref_slice %arg9[%dma_start3A_2027] : memref<4096xf32, #tpu.memory_space<vmem>> -> memref<128xf32, #tpu.memory_space<vmem>>
      %dma_start3A_2029 = arith.constant 0 : i32
      %dma_start3A_2030 = tpu.memref_slice %arg8[%dma_start3A_2026, %dma_start3A_2029] : memref<32x128xi32, #tpu.memory_space<vmem>> -> memref<1x128xi32, #tpu.memory_space<vmem>>
      %dma_start3A_2031 = tpu.memref_squeeze %dma_start3A_2030 : memref<1x128xi32, #tpu.memory_space<vmem>> -> memref<128xi32, #tpu.memory_space<vmem>>
      %dma_start3A_2032 = arith.constant 0 : i32
      %dma_start3A_2033 = tpu.memref_slice %arg4[%dma_start3A_2032] : memref<64000000xf32, #tpu.memory_space<hbm>> -> memref<64000000xf32, #tpu.memory_space<hbm>>
      tpu.enqueue_indirect_dma source(%dma_start3A_2033 : memref<64000000xf32, #tpu.memory_space<hbm>>) target(%dma_start3A_2028 : memref<128xf32, #tpu.memory_space<vmem>>) offsets(%dma_start3A_2031 : memref<128xi32, #tpu.memory_space<vmem>>) semaphore(%arg13 : memref<!tpu.dma_semaphore, #tpu.memory_space<semaphore_mem>>)
      %dma_start3A_2034 = arith.constant 22 : i32
      %dma_start3A_2035 = arith.constant 2816 : i32
      %dma_start3A_2036 = tpu.memref_slice %arg9[%dma_start3A_2035] : memref<4096xf32, #tpu.memory_space<vmem>> -> memref<128xf32, #tpu.memory_space<vmem>>
      %dma_start3A_2037 = arith.constant 0 : i32
      %dma_start3A_2038 = tpu.memref_slice %arg8[%dma_start3A_2034, %dma_start3A_2037] : memref<32x128xi32, #tpu.memory_space<vmem>> -> memref<1x128xi32, #tpu.memory_space<vmem>>
      %dma_start3A_2039 = tpu.memref_squeeze %dma_start3A_2038 : memref<1x128xi32, #tpu.memory_space<vmem>> -> memref<128xi32, #tpu.memory_space<vmem>>
      %dma_start3A_2040 = arith.constant 0 : i32
      %dma_start3A_2041 = tpu.memref_slice %arg4[%dma_start3A_2040] : memref<64000000xf32, #tpu.memory_space<hbm>> -> memref<64000000xf32, #tpu.memory_space<hbm>>
      tpu.enqueue_indirect_dma source(%dma_start3A_2041 : memref<64000000xf32, #tpu.memory_space<hbm>>) target(%dma_start3A_2036 : memref<128xf32, #tpu.memory_space<vmem>>) offsets(%dma_start3A_2039 : memref<128xi32, #tpu.memory_space<vmem>>) semaphore(%arg13 : memref<!tpu.dma_semaphore, #tpu.memory_space<semaphore_mem>>)
      %dma_start3A_2042 = arith.constant 23 : i32
      %dma_start3A_2043 = arith.constant 2944 : i32
      %dma_start3A_2044 = tpu.memref_slice %arg9[%dma_start3A_2043] : memref<4096xf32, #tpu.memory_space<vmem>> -> memref<128xf32, #tpu.memory_space<vmem>>
      %dma_start3A_2045 = arith.constant 0 : i32
      %dma_start3A_2046 = tpu.memref_slice %arg8[%dma_start3A_2042, %dma_start3A_2045] : memref<32x128xi32, #tpu.memory_space<vmem>> -> memref<1x128xi32, #tpu.memory_space<vmem>>
      %dma_start3A_2047 = tpu.memref_squeeze %dma_start3A_2046 : memref<1x128xi32, #tpu.memory_space<vmem>> -> memref<128xi32, #tpu.memory_space<vmem>>
      %dma_start3A_2048 = arith.constant 0 : i32
      %dma_start3A_2049 = tpu.memref_slice %arg4[%dma_start3A_2048] : memref<64000000xf32, #tpu.memory_space<hbm>> -> memref<64000000xf32, #tpu.memory_space<hbm>>
      tpu.enqueue_indirect_dma source(%dma_start3A_2049 : memref<64000000xf32, #tpu.memory_space<hbm>>) target(%dma_start3A_2044 : memref<128xf32, #tpu.memory_space<vmem>>) offsets(%dma_start3A_2047 : memref<128xi32, #tpu.memory_space<vmem>>) semaphore(%arg13 : memref<!tpu.dma_semaphore, #tpu.memory_space<semaphore_mem>>)
      %dma_start3A_2050 = arith.constant 24 : i32
      %dma_start3A_2051 = arith.constant 3072 : i32
      %dma_start3A_2052 = tpu.memref_slice %arg9[%dma_start3A_2051] : memref<4096xf32, #tpu.memory_space<vmem>> -> memref<128xf32, #tpu.memory_space<vmem>>
      %dma_start3A_2053 = arith.constant 0 : i32
      %dma_start3A_2054 = tpu.memref_slice %arg8[%dma_start3A_2050, %dma_start3A_2053] : memref<32x128xi32, #tpu.memory_space<vmem>> -> memref<1x128xi32, #tpu.memory_space<vmem>>
      %dma_start3A_2055 = tpu.memref_squeeze %dma_start3A_2054 : memref<1x128xi32, #tpu.memory_space<vmem>> -> memref<128xi32, #tpu.memory_space<vmem>>
      %dma_start3A_2056 = arith.constant 0 : i32
      %dma_start3A_2057 = tpu.memref_slice %arg4[%dma_start3A_2056] : memref<64000000xf32, #tpu.memory_space<hbm>> -> memref<64000000xf32, #tpu.memory_space<hbm>>
      tpu.enqueue_indirect_dma source(%dma_start3A_2057 : memref<64000000xf32, #tpu.memory_space<hbm>>) target(%dma_start3A_2052 : memref<128xf32, #tpu.memory_space<vmem>>) offsets(%dma_start3A_2055 : memref<128xi32, #tpu.memory_space<vmem>>) semaphore(%arg13 : memref<!tpu.dma_semaphore, #tpu.memory_space<semaphore_mem>>)
      %dma_start3A_2058 = arith.constant 25 : i32
      %dma_start3A_2059 = arith.constant 3200 : i32
      %dma_start3A_2060 = tpu.memref_slice %arg9[%dma_start3A_2059] : memref<4096xf32, #tpu.memory_space<vmem>> -> memref<128xf32, #tpu.memory_space<vmem>>
      %dma_start3A_2061 = arith.constant 0 : i32
      %dma_start3A_2062 = tpu.memref_slice %arg8[%dma_start3A_2058, %dma_start3A_2061] : memref<32x128xi32, #tpu.memory_space<vmem>> -> memref<1x128xi32, #tpu.memory_space<vmem>>
      %dma_start3A_2063 = tpu.memref_squeeze %dma_start3A_2062 : memref<1x128xi32, #tpu.memory_space<vmem>> -> memref<128xi32, #tpu.memory_space<vmem>>
      %dma_start3A_2064 = arith.constant 0 : i32
      %dma_start3A_2065 = tpu.memref_slice %arg4[%dma_start3A_2064] : memref<64000000xf32, #tpu.memory_space<hbm>> -> memref<64000000xf32, #tpu.memory_space<hbm>>
      tpu.enqueue_indirect_dma source(%dma_start3A_2065 : memref<64000000xf32, #tpu.memory_space<hbm>>) target(%dma_start3A_2060 : memref<128xf32, #tpu.memory_space<vmem>>) offsets(%dma_start3A_2063 : memref<128xi32, #tpu.memory_space<vmem>>) semaphore(%arg13 : memref<!tpu.dma_semaphore, #tpu.memory_space<semaphore_mem>>)
      %dma_start3A_2066 = arith.constant 26 : i32
      %dma_start3A_2067 = arith.constant 3328 : i32
      %dma_start3A_2068 = tpu.memref_slice %arg9[%dma_start3A_2067] : memref<4096xf32, #tpu.memory_space<vmem>> -> memref<128xf32, #tpu.memory_space<vmem>>
      %dma_start3A_2069 = arith.constant 0 : i32
      %dma_start3A_2070 = tpu.memref_slice %arg8[%dma_start3A_2066, %dma_start3A_2069] : memref<32x128xi32, #tpu.memory_space<vmem>> -> memref<1x128xi32, #tpu.memory_space<vmem>>
      %dma_start3A_2071 = tpu.memref_squeeze %dma_start3A_2070 : memref<1x128xi32, #tpu.memory_space<vmem>> -> memref<128xi32, #tpu.memory_space<vmem>>
      %dma_start3A_2072 = arith.constant 0 : i32
      %dma_start3A_2073 = tpu.memref_slice %arg4[%dma_start3A_2072] : memref<64000000xf32, #tpu.memory_space<hbm>> -> memref<64000000xf32, #tpu.memory_space<hbm>>
      tpu.enqueue_indirect_dma source(%dma_start3A_2073 : memref<64000000xf32, #tpu.memory_space<hbm>>) target(%dma_start3A_2068 : memref<128xf32, #tpu.memory_space<vmem>>) offsets(%dma_start3A_2071 : memref<128xi32, #tpu.memory_space<vmem>>) semaphore(%arg13 : memref<!tpu.dma_semaphore, #tpu.memory_space<semaphore_mem>>)
      %dma_start3A_2074 = arith.constant 27 : i32
      %dma_start3A_2075 = arith.constant 3456 : i32
      %dma_start3A_2076 = tpu.memref_slice %arg9[%dma_start3A_2075] : memref<4096xf32, #tpu.memory_space<vmem>> -> memref<128xf32, #tpu.memory_space<vmem>>
      %dma_start3A_2077 = arith.constant 0 : i32
      %dma_start3A_2078 = tpu.memref_slice %arg8[%dma_start3A_2074, %dma_start3A_2077] : memref<32x128xi32, #tpu.memory_space<vmem>> -> memref<1x128xi32, #tpu.memory_space<vmem>>
      %dma_start3A_2079 = tpu.memref_squeeze %dma_start3A_2078 : memref<1x128xi32, #tpu.memory_space<vmem>> -> memref<128xi32, #tpu.memory_space<vmem>>
      %dma_start3A_2080 = arith.constant 0 : i32
      %dma_start3A_2081 = tpu.memref_slice %arg4[%dma_start3A_2080] : memref<64000000xf32, #tpu.memory_space<hbm>> -> memref<64000000xf32, #tpu.memory_space<hbm>>
      tpu.enqueue_indirect_dma source(%dma_start3A_2081 : memref<64000000xf32, #tpu.memory_space<hbm>>) target(%dma_start3A_2076 : memref<128xf32, #tpu.memory_space<vmem>>) offsets(%dma_start3A_2079 : memref<128xi32, #tpu.memory_space<vmem>>) semaphore(%arg13 : memref<!tpu.dma_semaphore, #tpu.memory_space<semaphore_mem>>)
      %dma_start3A_2082 = arith.constant 28 : i32
      %dma_start3A_2083 = arith.constant 3584 : i32
      %dma_start3A_2084 = tpu.memref_slice %arg9[%dma_start3A_2083] : memref<4096xf32, #tpu.memory_space<vmem>> -> memref<128xf32, #tpu.memory_space<vmem>>
      %dma_start3A_2085 = arith.constant 0 : i32
      %dma_start3A_2086 = tpu.memref_slice %arg8[%dma_start3A_2082, %dma_start3A_2085] : memref<32x128xi32, #tpu.memory_space<vmem>> -> memref<1x128xi32, #tpu.memory_space<vmem>>
      %dma_start3A_2087 = tpu.memref_squeeze %dma_start3A_2086 : memref<1x128xi32, #tpu.memory_space<vmem>> -> memref<128xi32, #tpu.memory_space<vmem>>
      %dma_start3A_2088 = arith.constant 0 : i32
      %dma_start3A_2089 = tpu.memref_slice %arg4[%dma_start3A_2088] : memref<64000000xf32, #tpu.memory_space<hbm>> -> memref<64000000xf32, #tpu.memory_space<hbm>>
      tpu.enqueue_indirect_dma source(%dma_start3A_2089 : memref<64000000xf32, #tpu.memory_space<hbm>>) target(%dma_start3A_2084 : memref<128xf32, #tpu.memory_space<vmem>>) offsets(%dma_start3A_2087 : memref<128xi32, #tpu.memory_space<vmem>>) semaphore(%arg13 : memref<!tpu.dma_semaphore, #tpu.memory_space<semaphore_mem>>)
      %dma_start3A_2090 = arith.constant 29 : i32
      %dma_start3A_2091 = arith.constant 3712 : i32
      %dma_start3A_2092 = tpu.memref_slice %arg9[%dma_start3A_2091] : memref<4096xf32, #tpu.memory_space<vmem>> -> memref<128xf32, #tpu.memory_space<vmem>>
      %dma_start3A_2093 = arith.constant 0 : i32
      %dma_start3A_2094 = tpu.memref_slice %arg8[%dma_start3A_2090, %dma_start3A_2093] : memref<32x128xi32, #tpu.memory_space<vmem>> -> memref<1x128xi32, #tpu.memory_space<vmem>>
      %dma_start3A_2095 = tpu.memref_squeeze %dma_start3A_2094 : memref<1x128xi32, #tpu.memory_space<vmem>> -> memref<128xi32, #tpu.memory_space<vmem>>
      %dma_start3A_2096 = arith.constant 0 : i32
      %dma_start3A_2097 = tpu.memref_slice %arg4[%dma_start3A_2096] : memref<64000000xf32, #tpu.memory_space<hbm>> -> memref<64000000xf32, #tpu.memory_space<hbm>>
      tpu.enqueue_indirect_dma source(%dma_start3A_2097 : memref<64000000xf32, #tpu.memory_space<hbm>>) target(%dma_start3A_2092 : memref<128xf32, #tpu.memory_space<vmem>>) offsets(%dma_start3A_2095 : memref<128xi32, #tpu.memory_space<vmem>>) semaphore(%arg13 : memref<!tpu.dma_semaphore, #tpu.memory_space<semaphore_mem>>)
      %dma_start3A_2098 = arith.constant 30 : i32
      %dma_start3A_2099 = arith.constant 3840 : i32
      %dma_start3A_2100 = tpu.memref_slice %arg9[%dma_start3A_2099] : memref<4096xf32, #tpu.memory_space<vmem>> -> memref<128xf32, #tpu.memory_space<vmem>>
      %dma_start3A_2101 = arith.constant 0 : i32
      %dma_start3A_2102 = tpu.memref_slice %arg8[%dma_start3A_2098, %dma_start3A_2101] : memref<32x128xi32, #tpu.memory_space<vmem>> -> memref<1x128xi32, #tpu.memory_space<vmem>>
      %dma_start3A_2103 = tpu.memref_squeeze %dma_start3A_2102 : memref<1x128xi32, #tpu.memory_space<vmem>> -> memref<128xi32, #tpu.memory_space<vmem>>
      %dma_start3A_2104 = arith.constant 0 : i32
      %dma_start3A_2105 = tpu.memref_slice %arg4[%dma_start3A_2104] : memref<64000000xf32, #tpu.memory_space<hbm>> -> memref<64000000xf32, #tpu.memory_space<hbm>>
      tpu.enqueue_indirect_dma source(%dma_start3A_2105 : memref<64000000xf32, #tpu.memory_space<hbm>>) target(%dma_start3A_2100 : memref<128xf32, #tpu.memory_space<vmem>>) offsets(%dma_start3A_2103 : memref<128xi32, #tpu.memory_space<vmem>>) semaphore(%arg13 : memref<!tpu.dma_semaphore, #tpu.memory_space<semaphore_mem>>)
      %dma_start3A_2106 = arith.constant 31 : i32
      %dma_start3A_2107 = arith.constant 3968 : i32
      %dma_start3A_2108 = tpu.memref_slice %arg9[%dma_start3A_2107] : memref<4096xf32, #tpu.memory_space<vmem>> -> memref<128xf32, #tpu.memory_space<vmem>>
      %dma_start3A_2109 = arith.constant 0 : i32
      %dma_start3A_2110 = tpu.memref_slice %arg8[%dma_start3A_2106, %dma_start3A_2109] : memref<32x128xi32, #tpu.memory_space<vmem>> -> memref<1x128xi32, #tpu.memory_space<vmem>>
      %dma_start3A_2111 = tpu.memref_squeeze %dma_start3A_2110 : memref<1x128xi32, #tpu.memory_space<vmem>> -> memref<128xi32, #tpu.memory_space<vmem>>
      %dma_start3A_2112 = arith.constant 0 : i32
      %dma_start3A_2113 = tpu.memref_slice %arg4[%dma_start3A_2112] : memref<64000000xf32, #tpu.memory_space<hbm>> -> memref<64000000xf32, #tpu.memory_space<hbm>>
      tpu.enqueue_indirect_dma source(%dma_start3A_2113 : memref<64000000xf32, #tpu.memory_space<hbm>>) target(%dma_start3A_2108 : memref<128xf32, #tpu.memory_space<vmem>>) offsets(%dma_start3A_2111 : memref<128xi32, #tpu.memory_space<vmem>>) semaphore(%arg13 : memref<!tpu.dma_semaphore, #tpu.memory_space<semaphore_mem>>)
      %dma_start3A_2114 = arith.constant 0 : i32
      %dma_start3A_2115 = arith.constant 0 : i32
      %dma_start3A_2116 = arith.constant 0 : i32
      %dma_start3A_2117 = tpu.memref_slice %arg11[%dma_start3A_2115, %dma_start3A_2116] : memref<1280x64xf32, #tpu.memory_space<vmem>> -> memref<128x64xf32, #tpu.memory_space<vmem>>
      %dma_start3A_2118 = arith.constant 0 : i32
      %dma_start3A_2119 = tpu.memref_slice %arg10[%dma_start3A_2114, %dma_start3A_2118] : memref<10x128xi32, #tpu.memory_space<vmem>> -> memref<1x128xi32, #tpu.memory_space<vmem>>
      %dma_start3A_2120 = tpu.memref_squeeze %dma_start3A_2119 : memref<1x128xi32, #tpu.memory_space<vmem>> -> memref<128xi32, #tpu.memory_space<vmem>>
      %dma_start3A_2121 = arith.constant 0 : i32
      %dma_start3A_2122 = arith.constant 0 : i32
      %dma_start3A_2123 = tpu.memref_slice %arg5[%dma_start3A_2121, %dma_start3A_2122] : memref<1000000x64xf32, #tpu.memory_space<hbm>> -> memref<1000000x64xf32, #tpu.memory_space<hbm>>
      tpu.enqueue_indirect_dma source(%dma_start3A_2123 : memref<1000000x64xf32, #tpu.memory_space<hbm>>) target(%dma_start3A_2117 : memref<128x64xf32, #tpu.memory_space<vmem>>) offsets(%dma_start3A_2120 : memref<128xi32, #tpu.memory_space<vmem>>) semaphore(%arg13 : memref<!tpu.dma_semaphore, #tpu.memory_space<semaphore_mem>>)
      %dma_start3A_2124 = arith.constant 1 : i32
      %dma_start3A_2125 = arith.constant 128 : i32
      %dma_start3A_2126 = arith.constant 0 : i32
      %dma_start3A_2127 = tpu.memref_slice %arg11[%dma_start3A_2125, %dma_start3A_2126] : memref<1280x64xf32, #tpu.memory_space<vmem>> -> memref<128x64xf32, #tpu.memory_space<vmem>>
      %dma_start3A_2128 = arith.constant 0 : i32
      %dma_start3A_2129 = tpu.memref_slice %arg10[%dma_start3A_2124, %dma_start3A_2128] : memref<10x128xi32, #tpu.memory_space<vmem>> -> memref<1x128xi32, #tpu.memory_space<vmem>>
      %dma_start3A_2130 = tpu.memref_squeeze %dma_start3A_2129 : memref<1x128xi32, #tpu.memory_space<vmem>> -> memref<128xi32, #tpu.memory_space<vmem>>
      %dma_start3A_2131 = arith.constant 0 : i32
      %dma_start3A_2132 = arith.constant 0 : i32
      %dma_start3A_2133 = tpu.memref_slice %arg5[%dma_start3A_2131, %dma_start3A_2132] : memref<1000000x64xf32, #tpu.memory_space<hbm>> -> memref<1000000x64xf32, #tpu.memory_space<hbm>>
      tpu.enqueue_indirect_dma source(%dma_start3A_2133 : memref<1000000x64xf32, #tpu.memory_space<hbm>>) target(%dma_start3A_2127 : memref<128x64xf32, #tpu.memory_space<vmem>>) offsets(%dma_start3A_2130 : memref<128xi32, #tpu.memory_space<vmem>>) semaphore(%arg13 : memref<!tpu.dma_semaphore, #tpu.memory_space<semaphore_mem>>)
      %dma_start3A_2134 = arith.constant 2 : i32
      %dma_start3A_2135 = arith.constant 256 : i32
      %dma_start3A_2136 = arith.constant 0 : i32
      %dma_start3A_2137 = tpu.memref_slice %arg11[%dma_start3A_2135, %dma_start3A_2136] : memref<1280x64xf32, #tpu.memory_space<vmem>> -> memref<128x64xf32, #tpu.memory_space<vmem>>
      %dma_start3A_2138 = arith.constant 0 : i32
      %dma_start3A_2139 = tpu.memref_slice %arg10[%dma_start3A_2134, %dma_start3A_2138] : memref<10x128xi32, #tpu.memory_space<vmem>> -> memref<1x128xi32, #tpu.memory_space<vmem>>
      %dma_start3A_2140 = tpu.memref_squeeze %dma_start3A_2139 : memref<1x128xi32, #tpu.memory_space<vmem>> -> memref<128xi32, #tpu.memory_space<vmem>>
      %dma_start3A_2141 = arith.constant 0 : i32
      %dma_start3A_2142 = arith.constant 0 : i32
      %dma_start3A_2143 = tpu.memref_slice %arg5[%dma_start3A_2141, %dma_start3A_2142] : memref<1000000x64xf32, #tpu.memory_space<hbm>> -> memref<1000000x64xf32, #tpu.memory_space<hbm>>
      tpu.enqueue_indirect_dma source(%dma_start3A_2143 : memref<1000000x64xf32, #tpu.memory_space<hbm>>) target(%dma_start3A_2137 : memref<128x64xf32, #tpu.memory_space<vmem>>) offsets(%dma_start3A_2140 : memref<128xi32, #tpu.memory_space<vmem>>) semaphore(%arg13 : memref<!tpu.dma_semaphore, #tpu.memory_space<semaphore_mem>>)
      %dma_start3A_2144 = arith.constant 3 : i32
      %dma_start3A_2145 = arith.constant 384 : i32
      %dma_start3A_2146 = arith.constant 0 : i32
      %dma_start3A_2147 = tpu.memref_slice %arg11[%dma_start3A_2145, %dma_start3A_2146] : memref<1280x64xf32, #tpu.memory_space<vmem>> -> memref<128x64xf32, #tpu.memory_space<vmem>>
      %dma_start3A_2148 = arith.constant 0 : i32
      %dma_start3A_2149 = tpu.memref_slice %arg10[%dma_start3A_2144, %dma_start3A_2148] : memref<10x128xi32, #tpu.memory_space<vmem>> -> memref<1x128xi32, #tpu.memory_space<vmem>>
      %dma_start3A_2150 = tpu.memref_squeeze %dma_start3A_2149 : memref<1x128xi32, #tpu.memory_space<vmem>> -> memref<128xi32, #tpu.memory_space<vmem>>
      %dma_start3A_2151 = arith.constant 0 : i32
      %dma_start3A_2152 = arith.constant 0 : i32
      %dma_start3A_2153 = tpu.memref_slice %arg5[%dma_start3A_2151, %dma_start3A_2152] : memref<1000000x64xf32, #tpu.memory_space<hbm>> -> memref<1000000x64xf32, #tpu.memory_space<hbm>>
      tpu.enqueue_indirect_dma source(%dma_start3A_2153 : memref<1000000x64xf32, #tpu.memory_space<hbm>>) target(%dma_start3A_2147 : memref<128x64xf32, #tpu.memory_space<vmem>>) offsets(%dma_start3A_2150 : memref<128xi32, #tpu.memory_space<vmem>>) semaphore(%arg13 : memref<!tpu.dma_semaphore, #tpu.memory_space<semaphore_mem>>)
      %dma_start3A_2154 = arith.constant 4 : i32
      %dma_start3A_2155 = arith.constant 512 : i32
      %dma_start3A_2156 = arith.constant 0 : i32
      %dma_start3A_2157 = tpu.memref_slice %arg11[%dma_start3A_2155, %dma_start3A_2156] : memref<1280x64xf32, #tpu.memory_space<vmem>> -> memref<128x64xf32, #tpu.memory_space<vmem>>
      %dma_start3A_2158 = arith.constant 0 : i32
      %dma_start3A_2159 = tpu.memref_slice %arg10[%dma_start3A_2154, %dma_start3A_2158] : memref<10x128xi32, #tpu.memory_space<vmem>> -> memref<1x128xi32, #tpu.memory_space<vmem>>
      %dma_start3A_2160 = tpu.memref_squeeze %dma_start3A_2159 : memref<1x128xi32, #tpu.memory_space<vmem>> -> memref<128xi32, #tpu.memory_space<vmem>>
      %dma_start3A_2161 = arith.constant 0 : i32
      %dma_start3A_2162 = arith.constant 0 : i32
      %dma_start3A_2163 = tpu.memref_slice %arg5[%dma_start3A_2161, %dma_start3A_2162] : memref<1000000x64xf32, #tpu.memory_space<hbm>> -> memref<1000000x64xf32, #tpu.memory_space<hbm>>
      tpu.enqueue_indirect_dma source(%dma_start3A_2163 : memref<1000000x64xf32, #tpu.memory_space<hbm>>) target(%dma_start3A_2157 : memref<128x64xf32, #tpu.memory_space<vmem>>) offsets(%dma_start3A_2160 : memref<128xi32, #tpu.memory_space<vmem>>) semaphore(%arg13 : memref<!tpu.dma_semaphore, #tpu.memory_space<semaphore_mem>>)
      %dma_start3A_2164 = arith.constant 5 : i32
      %dma_start3A_2165 = arith.constant 640 : i32
      %dma_start3A_2166 = arith.constant 0 : i32
      %dma_start3A_2167 = tpu.memref_slice %arg11[%dma_start3A_2165, %dma_start3A_2166] : memref<1280x64xf32, #tpu.memory_space<vmem>> -> memref<128x64xf32, #tpu.memory_space<vmem>>
      %dma_start3A_2168 = arith.constant 0 : i32
      %dma_start3A_2169 = tpu.memref_slice %arg10[%dma_start3A_2164, %dma_start3A_2168] : memref<10x128xi32, #tpu.memory_space<vmem>> -> memref<1x128xi32, #tpu.memory_space<vmem>>
      %dma_start3A_2170 = tpu.memref_squeeze %dma_start3A_2169 : memref<1x128xi32, #tpu.memory_space<vmem>> -> memref<128xi32, #tpu.memory_space<vmem>>
      %dma_start3A_2171 = arith.constant 0 : i32
      %dma_start3A_2172 = arith.constant 0 : i32
      %dma_start3A_2173 = tpu.memref_slice %arg5[%dma_start3A_2171, %dma_start3A_2172] : memref<1000000x64xf32, #tpu.memory_space<hbm>> -> memref<1000000x64xf32, #tpu.memory_space<hbm>>
      tpu.enqueue_indirect_dma source(%dma_start3A_2173 : memref<1000000x64xf32, #tpu.memory_space<hbm>>) target(%dma_start3A_2167 : memref<128x64xf32, #tpu.memory_space<vmem>>) offsets(%dma_start3A_2170 : memref<128xi32, #tpu.memory_space<vmem>>) semaphore(%arg13 : memref<!tpu.dma_semaphore, #tpu.memory_space<semaphore_mem>>)
      %dma_start3A_2174 = arith.constant 6 : i32
      %dma_start3A_2175 = arith.constant 768 : i32
      %dma_start3A_2176 = arith.constant 0 : i32
      %dma_start3A_2177 = tpu.memref_slice %arg11[%dma_start3A_2175, %dma_start3A_2176] : memref<1280x64xf32, #tpu.memory_space<vmem>> -> memref<128x64xf32, #tpu.memory_space<vmem>>
      %dma_start3A_2178 = arith.constant 0 : i32
      %dma_start3A_2179 = tpu.memref_slice %arg10[%dma_start3A_2174, %dma_start3A_2178] : memref<10x128xi32, #tpu.memory_space<vmem>> -> memref<1x128xi32, #tpu.memory_space<vmem>>
      %dma_start3A_2180 = tpu.memref_squeeze %dma_start3A_2179 : memref<1x128xi32, #tpu.memory_space<vmem>> -> memref<128xi32, #tpu.memory_space<vmem>>
      %dma_start3A_2181 = arith.constant 0 : i32
      %dma_start3A_2182 = arith.constant 0 : i32
      %dma_start3A_2183 = tpu.memref_slice %arg5[%dma_start3A_2181, %dma_start3A_2182] : memref<1000000x64xf32, #tpu.memory_space<hbm>> -> memref<1000000x64xf32, #tpu.memory_space<hbm>>
      tpu.enqueue_indirect_dma source(%dma_start3A_2183 : memref<1000000x64xf32, #tpu.memory_space<hbm>>) target(%dma_start3A_2177 : memref<128x64xf32, #tpu.memory_space<vmem>>) offsets(%dma_start3A_2180 : memref<128xi32, #tpu.memory_space<vmem>>) semaphore(%arg13 : memref<!tpu.dma_semaphore, #tpu.memory_space<semaphore_mem>>)
      %dma_start3A_2184 = arith.constant 7 : i32
      %dma_start3A_2185 = arith.constant 896 : i32
      %dma_start3A_2186 = arith.constant 0 : i32
      %dma_start3A_2187 = tpu.memref_slice %arg11[%dma_start3A_2185, %dma_start3A_2186] : memref<1280x64xf32, #tpu.memory_space<vmem>> -> memref<128x64xf32, #tpu.memory_space<vmem>>
      %dma_start3A_2188 = arith.constant 0 : i32
      %dma_start3A_2189 = tpu.memref_slice %arg10[%dma_start3A_2184, %dma_start3A_2188] : memref<10x128xi32, #tpu.memory_space<vmem>> -> memref<1x128xi32, #tpu.memory_space<vmem>>
      %dma_start3A_2190 = tpu.memref_squeeze %dma_start3A_2189 : memref<1x128xi32, #tpu.memory_space<vmem>> -> memref<128xi32, #tpu.memory_space<vmem>>
      %dma_start3A_2191 = arith.constant 0 : i32
      %dma_start3A_2192 = arith.constant 0 : i32
      %dma_start3A_2193 = tpu.memref_slice %arg5[%dma_start3A_2191, %dma_start3A_2192] : memref<1000000x64xf32, #tpu.memory_space<hbm>> -> memref<1000000x64xf32, #tpu.memory_space<hbm>>
      tpu.enqueue_indirect_dma source(%dma_start3A_2193 : memref<1000000x64xf32, #tpu.memory_space<hbm>>) target(%dma_start3A_2187 : memref<128x64xf32, #tpu.memory_space<vmem>>) offsets(%dma_start3A_2190 : memref<128xi32, #tpu.memory_space<vmem>>) semaphore(%arg13 : memref<!tpu.dma_semaphore, #tpu.memory_space<semaphore_mem>>)
      %dma_start3A_2194 = arith.constant 8 : i32
      %dma_start3A_2195 = arith.constant 1024 : i32
      %dma_start3A_2196 = arith.constant 0 : i32
      %dma_start3A_2197 = tpu.memref_slice %arg11[%dma_start3A_2195, %dma_start3A_2196] : memref<1280x64xf32, #tpu.memory_space<vmem>> -> memref<128x64xf32, #tpu.memory_space<vmem>>
      %dma_start3A_2198 = arith.constant 0 : i32
      %dma_start3A_2199 = tpu.memref_slice %arg10[%dma_start3A_2194, %dma_start3A_2198] : memref<10x128xi32, #tpu.memory_space<vmem>> -> memref<1x128xi32, #tpu.memory_space<vmem>>
      %dma_start3A_2200 = tpu.memref_squeeze %dma_start3A_2199 : memref<1x128xi32, #tpu.memory_space<vmem>> -> memref<128xi32, #tpu.memory_space<vmem>>
      %dma_start3A_2201 = arith.constant 0 : i32
      %dma_start3A_2202 = arith.constant 0 : i32
      %dma_start3A_2203 = tpu.memref_slice %arg5[%dma_start3A_2201, %dma_start3A_2202] : memref<1000000x64xf32, #tpu.memory_space<hbm>> -> memref<1000000x64xf32, #tpu.memory_space<hbm>>
      tpu.enqueue_indirect_dma source(%dma_start3A_2203 : memref<1000000x64xf32, #tpu.memory_space<hbm>>) target(%dma_start3A_2197 : memref<128x64xf32, #tpu.memory_space<vmem>>) offsets(%dma_start3A_2200 : memref<128xi32, #tpu.memory_space<vmem>>) semaphore(%arg13 : memref<!tpu.dma_semaphore, #tpu.memory_space<semaphore_mem>>)
      %dma_start3A_2204 = arith.constant 9 : i32
      %dma_start3A_2205 = arith.constant 1152 : i32
      %dma_start3A_2206 = arith.constant 0 : i32
      %dma_start3A_2207 = tpu.memref_slice %arg11[%dma_start3A_2205, %dma_start3A_2206] : memref<1280x64xf32, #tpu.memory_space<vmem>> -> memref<128x64xf32, #tpu.memory_space<vmem>>
      %dma_start3A_2208 = arith.constant 0 : i32
      %dma_start3A_2209 = tpu.memref_slice %arg10[%dma_start3A_2204, %dma_start3A_2208] : memref<10x128xi32, #tpu.memory_space<vmem>> -> memref<1x128xi32, #tpu.memory_space<vmem>>
      %dma_start3A_2210 = tpu.memref_squeeze %dma_start3A_2209 : memref<1x128xi32, #tpu.memory_space<vmem>> -> memref<128xi32, #tpu.memory_space<vmem>>
      %dma_start3A_2211 = arith.constant 0 : i32
      %dma_start3A_2212 = arith.constant 0 : i32
      %dma_start3A_2213 = tpu.memref_slice %arg5[%dma_start3A_2211, %dma_start3A_2212] : memref<1000000x64xf32, #tpu.memory_space<hbm>> -> memref<1000000x64xf32, #tpu.memory_space<hbm>>
      tpu.enqueue_indirect_dma source(%dma_start3A_2213 : memref<1000000x64xf32, #tpu.memory_space<hbm>>) target(%dma_start3A_2207 : memref<128x64xf32, #tpu.memory_space<vmem>>) offsets(%dma_start3A_2210 : memref<128xi32, #tpu.memory_space<vmem>>) semaphore(%arg13 : memref<!tpu.dma_semaphore, #tpu.memory_space<semaphore_mem>>)
      %dma_wait3A = arith.constant 0 : i32
      %dma_wait3A_2214 = arith.constant 0 : i32
      %dma_wait3A_2215 = tpu.memref_slice %arg9[%dma_wait3A_2214] : memref<4096xf32, #tpu.memory_space<vmem>> -> memref<128xf32, #tpu.memory_space<vmem>>
      %dma_wait3A_2216 = arith.constant 0 : i32
      %dma_wait3A_2217 = tpu.memref_slice %arg8[%dma_wait3A, %dma_wait3A_2216] : memref<32x128xi32, #tpu.memory_space<vmem>> -> memref<1x128xi32, #tpu.memory_space<vmem>>
      %dma_wait3A_2218 = tpu.memref_squeeze %dma_wait3A_2217 : memref<1x128xi32, #tpu.memory_space<vmem>> -> memref<128xi32, #tpu.memory_space<vmem>>
      %dma_wait3A_2219 = arith.constant 0 : i32
      %dma_wait3A_2220 = tpu.memref_slice %arg4[%dma_wait3A_2219] : memref<64000000xf32, #tpu.memory_space<hbm>> -> memref<64000000xf32, #tpu.memory_space<hbm>>
      tpu.wait_indirect_dma semaphore(%arg13 : memref<!tpu.dma_semaphore, #tpu.memory_space<semaphore_mem>>) src(%dma_wait3A_2220 : memref<64000000xf32, #tpu.memory_space<hbm>>) dst(%dma_wait3A_2215 : memref<128xf32, #tpu.memory_space<vmem>>)
      %dma_wait3A_2221 = arith.constant 1 : i32
      %dma_wait3A_2222 = arith.constant 128 : i32
      %dma_wait3A_2223 = tpu.memref_slice %arg9[%dma_wait3A_2222] : memref<4096xf32, #tpu.memory_space<vmem>> -> memref<128xf32, #tpu.memory_space<vmem>>
      %dma_wait3A_2224 = arith.constant 0 : i32
      %dma_wait3A_2225 = tpu.memref_slice %arg8[%dma_wait3A_2221, %dma_wait3A_2224] : memref<32x128xi32, #tpu.memory_space<vmem>> -> memref<1x128xi32, #tpu.memory_space<vmem>>
      %dma_wait3A_2226 = tpu.memref_squeeze %dma_wait3A_2225 : memref<1x128xi32, #tpu.memory_space<vmem>> -> memref<128xi32, #tpu.memory_space<vmem>>
      %dma_wait3A_2227 = arith.constant 0 : i32
      %dma_wait3A_2228 = tpu.memref_slice %arg4[%dma_wait3A_2227] : memref<64000000xf32, #tpu.memory_space<hbm>> -> memref<64000000xf32, #tpu.memory_space<hbm>>
      tpu.wait_indirect_dma semaphore(%arg13 : memref<!tpu.dma_semaphore, #tpu.memory_space<semaphore_mem>>) src(%dma_wait3A_2228 : memref<64000000xf32, #tpu.memory_space<hbm>>) dst(%dma_wait3A_2223 : memref<128xf32, #tpu.memory_space<vmem>>)
      %dma_wait3A_2229 = arith.constant 2 : i32
      %dma_wait3A_2230 = arith.constant 256 : i32
      %dma_wait3A_2231 = tpu.memref_slice %arg9[%dma_wait3A_2230] : memref<4096xf32, #tpu.memory_space<vmem>> -> memref<128xf32, #tpu.memory_space<vmem>>
      %dma_wait3A_2232 = arith.constant 0 : i32
      %dma_wait3A_2233 = tpu.memref_slice %arg8[%dma_wait3A_2229, %dma_wait3A_2232] : memref<32x128xi32, #tpu.memory_space<vmem>> -> memref<1x128xi32, #tpu.memory_space<vmem>>
      %dma_wait3A_2234 = tpu.memref_squeeze %dma_wait3A_2233 : memref<1x128xi32, #tpu.memory_space<vmem>> -> memref<128xi32, #tpu.memory_space<vmem>>
      %dma_wait3A_2235 = arith.constant 0 : i32
      %dma_wait3A_2236 = tpu.memref_slice %arg4[%dma_wait3A_2235] : memref<64000000xf32, #tpu.memory_space<hbm>> -> memref<64000000xf32, #tpu.memory_space<hbm>>
      tpu.wait_indirect_dma semaphore(%arg13 : memref<!tpu.dma_semaphore, #tpu.memory_space<semaphore_mem>>) src(%dma_wait3A_2236 : memref<64000000xf32, #tpu.memory_space<hbm>>) dst(%dma_wait3A_2231 : memref<128xf32, #tpu.memory_space<vmem>>)
      %dma_wait3A_2237 = arith.constant 3 : i32
      %dma_wait3A_2238 = arith.constant 384 : i32
      %dma_wait3A_2239 = tpu.memref_slice %arg9[%dma_wait3A_2238] : memref<4096xf32, #tpu.memory_space<vmem>> -> memref<128xf32, #tpu.memory_space<vmem>>
      %dma_wait3A_2240 = arith.constant 0 : i32
      %dma_wait3A_2241 = tpu.memref_slice %arg8[%dma_wait3A_2237, %dma_wait3A_2240] : memref<32x128xi32, #tpu.memory_space<vmem>> -> memref<1x128xi32, #tpu.memory_space<vmem>>
      %dma_wait3A_2242 = tpu.memref_squeeze %dma_wait3A_2241 : memref<1x128xi32, #tpu.memory_space<vmem>> -> memref<128xi32, #tpu.memory_space<vmem>>
      %dma_wait3A_2243 = arith.constant 0 : i32
      %dma_wait3A_2244 = tpu.memref_slice %arg4[%dma_wait3A_2243] : memref<64000000xf32, #tpu.memory_space<hbm>> -> memref<64000000xf32, #tpu.memory_space<hbm>>
      tpu.wait_indirect_dma semaphore(%arg13 : memref<!tpu.dma_semaphore, #tpu.memory_space<semaphore_mem>>) src(%dma_wait3A_2244 : memref<64000000xf32, #tpu.memory_space<hbm>>) dst(%dma_wait3A_2239 : memref<128xf32, #tpu.memory_space<vmem>>)
      %dma_wait3A_2245 = arith.constant 4 : i32
      %dma_wait3A_2246 = arith.constant 512 : i32
      %dma_wait3A_2247 = tpu.memref_slice %arg9[%dma_wait3A_2246] : memref<4096xf32, #tpu.memory_space<vmem>> -> memref<128xf32, #tpu.memory_space<vmem>>
      %dma_wait3A_2248 = arith.constant 0 : i32
      %dma_wait3A_2249 = tpu.memref_slice %arg8[%dma_wait3A_2245, %dma_wait3A_2248] : memref<32x128xi32, #tpu.memory_space<vmem>> -> memref<1x128xi32, #tpu.memory_space<vmem>>
      %dma_wait3A_2250 = tpu.memref_squeeze %dma_wait3A_2249 : memref<1x128xi32, #tpu.memory_space<vmem>> -> memref<128xi32, #tpu.memory_space<vmem>>
      %dma_wait3A_2251 = arith.constant 0 : i32
      %dma_wait3A_2252 = tpu.memref_slice %arg4[%dma_wait3A_2251] : memref<64000000xf32, #tpu.memory_space<hbm>> -> memref<64000000xf32, #tpu.memory_space<hbm>>
      tpu.wait_indirect_dma semaphore(%arg13 : memref<!tpu.dma_semaphore, #tpu.memory_space<semaphore_mem>>) src(%dma_wait3A_2252 : memref<64000000xf32, #tpu.memory_space<hbm>>) dst(%dma_wait3A_2247 : memref<128xf32, #tpu.memory_space<vmem>>)
      %dma_wait3A_2253 = arith.constant 5 : i32
      %dma_wait3A_2254 = arith.constant 640 : i32
      %dma_wait3A_2255 = tpu.memref_slice %arg9[%dma_wait3A_2254] : memref<4096xf32, #tpu.memory_space<vmem>> -> memref<128xf32, #tpu.memory_space<vmem>>
      %dma_wait3A_2256 = arith.constant 0 : i32
      %dma_wait3A_2257 = tpu.memref_slice %arg8[%dma_wait3A_2253, %dma_wait3A_2256] : memref<32x128xi32, #tpu.memory_space<vmem>> -> memref<1x128xi32, #tpu.memory_space<vmem>>
      %dma_wait3A_2258 = tpu.memref_squeeze %dma_wait3A_2257 : memref<1x128xi32, #tpu.memory_space<vmem>> -> memref<128xi32, #tpu.memory_space<vmem>>
      %dma_wait3A_2259 = arith.constant 0 : i32
      %dma_wait3A_2260 = tpu.memref_slice %arg4[%dma_wait3A_2259] : memref<64000000xf32, #tpu.memory_space<hbm>> -> memref<64000000xf32, #tpu.memory_space<hbm>>
      tpu.wait_indirect_dma semaphore(%arg13 : memref<!tpu.dma_semaphore, #tpu.memory_space<semaphore_mem>>) src(%dma_wait3A_2260 : memref<64000000xf32, #tpu.memory_space<hbm>>) dst(%dma_wait3A_2255 : memref<128xf32, #tpu.memory_space<vmem>>)
      %dma_wait3A_2261 = arith.constant 6 : i32
      %dma_wait3A_2262 = arith.constant 768 : i32
      %dma_wait3A_2263 = tpu.memref_slice %arg9[%dma_wait3A_2262] : memref<4096xf32, #tpu.memory_space<vmem>> -> memref<128xf32, #tpu.memory_space<vmem>>
      %dma_wait3A_2264 = arith.constant 0 : i32
      %dma_wait3A_2265 = tpu.memref_slice %arg8[%dma_wait3A_2261, %dma_wait3A_2264] : memref<32x128xi32, #tpu.memory_space<vmem>> -> memref<1x128xi32, #tpu.memory_space<vmem>>
      %dma_wait3A_2266 = tpu.memref_squeeze %dma_wait3A_2265 : memref<1x128xi32, #tpu.memory_space<vmem>> -> memref<128xi32, #tpu.memory_space<vmem>>
      %dma_wait3A_2267 = arith.constant 0 : i32
      %dma_wait3A_2268 = tpu.memref_slice %arg4[%dma_wait3A_2267] : memref<64000000xf32, #tpu.memory_space<hbm>> -> memref<64000000xf32, #tpu.memory_space<hbm>>
      tpu.wait_indirect_dma semaphore(%arg13 : memref<!tpu.dma_semaphore, #tpu.memory_space<semaphore_mem>>) src(%dma_wait3A_2268 : memref<64000000xf32, #tpu.memory_space<hbm>>) dst(%dma_wait3A_2263 : memref<128xf32, #tpu.memory_space<vmem>>)
      %dma_wait3A_2269 = arith.constant 7 : i32
      %dma_wait3A_2270 = arith.constant 896 : i32
      %dma_wait3A_2271 = tpu.memref_slice %arg9[%dma_wait3A_2270] : memref<4096xf32, #tpu.memory_space<vmem>> -> memref<128xf32, #tpu.memory_space<vmem>>
      %dma_wait3A_2272 = arith.constant 0 : i32
      %dma_wait3A_2273 = tpu.memref_slice %arg8[%dma_wait3A_2269, %dma_wait3A_2272] : memref<32x128xi32, #tpu.memory_space<vmem>> -> memref<1x128xi32, #tpu.memory_space<vmem>>
      %dma_wait3A_2274 = tpu.memref_squeeze %dma_wait3A_2273 : memref<1x128xi32, #tpu.memory_space<vmem>> -> memref<128xi32, #tpu.memory_space<vmem>>
      %dma_wait3A_2275 = arith.constant 0 : i32
      %dma_wait3A_2276 = tpu.memref_slice %arg4[%dma_wait3A_2275] : memref<64000000xf32, #tpu.memory_space<hbm>> -> memref<64000000xf32, #tpu.memory_space<hbm>>
      tpu.wait_indirect_dma semaphore(%arg13 : memref<!tpu.dma_semaphore, #tpu.memory_space<semaphore_mem>>) src(%dma_wait3A_2276 : memref<64000000xf32, #tpu.memory_space<hbm>>) dst(%dma_wait3A_2271 : memref<128xf32, #tpu.memory_space<vmem>>)
      %dma_wait3A_2277 = arith.constant 8 : i32
      %dma_wait3A_2278 = arith.constant 1024 : i32
      %dma_wait3A_2279 = tpu.memref_slice %arg9[%dma_wait3A_2278] : memref<4096xf32, #tpu.memory_space<vmem>> -> memref<128xf32, #tpu.memory_space<vmem>>
      %dma_wait3A_2280 = arith.constant 0 : i32
      %dma_wait3A_2281 = tpu.memref_slice %arg8[%dma_wait3A_2277, %dma_wait3A_2280] : memref<32x128xi32, #tpu.memory_space<vmem>> -> memref<1x128xi32, #tpu.memory_space<vmem>>
      %dma_wait3A_2282 = tpu.memref_squeeze %dma_wait3A_2281 : memref<1x128xi32, #tpu.memory_space<vmem>> -> memref<128xi32, #tpu.memory_space<vmem>>
      %dma_wait3A_2283 = arith.constant 0 : i32
      %dma_wait3A_2284 = tpu.memref_slice %arg4[%dma_wait3A_2283] : memref<64000000xf32, #tpu.memory_space<hbm>> -> memref<64000000xf32, #tpu.memory_space<hbm>>
      tpu.wait_indirect_dma semaphore(%arg13 : memref<!tpu.dma_semaphore, #tpu.memory_space<semaphore_mem>>) src(%dma_wait3A_2284 : memref<64000000xf32, #tpu.memory_space<hbm>>) dst(%dma_wait3A_2279 : memref<128xf32, #tpu.memory_space<vmem>>)
      %dma_wait3A_2285 = arith.constant 9 : i32
      %dma_wait3A_2286 = arith.constant 1152 : i32
      %dma_wait3A_2287 = tpu.memref_slice %arg9[%dma_wait3A_2286] : memref<4096xf32, #tpu.memory_space<vmem>> -> memref<128xf32, #tpu.memory_space<vmem>>
      %dma_wait3A_2288 = arith.constant 0 : i32
      %dma_wait3A_2289 = tpu.memref_slice %arg8[%dma_wait3A_2285, %dma_wait3A_2288] : memref<32x128xi32, #tpu.memory_space<vmem>> -> memref<1x128xi32, #tpu.memory_space<vmem>>
      %dma_wait3A_2290 = tpu.memref_squeeze %dma_wait3A_2289 : memref<1x128xi32, #tpu.memory_space<vmem>> -> memref<128xi32, #tpu.memory_space<vmem>>
      %dma_wait3A_2291 = arith.constant 0 : i32
      %dma_wait3A_2292 = tpu.memref_slice %arg4[%dma_wait3A_2291] : memref<64000000xf32, #tpu.memory_space<hbm>> -> memref<64000000xf32, #tpu.memory_space<hbm>>
      tpu.wait_indirect_dma semaphore(%arg13 : memref<!tpu.dma_semaphore, #tpu.memory_space<semaphore_mem>>) src(%dma_wait3A_2292 : memref<64000000xf32, #tpu.memory_space<hbm>>) dst(%dma_wait3A_2287 : memref<128xf32, #tpu.memory_space<vmem>>)
      %dma_wait3A_2293 = arith.constant 10 : i32
      %dma_wait3A_2294 = arith.constant 1280 : i32
      %dma_wait3A_2295 = tpu.memref_slice %arg9[%dma_wait3A_2294] : memref<4096xf32, #tpu.memory_space<vmem>> -> memref<128xf32, #tpu.memory_space<vmem>>
      %dma_wait3A_2296 = arith.constant 0 : i32
      %dma_wait3A_2297 = tpu.memref_slice %arg8[%dma_wait3A_2293, %dma_wait3A_2296] : memref<32x128xi32, #tpu.memory_space<vmem>> -> memref<1x128xi32, #tpu.memory_space<vmem>>
      %dma_wait3A_2298 = tpu.memref_squeeze %dma_wait3A_2297 : memref<1x128xi32, #tpu.memory_space<vmem>> -> memref<128xi32, #tpu.memory_space<vmem>>
      %dma_wait3A_2299 = arith.constant 0 : i32
      %dma_wait3A_2300 = tpu.memref_slice %arg4[%dma_wait3A_2299] : memref<64000000xf32, #tpu.memory_space<hbm>> -> memref<64000000xf32, #tpu.memory_space<hbm>>
      tpu.wait_indirect_dma semaphore(%arg13 : memref<!tpu.dma_semaphore, #tpu.memory_space<semaphore_mem>>) src(%dma_wait3A_2300 : memref<64000000xf32, #tpu.memory_space<hbm>>) dst(%dma_wait3A_2295 : memref<128xf32, #tpu.memory_space<vmem>>)
      %dma_wait3A_2301 = arith.constant 11 : i32
      %dma_wait3A_2302 = arith.constant 1408 : i32
      %dma_wait3A_2303 = tpu.memref_slice %arg9[%dma_wait3A_2302] : memref<4096xf32, #tpu.memory_space<vmem>> -> memref<128xf32, #tpu.memory_space<vmem>>
      %dma_wait3A_2304 = arith.constant 0 : i32
      %dma_wait3A_2305 = tpu.memref_slice %arg8[%dma_wait3A_2301, %dma_wait3A_2304] : memref<32x128xi32, #tpu.memory_space<vmem>> -> memref<1x128xi32, #tpu.memory_space<vmem>>
      %dma_wait3A_2306 = tpu.memref_squeeze %dma_wait3A_2305 : memref<1x128xi32, #tpu.memory_space<vmem>> -> memref<128xi32, #tpu.memory_space<vmem>>
      %dma_wait3A_2307 = arith.constant 0 : i32
      %dma_wait3A_2308 = tpu.memref_slice %arg4[%dma_wait3A_2307] : memref<64000000xf32, #tpu.memory_space<hbm>> -> memref<64000000xf32, #tpu.memory_space<hbm>>
      tpu.wait_indirect_dma semaphore(%arg13 : memref<!tpu.dma_semaphore, #tpu.memory_space<semaphore_mem>>) src(%dma_wait3A_2308 : memref<64000000xf32, #tpu.memory_space<hbm>>) dst(%dma_wait3A_2303 : memref<128xf32, #tpu.memory_space<vmem>>)
      %dma_wait3A_2309 = arith.constant 12 : i32
      %dma_wait3A_2310 = arith.constant 1536 : i32
      %dma_wait3A_2311 = tpu.memref_slice %arg9[%dma_wait3A_2310] : memref<4096xf32, #tpu.memory_space<vmem>> -> memref<128xf32, #tpu.memory_space<vmem>>
      %dma_wait3A_2312 = arith.constant 0 : i32
      %dma_wait3A_2313 = tpu.memref_slice %arg8[%dma_wait3A_2309, %dma_wait3A_2312] : memref<32x128xi32, #tpu.memory_space<vmem>> -> memref<1x128xi32, #tpu.memory_space<vmem>>
      %dma_wait3A_2314 = tpu.memref_squeeze %dma_wait3A_2313 : memref<1x128xi32, #tpu.memory_space<vmem>> -> memref<128xi32, #tpu.memory_space<vmem>>
      %dma_wait3A_2315 = arith.constant 0 : i32
      %dma_wait3A_2316 = tpu.memref_slice %arg4[%dma_wait3A_2315] : memref<64000000xf32, #tpu.memory_space<hbm>> -> memref<64000000xf32, #tpu.memory_space<hbm>>
      tpu.wait_indirect_dma semaphore(%arg13 : memref<!tpu.dma_semaphore, #tpu.memory_space<semaphore_mem>>) src(%dma_wait3A_2316 : memref<64000000xf32, #tpu.memory_space<hbm>>) dst(%dma_wait3A_2311 : memref<128xf32, #tpu.memory_space<vmem>>)
      %dma_wait3A_2317 = arith.constant 13 : i32
      %dma_wait3A_2318 = arith.constant 1664 : i32
      %dma_wait3A_2319 = tpu.memref_slice %arg9[%dma_wait3A_2318] : memref<4096xf32, #tpu.memory_space<vmem>> -> memref<128xf32, #tpu.memory_space<vmem>>
      %dma_wait3A_2320 = arith.constant 0 : i32
      %dma_wait3A_2321 = tpu.memref_slice %arg8[%dma_wait3A_2317, %dma_wait3A_2320] : memref<32x128xi32, #tpu.memory_space<vmem>> -> memref<1x128xi32, #tpu.memory_space<vmem>>
      %dma_wait3A_2322 = tpu.memref_squeeze %dma_wait3A_2321 : memref<1x128xi32, #tpu.memory_space<vmem>> -> memref<128xi32, #tpu.memory_space<vmem>>
      %dma_wait3A_2323 = arith.constant 0 : i32
      %dma_wait3A_2324 = tpu.memref_slice %arg4[%dma_wait3A_2323] : memref<64000000xf32, #tpu.memory_space<hbm>> -> memref<64000000xf32, #tpu.memory_space<hbm>>
      tpu.wait_indirect_dma semaphore(%arg13 : memref<!tpu.dma_semaphore, #tpu.memory_space<semaphore_mem>>) src(%dma_wait3A_2324 : memref<64000000xf32, #tpu.memory_space<hbm>>) dst(%dma_wait3A_2319 : memref<128xf32, #tpu.memory_space<vmem>>)
      %dma_wait3A_2325 = arith.constant 14 : i32
      %dma_wait3A_2326 = arith.constant 1792 : i32
      %dma_wait3A_2327 = tpu.memref_slice %arg9[%dma_wait3A_2326] : memref<4096xf32, #tpu.memory_space<vmem>> -> memref<128xf32, #tpu.memory_space<vmem>>
      %dma_wait3A_2328 = arith.constant 0 : i32
      %dma_wait3A_2329 = tpu.memref_slice %arg8[%dma_wait3A_2325, %dma_wait3A_2328] : memref<32x128xi32, #tpu.memory_space<vmem>> -> memref<1x128xi32, #tpu.memory_space<vmem>>
      %dma_wait3A_2330 = tpu.memref_squeeze %dma_wait3A_2329 : memref<1x128xi32, #tpu.memory_space<vmem>> -> memref<128xi32, #tpu.memory_space<vmem>>
      %dma_wait3A_2331 = arith.constant 0 : i32
      %dma_wait3A_2332 = tpu.memref_slice %arg4[%dma_wait3A_2331] : memref<64000000xf32, #tpu.memory_space<hbm>> -> memref<64000000xf32, #tpu.memory_space<hbm>>
      tpu.wait_indirect_dma semaphore(%arg13 : memref<!tpu.dma_semaphore, #tpu.memory_space<semaphore_mem>>) src(%dma_wait3A_2332 : memref<64000000xf32, #tpu.memory_space<hbm>>) dst(%dma_wait3A_2327 : memref<128xf32, #tpu.memory_space<vmem>>)
      %dma_wait3A_2333 = arith.constant 15 : i32
      %dma_wait3A_2334 = arith.constant 1920 : i32
      %dma_wait3A_2335 = tpu.memref_slice %arg9[%dma_wait3A_2334] : memref<4096xf32, #tpu.memory_space<vmem>> -> memref<128xf32, #tpu.memory_space<vmem>>
      %dma_wait3A_2336 = arith.constant 0 : i32
      %dma_wait3A_2337 = tpu.memref_slice %arg8[%dma_wait3A_2333, %dma_wait3A_2336] : memref<32x128xi32, #tpu.memory_space<vmem>> -> memref<1x128xi32, #tpu.memory_space<vmem>>
      %dma_wait3A_2338 = tpu.memref_squeeze %dma_wait3A_2337 : memref<1x128xi32, #tpu.memory_space<vmem>> -> memref<128xi32, #tpu.memory_space<vmem>>
      %dma_wait3A_2339 = arith.constant 0 : i32
      %dma_wait3A_2340 = tpu.memref_slice %arg4[%dma_wait3A_2339] : memref<64000000xf32, #tpu.memory_space<hbm>> -> memref<64000000xf32, #tpu.memory_space<hbm>>
      tpu.wait_indirect_dma semaphore(%arg13 : memref<!tpu.dma_semaphore, #tpu.memory_space<semaphore_mem>>) src(%dma_wait3A_2340 : memref<64000000xf32, #tpu.memory_space<hbm>>) dst(%dma_wait3A_2335 : memref<128xf32, #tpu.memory_space<vmem>>)
      %dma_wait3A_2341 = arith.constant 16 : i32
      %dma_wait3A_2342 = arith.constant 2048 : i32
      %dma_wait3A_2343 = tpu.memref_slice %arg9[%dma_wait3A_2342] : memref<4096xf32, #tpu.memory_space<vmem>> -> memref<128xf32, #tpu.memory_space<vmem>>
      %dma_wait3A_2344 = arith.constant 0 : i32
      %dma_wait3A_2345 = tpu.memref_slice %arg8[%dma_wait3A_2341, %dma_wait3A_2344] : memref<32x128xi32, #tpu.memory_space<vmem>> -> memref<1x128xi32, #tpu.memory_space<vmem>>
      %dma_wait3A_2346 = tpu.memref_squeeze %dma_wait3A_2345 : memref<1x128xi32, #tpu.memory_space<vmem>> -> memref<128xi32, #tpu.memory_space<vmem>>
      %dma_wait3A_2347 = arith.constant 0 : i32
      %dma_wait3A_2348 = tpu.memref_slice %arg4[%dma_wait3A_2347] : memref<64000000xf32, #tpu.memory_space<hbm>> -> memref<64000000xf32, #tpu.memory_space<hbm>>
      tpu.wait_indirect_dma semaphore(%arg13 : memref<!tpu.dma_semaphore, #tpu.memory_space<semaphore_mem>>) src(%dma_wait3A_2348 : memref<64000000xf32, #tpu.memory_space<hbm>>) dst(%dma_wait3A_2343 : memref<128xf32, #tpu.memory_space<vmem>>)
      %dma_wait3A_2349 = arith.constant 17 : i32
      %dma_wait3A_2350 = arith.constant 2176 : i32
      %dma_wait3A_2351 = tpu.memref_slice %arg9[%dma_wait3A_2350] : memref<4096xf32, #tpu.memory_space<vmem>> -> memref<128xf32, #tpu.memory_space<vmem>>
      %dma_wait3A_2352 = arith.constant 0 : i32
      %dma_wait3A_2353 = tpu.memref_slice %arg8[%dma_wait3A_2349, %dma_wait3A_2352] : memref<32x128xi32, #tpu.memory_space<vmem>> -> memref<1x128xi32, #tpu.memory_space<vmem>>
      %dma_wait3A_2354 = tpu.memref_squeeze %dma_wait3A_2353 : memref<1x128xi32, #tpu.memory_space<vmem>> -> memref<128xi32, #tpu.memory_space<vmem>>
      %dma_wait3A_2355 = arith.constant 0 : i32
      %dma_wait3A_2356 = tpu.memref_slice %arg4[%dma_wait3A_2355] : memref<64000000xf32, #tpu.memory_space<hbm>> -> memref<64000000xf32, #tpu.memory_space<hbm>>
      tpu.wait_indirect_dma semaphore(%arg13 : memref<!tpu.dma_semaphore, #tpu.memory_space<semaphore_mem>>) src(%dma_wait3A_2356 : memref<64000000xf32, #tpu.memory_space<hbm>>) dst(%dma_wait3A_2351 : memref<128xf32, #tpu.memory_space<vmem>>)
      %dma_wait3A_2357 = arith.constant 18 : i32
      %dma_wait3A_2358 = arith.constant 2304 : i32
      %dma_wait3A_2359 = tpu.memref_slice %arg9[%dma_wait3A_2358] : memref<4096xf32, #tpu.memory_space<vmem>> -> memref<128xf32, #tpu.memory_space<vmem>>
      %dma_wait3A_2360 = arith.constant 0 : i32
      %dma_wait3A_2361 = tpu.memref_slice %arg8[%dma_wait3A_2357, %dma_wait3A_2360] : memref<32x128xi32, #tpu.memory_space<vmem>> -> memref<1x128xi32, #tpu.memory_space<vmem>>
      %dma_wait3A_2362 = tpu.memref_squeeze %dma_wait3A_2361 : memref<1x128xi32, #tpu.memory_space<vmem>> -> memref<128xi32, #tpu.memory_space<vmem>>
      %dma_wait3A_2363 = arith.constant 0 : i32
      %dma_wait3A_2364 = tpu.memref_slice %arg4[%dma_wait3A_2363] : memref<64000000xf32, #tpu.memory_space<hbm>> -> memref<64000000xf32, #tpu.memory_space<hbm>>
      tpu.wait_indirect_dma semaphore(%arg13 : memref<!tpu.dma_semaphore, #tpu.memory_space<semaphore_mem>>) src(%dma_wait3A_2364 : memref<64000000xf32, #tpu.memory_space<hbm>>) dst(%dma_wait3A_2359 : memref<128xf32, #tpu.memory_space<vmem>>)
      %dma_wait3A_2365 = arith.constant 19 : i32
      %dma_wait3A_2366 = arith.constant 2432 : i32
      %dma_wait3A_2367 = tpu.memref_slice %arg9[%dma_wait3A_2366] : memref<4096xf32, #tpu.memory_space<vmem>> -> memref<128xf32, #tpu.memory_space<vmem>>
      %dma_wait3A_2368 = arith.constant 0 : i32
      %dma_wait3A_2369 = tpu.memref_slice %arg8[%dma_wait3A_2365, %dma_wait3A_2368] : memref<32x128xi32, #tpu.memory_space<vmem>> -> memref<1x128xi32, #tpu.memory_space<vmem>>
      %dma_wait3A_2370 = tpu.memref_squeeze %dma_wait3A_2369 : memref<1x128xi32, #tpu.memory_space<vmem>> -> memref<128xi32, #tpu.memory_space<vmem>>
      %dma_wait3A_2371 = arith.constant 0 : i32
      %dma_wait3A_2372 = tpu.memref_slice %arg4[%dma_wait3A_2371] : memref<64000000xf32, #tpu.memory_space<hbm>> -> memref<64000000xf32, #tpu.memory_space<hbm>>
      tpu.wait_indirect_dma semaphore(%arg13 : memref<!tpu.dma_semaphore, #tpu.memory_space<semaphore_mem>>) src(%dma_wait3A_2372 : memref<64000000xf32, #tpu.memory_space<hbm>>) dst(%dma_wait3A_2367 : memref<128xf32, #tpu.memory_space<vmem>>)
      %dma_wait3A_2373 = arith.constant 20 : i32
      %dma_wait3A_2374 = arith.constant 2560 : i32
      %dma_wait3A_2375 = tpu.memref_slice %arg9[%dma_wait3A_2374] : memref<4096xf32, #tpu.memory_space<vmem>> -> memref<128xf32, #tpu.memory_space<vmem>>
      %dma_wait3A_2376 = arith.constant 0 : i32
      %dma_wait3A_2377 = tpu.memref_slice %arg8[%dma_wait3A_2373, %dma_wait3A_2376] : memref<32x128xi32, #tpu.memory_space<vmem>> -> memref<1x128xi32, #tpu.memory_space<vmem>>
      %dma_wait3A_2378 = tpu.memref_squeeze %dma_wait3A_2377 : memref<1x128xi32, #tpu.memory_space<vmem>> -> memref<128xi32, #tpu.memory_space<vmem>>
      %dma_wait3A_2379 = arith.constant 0 : i32
      %dma_wait3A_2380 = tpu.memref_slice %arg4[%dma_wait3A_2379] : memref<64000000xf32, #tpu.memory_space<hbm>> -> memref<64000000xf32, #tpu.memory_space<hbm>>
      tpu.wait_indirect_dma semaphore(%arg13 : memref<!tpu.dma_semaphore, #tpu.memory_space<semaphore_mem>>) src(%dma_wait3A_2380 : memref<64000000xf32, #tpu.memory_space<hbm>>) dst(%dma_wait3A_2375 : memref<128xf32, #tpu.memory_space<vmem>>)
      %dma_wait3A_2381 = arith.constant 21 : i32
      %dma_wait3A_2382 = arith.constant 2688 : i32
      %dma_wait3A_2383 = tpu.memref_slice %arg9[%dma_wait3A_2382] : memref<4096xf32, #tpu.memory_space<vmem>> -> memref<128xf32, #tpu.memory_space<vmem>>
      %dma_wait3A_2384 = arith.constant 0 : i32
      %dma_wait3A_2385 = tpu.memref_slice %arg8[%dma_wait3A_2381, %dma_wait3A_2384] : memref<32x128xi32, #tpu.memory_space<vmem>> -> memref<1x128xi32, #tpu.memory_space<vmem>>
      %dma_wait3A_2386 = tpu.memref_squeeze %dma_wait3A_2385 : memref<1x128xi32, #tpu.memory_space<vmem>> -> memref<128xi32, #tpu.memory_space<vmem>>
      %dma_wait3A_2387 = arith.constant 0 : i32
      %dma_wait3A_2388 = tpu.memref_slice %arg4[%dma_wait3A_2387] : memref<64000000xf32, #tpu.memory_space<hbm>> -> memref<64000000xf32, #tpu.memory_space<hbm>>
      tpu.wait_indirect_dma semaphore(%arg13 : memref<!tpu.dma_semaphore, #tpu.memory_space<semaphore_mem>>) src(%dma_wait3A_2388 : memref<64000000xf32, #tpu.memory_space<hbm>>) dst(%dma_wait3A_2383 : memref<128xf32, #tpu.memory_space<vmem>>)
      %dma_wait3A_2389 = arith.constant 22 : i32
      %dma_wait3A_2390 = arith.constant 2816 : i32
      %dma_wait3A_2391 = tpu.memref_slice %arg9[%dma_wait3A_2390] : memref<4096xf32, #tpu.memory_space<vmem>> -> memref<128xf32, #tpu.memory_space<vmem>>
      %dma_wait3A_2392 = arith.constant 0 : i32
      %dma_wait3A_2393 = tpu.memref_slice %arg8[%dma_wait3A_2389, %dma_wait3A_2392] : memref<32x128xi32, #tpu.memory_space<vmem>> -> memref<1x128xi32, #tpu.memory_space<vmem>>
      %dma_wait3A_2394 = tpu.memref_squeeze %dma_wait3A_2393 : memref<1x128xi32, #tpu.memory_space<vmem>> -> memref<128xi32, #tpu.memory_space<vmem>>
      %dma_wait3A_2395 = arith.constant 0 : i32
      %dma_wait3A_2396 = tpu.memref_slice %arg4[%dma_wait3A_2395] : memref<64000000xf32, #tpu.memory_space<hbm>> -> memref<64000000xf32, #tpu.memory_space<hbm>>
      tpu.wait_indirect_dma semaphore(%arg13 : memref<!tpu.dma_semaphore, #tpu.memory_space<semaphore_mem>>) src(%dma_wait3A_2396 : memref<64000000xf32, #tpu.memory_space<hbm>>) dst(%dma_wait3A_2391 : memref<128xf32, #tpu.memory_space<vmem>>)
      %dma_wait3A_2397 = arith.constant 23 : i32
      %dma_wait3A_2398 = arith.constant 2944 : i32
      %dma_wait3A_2399 = tpu.memref_slice %arg9[%dma_wait3A_2398] : memref<4096xf32, #tpu.memory_space<vmem>> -> memref<128xf32, #tpu.memory_space<vmem>>
      %dma_wait3A_2400 = arith.constant 0 : i32
      %dma_wait3A_2401 = tpu.memref_slice %arg8[%dma_wait3A_2397, %dma_wait3A_2400] : memref<32x128xi32, #tpu.memory_space<vmem>> -> memref<1x128xi32, #tpu.memory_space<vmem>>
      %dma_wait3A_2402 = tpu.memref_squeeze %dma_wait3A_2401 : memref<1x128xi32, #tpu.memory_space<vmem>> -> memref<128xi32, #tpu.memory_space<vmem>>
      %dma_wait3A_2403 = arith.constant 0 : i32
      %dma_wait3A_2404 = tpu.memref_slice %arg4[%dma_wait3A_2403] : memref<64000000xf32, #tpu.memory_space<hbm>> -> memref<64000000xf32, #tpu.memory_space<hbm>>
      tpu.wait_indirect_dma semaphore(%arg13 : memref<!tpu.dma_semaphore, #tpu.memory_space<semaphore_mem>>) src(%dma_wait3A_2404 : memref<64000000xf32, #tpu.memory_space<hbm>>) dst(%dma_wait3A_2399 : memref<128xf32, #tpu.memory_space<vmem>>)
      %dma_wait3A_2405 = arith.constant 24 : i32
      %dma_wait3A_2406 = arith.constant 3072 : i32
      %dma_wait3A_2407 = tpu.memref_slice %arg9[%dma_wait3A_2406] : memref<4096xf32, #tpu.memory_space<vmem>> -> memref<128xf32, #tpu.memory_space<vmem>>
      %dma_wait3A_2408 = arith.constant 0 : i32
      %dma_wait3A_2409 = tpu.memref_slice %arg8[%dma_wait3A_2405, %dma_wait3A_2408] : memref<32x128xi32, #tpu.memory_space<vmem>> -> memref<1x128xi32, #tpu.memory_space<vmem>>
      %dma_wait3A_2410 = tpu.memref_squeeze %dma_wait3A_2409 : memref<1x128xi32, #tpu.memory_space<vmem>> -> memref<128xi32, #tpu.memory_space<vmem>>
      %dma_wait3A_2411 = arith.constant 0 : i32
      %dma_wait3A_2412 = tpu.memref_slice %arg4[%dma_wait3A_2411] : memref<64000000xf32, #tpu.memory_space<hbm>> -> memref<64000000xf32, #tpu.memory_space<hbm>>
      tpu.wait_indirect_dma semaphore(%arg13 : memref<!tpu.dma_semaphore, #tpu.memory_space<semaphore_mem>>) src(%dma_wait3A_2412 : memref<64000000xf32, #tpu.memory_space<hbm>>) dst(%dma_wait3A_2407 : memref<128xf32, #tpu.memory_space<vmem>>)
      %dma_wait3A_2413 = arith.constant 25 : i32
      %dma_wait3A_2414 = arith.constant 3200 : i32
      %dma_wait3A_2415 = tpu.memref_slice %arg9[%dma_wait3A_2414] : memref<4096xf32, #tpu.memory_space<vmem>> -> memref<128xf32, #tpu.memory_space<vmem>>
      %dma_wait3A_2416 = arith.constant 0 : i32
      %dma_wait3A_2417 = tpu.memref_slice %arg8[%dma_wait3A_2413, %dma_wait3A_2416] : memref<32x128xi32, #tpu.memory_space<vmem>> -> memref<1x128xi32, #tpu.memory_space<vmem>>
      %dma_wait3A_2418 = tpu.memref_squeeze %dma_wait3A_2417 : memref<1x128xi32, #tpu.memory_space<vmem>> -> memref<128xi32, #tpu.memory_space<vmem>>
      %dma_wait3A_2419 = arith.constant 0 : i32
      %dma_wait3A_2420 = tpu.memref_slice %arg4[%dma_wait3A_2419] : memref<64000000xf32, #tpu.memory_space<hbm>> -> memref<64000000xf32, #tpu.memory_space<hbm>>
      tpu.wait_indirect_dma semaphore(%arg13 : memref<!tpu.dma_semaphore, #tpu.memory_space<semaphore_mem>>) src(%dma_wait3A_2420 : memref<64000000xf32, #tpu.memory_space<hbm>>) dst(%dma_wait3A_2415 : memref<128xf32, #tpu.memory_space<vmem>>)
      %dma_wait3A_2421 = arith.constant 26 : i32
      %dma_wait3A_2422 = arith.constant 3328 : i32
      %dma_wait3A_2423 = tpu.memref_slice %arg9[%dma_wait3A_2422] : memref<4096xf32, #tpu.memory_space<vmem>> -> memref<128xf32, #tpu.memory_space<vmem>>
      %dma_wait3A_2424 = arith.constant 0 : i32
      %dma_wait3A_2425 = tpu.memref_slice %arg8[%dma_wait3A_2421, %dma_wait3A_2424] : memref<32x128xi32, #tpu.memory_space<vmem>> -> memref<1x128xi32, #tpu.memory_space<vmem>>
      %dma_wait3A_2426 = tpu.memref_squeeze %dma_wait3A_2425 : memref<1x128xi32, #tpu.memory_space<vmem>> -> memref<128xi32, #tpu.memory_space<vmem>>
      %dma_wait3A_2427 = arith.constant 0 : i32
      %dma_wait3A_2428 = tpu.memref_slice %arg4[%dma_wait3A_2427] : memref<64000000xf32, #tpu.memory_space<hbm>> -> memref<64000000xf32, #tpu.memory_space<hbm>>
      tpu.wait_indirect_dma semaphore(%arg13 : memref<!tpu.dma_semaphore, #tpu.memory_space<semaphore_mem>>) src(%dma_wait3A_2428 : memref<64000000xf32, #tpu.memory_space<hbm>>) dst(%dma_wait3A_2423 : memref<128xf32, #tpu.memory_space<vmem>>)
      %dma_wait3A_2429 = arith.constant 27 : i32
      %dma_wait3A_2430 = arith.constant 3456 : i32
      %dma_wait3A_2431 = tpu.memref_slice %arg9[%dma_wait3A_2430] : memref<4096xf32, #tpu.memory_space<vmem>> -> memref<128xf32, #tpu.memory_space<vmem>>
      %dma_wait3A_2432 = arith.constant 0 : i32
      %dma_wait3A_2433 = tpu.memref_slice %arg8[%dma_wait3A_2429, %dma_wait3A_2432] : memref<32x128xi32, #tpu.memory_space<vmem>> -> memref<1x128xi32, #tpu.memory_space<vmem>>
      %dma_wait3A_2434 = tpu.memref_squeeze %dma_wait3A_2433 : memref<1x128xi32, #tpu.memory_space<vmem>> -> memref<128xi32, #tpu.memory_space<vmem>>
      %dma_wait3A_2435 = arith.constant 0 : i32
      %dma_wait3A_2436 = tpu.memref_slice %arg4[%dma_wait3A_2435] : memref<64000000xf32, #tpu.memory_space<hbm>> -> memref<64000000xf32, #tpu.memory_space<hbm>>
      tpu.wait_indirect_dma semaphore(%arg13 : memref<!tpu.dma_semaphore, #tpu.memory_space<semaphore_mem>>) src(%dma_wait3A_2436 : memref<64000000xf32, #tpu.memory_space<hbm>>) dst(%dma_wait3A_2431 : memref<128xf32, #tpu.memory_space<vmem>>)
      %dma_wait3A_2437 = arith.constant 28 : i32
      %dma_wait3A_2438 = arith.constant 3584 : i32
      %dma_wait3A_2439 = tpu.memref_slice %arg9[%dma_wait3A_2438] : memref<4096xf32, #tpu.memory_space<vmem>> -> memref<128xf32, #tpu.memory_space<vmem>>
      %dma_wait3A_2440 = arith.constant 0 : i32
      %dma_wait3A_2441 = tpu.memref_slice %arg8[%dma_wait3A_2437, %dma_wait3A_2440] : memref<32x128xi32, #tpu.memory_space<vmem>> -> memref<1x128xi32, #tpu.memory_space<vmem>>
      %dma_wait3A_2442 = tpu.memref_squeeze %dma_wait3A_2441 : memref<1x128xi32, #tpu.memory_space<vmem>> -> memref<128xi32, #tpu.memory_space<vmem>>
      %dma_wait3A_2443 = arith.constant 0 : i32
      %dma_wait3A_2444 = tpu.memref_slice %arg4[%dma_wait3A_2443] : memref<64000000xf32, #tpu.memory_space<hbm>> -> memref<64000000xf32, #tpu.memory_space<hbm>>
      tpu.wait_indirect_dma semaphore(%arg13 : memref<!tpu.dma_semaphore, #tpu.memory_space<semaphore_mem>>) src(%dma_wait3A_2444 : memref<64000000xf32, #tpu.memory_space<hbm>>) dst(%dma_wait3A_2439 : memref<128xf32, #tpu.memory_space<vmem>>)
      %dma_wait3A_2445 = arith.constant 29 : i32
      %dma_wait3A_2446 = arith.constant 3712 : i32
      %dma_wait3A_2447 = tpu.memref_slice %arg9[%dma_wait3A_2446] : memref<4096xf32, #tpu.memory_space<vmem>> -> memref<128xf32, #tpu.memory_space<vmem>>
      %dma_wait3A_2448 = arith.constant 0 : i32
      %dma_wait3A_2449 = tpu.memref_slice %arg8[%dma_wait3A_2445, %dma_wait3A_2448] : memref<32x128xi32, #tpu.memory_space<vmem>> -> memref<1x128xi32, #tpu.memory_space<vmem>>
      %dma_wait3A_2450 = tpu.memref_squeeze %dma_wait3A_2449 : memref<1x128xi32, #tpu.memory_space<vmem>> -> memref<128xi32, #tpu.memory_space<vmem>>
      %dma_wait3A_2451 = arith.constant 0 : i32
      %dma_wait3A_2452 = tpu.memref_slice %arg4[%dma_wait3A_2451] : memref<64000000xf32, #tpu.memory_space<hbm>> -> memref<64000000xf32, #tpu.memory_space<hbm>>
      tpu.wait_indirect_dma semaphore(%arg13 : memref<!tpu.dma_semaphore, #tpu.memory_space<semaphore_mem>>) src(%dma_wait3A_2452 : memref<64000000xf32, #tpu.memory_space<hbm>>) dst(%dma_wait3A_2447 : memref<128xf32, #tpu.memory_space<vmem>>)
      %dma_wait3A_2453 = arith.constant 30 : i32
      %dma_wait3A_2454 = arith.constant 3840 : i32
      %dma_wait3A_2455 = tpu.memref_slice %arg9[%dma_wait3A_2454] : memref<4096xf32, #tpu.memory_space<vmem>> -> memref<128xf32, #tpu.memory_space<vmem>>
      %dma_wait3A_2456 = arith.constant 0 : i32
      %dma_wait3A_2457 = tpu.memref_slice %arg8[%dma_wait3A_2453, %dma_wait3A_2456] : memref<32x128xi32, #tpu.memory_space<vmem>> -> memref<1x128xi32, #tpu.memory_space<vmem>>
      %dma_wait3A_2458 = tpu.memref_squeeze %dma_wait3A_2457 : memref<1x128xi32, #tpu.memory_space<vmem>> -> memref<128xi32, #tpu.memory_space<vmem>>
      %dma_wait3A_2459 = arith.constant 0 : i32
      %dma_wait3A_2460 = tpu.memref_slice %arg4[%dma_wait3A_2459] : memref<64000000xf32, #tpu.memory_space<hbm>> -> memref<64000000xf32, #tpu.memory_space<hbm>>
      tpu.wait_indirect_dma semaphore(%arg13 : memref<!tpu.dma_semaphore, #tpu.memory_space<semaphore_mem>>) src(%dma_wait3A_2460 : memref<64000000xf32, #tpu.memory_space<hbm>>) dst(%dma_wait3A_2455 : memref<128xf32, #tpu.memory_space<vmem>>)
      %dma_wait3A_2461 = arith.constant 31 : i32
      %dma_wait3A_2462 = arith.constant 3968 : i32
      %dma_wait3A_2463 = tpu.memref_slice %arg9[%dma_wait3A_2462] : memref<4096xf32, #tpu.memory_space<vmem>> -> memref<128xf32, #tpu.memory_space<vmem>>
      %dma_wait3A_2464 = arith.constant 0 : i32
      %dma_wait3A_2465 = tpu.memref_slice %arg8[%dma_wait3A_2461, %dma_wait3A_2464] : memref<32x128xi32, #tpu.memory_space<vmem>> -> memref<1x128xi32, #tpu.memory_space<vmem>>
      %dma_wait3A_2466 = tpu.memref_squeeze %dma_wait3A_2465 : memref<1x128xi32, #tpu.memory_space<vmem>> -> memref<128xi32, #tpu.memory_space<vmem>>
      %dma_wait3A_2467 = arith.constant 0 : i32
      %dma_wait3A_2468 = tpu.memref_slice %arg4[%dma_wait3A_2467] : memref<64000000xf32, #tpu.memory_space<hbm>> -> memref<64000000xf32, #tpu.memory_space<hbm>>
      tpu.wait_indirect_dma semaphore(%arg13 : memref<!tpu.dma_semaphore, #tpu.memory_space<semaphore_mem>>) src(%dma_wait3A_2468 : memref<64000000xf32, #tpu.memory_space<hbm>>) dst(%dma_wait3A_2463 : memref<128xf32, #tpu.memory_space<vmem>>)
      %dma_wait3A_2469 = arith.constant 0 : i32
      %dma_wait3A_2470 = arith.constant 0 : i32
      %dma_wait3A_2471 = arith.constant 0 : i32
      %dma_wait3A_2472 = tpu.memref_slice %arg11[%dma_wait3A_2470, %dma_wait3A_2471] : memref<1280x64xf32, #tpu.memory_space<vmem>> -> memref<128x64xf32, #tpu.memory_space<vmem>>
      %dma_wait3A_2473 = arith.constant 0 : i32
      %dma_wait3A_2474 = tpu.memref_slice %arg10[%dma_wait3A_2469, %dma_wait3A_2473] : memref<10x128xi32, #tpu.memory_space<vmem>> -> memref<1x128xi32, #tpu.memory_space<vmem>>
      %dma_wait3A_2475 = tpu.memref_squeeze %dma_wait3A_2474 : memref<1x128xi32, #tpu.memory_space<vmem>> -> memref<128xi32, #tpu.memory_space<vmem>>
      %dma_wait3A_2476 = arith.constant 0 : i32
      %dma_wait3A_2477 = arith.constant 0 : i32
      %dma_wait3A_2478 = tpu.memref_slice %arg5[%dma_wait3A_2476, %dma_wait3A_2477] : memref<1000000x64xf32, #tpu.memory_space<hbm>> -> memref<1000000x64xf32, #tpu.memory_space<hbm>>
      tpu.wait_indirect_dma semaphore(%arg13 : memref<!tpu.dma_semaphore, #tpu.memory_space<semaphore_mem>>) src(%dma_wait3A_2478 : memref<1000000x64xf32, #tpu.memory_space<hbm>>) dst(%dma_wait3A_2472 : memref<128x64xf32, #tpu.memory_space<vmem>>)
      %dma_wait3A_2479 = arith.constant 1 : i32
      %dma_wait3A_2480 = arith.constant 128 : i32
      %dma_wait3A_2481 = arith.constant 0 : i32
      %dma_wait3A_2482 = tpu.memref_slice %arg11[%dma_wait3A_2480, %dma_wait3A_2481] : memref<1280x64xf32, #tpu.memory_space<vmem>> -> memref<128x64xf32, #tpu.memory_space<vmem>>
      %dma_wait3A_2483 = arith.constant 0 : i32
      %dma_wait3A_2484 = tpu.memref_slice %arg10[%dma_wait3A_2479, %dma_wait3A_2483] : memref<10x128xi32, #tpu.memory_space<vmem>> -> memref<1x128xi32, #tpu.memory_space<vmem>>
      %dma_wait3A_2485 = tpu.memref_squeeze %dma_wait3A_2484 : memref<1x128xi32, #tpu.memory_space<vmem>> -> memref<128xi32, #tpu.memory_space<vmem>>
      %dma_wait3A_2486 = arith.constant 0 : i32
      %dma_wait3A_2487 = arith.constant 0 : i32
      %dma_wait3A_2488 = tpu.memref_slice %arg5[%dma_wait3A_2486, %dma_wait3A_2487] : memref<1000000x64xf32, #tpu.memory_space<hbm>> -> memref<1000000x64xf32, #tpu.memory_space<hbm>>
      tpu.wait_indirect_dma semaphore(%arg13 : memref<!tpu.dma_semaphore, #tpu.memory_space<semaphore_mem>>) src(%dma_wait3A_2488 : memref<1000000x64xf32, #tpu.memory_space<hbm>>) dst(%dma_wait3A_2482 : memref<128x64xf32, #tpu.memory_space<vmem>>)
      %dma_wait3A_2489 = arith.constant 2 : i32
      %dma_wait3A_2490 = arith.constant 256 : i32
      %dma_wait3A_2491 = arith.constant 0 : i32
      %dma_wait3A_2492 = tpu.memref_slice %arg11[%dma_wait3A_2490, %dma_wait3A_2491] : memref<1280x64xf32, #tpu.memory_space<vmem>> -> memref<128x64xf32, #tpu.memory_space<vmem>>
      %dma_wait3A_2493 = arith.constant 0 : i32
      %dma_wait3A_2494 = tpu.memref_slice %arg10[%dma_wait3A_2489, %dma_wait3A_2493] : memref<10x128xi32, #tpu.memory_space<vmem>> -> memref<1x128xi32, #tpu.memory_space<vmem>>
      %dma_wait3A_2495 = tpu.memref_squeeze %dma_wait3A_2494 : memref<1x128xi32, #tpu.memory_space<vmem>> -> memref<128xi32, #tpu.memory_space<vmem>>
      %dma_wait3A_2496 = arith.constant 0 : i32
      %dma_wait3A_2497 = arith.constant 0 : i32
      %dma_wait3A_2498 = tpu.memref_slice %arg5[%dma_wait3A_2496, %dma_wait3A_2497] : memref<1000000x64xf32, #tpu.memory_space<hbm>> -> memref<1000000x64xf32, #tpu.memory_space<hbm>>
      tpu.wait_indirect_dma semaphore(%arg13 : memref<!tpu.dma_semaphore, #tpu.memory_space<semaphore_mem>>) src(%dma_wait3A_2498 : memref<1000000x64xf32, #tpu.memory_space<hbm>>) dst(%dma_wait3A_2492 : memref<128x64xf32, #tpu.memory_space<vmem>>)
      %dma_wait3A_2499 = arith.constant 3 : i32
      %dma_wait3A_2500 = arith.constant 384 : i32
      %dma_wait3A_2501 = arith.constant 0 : i32
      %dma_wait3A_2502 = tpu.memref_slice %arg11[%dma_wait3A_2500, %dma_wait3A_2501] : memref<1280x64xf32, #tpu.memory_space<vmem>> -> memref<128x64xf32, #tpu.memory_space<vmem>>
      %dma_wait3A_2503 = arith.constant 0 : i32
      %dma_wait3A_2504 = tpu.memref_slice %arg10[%dma_wait3A_2499, %dma_wait3A_2503] : memref<10x128xi32, #tpu.memory_space<vmem>> -> memref<1x128xi32, #tpu.memory_space<vmem>>
      %dma_wait3A_2505 = tpu.memref_squeeze %dma_wait3A_2504 : memref<1x128xi32, #tpu.memory_space<vmem>> -> memref<128xi32, #tpu.memory_space<vmem>>
      %dma_wait3A_2506 = arith.constant 0 : i32
      %dma_wait3A_2507 = arith.constant 0 : i32
      %dma_wait3A_2508 = tpu.memref_slice %arg5[%dma_wait3A_2506, %dma_wait3A_2507] : memref<1000000x64xf32, #tpu.memory_space<hbm>> -> memref<1000000x64xf32, #tpu.memory_space<hbm>>
      tpu.wait_indirect_dma semaphore(%arg13 : memref<!tpu.dma_semaphore, #tpu.memory_space<semaphore_mem>>) src(%dma_wait3A_2508 : memref<1000000x64xf32, #tpu.memory_space<hbm>>) dst(%dma_wait3A_2502 : memref<128x64xf32, #tpu.memory_space<vmem>>)
      %dma_wait3A_2509 = arith.constant 4 : i32
      %dma_wait3A_2510 = arith.constant 512 : i32
      %dma_wait3A_2511 = arith.constant 0 : i32
      %dma_wait3A_2512 = tpu.memref_slice %arg11[%dma_wait3A_2510, %dma_wait3A_2511] : memref<1280x64xf32, #tpu.memory_space<vmem>> -> memref<128x64xf32, #tpu.memory_space<vmem>>
      %dma_wait3A_2513 = arith.constant 0 : i32
      %dma_wait3A_2514 = tpu.memref_slice %arg10[%dma_wait3A_2509, %dma_wait3A_2513] : memref<10x128xi32, #tpu.memory_space<vmem>> -> memref<1x128xi32, #tpu.memory_space<vmem>>
      %dma_wait3A_2515 = tpu.memref_squeeze %dma_wait3A_2514 : memref<1x128xi32, #tpu.memory_space<vmem>> -> memref<128xi32, #tpu.memory_space<vmem>>
      %dma_wait3A_2516 = arith.constant 0 : i32
      %dma_wait3A_2517 = arith.constant 0 : i32
      %dma_wait3A_2518 = tpu.memref_slice %arg5[%dma_wait3A_2516, %dma_wait3A_2517] : memref<1000000x64xf32, #tpu.memory_space<hbm>> -> memref<1000000x64xf32, #tpu.memory_space<hbm>>
      tpu.wait_indirect_dma semaphore(%arg13 : memref<!tpu.dma_semaphore, #tpu.memory_space<semaphore_mem>>) src(%dma_wait3A_2518 : memref<1000000x64xf32, #tpu.memory_space<hbm>>) dst(%dma_wait3A_2512 : memref<128x64xf32, #tpu.memory_space<vmem>>)
      %dma_wait3A_2519 = arith.constant 5 : i32
      %dma_wait3A_2520 = arith.constant 640 : i32
      %dma_wait3A_2521 = arith.constant 0 : i32
      %dma_wait3A_2522 = tpu.memref_slice %arg11[%dma_wait3A_2520, %dma_wait3A_2521] : memref<1280x64xf32, #tpu.memory_space<vmem>> -> memref<128x64xf32, #tpu.memory_space<vmem>>
      %dma_wait3A_2523 = arith.constant 0 : i32
      %dma_wait3A_2524 = tpu.memref_slice %arg10[%dma_wait3A_2519, %dma_wait3A_2523] : memref<10x128xi32, #tpu.memory_space<vmem>> -> memref<1x128xi32, #tpu.memory_space<vmem>>
      %dma_wait3A_2525 = tpu.memref_squeeze %dma_wait3A_2524 : memref<1x128xi32, #tpu.memory_space<vmem>> -> memref<128xi32, #tpu.memory_space<vmem>>
      %dma_wait3A_2526 = arith.constant 0 : i32
      %dma_wait3A_2527 = arith.constant 0 : i32
      %dma_wait3A_2528 = tpu.memref_slice %arg5[%dma_wait3A_2526, %dma_wait3A_2527] : memref<1000000x64xf32, #tpu.memory_space<hbm>> -> memref<1000000x64xf32, #tpu.memory_space<hbm>>
      tpu.wait_indirect_dma semaphore(%arg13 : memref<!tpu.dma_semaphore, #tpu.memory_space<semaphore_mem>>) src(%dma_wait3A_2528 : memref<1000000x64xf32, #tpu.memory_space<hbm>>) dst(%dma_wait3A_2522 : memref<128x64xf32, #tpu.memory_space<vmem>>)
      %dma_wait3A_2529 = arith.constant 6 : i32
      %dma_wait3A_2530 = arith.constant 768 : i32
      %dma_wait3A_2531 = arith.constant 0 : i32
      %dma_wait3A_2532 = tpu.memref_slice %arg11[%dma_wait3A_2530, %dma_wait3A_2531] : memref<1280x64xf32, #tpu.memory_space<vmem>> -> memref<128x64xf32, #tpu.memory_space<vmem>>
      %dma_wait3A_2533 = arith.constant 0 : i32
      %dma_wait3A_2534 = tpu.memref_slice %arg10[%dma_wait3A_2529, %dma_wait3A_2533] : memref<10x128xi32, #tpu.memory_space<vmem>> -> memref<1x128xi32, #tpu.memory_space<vmem>>
      %dma_wait3A_2535 = tpu.memref_squeeze %dma_wait3A_2534 : memref<1x128xi32, #tpu.memory_space<vmem>> -> memref<128xi32, #tpu.memory_space<vmem>>
      %dma_wait3A_2536 = arith.constant 0 : i32
      %dma_wait3A_2537 = arith.constant 0 : i32
      %dma_wait3A_2538 = tpu.memref_slice %arg5[%dma_wait3A_2536, %dma_wait3A_2537] : memref<1000000x64xf32, #tpu.memory_space<hbm>> -> memref<1000000x64xf32, #tpu.memory_space<hbm>>
      tpu.wait_indirect_dma semaphore(%arg13 : memref<!tpu.dma_semaphore, #tpu.memory_space<semaphore_mem>>) src(%dma_wait3A_2538 : memref<1000000x64xf32, #tpu.memory_space<hbm>>) dst(%dma_wait3A_2532 : memref<128x64xf32, #tpu.memory_space<vmem>>)
      %dma_wait3A_2539 = arith.constant 7 : i32
      %dma_wait3A_2540 = arith.constant 896 : i32
      %dma_wait3A_2541 = arith.constant 0 : i32
      %dma_wait3A_2542 = tpu.memref_slice %arg11[%dma_wait3A_2540, %dma_wait3A_2541] : memref<1280x64xf32, #tpu.memory_space<vmem>> -> memref<128x64xf32, #tpu.memory_space<vmem>>
      %dma_wait3A_2543 = arith.constant 0 : i32
      %dma_wait3A_2544 = tpu.memref_slice %arg10[%dma_wait3A_2539, %dma_wait3A_2543] : memref<10x128xi32, #tpu.memory_space<vmem>> -> memref<1x128xi32, #tpu.memory_space<vmem>>
      %dma_wait3A_2545 = tpu.memref_squeeze %dma_wait3A_2544 : memref<1x128xi32, #tpu.memory_space<vmem>> -> memref<128xi32, #tpu.memory_space<vmem>>
      %dma_wait3A_2546 = arith.constant 0 : i32
      %dma_wait3A_2547 = arith.constant 0 : i32
      %dma_wait3A_2548 = tpu.memref_slice %arg5[%dma_wait3A_2546, %dma_wait3A_2547] : memref<1000000x64xf32, #tpu.memory_space<hbm>> -> memref<1000000x64xf32, #tpu.memory_space<hbm>>
      tpu.wait_indirect_dma semaphore(%arg13 : memref<!tpu.dma_semaphore, #tpu.memory_space<semaphore_mem>>) src(%dma_wait3A_2548 : memref<1000000x64xf32, #tpu.memory_space<hbm>>) dst(%dma_wait3A_2542 : memref<128x64xf32, #tpu.memory_space<vmem>>)
      %dma_wait3A_2549 = arith.constant 8 : i32
      %dma_wait3A_2550 = arith.constant 1024 : i32
      %dma_wait3A_2551 = arith.constant 0 : i32
      %dma_wait3A_2552 = tpu.memref_slice %arg11[%dma_wait3A_2550, %dma_wait3A_2551] : memref<1280x64xf32, #tpu.memory_space<vmem>> -> memref<128x64xf32, #tpu.memory_space<vmem>>
      %dma_wait3A_2553 = arith.constant 0 : i32
      %dma_wait3A_2554 = tpu.memref_slice %arg10[%dma_wait3A_2549, %dma_wait3A_2553] : memref<10x128xi32, #tpu.memory_space<vmem>> -> memref<1x128xi32, #tpu.memory_space<vmem>>
      %dma_wait3A_2555 = tpu.memref_squeeze %dma_wait3A_2554 : memref<1x128xi32, #tpu.memory_space<vmem>> -> memref<128xi32, #tpu.memory_space<vmem>>
      %dma_wait3A_2556 = arith.constant 0 : i32
      %dma_wait3A_2557 = arith.constant 0 : i32
      %dma_wait3A_2558 = tpu.memref_slice %arg5[%dma_wait3A_2556, %dma_wait3A_2557] : memref<1000000x64xf32, #tpu.memory_space<hbm>> -> memref<1000000x64xf32, #tpu.memory_space<hbm>>
      tpu.wait_indirect_dma semaphore(%arg13 : memref<!tpu.dma_semaphore, #tpu.memory_space<semaphore_mem>>) src(%dma_wait3A_2558 : memref<1000000x64xf32, #tpu.memory_space<hbm>>) dst(%dma_wait3A_2552 : memref<128x64xf32, #tpu.memory_space<vmem>>)
      %dma_wait3A_2559 = arith.constant 9 : i32
      %dma_wait3A_2560 = arith.constant 1152 : i32
      %dma_wait3A_2561 = arith.constant 0 : i32
      %dma_wait3A_2562 = tpu.memref_slice %arg11[%dma_wait3A_2560, %dma_wait3A_2561] : memref<1280x64xf32, #tpu.memory_space<vmem>> -> memref<128x64xf32, #tpu.memory_space<vmem>>
      %dma_wait3A_2563 = arith.constant 0 : i32
      %dma_wait3A_2564 = tpu.memref_slice %arg10[%dma_wait3A_2559, %dma_wait3A_2563] : memref<10x128xi32, #tpu.memory_space<vmem>> -> memref<1x128xi32, #tpu.memory_space<vmem>>
      %dma_wait3A_2565 = tpu.memref_squeeze %dma_wait3A_2564 : memref<1x128xi32, #tpu.memory_space<vmem>> -> memref<128xi32, #tpu.memory_space<vmem>>
      %dma_wait3A_2566 = arith.constant 0 : i32
      %dma_wait3A_2567 = arith.constant 0 : i32
      %dma_wait3A_2568 = tpu.memref_slice %arg5[%dma_wait3A_2566, %dma_wait3A_2567] : memref<1000000x64xf32, #tpu.memory_space<hbm>> -> memref<1000000x64xf32, #tpu.memory_space<hbm>>
      tpu.wait_indirect_dma semaphore(%arg13 : memref<!tpu.dma_semaphore, #tpu.memory_space<semaphore_mem>>) src(%dma_wait3A_2568 : memref<1000000x64xf32, #tpu.memory_space<hbm>>) dst(%dma_wait3A_2562 : memref<128x64xf32, #tpu.memory_space<vmem>>)
      %mul3A_2569 = arith.constant 20 : i32
      %mul3A_2570 = vector.broadcast %mul3A_2569 : i32 to vector<16xi32>
      %mul3A_2571 = arith.muli %iota3A, %mul3A_2570 : vector<16xi32>
      %add3A_2572 = arith.constant 0 : i32
      %add3A_2573 = vector.broadcast %add3A_2572 : i32 to vector<16xi32>
      %add3A_2574 = arith.addi %mul3A_2571, %add3A_2573 : vector<16xi32>
      %mul3A_2575 = arith.constant 20 : i32
      %mul3A_2576 = vector.broadcast %mul3A_2575 : i32 to vector<16xi32>
      %mul3A_2577 = arith.muli %iota3A, %mul3A_2576 : vector<16xi32>
      %add3A_2578 = arith.constant 1 : i32
      %add3A_2579 = vector.broadcast %add3A_2578 : i32 to vector<16xi32>
      %add3A_2580 = arith.addi %mul3A_2577, %add3A_2579 : vector<16xi32>
      %mul3A_2581 = arith.constant 20 : i32
      %mul3A_2582 = vector.broadcast %mul3A_2581 : i32 to vector<16xi32>
      %mul3A_2583 = arith.muli %iota3A, %mul3A_2582 : vector<16xi32>
      %add3A_2584 = arith.constant 2 : i32
      %add3A_2585 = vector.broadcast %add3A_2584 : i32 to vector<16xi32>
      %add3A_2586 = arith.addi %mul3A_2583, %add3A_2585 : vector<16xi32>
      %mul3A_2587 = arith.constant 20 : i32
      %mul3A_2588 = vector.broadcast %mul3A_2587 : i32 to vector<16xi32>
      %mul3A_2589 = arith.muli %iota3A, %mul3A_2588 : vector<16xi32>
      %add3A_2590 = arith.constant 3 : i32
      %add3A_2591 = vector.broadcast %add3A_2590 : i32 to vector<16xi32>
      %add3A_2592 = arith.addi %mul3A_2589, %add3A_2591 : vector<16xi32>
      %mul3A_2593 = arith.constant 20 : i32
      %mul3A_2594 = vector.broadcast %mul3A_2593 : i32 to vector<16xi32>
      %mul3A_2595 = arith.muli %iota3A, %mul3A_2594 : vector<16xi32>
      %add3A_2596 = arith.constant 4 : i32
      %add3A_2597 = vector.broadcast %add3A_2596 : i32 to vector<16xi32>
      %add3A_2598 = arith.addi %mul3A_2595, %add3A_2597 : vector<16xi32>
      %mul3A_2599 = arith.constant 20 : i32
      %mul3A_2600 = vector.broadcast %mul3A_2599 : i32 to vector<16xi32>
      %mul3A_2601 = arith.muli %iota3A, %mul3A_2600 : vector<16xi32>
      %add3A_2602 = arith.constant 5 : i32
      %add3A_2603 = vector.broadcast %add3A_2602 : i32 to vector<16xi32>
      %add3A_2604 = arith.addi %mul3A_2601, %add3A_2603 : vector<16xi32>
      %mul3A_2605 = arith.constant 20 : i32
      %mul3A_2606 = vector.broadcast %mul3A_2605 : i32 to vector<16xi32>
      %mul3A_2607 = arith.muli %iota3A, %mul3A_2606 : vector<16xi32>
      %add3A_2608 = arith.constant 6 : i32
      %add3A_2609 = vector.broadcast %add3A_2608 : i32 to vector<16xi32>
      %add3A_2610 = arith.addi %mul3A_2607, %add3A_2609 : vector<16xi32>
      %mul3A_2611 = arith.constant 20 : i32
      %mul3A_2612 = vector.broadcast %mul3A_2611 : i32 to vector<16xi32>
      %mul3A_2613 = arith.muli %iota3A, %mul3A_2612 : vector<16xi32>
      %add3A_2614 = arith.constant 7 : i32
      %add3A_2615 = vector.broadcast %add3A_2614 : i32 to vector<16xi32>
      %add3A_2616 = arith.addi %mul3A_2613, %add3A_2615 : vector<16xi32>
      %mul3A_2617 = arith.constant 20 : i32
      %mul3A_2618 = vector.broadcast %mul3A_2617 : i32 to vector<16xi32>
      %mul3A_2619 = arith.muli %iota3A, %mul3A_2618 : vector<16xi32>
      %add3A_2620 = arith.constant 8 : i32
      %add3A_2621 = vector.broadcast %add3A_2620 : i32 to vector<16xi32>
      %add3A_2622 = arith.addi %mul3A_2619, %add3A_2621 : vector<16xi32>
      %mul3A_2623 = arith.constant 20 : i32
      %mul3A_2624 = vector.broadcast %mul3A_2623 : i32 to vector<16xi32>
      %mul3A_2625 = arith.muli %iota3A, %mul3A_2624 : vector<16xi32>
      %add3A_2626 = arith.constant 9 : i32
      %add3A_2627 = vector.broadcast %add3A_2626 : i32 to vector<16xi32>
      %add3A_2628 = arith.addi %mul3A_2625, %add3A_2627 : vector<16xi32>
      %mul3A_2629 = arith.constant 20 : i32
      %mul3A_2630 = vector.broadcast %mul3A_2629 : i32 to vector<16xi32>
      %mul3A_2631 = arith.muli %iota3A, %mul3A_2630 : vector<16xi32>
      %add3A_2632 = arith.constant 10 : i32
      %add3A_2633 = vector.broadcast %add3A_2632 : i32 to vector<16xi32>
      %add3A_2634 = arith.addi %mul3A_2631, %add3A_2633 : vector<16xi32>
      %mul3A_2635 = arith.constant 20 : i32
      %mul3A_2636 = vector.broadcast %mul3A_2635 : i32 to vector<16xi32>
      %mul3A_2637 = arith.muli %iota3A, %mul3A_2636 : vector<16xi32>
      %add3A_2638 = arith.constant 11 : i32
      %add3A_2639 = vector.broadcast %add3A_2638 : i32 to vector<16xi32>
      %add3A_2640 = arith.addi %mul3A_2637, %add3A_2639 : vector<16xi32>
      %mul3A_2641 = arith.constant 20 : i32
      %mul3A_2642 = vector.broadcast %mul3A_2641 : i32 to vector<16xi32>
      %mul3A_2643 = arith.muli %iota3A, %mul3A_2642 : vector<16xi32>
      %add3A_2644 = arith.constant 12 : i32
      %add3A_2645 = vector.broadcast %add3A_2644 : i32 to vector<16xi32>
      %add3A_2646 = arith.addi %mul3A_2643, %add3A_2645 : vector<16xi32>
      %mul3A_2647 = arith.constant 20 : i32
      %mul3A_2648 = vector.broadcast %mul3A_2647 : i32 to vector<16xi32>
      %mul3A_2649 = arith.muli %iota3A, %mul3A_2648 : vector<16xi32>
      %add3A_2650 = arith.constant 13 : i32
      %add3A_2651 = vector.broadcast %add3A_2650 : i32 to vector<16xi32>
      %add3A_2652 = arith.addi %mul3A_2649, %add3A_2651 : vector<16xi32>
      %mul3A_2653 = arith.constant 20 : i32
      %mul3A_2654 = vector.broadcast %mul3A_2653 : i32 to vector<16xi32>
      %mul3A_2655 = arith.muli %iota3A, %mul3A_2654 : vector<16xi32>
      %add3A_2656 = arith.constant 14 : i32
      %add3A_2657 = vector.broadcast %add3A_2656 : i32 to vector<16xi32>
      %add3A_2658 = arith.addi %mul3A_2655, %add3A_2657 : vector<16xi32>
      %mul3A_2659 = arith.constant 20 : i32
      %mul3A_2660 = vector.broadcast %mul3A_2659 : i32 to vector<16xi32>
      %mul3A_2661 = arith.muli %iota3A, %mul3A_2660 : vector<16xi32>
      %add3A_2662 = arith.constant 15 : i32
      %add3A_2663 = vector.broadcast %add3A_2662 : i32 to vector<16xi32>
      %add3A_2664 = arith.addi %mul3A_2661, %add3A_2663 : vector<16xi32>
      %mul3A_2665 = arith.constant 20 : i32
      %mul3A_2666 = vector.broadcast %mul3A_2665 : i32 to vector<16xi32>
      %mul3A_2667 = arith.muli %iota3A, %mul3A_2666 : vector<16xi32>
      %add3A_2668 = arith.constant 16 : i32
      %add3A_2669 = vector.broadcast %add3A_2668 : i32 to vector<16xi32>
      %add3A_2670 = arith.addi %mul3A_2667, %add3A_2669 : vector<16xi32>
      %mul3A_2671 = arith.constant 20 : i32
      %mul3A_2672 = vector.broadcast %mul3A_2671 : i32 to vector<16xi32>
      %mul3A_2673 = arith.muli %iota3A, %mul3A_2672 : vector<16xi32>
      %add3A_2674 = arith.constant 17 : i32
      %add3A_2675 = vector.broadcast %add3A_2674 : i32 to vector<16xi32>
      %add3A_2676 = arith.addi %mul3A_2673, %add3A_2675 : vector<16xi32>
      %mul3A_2677 = arith.constant 20 : i32
      %mul3A_2678 = vector.broadcast %mul3A_2677 : i32 to vector<16xi32>
      %mul3A_2679 = arith.muli %iota3A, %mul3A_2678 : vector<16xi32>
      %add3A_2680 = arith.constant 18 : i32
      %add3A_2681 = vector.broadcast %add3A_2680 : i32 to vector<16xi32>
      %add3A_2682 = arith.addi %mul3A_2679, %add3A_2681 : vector<16xi32>
      %mul3A_2683 = arith.constant 20 : i32
      %mul3A_2684 = vector.broadcast %mul3A_2683 : i32 to vector<16xi32>
      %mul3A_2685 = arith.muli %iota3A, %mul3A_2684 : vector<16xi32>
      %add3A_2686 = arith.constant 19 : i32
      %add3A_2687 = vector.broadcast %add3A_2686 : i32 to vector<16xi32>
      %add3A_2688 = arith.addi %mul3A_2685, %add3A_2687 : vector<16xi32>
      %broadcast_in_dim3A = arith.constant 0.000000e+00 : f32
      %broadcast_in_dim3A_2689 = vector.broadcast %broadcast_in_dim3A : f32 to vector<16xf32>
      %broadcast_in_dim3A_2690 = arith.constant 0.000000e+00 : f32
      %broadcast_in_dim3A_2691 = vector.broadcast %broadcast_in_dim3A_2690 : f32 to vector<16xf32>
      %broadcast_in_dim3A_2692 = arith.constant 0.000000e+00 : f32
      %broadcast_in_dim3A_2693 = vector.broadcast %broadcast_in_dim3A_2692 : f32 to vector<16xf32>
      %broadcast_in_dim3A_2694 = arith.constant 0.000000e+00 : f32
      %broadcast_in_dim3A_2695 = vector.broadcast %broadcast_in_dim3A_2694 : f32 to vector<16xf32>
      %broadcast_in_dim3A_2696 = arith.constant 0.000000e+00 : f32
      %broadcast_in_dim3A_2697 = vector.broadcast %broadcast_in_dim3A_2696 : f32 to vector<16xf32>
      %broadcast_in_dim3A_2698 = arith.constant 0.000000e+00 : f32
      %broadcast_in_dim3A_2699 = vector.broadcast %broadcast_in_dim3A_2698 : f32 to vector<16xf32>
      %broadcast_in_dim3A_2700 = arith.constant 0.000000e+00 : f32
      %broadcast_in_dim3A_2701 = vector.broadcast %broadcast_in_dim3A_2700 : f32 to vector<16xf32>
      %broadcast_in_dim3A_2702 = arith.constant 0.000000e+00 : f32
      %broadcast_in_dim3A_2703 = vector.broadcast %broadcast_in_dim3A_2702 : f32 to vector<16xf32>
      %broadcast_in_dim3A_2704 = arith.constant 0.000000e+00 : f32
      %broadcast_in_dim3A_2705 = vector.broadcast %broadcast_in_dim3A_2704 : f32 to vector<16xf32>
      %broadcast_in_dim3A_2706 = arith.constant 0.000000e+00 : f32
      %broadcast_in_dim3A_2707 = vector.broadcast %broadcast_in_dim3A_2706 : f32 to vector<16xf32>
      %broadcast_in_dim3A_2708 = arith.constant 0.000000e+00 : f32
      %broadcast_in_dim3A_2709 = vector.broadcast %broadcast_in_dim3A_2708 : f32 to vector<16xf32>
      %broadcast_in_dim3A_2710 = arith.constant 0.000000e+00 : f32
      %broadcast_in_dim3A_2711 = vector.broadcast %broadcast_in_dim3A_2710 : f32 to vector<16xf32>
      %broadcast_in_dim3A_2712 = arith.constant 0.000000e+00 : f32
      %broadcast_in_dim3A_2713 = vector.broadcast %broadcast_in_dim3A_2712 : f32 to vector<16xf32>
      %broadcast_in_dim3A_2714 = arith.constant 0.000000e+00 : f32
      %broadcast_in_dim3A_2715 = vector.broadcast %broadcast_in_dim3A_2714 : f32 to vector<16xf32>
      %broadcast_in_dim3A_2716 = arith.constant 0.000000e+00 : f32
      %broadcast_in_dim3A_2717 = vector.broadcast %broadcast_in_dim3A_2716 : f32 to vector<16xf32>
      %broadcast_in_dim3A_2718 = arith.constant 0.000000e+00 : f32
      %broadcast_in_dim3A_2719 = vector.broadcast %broadcast_in_dim3A_2718 : f32 to vector<16xf32>
      %broadcast_in_dim3A_2720 = arith.constant 0.000000e+00 : f32
      %broadcast_in_dim3A_2721 = vector.broadcast %broadcast_in_dim3A_2720 : f32 to vector<16xf32>
      %broadcast_in_dim3A_2722 = arith.constant 0.000000e+00 : f32
      %broadcast_in_dim3A_2723 = vector.broadcast %broadcast_in_dim3A_2722 : f32 to vector<16xf32>
      %broadcast_in_dim3A_2724 = arith.constant 0.000000e+00 : f32
      %broadcast_in_dim3A_2725 = vector.broadcast %broadcast_in_dim3A_2724 : f32 to vector<16xf32>
      %broadcast_in_dim3A_2726 = arith.constant 0.000000e+00 : f32
      %broadcast_in_dim3A_2727 = vector.broadcast %broadcast_in_dim3A_2726 : f32 to vector<16xf32>
      %scan3A_2728 = arith.constant 0 : i32
      %scan3A_2729 = arith.constant 64 : i32
      %scan3A_2730 = arith.addi %scan3A_2728, %scan3A_2729 : i32
      %scan3A_2731 = arith.constant 1 : i32
      %scan3A_2732:20 = scf.for %scan3A_3234 = %scan3A_2728 to %scan3A_2730 step %scan3A_2731 iter_args(%scan3A_3235 = %broadcast_in_dim3A_2689, %scan3A_3236 = %broadcast_in_dim3A_2691, %scan3A_3237 = %broadcast_in_dim3A_2693, %scan3A_3238 = %broadcast_in_dim3A_2695, %scan3A_3239 = %broadcast_in_dim3A_2697, %scan3A_3240 = %broadcast_in_dim3A_2699, %scan3A_3241 = %broadcast_in_dim3A_2701, %scan3A_3242 = %broadcast_in_dim3A_2703, %scan3A_3243 = %broadcast_in_dim3A_2705, %scan3A_3244 = %broadcast_in_dim3A_2707, %scan3A_3245 = %broadcast_in_dim3A_2709, %scan3A_3246 = %broadcast_in_dim3A_2711, %scan3A_3247 = %broadcast_in_dim3A_2713, %scan3A_3248 = %broadcast_in_dim3A_2715, %scan3A_3249 = %broadcast_in_dim3A_2717, %scan3A_3250 = %broadcast_in_dim3A_2719, %scan3A_3251 = %broadcast_in_dim3A_2721, %scan3A_3252 = %broadcast_in_dim3A_2723, %scan3A_3253 = %broadcast_in_dim3A_2725, %scan3A_3254 = %broadcast_in_dim3A_2727) -> (vector<16xf32>, vector<16xf32>, vector<16xf32>, vector<16xf32>, vector<16xf32>, vector<16xf32>, vector<16xf32>, vector<16xf32>, vector<16xf32>, vector<16xf32>, vector<16xf32>, vector<16xf32>, vector<16xf32>, vector<16xf32>, vector<16xf32>, vector<16xf32>, vector<16xf32>, vector<16xf32>, vector<16xf32>, vector<16xf32>)  : i32 {
        %mul3A_3255 = arith.constant 64 : i32
        %mul3A_3256 = arith.muli %scan3A_3234, %mul3A_3255 : i32
        %add3A_3257 = arith.constant 0 : i32
        %add3A_3258 = arith.addi %mul3A_3256, %add3A_3257 : i32
        %get3A_3259 = arith.index_cast %add3A_3258 : i32 to index
        %get3A_3260 = tpu.vector_load %arg9[%get3A_3259] {strides = array<i32>} : memref<4096xf32, #tpu.memory_space<vmem>>, vector<16xf32>,
        %broadcast_in_dim3A_3261 = vector.broadcast %scan3A_3234 : i32 to vector<16xi32>
        %gather3A = tpu.vector_load_idx %arg11[%add3A_2574, %broadcast_in_dim3A_3261] : memref<1280x64xf32, #tpu.memory_space<vmem>>[vector<16xi32>, vector<16xi32>], vector<16xf32>,
        %mul3A_3262 = arith.mulf %get3A_3260, %gather3A : vector<16xf32>
        %add3A_3263 = arith.addf %scan3A_3235, %mul3A_3262 : vector<16xf32>
        %gather3A_3264 = tpu.vector_load_idx %arg11[%add3A_2580, %broadcast_in_dim3A_3261] : memref<1280x64xf32, #tpu.memory_space<vmem>>[vector<16xi32>, vector<16xi32>], vector<16xf32>,
        %mul3A_3265 = arith.mulf %get3A_3260, %gather3A_3264 : vector<16xf32>
        %add3A_3266 = arith.addf %scan3A_3236, %mul3A_3265 : vector<16xf32>
        %gather3A_3267 = tpu.vector_load_idx %arg11[%add3A_2586, %broadcast_in_dim3A_3261] : memref<1280x64xf32, #tpu.memory_space<vmem>>[vector<16xi32>, vector<16xi32>], vector<16xf32>,
        %mul3A_3268 = arith.mulf %get3A_3260, %gather3A_3267 : vector<16xf32>
        %add3A_3269 = arith.addf %scan3A_3237, %mul3A_3268 : vector<16xf32>
        %gather3A_3270 = tpu.vector_load_idx %arg11[%add3A_2592, %broadcast_in_dim3A_3261] : memref<1280x64xf32, #tpu.memory_space<vmem>>[vector<16xi32>, vector<16xi32>], vector<16xf32>,
        %mul3A_3271 = arith.mulf %get3A_3260, %gather3A_3270 : vector<16xf32>
        %add3A_3272 = arith.addf %scan3A_3238, %mul3A_3271 : vector<16xf32>
        %gather3A_3273 = tpu.vector_load_idx %arg11[%add3A_2598, %broadcast_in_dim3A_3261] : memref<1280x64xf32, #tpu.memory_space<vmem>>[vector<16xi32>, vector<16xi32>], vector<16xf32>,
        %mul3A_3274 = arith.mulf %get3A_3260, %gather3A_3273 : vector<16xf32>
        %add3A_3275 = arith.addf %scan3A_3239, %mul3A_3274 : vector<16xf32>
        %gather3A_3276 = tpu.vector_load_idx %arg11[%add3A_2604, %broadcast_in_dim3A_3261] : memref<1280x64xf32, #tpu.memory_space<vmem>>[vector<16xi32>, vector<16xi32>], vector<16xf32>,
        %mul3A_3277 = arith.mulf %get3A_3260, %gather3A_3276 : vector<16xf32>
        %add3A_3278 = arith.addf %scan3A_3240, %mul3A_3277 : vector<16xf32>
        %gather3A_3279 = tpu.vector_load_idx %arg11[%add3A_2610, %broadcast_in_dim3A_3261] : memref<1280x64xf32, #tpu.memory_space<vmem>>[vector<16xi32>, vector<16xi32>], vector<16xf32>,
        %mul3A_3280 = arith.mulf %get3A_3260, %gather3A_3279 : vector<16xf32>
        %add3A_3281 = arith.addf %scan3A_3241, %mul3A_3280 : vector<16xf32>
        %gather3A_3282 = tpu.vector_load_idx %arg11[%add3A_2616, %broadcast_in_dim3A_3261] : memref<1280x64xf32, #tpu.memory_space<vmem>>[vector<16xi32>, vector<16xi32>], vector<16xf32>,
        %mul3A_3283 = arith.mulf %get3A_3260, %gather3A_3282 : vector<16xf32>
        %add3A_3284 = arith.addf %scan3A_3242, %mul3A_3283 : vector<16xf32>
        %gather3A_3285 = tpu.vector_load_idx %arg11[%add3A_2622, %broadcast_in_dim3A_3261] : memref<1280x64xf32, #tpu.memory_space<vmem>>[vector<16xi32>, vector<16xi32>], vector<16xf32>,
        %mul3A_3286 = arith.mulf %get3A_3260, %gather3A_3285 : vector<16xf32>
        %add3A_3287 = arith.addf %scan3A_3243, %mul3A_3286 : vector<16xf32>
        %gather3A_3288 = tpu.vector_load_idx %arg11[%add3A_2628, %broadcast_in_dim3A_3261] : memref<1280x64xf32, #tpu.memory_space<vmem>>[vector<16xi32>, vector<16xi32>], vector<16xf32>,
        %mul3A_3289 = arith.mulf %get3A_3260, %gather3A_3288 : vector<16xf32>
        %add3A_3290 = arith.addf %scan3A_3244, %mul3A_3289 : vector<16xf32>
        %gather3A_3291 = tpu.vector_load_idx %arg11[%add3A_2634, %broadcast_in_dim3A_3261] : memref<1280x64xf32, #tpu.memory_space<vmem>>[vector<16xi32>, vector<16xi32>], vector<16xf32>,
        %mul3A_3292 = arith.mulf %get3A_3260, %gather3A_3291 : vector<16xf32>
        %add3A_3293 = arith.addf %scan3A_3245, %mul3A_3292 : vector<16xf32>
        %gather3A_3294 = tpu.vector_load_idx %arg11[%add3A_2640, %broadcast_in_dim3A_3261] : memref<1280x64xf32, #tpu.memory_space<vmem>>[vector<16xi32>, vector<16xi32>], vector<16xf32>,
        %mul3A_3295 = arith.mulf %get3A_3260, %gather3A_3294 : vector<16xf32>
        %add3A_3296 = arith.addf %scan3A_3246, %mul3A_3295 : vector<16xf32>
        %gather3A_3297 = tpu.vector_load_idx %arg11[%add3A_2646, %broadcast_in_dim3A_3261] : memref<1280x64xf32, #tpu.memory_space<vmem>>[vector<16xi32>, vector<16xi32>], vector<16xf32>,
        %mul3A_3298 = arith.mulf %get3A_3260, %gather3A_3297 : vector<16xf32>
        %add3A_3299 = arith.addf %scan3A_3247, %mul3A_3298 : vector<16xf32>
        %gather3A_3300 = tpu.vector_load_idx %arg11[%add3A_2652, %broadcast_in_dim3A_3261] : memref<1280x64xf32, #tpu.memory_space<vmem>>[vector<16xi32>, vector<16xi32>], vector<16xf32>,
        %mul3A_3301 = arith.mulf %get3A_3260, %gather3A_3300 : vector<16xf32>
        %add3A_3302 = arith.addf %scan3A_3248, %mul3A_3301 : vector<16xf32>
        %gather3A_3303 = tpu.vector_load_idx %arg11[%add3A_2658, %broadcast_in_dim3A_3261] : memref<1280x64xf32, #tpu.memory_space<vmem>>[vector<16xi32>, vector<16xi32>], vector<16xf32>,
        %mul3A_3304 = arith.mulf %get3A_3260, %gather3A_3303 : vector<16xf32>
        %add3A_3305 = arith.addf %scan3A_3249, %mul3A_3304 : vector<16xf32>
        %gather3A_3306 = tpu.vector_load_idx %arg11[%add3A_2664, %broadcast_in_dim3A_3261] : memref<1280x64xf32, #tpu.memory_space<vmem>>[vector<16xi32>, vector<16xi32>], vector<16xf32>,
        %mul3A_3307 = arith.mulf %get3A_3260, %gather3A_3306 : vector<16xf32>
        %add3A_3308 = arith.addf %scan3A_3250, %mul3A_3307 : vector<16xf32>
        %gather3A_3309 = tpu.vector_load_idx %arg11[%add3A_2670, %broadcast_in_dim3A_3261] : memref<1280x64xf32, #tpu.memory_space<vmem>>[vector<16xi32>, vector<16xi32>], vector<16xf32>,
        %mul3A_3310 = arith.mulf %get3A_3260, %gather3A_3309 : vector<16xf32>
        %add3A_3311 = arith.addf %scan3A_3251, %mul3A_3310 : vector<16xf32>
        %gather3A_3312 = tpu.vector_load_idx %arg11[%add3A_2676, %broadcast_in_dim3A_3261] : memref<1280x64xf32, #tpu.memory_space<vmem>>[vector<16xi32>, vector<16xi32>], vector<16xf32>,
        %mul3A_3313 = arith.mulf %get3A_3260, %gather3A_3312 : vector<16xf32>
        %add3A_3314 = arith.addf %scan3A_3252, %mul3A_3313 : vector<16xf32>
        %gather3A_3315 = tpu.vector_load_idx %arg11[%add3A_2682, %broadcast_in_dim3A_3261] : memref<1280x64xf32, #tpu.memory_space<vmem>>[vector<16xi32>, vector<16xi32>], vector<16xf32>,
        %mul3A_3316 = arith.mulf %get3A_3260, %gather3A_3315 : vector<16xf32>
        %add3A_3317 = arith.addf %scan3A_3253, %mul3A_3316 : vector<16xf32>
        %gather3A_3318 = tpu.vector_load_idx %arg11[%add3A_2688, %broadcast_in_dim3A_3261] : memref<1280x64xf32, #tpu.memory_space<vmem>>[vector<16xi32>, vector<16xi32>], vector<16xf32>,
        %mul3A_3319 = arith.mulf %get3A_3260, %gather3A_3318 : vector<16xf32>
        %add3A_3320 = arith.addf %scan3A_3254, %mul3A_3319 : vector<16xf32>
        scf.yield %add3A_3263, %add3A_3266, %add3A_3269, %add3A_3272, %add3A_3275, %add3A_3278, %add3A_3281, %add3A_3284, %add3A_3287, %add3A_3290, %add3A_3293, %add3A_3296, %add3A_3299, %add3A_3302, %add3A_3305, %add3A_3308, %add3A_3311, %add3A_3314, %add3A_3317, %add3A_3320 : vector<16xf32>, vector<16xf32>, vector<16xf32>, vector<16xf32>, vector<16xf32>, vector<16xf32>, vector<16xf32>, vector<16xf32>, vector<16xf32>, vector<16xf32>, vector<16xf32>, vector<16xf32>, vector<16xf32>, vector<16xf32>, vector<16xf32>, vector<16xf32>, vector<16xf32>, vector<16xf32>, vector<16xf32>, vector<16xf32>
      }
      %scan3A_2733 = arith.constant 64 : i32
      tpu.vector_store_idx %arg12[%add3A_2574], %scan3A_2732#0 : memref<1280xf32, #tpu.memory_space<vmem>>[vector<16xi32>], vector<16xf32>,
      tpu.vector_store_idx %arg12[%add3A_2580], %scan3A_2732#1 : memref<1280xf32, #tpu.memory_space<vmem>>[vector<16xi32>], vector<16xf32>,
      tpu.vector_store_idx %arg12[%add3A_2586], %scan3A_2732#2 : memref<1280xf32, #tpu.memory_space<vmem>>[vector<16xi32>], vector<16xf32>,
      tpu.vector_store_idx %arg12[%add3A_2592], %scan3A_2732#3 : memref<1280xf32, #tpu.memory_space<vmem>>[vector<16xi32>], vector<16xf32>,
      tpu.vector_store_idx %arg12[%add3A_2598], %scan3A_2732#4 : memref<1280xf32, #tpu.memory_space<vmem>>[vector<16xi32>], vector<16xf32>,
      tpu.vector_store_idx %arg12[%add3A_2604], %scan3A_2732#5 : memref<1280xf32, #tpu.memory_space<vmem>>[vector<16xi32>], vector<16xf32>,
      tpu.vector_store_idx %arg12[%add3A_2610], %scan3A_2732#6 : memref<1280xf32, #tpu.memory_space<vmem>>[vector<16xi32>], vector<16xf32>,
      tpu.vector_store_idx %arg12[%add3A_2616], %scan3A_2732#7 : memref<1280xf32, #tpu.memory_space<vmem>>[vector<16xi32>], vector<16xf32>,
      tpu.vector_store_idx %arg12[%add3A_2622], %scan3A_2732#8 : memref<1280xf32, #tpu.memory_space<vmem>>[vector<16xi32>], vector<16xf32>,
      tpu.vector_store_idx %arg12[%add3A_2628], %scan3A_2732#9 : memref<1280xf32, #tpu.memory_space<vmem>>[vector<16xi32>], vector<16xf32>,
      tpu.vector_store_idx %arg12[%add3A_2634], %scan3A_2732#10 : memref<1280xf32, #tpu.memory_space<vmem>>[vector<16xi32>], vector<16xf32>,
      tpu.vector_store_idx %arg12[%add3A_2640], %scan3A_2732#11 : memref<1280xf32, #tpu.memory_space<vmem>>[vector<16xi32>], vector<16xf32>,
      tpu.vector_store_idx %arg12[%add3A_2646], %scan3A_2732#12 : memref<1280xf32, #tpu.memory_space<vmem>>[vector<16xi32>], vector<16xf32>,
      tpu.vector_store_idx %arg12[%add3A_2652], %scan3A_2732#13 : memref<1280xf32, #tpu.memory_space<vmem>>[vector<16xi32>], vector<16xf32>,
      tpu.vector_store_idx %arg12[%add3A_2658], %scan3A_2732#14 : memref<1280xf32, #tpu.memory_space<vmem>>[vector<16xi32>], vector<16xf32>,
      tpu.vector_store_idx %arg12[%add3A_2664], %scan3A_2732#15 : memref<1280xf32, #tpu.memory_space<vmem>>[vector<16xi32>], vector<16xf32>,
      tpu.vector_store_idx %arg12[%add3A_2670], %scan3A_2732#16 : memref<1280xf32, #tpu.memory_space<vmem>>[vector<16xi32>], vector<16xf32>,
      tpu.vector_store_idx %arg12[%add3A_2676], %scan3A_2732#17 : memref<1280xf32, #tpu.memory_space<vmem>>[vector<16xi32>], vector<16xf32>,
      tpu.vector_store_idx %arg12[%add3A_2682], %scan3A_2732#18 : memref<1280xf32, #tpu.memory_space<vmem>>[vector<16xi32>], vector<16xf32>,
      tpu.vector_store_idx %arg12[%add3A_2688], %scan3A_2732#19 : memref<1280xf32, #tpu.memory_space<vmem>>[vector<16xi32>], vector<16xf32>,
      %mul3A_2734 = arith.constant 20 : i32
      %mul3A_2735 = vector.broadcast %mul3A_2734 : i32 to vector<16xi32>
      %mul3A_2736 = arith.muli %iota3A, %mul3A_2735 : vector<16xi32>
      %add3A_2737 = arith.constant 320 : i32
      %add3A_2738 = vector.broadcast %add3A_2737 : i32 to vector<16xi32>
      %add3A_2739 = arith.addi %mul3A_2736, %add3A_2738 : vector<16xi32>
      %mul3A_2740 = arith.constant 20 : i32
      %mul3A_2741 = vector.broadcast %mul3A_2740 : i32 to vector<16xi32>
      %mul3A_2742 = arith.muli %iota3A, %mul3A_2741 : vector<16xi32>
      %add3A_2743 = arith.constant 321 : i32
      %add3A_2744 = vector.broadcast %add3A_2743 : i32 to vector<16xi32>
      %add3A_2745 = arith.addi %mul3A_2742, %add3A_2744 : vector<16xi32>
      %mul3A_2746 = arith.constant 20 : i32
      %mul3A_2747 = vector.broadcast %mul3A_2746 : i32 to vector<16xi32>
      %mul3A_2748 = arith.muli %iota3A, %mul3A_2747 : vector<16xi32>
      %add3A_2749 = arith.constant 322 : i32
      %add3A_2750 = vector.broadcast %add3A_2749 : i32 to vector<16xi32>
      %add3A_2751 = arith.addi %mul3A_2748, %add3A_2750 : vector<16xi32>
      %mul3A_2752 = arith.constant 20 : i32
      %mul3A_2753 = vector.broadcast %mul3A_2752 : i32 to vector<16xi32>
      %mul3A_2754 = arith.muli %iota3A, %mul3A_2753 : vector<16xi32>
      %add3A_2755 = arith.constant 323 : i32
      %add3A_2756 = vector.broadcast %add3A_2755 : i32 to vector<16xi32>
      %add3A_2757 = arith.addi %mul3A_2754, %add3A_2756 : vector<16xi32>
      %mul3A_2758 = arith.constant 20 : i32
      %mul3A_2759 = vector.broadcast %mul3A_2758 : i32 to vector<16xi32>
      %mul3A_2760 = arith.muli %iota3A, %mul3A_2759 : vector<16xi32>
      %add3A_2761 = arith.constant 324 : i32
      %add3A_2762 = vector.broadcast %add3A_2761 : i32 to vector<16xi32>
      %add3A_2763 = arith.addi %mul3A_2760, %add3A_2762 : vector<16xi32>
      %mul3A_2764 = arith.constant 20 : i32
      %mul3A_2765 = vector.broadcast %mul3A_2764 : i32 to vector<16xi32>
      %mul3A_2766 = arith.muli %iota3A, %mul3A_2765 : vector<16xi32>
      %add3A_2767 = arith.constant 325 : i32
      %add3A_2768 = vector.broadcast %add3A_2767 : i32 to vector<16xi32>
      %add3A_2769 = arith.addi %mul3A_2766, %add3A_2768 : vector<16xi32>
      %mul3A_2770 = arith.constant 20 : i32
      %mul3A_2771 = vector.broadcast %mul3A_2770 : i32 to vector<16xi32>
      %mul3A_2772 = arith.muli %iota3A, %mul3A_2771 : vector<16xi32>
      %add3A_2773 = arith.constant 326 : i32
      %add3A_2774 = vector.broadcast %add3A_2773 : i32 to vector<16xi32>
      %add3A_2775 = arith.addi %mul3A_2772, %add3A_2774 : vector<16xi32>
      %mul3A_2776 = arith.constant 20 : i32
      %mul3A_2777 = vector.broadcast %mul3A_2776 : i32 to vector<16xi32>
      %mul3A_2778 = arith.muli %iota3A, %mul3A_2777 : vector<16xi32>
      %add3A_2779 = arith.constant 327 : i32
      %add3A_2780 = vector.broadcast %add3A_2779 : i32 to vector<16xi32>
      %add3A_2781 = arith.addi %mul3A_2778, %add3A_2780 : vector<16xi32>
      %mul3A_2782 = arith.constant 20 : i32
      %mul3A_2783 = vector.broadcast %mul3A_2782 : i32 to vector<16xi32>
      %mul3A_2784 = arith.muli %iota3A, %mul3A_2783 : vector<16xi32>
      %add3A_2785 = arith.constant 328 : i32
      %add3A_2786 = vector.broadcast %add3A_2785 : i32 to vector<16xi32>
      %add3A_2787 = arith.addi %mul3A_2784, %add3A_2786 : vector<16xi32>
      %mul3A_2788 = arith.constant 20 : i32
      %mul3A_2789 = vector.broadcast %mul3A_2788 : i32 to vector<16xi32>
      %mul3A_2790 = arith.muli %iota3A, %mul3A_2789 : vector<16xi32>
      %add3A_2791 = arith.constant 329 : i32
      %add3A_2792 = vector.broadcast %add3A_2791 : i32 to vector<16xi32>
      %add3A_2793 = arith.addi %mul3A_2790, %add3A_2792 : vector<16xi32>
      %mul3A_2794 = arith.constant 20 : i32
      %mul3A_2795 = vector.broadcast %mul3A_2794 : i32 to vector<16xi32>
      %mul3A_2796 = arith.muli %iota3A, %mul3A_2795 : vector<16xi32>
      %add3A_2797 = arith.constant 330 : i32
      %add3A_2798 = vector.broadcast %add3A_2797 : i32 to vector<16xi32>
      %add3A_2799 = arith.addi %mul3A_2796, %add3A_2798 : vector<16xi32>
      %mul3A_2800 = arith.constant 20 : i32
      %mul3A_2801 = vector.broadcast %mul3A_2800 : i32 to vector<16xi32>
      %mul3A_2802 = arith.muli %iota3A, %mul3A_2801 : vector<16xi32>
      %add3A_2803 = arith.constant 331 : i32
      %add3A_2804 = vector.broadcast %add3A_2803 : i32 to vector<16xi32>
      %add3A_2805 = arith.addi %mul3A_2802, %add3A_2804 : vector<16xi32>
      %mul3A_2806 = arith.constant 20 : i32
      %mul3A_2807 = vector.broadcast %mul3A_2806 : i32 to vector<16xi32>
      %mul3A_2808 = arith.muli %iota3A, %mul3A_2807 : vector<16xi32>
      %add3A_2809 = arith.constant 332 : i32
      %add3A_2810 = vector.broadcast %add3A_2809 : i32 to vector<16xi32>
      %add3A_2811 = arith.addi %mul3A_2808, %add3A_2810 : vector<16xi32>
      %mul3A_2812 = arith.constant 20 : i32
      %mul3A_2813 = vector.broadcast %mul3A_2812 : i32 to vector<16xi32>
      %mul3A_2814 = arith.muli %iota3A, %mul3A_2813 : vector<16xi32>
      %add3A_2815 = arith.constant 333 : i32
      %add3A_2816 = vector.broadcast %add3A_2815 : i32 to vector<16xi32>
      %add3A_2817 = arith.addi %mul3A_2814, %add3A_2816 : vector<16xi32>
      %mul3A_2818 = arith.constant 20 : i32
      %mul3A_2819 = vector.broadcast %mul3A_2818 : i32 to vector<16xi32>
      %mul3A_2820 = arith.muli %iota3A, %mul3A_2819 : vector<16xi32>
      %add3A_2821 = arith.constant 334 : i32
      %add3A_2822 = vector.broadcast %add3A_2821 : i32 to vector<16xi32>
      %add3A_2823 = arith.addi %mul3A_2820, %add3A_2822 : vector<16xi32>
      %mul3A_2824 = arith.constant 20 : i32
      %mul3A_2825 = vector.broadcast %mul3A_2824 : i32 to vector<16xi32>
      %mul3A_2826 = arith.muli %iota3A, %mul3A_2825 : vector<16xi32>
      %add3A_2827 = arith.constant 335 : i32
      %add3A_2828 = vector.broadcast %add3A_2827 : i32 to vector<16xi32>
      %add3A_2829 = arith.addi %mul3A_2826, %add3A_2828 : vector<16xi32>
      %mul3A_2830 = arith.constant 20 : i32
      %mul3A_2831 = vector.broadcast %mul3A_2830 : i32 to vector<16xi32>
      %mul3A_2832 = arith.muli %iota3A, %mul3A_2831 : vector<16xi32>
      %add3A_2833 = arith.constant 336 : i32
      %add3A_2834 = vector.broadcast %add3A_2833 : i32 to vector<16xi32>
      %add3A_2835 = arith.addi %mul3A_2832, %add3A_2834 : vector<16xi32>
      %mul3A_2836 = arith.constant 20 : i32
      %mul3A_2837 = vector.broadcast %mul3A_2836 : i32 to vector<16xi32>
      %mul3A_2838 = arith.muli %iota3A, %mul3A_2837 : vector<16xi32>
      %add3A_2839 = arith.constant 337 : i32
      %add3A_2840 = vector.broadcast %add3A_2839 : i32 to vector<16xi32>
      %add3A_2841 = arith.addi %mul3A_2838, %add3A_2840 : vector<16xi32>
      %mul3A_2842 = arith.constant 20 : i32
      %mul3A_2843 = vector.broadcast %mul3A_2842 : i32 to vector<16xi32>
      %mul3A_2844 = arith.muli %iota3A, %mul3A_2843 : vector<16xi32>
      %add3A_2845 = arith.constant 338 : i32
      %add3A_2846 = vector.broadcast %add3A_2845 : i32 to vector<16xi32>
      %add3A_2847 = arith.addi %mul3A_2844, %add3A_2846 : vector<16xi32>
      %mul3A_2848 = arith.constant 20 : i32
      %mul3A_2849 = vector.broadcast %mul3A_2848 : i32 to vector<16xi32>
      %mul3A_2850 = arith.muli %iota3A, %mul3A_2849 : vector<16xi32>
      %add3A_2851 = arith.constant 339 : i32
      %add3A_2852 = vector.broadcast %add3A_2851 : i32 to vector<16xi32>
      %add3A_2853 = arith.addi %mul3A_2850, %add3A_2852 : vector<16xi32>
      %broadcast_in_dim3A_2854 = arith.constant 0.000000e+00 : f32
      %broadcast_in_dim3A_2855 = vector.broadcast %broadcast_in_dim3A_2854 : f32 to vector<16xf32>
      %broadcast_in_dim3A_2856 = arith.constant 0.000000e+00 : f32
      %broadcast_in_dim3A_2857 = vector.broadcast %broadcast_in_dim3A_2856 : f32 to vector<16xf32>
      %broadcast_in_dim3A_2858 = arith.constant 0.000000e+00 : f32
      %broadcast_in_dim3A_2859 = vector.broadcast %broadcast_in_dim3A_2858 : f32 to vector<16xf32>
      %broadcast_in_dim3A_2860 = arith.constant 0.000000e+00 : f32
      %broadcast_in_dim3A_2861 = vector.broadcast %broadcast_in_dim3A_2860 : f32 to vector<16xf32>
      %broadcast_in_dim3A_2862 = arith.constant 0.000000e+00 : f32
      %broadcast_in_dim3A_2863 = vector.broadcast %broadcast_in_dim3A_2862 : f32 to vector<16xf32>
      %broadcast_in_dim3A_2864 = arith.constant 0.000000e+00 : f32
      %broadcast_in_dim3A_2865 = vector.broadcast %broadcast_in_dim3A_2864 : f32 to vector<16xf32>
      %broadcast_in_dim3A_2866 = arith.constant 0.000000e+00 : f32
      %broadcast_in_dim3A_2867 = vector.broadcast %broadcast_in_dim3A_2866 : f32 to vector<16xf32>
      %broadcast_in_dim3A_2868 = arith.constant 0.000000e+00 : f32
      %broadcast_in_dim3A_2869 = vector.broadcast %broadcast_in_dim3A_2868 : f32 to vector<16xf32>
      %broadcast_in_dim3A_2870 = arith.constant 0.000000e+00 : f32
      %broadcast_in_dim3A_2871 = vector.broadcast %broadcast_in_dim3A_2870 : f32 to vector<16xf32>
      %broadcast_in_dim3A_2872 = arith.constant 0.000000e+00 : f32
      %broadcast_in_dim3A_2873 = vector.broadcast %broadcast_in_dim3A_2872 : f32 to vector<16xf32>
      %broadcast_in_dim3A_2874 = arith.constant 0.000000e+00 : f32
      %broadcast_in_dim3A_2875 = vector.broadcast %broadcast_in_dim3A_2874 : f32 to vector<16xf32>
      %broadcast_in_dim3A_2876 = arith.constant 0.000000e+00 : f32
      %broadcast_in_dim3A_2877 = vector.broadcast %broadcast_in_dim3A_2876 : f32 to vector<16xf32>
      %broadcast_in_dim3A_2878 = arith.constant 0.000000e+00 : f32
      %broadcast_in_dim3A_2879 = vector.broadcast %broadcast_in_dim3A_2878 : f32 to vector<16xf32>
      %broadcast_in_dim3A_2880 = arith.constant 0.000000e+00 : f32
      %broadcast_in_dim3A_2881 = vector.broadcast %broadcast_in_dim3A_2880 : f32 to vector<16xf32>
      %broadcast_in_dim3A_2882 = arith.constant 0.000000e+00 : f32
      %broadcast_in_dim3A_2883 = vector.broadcast %broadcast_in_dim3A_2882 : f32 to vector<16xf32>
      %broadcast_in_dim3A_2884 = arith.constant 0.000000e+00 : f32
      %broadcast_in_dim3A_2885 = vector.broadcast %broadcast_in_dim3A_2884 : f32 to vector<16xf32>
      %broadcast_in_dim3A_2886 = arith.constant 0.000000e+00 : f32
      %broadcast_in_dim3A_2887 = vector.broadcast %broadcast_in_dim3A_2886 : f32 to vector<16xf32>
      %broadcast_in_dim3A_2888 = arith.constant 0.000000e+00 : f32
      %broadcast_in_dim3A_2889 = vector.broadcast %broadcast_in_dim3A_2888 : f32 to vector<16xf32>
      %broadcast_in_dim3A_2890 = arith.constant 0.000000e+00 : f32
      %broadcast_in_dim3A_2891 = vector.broadcast %broadcast_in_dim3A_2890 : f32 to vector<16xf32>
      %broadcast_in_dim3A_2892 = arith.constant 0.000000e+00 : f32
      %broadcast_in_dim3A_2893 = vector.broadcast %broadcast_in_dim3A_2892 : f32 to vector<16xf32>
      %scan3A_2894 = arith.constant 0 : i32
      %scan3A_2895 = arith.constant 64 : i32
      %scan3A_2896 = arith.addi %scan3A_2894, %scan3A_2895 : i32
      %scan3A_2897 = arith.constant 1 : i32
      %scan3A_2898:20 = scf.for %scan3A_3234 = %scan3A_2894 to %scan3A_2896 step %scan3A_2897 iter_args(%scan3A_3235 = %broadcast_in_dim3A_2855, %scan3A_3236 = %broadcast_in_dim3A_2857, %scan3A_3237 = %broadcast_in_dim3A_2859, %scan3A_3238 = %broadcast_in_dim3A_2861, %scan3A_3239 = %broadcast_in_dim3A_2863, %scan3A_3240 = %broadcast_in_dim3A_2865, %scan3A_3241 = %broadcast_in_dim3A_2867, %scan3A_3242 = %broadcast_in_dim3A_2869, %scan3A_3243 = %broadcast_in_dim3A_2871, %scan3A_3244 = %broadcast_in_dim3A_2873, %scan3A_3245 = %broadcast_in_dim3A_2875, %scan3A_3246 = %broadcast_in_dim3A_2877, %scan3A_3247 = %broadcast_in_dim3A_2879, %scan3A_3248 = %broadcast_in_dim3A_2881, %scan3A_3249 = %broadcast_in_dim3A_2883, %scan3A_3250 = %broadcast_in_dim3A_2885, %scan3A_3251 = %broadcast_in_dim3A_2887, %scan3A_3252 = %broadcast_in_dim3A_2889, %scan3A_3253 = %broadcast_in_dim3A_2891, %scan3A_3254 = %broadcast_in_dim3A_2893) -> (vector<16xf32>, vector<16xf32>, vector<16xf32>, vector<16xf32>, vector<16xf32>, vector<16xf32>, vector<16xf32>, vector<16xf32>, vector<16xf32>, vector<16xf32>, vector<16xf32>, vector<16xf32>, vector<16xf32>, vector<16xf32>, vector<16xf32>, vector<16xf32>, vector<16xf32>, vector<16xf32>, vector<16xf32>, vector<16xf32>)  : i32 {
        %mul3A_3255 = arith.constant 64 : i32
        %mul3A_3256 = arith.muli %scan3A_3234, %mul3A_3255 : i32
        %add3A_3257 = arith.constant 16 : i32
        %add3A_3258 = arith.addi %mul3A_3256, %add3A_3257 : i32
        %get3A_3259 = arith.index_cast %add3A_3258 : i32 to index
        %get3A_3260 = tpu.vector_load %arg9[%get3A_3259] {strides = array<i32>} : memref<4096xf32, #tpu.memory_space<vmem>>, vector<16xf32>,
        %broadcast_in_dim3A_3261 = vector.broadcast %scan3A_3234 : i32 to vector<16xi32>
        %gather3A = tpu.vector_load_idx %arg11[%add3A_2739, %broadcast_in_dim3A_3261] : memref<1280x64xf32, #tpu.memory_space<vmem>>[vector<16xi32>, vector<16xi32>], vector<16xf32>,
        %mul3A_3262 = arith.mulf %get3A_3260, %gather3A : vector<16xf32>
        %add3A_3263 = arith.addf %scan3A_3235, %mul3A_3262 : vector<16xf32>
        %gather3A_3264 = tpu.vector_load_idx %arg11[%add3A_2745, %broadcast_in_dim3A_3261] : memref<1280x64xf32, #tpu.memory_space<vmem>>[vector<16xi32>, vector<16xi32>], vector<16xf32>,
        %mul3A_3265 = arith.mulf %get3A_3260, %gather3A_3264 : vector<16xf32>
        %add3A_3266 = arith.addf %scan3A_3236, %mul3A_3265 : vector<16xf32>
        %gather3A_3267 = tpu.vector_load_idx %arg11[%add3A_2751, %broadcast_in_dim3A_3261] : memref<1280x64xf32, #tpu.memory_space<vmem>>[vector<16xi32>, vector<16xi32>], vector<16xf32>,
        %mul3A_3268 = arith.mulf %get3A_3260, %gather3A_3267 : vector<16xf32>
        %add3A_3269 = arith.addf %scan3A_3237, %mul3A_3268 : vector<16xf32>
        %gather3A_3270 = tpu.vector_load_idx %arg11[%add3A_2757, %broadcast_in_dim3A_3261] : memref<1280x64xf32, #tpu.memory_space<vmem>>[vector<16xi32>, vector<16xi32>], vector<16xf32>,
        %mul3A_3271 = arith.mulf %get3A_3260, %gather3A_3270 : vector<16xf32>
        %add3A_3272 = arith.addf %scan3A_3238, %mul3A_3271 : vector<16xf32>
        %gather3A_3273 = tpu.vector_load_idx %arg11[%add3A_2763, %broadcast_in_dim3A_3261] : memref<1280x64xf32, #tpu.memory_space<vmem>>[vector<16xi32>, vector<16xi32>], vector<16xf32>,
        %mul3A_3274 = arith.mulf %get3A_3260, %gather3A_3273 : vector<16xf32>
        %add3A_3275 = arith.addf %scan3A_3239, %mul3A_3274 : vector<16xf32>
        %gather3A_3276 = tpu.vector_load_idx %arg11[%add3A_2769, %broadcast_in_dim3A_3261] : memref<1280x64xf32, #tpu.memory_space<vmem>>[vector<16xi32>, vector<16xi32>], vector<16xf32>,
        %mul3A_3277 = arith.mulf %get3A_3260, %gather3A_3276 : vector<16xf32>
        %add3A_3278 = arith.addf %scan3A_3240, %mul3A_3277 : vector<16xf32>
        %gather3A_3279 = tpu.vector_load_idx %arg11[%add3A_2775, %broadcast_in_dim3A_3261] : memref<1280x64xf32, #tpu.memory_space<vmem>>[vector<16xi32>, vector<16xi32>], vector<16xf32>,
        %mul3A_3280 = arith.mulf %get3A_3260, %gather3A_3279 : vector<16xf32>
        %add3A_3281 = arith.addf %scan3A_3241, %mul3A_3280 : vector<16xf32>
        %gather3A_3282 = tpu.vector_load_idx %arg11[%add3A_2781, %broadcast_in_dim3A_3261] : memref<1280x64xf32, #tpu.memory_space<vmem>>[vector<16xi32>, vector<16xi32>], vector<16xf32>,
        %mul3A_3283 = arith.mulf %get3A_3260, %gather3A_3282 : vector<16xf32>
        %add3A_3284 = arith.addf %scan3A_3242, %mul3A_3283 : vector<16xf32>
        %gather3A_3285 = tpu.vector_load_idx %arg11[%add3A_2787, %broadcast_in_dim3A_3261] : memref<1280x64xf32, #tpu.memory_space<vmem>>[vector<16xi32>, vector<16xi32>], vector<16xf32>,
        %mul3A_3286 = arith.mulf %get3A_3260, %gather3A_3285 : vector<16xf32>
        %add3A_3287 = arith.addf %scan3A_3243, %mul3A_3286 : vector<16xf32>
        %gather3A_3288 = tpu.vector_load_idx %arg11[%add3A_2793, %broadcast_in_dim3A_3261] : memref<1280x64xf32, #tpu.memory_space<vmem>>[vector<16xi32>, vector<16xi32>], vector<16xf32>,
        %mul3A_3289 = arith.mulf %get3A_3260, %gather3A_3288 : vector<16xf32>
        %add3A_3290 = arith.addf %scan3A_3244, %mul3A_3289 : vector<16xf32>
        %gather3A_3291 = tpu.vector_load_idx %arg11[%add3A_2799, %broadcast_in_dim3A_3261] : memref<1280x64xf32, #tpu.memory_space<vmem>>[vector<16xi32>, vector<16xi32>], vector<16xf32>,
        %mul3A_3292 = arith.mulf %get3A_3260, %gather3A_3291 : vector<16xf32>
        %add3A_3293 = arith.addf %scan3A_3245, %mul3A_3292 : vector<16xf32>
        %gather3A_3294 = tpu.vector_load_idx %arg11[%add3A_2805, %broadcast_in_dim3A_3261] : memref<1280x64xf32, #tpu.memory_space<vmem>>[vector<16xi32>, vector<16xi32>], vector<16xf32>,
        %mul3A_3295 = arith.mulf %get3A_3260, %gather3A_3294 : vector<16xf32>
        %add3A_3296 = arith.addf %scan3A_3246, %mul3A_3295 : vector<16xf32>
        %gather3A_3297 = tpu.vector_load_idx %arg11[%add3A_2811, %broadcast_in_dim3A_3261] : memref<1280x64xf32, #tpu.memory_space<vmem>>[vector<16xi32>, vector<16xi32>], vector<16xf32>,
        %mul3A_3298 = arith.mulf %get3A_3260, %gather3A_3297 : vector<16xf32>
        %add3A_3299 = arith.addf %scan3A_3247, %mul3A_3298 : vector<16xf32>
        %gather3A_3300 = tpu.vector_load_idx %arg11[%add3A_2817, %broadcast_in_dim3A_3261] : memref<1280x64xf32, #tpu.memory_space<vmem>>[vector<16xi32>, vector<16xi32>], vector<16xf32>,
        %mul3A_3301 = arith.mulf %get3A_3260, %gather3A_3300 : vector<16xf32>
        %add3A_3302 = arith.addf %scan3A_3248, %mul3A_3301 : vector<16xf32>
        %gather3A_3303 = tpu.vector_load_idx %arg11[%add3A_2823, %broadcast_in_dim3A_3261] : memref<1280x64xf32, #tpu.memory_space<vmem>>[vector<16xi32>, vector<16xi32>], vector<16xf32>,
        %mul3A_3304 = arith.mulf %get3A_3260, %gather3A_3303 : vector<16xf32>
        %add3A_3305 = arith.addf %scan3A_3249, %mul3A_3304 : vector<16xf32>
        %gather3A_3306 = tpu.vector_load_idx %arg11[%add3A_2829, %broadcast_in_dim3A_3261] : memref<1280x64xf32, #tpu.memory_space<vmem>>[vector<16xi32>, vector<16xi32>], vector<16xf32>,
        %mul3A_3307 = arith.mulf %get3A_3260, %gather3A_3306 : vector<16xf32>
        %add3A_3308 = arith.addf %scan3A_3250, %mul3A_3307 : vector<16xf32>
        %gather3A_3309 = tpu.vector_load_idx %arg11[%add3A_2835, %broadcast_in_dim3A_3261] : memref<1280x64xf32, #tpu.memory_space<vmem>>[vector<16xi32>, vector<16xi32>], vector<16xf32>,
        %mul3A_3310 = arith.mulf %get3A_3260, %gather3A_3309 : vector<16xf32>
        %add3A_3311 = arith.addf %scan3A_3251, %mul3A_3310 : vector<16xf32>
        %gather3A_3312 = tpu.vector_load_idx %arg11[%add3A_2841, %broadcast_in_dim3A_3261] : memref<1280x64xf32, #tpu.memory_space<vmem>>[vector<16xi32>, vector<16xi32>], vector<16xf32>,
        %mul3A_3313 = arith.mulf %get3A_3260, %gather3A_3312 : vector<16xf32>
        %add3A_3314 = arith.addf %scan3A_3252, %mul3A_3313 : vector<16xf32>
        %gather3A_3315 = tpu.vector_load_idx %arg11[%add3A_2847, %broadcast_in_dim3A_3261] : memref<1280x64xf32, #tpu.memory_space<vmem>>[vector<16xi32>, vector<16xi32>], vector<16xf32>,
        %mul3A_3316 = arith.mulf %get3A_3260, %gather3A_3315 : vector<16xf32>
        %add3A_3317 = arith.addf %scan3A_3253, %mul3A_3316 : vector<16xf32>
        %gather3A_3318 = tpu.vector_load_idx %arg11[%add3A_2853, %broadcast_in_dim3A_3261] : memref<1280x64xf32, #tpu.memory_space<vmem>>[vector<16xi32>, vector<16xi32>], vector<16xf32>,
        %mul3A_3319 = arith.mulf %get3A_3260, %gather3A_3318 : vector<16xf32>
        %add3A_3320 = arith.addf %scan3A_3254, %mul3A_3319 : vector<16xf32>
        scf.yield %add3A_3263, %add3A_3266, %add3A_3269, %add3A_3272, %add3A_3275, %add3A_3278, %add3A_3281, %add3A_3284, %add3A_3287, %add3A_3290, %add3A_3293, %add3A_3296, %add3A_3299, %add3A_3302, %add3A_3305, %add3A_3308, %add3A_3311, %add3A_3314, %add3A_3317, %add3A_3320 : vector<16xf32>, vector<16xf32>, vector<16xf32>, vector<16xf32>, vector<16xf32>, vector<16xf32>, vector<16xf32>, vector<16xf32>, vector<16xf32>, vector<16xf32>, vector<16xf32>, vector<16xf32>, vector<16xf32>, vector<16xf32>, vector<16xf32>, vector<16xf32>, vector<16xf32>, vector<16xf32>, vector<16xf32>, vector<16xf32>
      }
      %scan3A_2899 = arith.constant 64 : i32
      tpu.vector_store_idx %arg12[%add3A_2739], %scan3A_2898#0 : memref<1280xf32, #tpu.memory_space<vmem>>[vector<16xi32>], vector<16xf32>,
      tpu.vector_store_idx %arg12[%add3A_2745], %scan3A_2898#1 : memref<1280xf32, #tpu.memory_space<vmem>>[vector<16xi32>], vector<16xf32>,
      tpu.vector_store_idx %arg12[%add3A_2751], %scan3A_2898#2 : memref<1280xf32, #tpu.memory_space<vmem>>[vector<16xi32>], vector<16xf32>,
      tpu.vector_store_idx %arg12[%add3A_2757], %scan3A_2898#3 : memref<1280xf32, #tpu.memory_space<vmem>>[vector<16xi32>], vector<16xf32>,
      tpu.vector_store_idx %arg12[%add3A_2763], %scan3A_2898#4 : memref<1280xf32, #tpu.memory_space<vmem>>[vector<16xi32>], vector<16xf32>,
      tpu.vector_store_idx %arg12[%add3A_2769], %scan3A_2898#5 : memref<1280xf32, #tpu.memory_space<vmem>>[vector<16xi32>], vector<16xf32>,
      tpu.vector_store_idx %arg12[%add3A_2775], %scan3A_2898#6 : memref<1280xf32, #tpu.memory_space<vmem>>[vector<16xi32>], vector<16xf32>,
      tpu.vector_store_idx %arg12[%add3A_2781], %scan3A_2898#7 : memref<1280xf32, #tpu.memory_space<vmem>>[vector<16xi32>], vector<16xf32>,
      tpu.vector_store_idx %arg12[%add3A_2787], %scan3A_2898#8 : memref<1280xf32, #tpu.memory_space<vmem>>[vector<16xi32>], vector<16xf32>,
      tpu.vector_store_idx %arg12[%add3A_2793], %scan3A_2898#9 : memref<1280xf32, #tpu.memory_space<vmem>>[vector<16xi32>], vector<16xf32>,
      tpu.vector_store_idx %arg12[%add3A_2799], %scan3A_2898#10 : memref<1280xf32, #tpu.memory_space<vmem>>[vector<16xi32>], vector<16xf32>,
      tpu.vector_store_idx %arg12[%add3A_2805], %scan3A_2898#11 : memref<1280xf32, #tpu.memory_space<vmem>>[vector<16xi32>], vector<16xf32>,
      tpu.vector_store_idx %arg12[%add3A_2811], %scan3A_2898#12 : memref<1280xf32, #tpu.memory_space<vmem>>[vector<16xi32>], vector<16xf32>,
      tpu.vector_store_idx %arg12[%add3A_2817], %scan3A_2898#13 : memref<1280xf32, #tpu.memory_space<vmem>>[vector<16xi32>], vector<16xf32>,
      tpu.vector_store_idx %arg12[%add3A_2823], %scan3A_2898#14 : memref<1280xf32, #tpu.memory_space<vmem>>[vector<16xi32>], vector<16xf32>,
      tpu.vector_store_idx %arg12[%add3A_2829], %scan3A_2898#15 : memref<1280xf32, #tpu.memory_space<vmem>>[vector<16xi32>], vector<16xf32>,
      tpu.vector_store_idx %arg12[%add3A_2835], %scan3A_2898#16 : memref<1280xf32, #tpu.memory_space<vmem>>[vector<16xi32>], vector<16xf32>,
      tpu.vector_store_idx %arg12[%add3A_2841], %scan3A_2898#17 : memref<1280xf32, #tpu.memory_space<vmem>>[vector<16xi32>], vector<16xf32>,
      tpu.vector_store_idx %arg12[%add3A_2847], %scan3A_2898#18 : memref<1280xf32, #tpu.memory_space<vmem>>[vector<16xi32>], vector<16xf32>,
      tpu.vector_store_idx %arg12[%add3A_2853], %scan3A_2898#19 : memref<1280xf32, #tpu.memory_space<vmem>>[vector<16xi32>], vector<16xf32>,
      %mul3A_2900 = arith.constant 20 : i32
      %mul3A_2901 = vector.broadcast %mul3A_2900 : i32 to vector<16xi32>
      %mul3A_2902 = arith.muli %iota3A, %mul3A_2901 : vector<16xi32>
      %add3A_2903 = arith.constant 640 : i32
      %add3A_2904 = vector.broadcast %add3A_2903 : i32 to vector<16xi32>
      %add3A_2905 = arith.addi %mul3A_2902, %add3A_2904 : vector<16xi32>
      %mul3A_2906 = arith.constant 20 : i32
      %mul3A_2907 = vector.broadcast %mul3A_2906 : i32 to vector<16xi32>
      %mul3A_2908 = arith.muli %iota3A, %mul3A_2907 : vector<16xi32>
      %add3A_2909 = arith.constant 641 : i32
      %add3A_2910 = vector.broadcast %add3A_2909 : i32 to vector<16xi32>
      %add3A_2911 = arith.addi %mul3A_2908, %add3A_2910 : vector<16xi32>
      %mul3A_2912 = arith.constant 20 : i32
      %mul3A_2913 = vector.broadcast %mul3A_2912 : i32 to vector<16xi32>
      %mul3A_2914 = arith.muli %iota3A, %mul3A_2913 : vector<16xi32>
      %add3A_2915 = arith.constant 642 : i32
      %add3A_2916 = vector.broadcast %add3A_2915 : i32 to vector<16xi32>
      %add3A_2917 = arith.addi %mul3A_2914, %add3A_2916 : vector<16xi32>
      %mul3A_2918 = arith.constant 20 : i32
      %mul3A_2919 = vector.broadcast %mul3A_2918 : i32 to vector<16xi32>
      %mul3A_2920 = arith.muli %iota3A, %mul3A_2919 : vector<16xi32>
      %add3A_2921 = arith.constant 643 : i32
      %add3A_2922 = vector.broadcast %add3A_2921 : i32 to vector<16xi32>
      %add3A_2923 = arith.addi %mul3A_2920, %add3A_2922 : vector<16xi32>
      %mul3A_2924 = arith.constant 20 : i32
      %mul3A_2925 = vector.broadcast %mul3A_2924 : i32 to vector<16xi32>
      %mul3A_2926 = arith.muli %iota3A, %mul3A_2925 : vector<16xi32>
      %add3A_2927 = arith.constant 644 : i32
      %add3A_2928 = vector.broadcast %add3A_2927 : i32 to vector<16xi32>
      %add3A_2929 = arith.addi %mul3A_2926, %add3A_2928 : vector<16xi32>
      %mul3A_2930 = arith.constant 20 : i32
      %mul3A_2931 = vector.broadcast %mul3A_2930 : i32 to vector<16xi32>
      %mul3A_2932 = arith.muli %iota3A, %mul3A_2931 : vector<16xi32>
      %add3A_2933 = arith.constant 645 : i32
      %add3A_2934 = vector.broadcast %add3A_2933 : i32 to vector<16xi32>
      %add3A_2935 = arith.addi %mul3A_2932, %add3A_2934 : vector<16xi32>
      %mul3A_2936 = arith.constant 20 : i32
      %mul3A_2937 = vector.broadcast %mul3A_2936 : i32 to vector<16xi32>
      %mul3A_2938 = arith.muli %iota3A, %mul3A_2937 : vector<16xi32>
      %add3A_2939 = arith.constant 646 : i32
      %add3A_2940 = vector.broadcast %add3A_2939 : i32 to vector<16xi32>
      %add3A_2941 = arith.addi %mul3A_2938, %add3A_2940 : vector<16xi32>
      %mul3A_2942 = arith.constant 20 : i32
      %mul3A_2943 = vector.broadcast %mul3A_2942 : i32 to vector<16xi32>
      %mul3A_2944 = arith.muli %iota3A, %mul3A_2943 : vector<16xi32>
      %add3A_2945 = arith.constant 647 : i32
      %add3A_2946 = vector.broadcast %add3A_2945 : i32 to vector<16xi32>
      %add3A_2947 = arith.addi %mul3A_2944, %add3A_2946 : vector<16xi32>
      %mul3A_2948 = arith.constant 20 : i32
      %mul3A_2949 = vector.broadcast %mul3A_2948 : i32 to vector<16xi32>
      %mul3A_2950 = arith.muli %iota3A, %mul3A_2949 : vector<16xi32>
      %add3A_2951 = arith.constant 648 : i32
      %add3A_2952 = vector.broadcast %add3A_2951 : i32 to vector<16xi32>
      %add3A_2953 = arith.addi %mul3A_2950, %add3A_2952 : vector<16xi32>
      %mul3A_2954 = arith.constant 20 : i32
      %mul3A_2955 = vector.broadcast %mul3A_2954 : i32 to vector<16xi32>
      %mul3A_2956 = arith.muli %iota3A, %mul3A_2955 : vector<16xi32>
      %add3A_2957 = arith.constant 649 : i32
      %add3A_2958 = vector.broadcast %add3A_2957 : i32 to vector<16xi32>
      %add3A_2959 = arith.addi %mul3A_2956, %add3A_2958 : vector<16xi32>
      %mul3A_2960 = arith.constant 20 : i32
      %mul3A_2961 = vector.broadcast %mul3A_2960 : i32 to vector<16xi32>
      %mul3A_2962 = arith.muli %iota3A, %mul3A_2961 : vector<16xi32>
      %add3A_2963 = arith.constant 650 : i32
      %add3A_2964 = vector.broadcast %add3A_2963 : i32 to vector<16xi32>
      %add3A_2965 = arith.addi %mul3A_2962, %add3A_2964 : vector<16xi32>
      %mul3A_2966 = arith.constant 20 : i32
      %mul3A_2967 = vector.broadcast %mul3A_2966 : i32 to vector<16xi32>
      %mul3A_2968 = arith.muli %iota3A, %mul3A_2967 : vector<16xi32>
      %add3A_2969 = arith.constant 651 : i32
      %add3A_2970 = vector.broadcast %add3A_2969 : i32 to vector<16xi32>
      %add3A_2971 = arith.addi %mul3A_2968, %add3A_2970 : vector<16xi32>
      %mul3A_2972 = arith.constant 20 : i32
      %mul3A_2973 = vector.broadcast %mul3A_2972 : i32 to vector<16xi32>
      %mul3A_2974 = arith.muli %iota3A, %mul3A_2973 : vector<16xi32>
      %add3A_2975 = arith.constant 652 : i32
      %add3A_2976 = vector.broadcast %add3A_2975 : i32 to vector<16xi32>
      %add3A_2977 = arith.addi %mul3A_2974, %add3A_2976 : vector<16xi32>
      %mul3A_2978 = arith.constant 20 : i32
      %mul3A_2979 = vector.broadcast %mul3A_2978 : i32 to vector<16xi32>
      %mul3A_2980 = arith.muli %iota3A, %mul3A_2979 : vector<16xi32>
      %add3A_2981 = arith.constant 653 : i32
      %add3A_2982 = vector.broadcast %add3A_2981 : i32 to vector<16xi32>
      %add3A_2983 = arith.addi %mul3A_2980, %add3A_2982 : vector<16xi32>
      %mul3A_2984 = arith.constant 20 : i32
      %mul3A_2985 = vector.broadcast %mul3A_2984 : i32 to vector<16xi32>
      %mul3A_2986 = arith.muli %iota3A, %mul3A_2985 : vector<16xi32>
      %add3A_2987 = arith.constant 654 : i32
      %add3A_2988 = vector.broadcast %add3A_2987 : i32 to vector<16xi32>
      %add3A_2989 = arith.addi %mul3A_2986, %add3A_2988 : vector<16xi32>
      %mul3A_2990 = arith.constant 20 : i32
      %mul3A_2991 = vector.broadcast %mul3A_2990 : i32 to vector<16xi32>
      %mul3A_2992 = arith.muli %iota3A, %mul3A_2991 : vector<16xi32>
      %add3A_2993 = arith.constant 655 : i32
      %add3A_2994 = vector.broadcast %add3A_2993 : i32 to vector<16xi32>
      %add3A_2995 = arith.addi %mul3A_2992, %add3A_2994 : vector<16xi32>
      %mul3A_2996 = arith.constant 20 : i32
      %mul3A_2997 = vector.broadcast %mul3A_2996 : i32 to vector<16xi32>
      %mul3A_2998 = arith.muli %iota3A, %mul3A_2997 : vector<16xi32>
      %add3A_2999 = arith.constant 656 : i32
      %add3A_3000 = vector.broadcast %add3A_2999 : i32 to vector<16xi32>
      %add3A_3001 = arith.addi %mul3A_2998, %add3A_3000 : vector<16xi32>
      %mul3A_3002 = arith.constant 20 : i32
      %mul3A_3003 = vector.broadcast %mul3A_3002 : i32 to vector<16xi32>
      %mul3A_3004 = arith.muli %iota3A, %mul3A_3003 : vector<16xi32>
      %add3A_3005 = arith.constant 657 : i32
      %add3A_3006 = vector.broadcast %add3A_3005 : i32 to vector<16xi32>
      %add3A_3007 = arith.addi %mul3A_3004, %add3A_3006 : vector<16xi32>
      %mul3A_3008 = arith.constant 20 : i32
      %mul3A_3009 = vector.broadcast %mul3A_3008 : i32 to vector<16xi32>
      %mul3A_3010 = arith.muli %iota3A, %mul3A_3009 : vector<16xi32>
      %add3A_3011 = arith.constant 658 : i32
      %add3A_3012 = vector.broadcast %add3A_3011 : i32 to vector<16xi32>
      %add3A_3013 = arith.addi %mul3A_3010, %add3A_3012 : vector<16xi32>
      %mul3A_3014 = arith.constant 20 : i32
      %mul3A_3015 = vector.broadcast %mul3A_3014 : i32 to vector<16xi32>
      %mul3A_3016 = arith.muli %iota3A, %mul3A_3015 : vector<16xi32>
      %add3A_3017 = arith.constant 659 : i32
      %add3A_3018 = vector.broadcast %add3A_3017 : i32 to vector<16xi32>
      %add3A_3019 = arith.addi %mul3A_3016, %add3A_3018 : vector<16xi32>
      %broadcast_in_dim3A_3020 = arith.constant 0.000000e+00 : f32
      %broadcast_in_dim3A_3021 = vector.broadcast %broadcast_in_dim3A_3020 : f32 to vector<16xf32>
      %broadcast_in_dim3A_3022 = arith.constant 0.000000e+00 : f32
      %broadcast_in_dim3A_3023 = vector.broadcast %broadcast_in_dim3A_3022 : f32 to vector<16xf32>
      %broadcast_in_dim3A_3024 = arith.constant 0.000000e+00 : f32
      %broadcast_in_dim3A_3025 = vector.broadcast %broadcast_in_dim3A_3024 : f32 to vector<16xf32>
      %broadcast_in_dim3A_3026 = arith.constant 0.000000e+00 : f32
      %broadcast_in_dim3A_3027 = vector.broadcast %broadcast_in_dim3A_3026 : f32 to vector<16xf32>
      %broadcast_in_dim3A_3028 = arith.constant 0.000000e+00 : f32
      %broadcast_in_dim3A_3029 = vector.broadcast %broadcast_in_dim3A_3028 : f32 to vector<16xf32>
      %broadcast_in_dim3A_3030 = arith.constant 0.000000e+00 : f32
      %broadcast_in_dim3A_3031 = vector.broadcast %broadcast_in_dim3A_3030 : f32 to vector<16xf32>
      %broadcast_in_dim3A_3032 = arith.constant 0.000000e+00 : f32
      %broadcast_in_dim3A_3033 = vector.broadcast %broadcast_in_dim3A_3032 : f32 to vector<16xf32>
      %broadcast_in_dim3A_3034 = arith.constant 0.000000e+00 : f32
      %broadcast_in_dim3A_3035 = vector.broadcast %broadcast_in_dim3A_3034 : f32 to vector<16xf32>
      %broadcast_in_dim3A_3036 = arith.constant 0.000000e+00 : f32
      %broadcast_in_dim3A_3037 = vector.broadcast %broadcast_in_dim3A_3036 : f32 to vector<16xf32>
      %broadcast_in_dim3A_3038 = arith.constant 0.000000e+00 : f32
      %broadcast_in_dim3A_3039 = vector.broadcast %broadcast_in_dim3A_3038 : f32 to vector<16xf32>
      %broadcast_in_dim3A_3040 = arith.constant 0.000000e+00 : f32
      %broadcast_in_dim3A_3041 = vector.broadcast %broadcast_in_dim3A_3040 : f32 to vector<16xf32>
      %broadcast_in_dim3A_3042 = arith.constant 0.000000e+00 : f32
      %broadcast_in_dim3A_3043 = vector.broadcast %broadcast_in_dim3A_3042 : f32 to vector<16xf32>
      %broadcast_in_dim3A_3044 = arith.constant 0.000000e+00 : f32
      %broadcast_in_dim3A_3045 = vector.broadcast %broadcast_in_dim3A_3044 : f32 to vector<16xf32>
      %broadcast_in_dim3A_3046 = arith.constant 0.000000e+00 : f32
      %broadcast_in_dim3A_3047 = vector.broadcast %broadcast_in_dim3A_3046 : f32 to vector<16xf32>
      %broadcast_in_dim3A_3048 = arith.constant 0.000000e+00 : f32
      %broadcast_in_dim3A_3049 = vector.broadcast %broadcast_in_dim3A_3048 : f32 to vector<16xf32>
      %broadcast_in_dim3A_3050 = arith.constant 0.000000e+00 : f32
      %broadcast_in_dim3A_3051 = vector.broadcast %broadcast_in_dim3A_3050 : f32 to vector<16xf32>
      %broadcast_in_dim3A_3052 = arith.constant 0.000000e+00 : f32
      %broadcast_in_dim3A_3053 = vector.broadcast %broadcast_in_dim3A_3052 : f32 to vector<16xf32>
      %broadcast_in_dim3A_3054 = arith.constant 0.000000e+00 : f32
      %broadcast_in_dim3A_3055 = vector.broadcast %broadcast_in_dim3A_3054 : f32 to vector<16xf32>
      %broadcast_in_dim3A_3056 = arith.constant 0.000000e+00 : f32
      %broadcast_in_dim3A_3057 = vector.broadcast %broadcast_in_dim3A_3056 : f32 to vector<16xf32>
      %broadcast_in_dim3A_3058 = arith.constant 0.000000e+00 : f32
      %broadcast_in_dim3A_3059 = vector.broadcast %broadcast_in_dim3A_3058 : f32 to vector<16xf32>
      %scan3A_3060 = arith.constant 0 : i32
      %scan3A_3061 = arith.constant 64 : i32
      %scan3A_3062 = arith.addi %scan3A_3060, %scan3A_3061 : i32
      %scan3A_3063 = arith.constant 1 : i32
      %scan3A_3064:20 = scf.for %scan3A_3234 = %scan3A_3060 to %scan3A_3062 step %scan3A_3063 iter_args(%scan3A_3235 = %broadcast_in_dim3A_3021, %scan3A_3236 = %broadcast_in_dim3A_3023, %scan3A_3237 = %broadcast_in_dim3A_3025, %scan3A_3238 = %broadcast_in_dim3A_3027, %scan3A_3239 = %broadcast_in_dim3A_3029, %scan3A_3240 = %broadcast_in_dim3A_3031, %scan3A_3241 = %broadcast_in_dim3A_3033, %scan3A_3242 = %broadcast_in_dim3A_3035, %scan3A_3243 = %broadcast_in_dim3A_3037, %scan3A_3244 = %broadcast_in_dim3A_3039, %scan3A_3245 = %broadcast_in_dim3A_3041, %scan3A_3246 = %broadcast_in_dim3A_3043, %scan3A_3247 = %broadcast_in_dim3A_3045, %scan3A_3248 = %broadcast_in_dim3A_3047, %scan3A_3249 = %broadcast_in_dim3A_3049, %scan3A_3250 = %broadcast_in_dim3A_3051, %scan3A_3251 = %broadcast_in_dim3A_3053, %scan3A_3252 = %broadcast_in_dim3A_3055, %scan3A_3253 = %broadcast_in_dim3A_3057, %scan3A_3254 = %broadcast_in_dim3A_3059) -> (vector<16xf32>, vector<16xf32>, vector<16xf32>, vector<16xf32>, vector<16xf32>, vector<16xf32>, vector<16xf32>, vector<16xf32>, vector<16xf32>, vector<16xf32>, vector<16xf32>, vector<16xf32>, vector<16xf32>, vector<16xf32>, vector<16xf32>, vector<16xf32>, vector<16xf32>, vector<16xf32>, vector<16xf32>, vector<16xf32>)  : i32 {
        %mul3A_3255 = arith.constant 64 : i32
        %mul3A_3256 = arith.muli %scan3A_3234, %mul3A_3255 : i32
        %add3A_3257 = arith.constant 32 : i32
        %add3A_3258 = arith.addi %mul3A_3256, %add3A_3257 : i32
        %get3A_3259 = arith.index_cast %add3A_3258 : i32 to index
        %get3A_3260 = tpu.vector_load %arg9[%get3A_3259] {strides = array<i32>} : memref<4096xf32, #tpu.memory_space<vmem>>, vector<16xf32>,
        %broadcast_in_dim3A_3261 = vector.broadcast %scan3A_3234 : i32 to vector<16xi32>
        %gather3A = tpu.vector_load_idx %arg11[%add3A_2905, %broadcast_in_dim3A_3261] : memref<1280x64xf32, #tpu.memory_space<vmem>>[vector<16xi32>, vector<16xi32>], vector<16xf32>,
        %mul3A_3262 = arith.mulf %get3A_3260, %gather3A : vector<16xf32>
        %add3A_3263 = arith.addf %scan3A_3235, %mul3A_3262 : vector<16xf32>
        %gather3A_3264 = tpu.vector_load_idx %arg11[%add3A_2911, %broadcast_in_dim3A_3261] : memref<1280x64xf32, #tpu.memory_space<vmem>>[vector<16xi32>, vector<16xi32>], vector<16xf32>,
        %mul3A_3265 = arith.mulf %get3A_3260, %gather3A_3264 : vector<16xf32>
        %add3A_3266 = arith.addf %scan3A_3236, %mul3A_3265 : vector<16xf32>
        %gather3A_3267 = tpu.vector_load_idx %arg11[%add3A_2917, %broadcast_in_dim3A_3261] : memref<1280x64xf32, #tpu.memory_space<vmem>>[vector<16xi32>, vector<16xi32>], vector<16xf32>,
        %mul3A_3268 = arith.mulf %get3A_3260, %gather3A_3267 : vector<16xf32>
        %add3A_3269 = arith.addf %scan3A_3237, %mul3A_3268 : vector<16xf32>
        %gather3A_3270 = tpu.vector_load_idx %arg11[%add3A_2923, %broadcast_in_dim3A_3261] : memref<1280x64xf32, #tpu.memory_space<vmem>>[vector<16xi32>, vector<16xi32>], vector<16xf32>,
        %mul3A_3271 = arith.mulf %get3A_3260, %gather3A_3270 : vector<16xf32>
        %add3A_3272 = arith.addf %scan3A_3238, %mul3A_3271 : vector<16xf32>
        %gather3A_3273 = tpu.vector_load_idx %arg11[%add3A_2929, %broadcast_in_dim3A_3261] : memref<1280x64xf32, #tpu.memory_space<vmem>>[vector<16xi32>, vector<16xi32>], vector<16xf32>,
        %mul3A_3274 = arith.mulf %get3A_3260, %gather3A_3273 : vector<16xf32>
        %add3A_3275 = arith.addf %scan3A_3239, %mul3A_3274 : vector<16xf32>
        %gather3A_3276 = tpu.vector_load_idx %arg11[%add3A_2935, %broadcast_in_dim3A_3261] : memref<1280x64xf32, #tpu.memory_space<vmem>>[vector<16xi32>, vector<16xi32>], vector<16xf32>,
        %mul3A_3277 = arith.mulf %get3A_3260, %gather3A_3276 : vector<16xf32>
        %add3A_3278 = arith.addf %scan3A_3240, %mul3A_3277 : vector<16xf32>
        %gather3A_3279 = tpu.vector_load_idx %arg11[%add3A_2941, %broadcast_in_dim3A_3261] : memref<1280x64xf32, #tpu.memory_space<vmem>>[vector<16xi32>, vector<16xi32>], vector<16xf32>,
        %mul3A_3280 = arith.mulf %get3A_3260, %gather3A_3279 : vector<16xf32>
        %add3A_3281 = arith.addf %scan3A_3241, %mul3A_3280 : vector<16xf32>
        %gather3A_3282 = tpu.vector_load_idx %arg11[%add3A_2947, %broadcast_in_dim3A_3261] : memref<1280x64xf32, #tpu.memory_space<vmem>>[vector<16xi32>, vector<16xi32>], vector<16xf32>,
        %mul3A_3283 = arith.mulf %get3A_3260, %gather3A_3282 : vector<16xf32>
        %add3A_3284 = arith.addf %scan3A_3242, %mul3A_3283 : vector<16xf32>
        %gather3A_3285 = tpu.vector_load_idx %arg11[%add3A_2953, %broadcast_in_dim3A_3261] : memref<1280x64xf32, #tpu.memory_space<vmem>>[vector<16xi32>, vector<16xi32>], vector<16xf32>,
        %mul3A_3286 = arith.mulf %get3A_3260, %gather3A_3285 : vector<16xf32>
        %add3A_3287 = arith.addf %scan3A_3243, %mul3A_3286 : vector<16xf32>
        %gather3A_3288 = tpu.vector_load_idx %arg11[%add3A_2959, %broadcast_in_dim3A_3261] : memref<1280x64xf32, #tpu.memory_space<vmem>>[vector<16xi32>, vector<16xi32>], vector<16xf32>,
        %mul3A_3289 = arith.mulf %get3A_3260, %gather3A_3288 : vector<16xf32>
        %add3A_3290 = arith.addf %scan3A_3244, %mul3A_3289 : vector<16xf32>
        %gather3A_3291 = tpu.vector_load_idx %arg11[%add3A_2965, %broadcast_in_dim3A_3261] : memref<1280x64xf32, #tpu.memory_space<vmem>>[vector<16xi32>, vector<16xi32>], vector<16xf32>,
        %mul3A_3292 = arith.mulf %get3A_3260, %gather3A_3291 : vector<16xf32>
        %add3A_3293 = arith.addf %scan3A_3245, %mul3A_3292 : vector<16xf32>
        %gather3A_3294 = tpu.vector_load_idx %arg11[%add3A_2971, %broadcast_in_dim3A_3261] : memref<1280x64xf32, #tpu.memory_space<vmem>>[vector<16xi32>, vector<16xi32>], vector<16xf32>,
        %mul3A_3295 = arith.mulf %get3A_3260, %gather3A_3294 : vector<16xf32>
        %add3A_3296 = arith.addf %scan3A_3246, %mul3A_3295 : vector<16xf32>
        %gather3A_3297 = tpu.vector_load_idx %arg11[%add3A_2977, %broadcast_in_dim3A_3261] : memref<1280x64xf32, #tpu.memory_space<vmem>>[vector<16xi32>, vector<16xi32>], vector<16xf32>,
        %mul3A_3298 = arith.mulf %get3A_3260, %gather3A_3297 : vector<16xf32>
        %add3A_3299 = arith.addf %scan3A_3247, %mul3A_3298 : vector<16xf32>
        %gather3A_3300 = tpu.vector_load_idx %arg11[%add3A_2983, %broadcast_in_dim3A_3261] : memref<1280x64xf32, #tpu.memory_space<vmem>>[vector<16xi32>, vector<16xi32>], vector<16xf32>,
        %mul3A_3301 = arith.mulf %get3A_3260, %gather3A_3300 : vector<16xf32>
        %add3A_3302 = arith.addf %scan3A_3248, %mul3A_3301 : vector<16xf32>
        %gather3A_3303 = tpu.vector_load_idx %arg11[%add3A_2989, %broadcast_in_dim3A_3261] : memref<1280x64xf32, #tpu.memory_space<vmem>>[vector<16xi32>, vector<16xi32>], vector<16xf32>,
        %mul3A_3304 = arith.mulf %get3A_3260, %gather3A_3303 : vector<16xf32>
        %add3A_3305 = arith.addf %scan3A_3249, %mul3A_3304 : vector<16xf32>
        %gather3A_3306 = tpu.vector_load_idx %arg11[%add3A_2995, %broadcast_in_dim3A_3261] : memref<1280x64xf32, #tpu.memory_space<vmem>>[vector<16xi32>, vector<16xi32>], vector<16xf32>,
        %mul3A_3307 = arith.mulf %get3A_3260, %gather3A_3306 : vector<16xf32>
        %add3A_3308 = arith.addf %scan3A_3250, %mul3A_3307 : vector<16xf32>
        %gather3A_3309 = tpu.vector_load_idx %arg11[%add3A_3001, %broadcast_in_dim3A_3261] : memref<1280x64xf32, #tpu.memory_space<vmem>>[vector<16xi32>, vector<16xi32>], vector<16xf32>,
        %mul3A_3310 = arith.mulf %get3A_3260, %gather3A_3309 : vector<16xf32>
        %add3A_3311 = arith.addf %scan3A_3251, %mul3A_3310 : vector<16xf32>
        %gather3A_3312 = tpu.vector_load_idx %arg11[%add3A_3007, %broadcast_in_dim3A_3261] : memref<1280x64xf32, #tpu.memory_space<vmem>>[vector<16xi32>, vector<16xi32>], vector<16xf32>,
        %mul3A_3313 = arith.mulf %get3A_3260, %gather3A_3312 : vector<16xf32>
        %add3A_3314 = arith.addf %scan3A_3252, %mul3A_3313 : vector<16xf32>
        %gather3A_3315 = tpu.vector_load_idx %arg11[%add3A_3013, %broadcast_in_dim3A_3261] : memref<1280x64xf32, #tpu.memory_space<vmem>>[vector<16xi32>, vector<16xi32>], vector<16xf32>,
        %mul3A_3316 = arith.mulf %get3A_3260, %gather3A_3315 : vector<16xf32>
        %add3A_3317 = arith.addf %scan3A_3253, %mul3A_3316 : vector<16xf32>
        %gather3A_3318 = tpu.vector_load_idx %arg11[%add3A_3019, %broadcast_in_dim3A_3261] : memref<1280x64xf32, #tpu.memory_space<vmem>>[vector<16xi32>, vector<16xi32>], vector<16xf32>,
        %mul3A_3319 = arith.mulf %get3A_3260, %gather3A_3318 : vector<16xf32>
        %add3A_3320 = arith.addf %scan3A_3254, %mul3A_3319 : vector<16xf32>
        scf.yield %add3A_3263, %add3A_3266, %add3A_3269, %add3A_3272, %add3A_3275, %add3A_3278, %add3A_3281, %add3A_3284, %add3A_3287, %add3A_3290, %add3A_3293, %add3A_3296, %add3A_3299, %add3A_3302, %add3A_3305, %add3A_3308, %add3A_3311, %add3A_3314, %add3A_3317, %add3A_3320 : vector<16xf32>, vector<16xf32>, vector<16xf32>, vector<16xf32>, vector<16xf32>, vector<16xf32>, vector<16xf32>, vector<16xf32>, vector<16xf32>, vector<16xf32>, vector<16xf32>, vector<16xf32>, vector<16xf32>, vector<16xf32>, vector<16xf32>, vector<16xf32>, vector<16xf32>, vector<16xf32>, vector<16xf32>, vector<16xf32>
      }
      %scan3A_3065 = arith.constant 64 : i32
      tpu.vector_store_idx %arg12[%add3A_2905], %scan3A_3064#0 : memref<1280xf32, #tpu.memory_space<vmem>>[vector<16xi32>], vector<16xf32>,
      tpu.vector_store_idx %arg12[%add3A_2911], %scan3A_3064#1 : memref<1280xf32, #tpu.memory_space<vmem>>[vector<16xi32>], vector<16xf32>,
      tpu.vector_store_idx %arg12[%add3A_2917], %scan3A_3064#2 : memref<1280xf32, #tpu.memory_space<vmem>>[vector<16xi32>], vector<16xf32>,
      tpu.vector_store_idx %arg12[%add3A_2923], %scan3A_3064#3 : memref<1280xf32, #tpu.memory_space<vmem>>[vector<16xi32>], vector<16xf32>,
      tpu.vector_store_idx %arg12[%add3A_2929], %scan3A_3064#4 : memref<1280xf32, #tpu.memory_space<vmem>>[vector<16xi32>], vector<16xf32>,
      tpu.vector_store_idx %arg12[%add3A_2935], %scan3A_3064#5 : memref<1280xf32, #tpu.memory_space<vmem>>[vector<16xi32>], vector<16xf32>,
      tpu.vector_store_idx %arg12[%add3A_2941], %scan3A_3064#6 : memref<1280xf32, #tpu.memory_space<vmem>>[vector<16xi32>], vector<16xf32>,
      tpu.vector_store_idx %arg12[%add3A_2947], %scan3A_3064#7 : memref<1280xf32, #tpu.memory_space<vmem>>[vector<16xi32>], vector<16xf32>,
      tpu.vector_store_idx %arg12[%add3A_2953], %scan3A_3064#8 : memref<1280xf32, #tpu.memory_space<vmem>>[vector<16xi32>], vector<16xf32>,
      tpu.vector_store_idx %arg12[%add3A_2959], %scan3A_3064#9 : memref<1280xf32, #tpu.memory_space<vmem>>[vector<16xi32>], vector<16xf32>,
      tpu.vector_store_idx %arg12[%add3A_2965], %scan3A_3064#10 : memref<1280xf32, #tpu.memory_space<vmem>>[vector<16xi32>], vector<16xf32>,
      tpu.vector_store_idx %arg12[%add3A_2971], %scan3A_3064#11 : memref<1280xf32, #tpu.memory_space<vmem>>[vector<16xi32>], vector<16xf32>,
      tpu.vector_store_idx %arg12[%add3A_2977], %scan3A_3064#12 : memref<1280xf32, #tpu.memory_space<vmem>>[vector<16xi32>], vector<16xf32>,
      tpu.vector_store_idx %arg12[%add3A_2983], %scan3A_3064#13 : memref<1280xf32, #tpu.memory_space<vmem>>[vector<16xi32>], vector<16xf32>,
      tpu.vector_store_idx %arg12[%add3A_2989], %scan3A_3064#14 : memref<1280xf32, #tpu.memory_space<vmem>>[vector<16xi32>], vector<16xf32>,
      tpu.vector_store_idx %arg12[%add3A_2995], %scan3A_3064#15 : memref<1280xf32, #tpu.memory_space<vmem>>[vector<16xi32>], vector<16xf32>,
      tpu.vector_store_idx %arg12[%add3A_3001], %scan3A_3064#16 : memref<1280xf32, #tpu.memory_space<vmem>>[vector<16xi32>], vector<16xf32>,
      tpu.vector_store_idx %arg12[%add3A_3007], %scan3A_3064#17 : memref<1280xf32, #tpu.memory_space<vmem>>[vector<16xi32>], vector<16xf32>,
      tpu.vector_store_idx %arg12[%add3A_3013], %scan3A_3064#18 : memref<1280xf32, #tpu.memory_space<vmem>>[vector<16xi32>], vector<16xf32>,
      tpu.vector_store_idx %arg12[%add3A_3019], %scan3A_3064#19 : memref<1280xf32, #tpu.memory_space<vmem>>[vector<16xi32>], vector<16xf32>,
      %mul3A_3066 = arith.constant 20 : i32
      %mul3A_3067 = vector.broadcast %mul3A_3066 : i32 to vector<16xi32>
      %mul3A_3068 = arith.muli %iota3A, %mul3A_3067 : vector<16xi32>
      %add3A_3069 = arith.constant 960 : i32
      %add3A_3070 = vector.broadcast %add3A_3069 : i32 to vector<16xi32>
      %add3A_3071 = arith.addi %mul3A_3068, %add3A_3070 : vector<16xi32>
      %mul3A_3072 = arith.constant 20 : i32
      %mul3A_3073 = vector.broadcast %mul3A_3072 : i32 to vector<16xi32>
      %mul3A_3074 = arith.muli %iota3A, %mul3A_3073 : vector<16xi32>
      %add3A_3075 = arith.constant 961 : i32
      %add3A_3076 = vector.broadcast %add3A_3075 : i32 to vector<16xi32>
      %add3A_3077 = arith.addi %mul3A_3074, %add3A_3076 : vector<16xi32>
      %mul3A_3078 = arith.constant 20 : i32
      %mul3A_3079 = vector.broadcast %mul3A_3078 : i32 to vector<16xi32>
      %mul3A_3080 = arith.muli %iota3A, %mul3A_3079 : vector<16xi32>
      %add3A_3081 = arith.constant 962 : i32
      %add3A_3082 = vector.broadcast %add3A_3081 : i32 to vector<16xi32>
      %add3A_3083 = arith.addi %mul3A_3080, %add3A_3082 : vector<16xi32>
      %mul3A_3084 = arith.constant 20 : i32
      %mul3A_3085 = vector.broadcast %mul3A_3084 : i32 to vector<16xi32>
      %mul3A_3086 = arith.muli %iota3A, %mul3A_3085 : vector<16xi32>
      %add3A_3087 = arith.constant 963 : i32
      %add3A_3088 = vector.broadcast %add3A_3087 : i32 to vector<16xi32>
      %add3A_3089 = arith.addi %mul3A_3086, %add3A_3088 : vector<16xi32>
      %mul3A_3090 = arith.constant 20 : i32
      %mul3A_3091 = vector.broadcast %mul3A_3090 : i32 to vector<16xi32>
      %mul3A_3092 = arith.muli %iota3A, %mul3A_3091 : vector<16xi32>
      %add3A_3093 = arith.constant 964 : i32
      %add3A_3094 = vector.broadcast %add3A_3093 : i32 to vector<16xi32>
      %add3A_3095 = arith.addi %mul3A_3092, %add3A_3094 : vector<16xi32>
      %mul3A_3096 = arith.constant 20 : i32
      %mul3A_3097 = vector.broadcast %mul3A_3096 : i32 to vector<16xi32>
      %mul3A_3098 = arith.muli %iota3A, %mul3A_3097 : vector<16xi32>
      %add3A_3099 = arith.constant 965 : i32
      %add3A_3100 = vector.broadcast %add3A_3099 : i32 to vector<16xi32>
      %add3A_3101 = arith.addi %mul3A_3098, %add3A_3100 : vector<16xi32>
      %mul3A_3102 = arith.constant 20 : i32
      %mul3A_3103 = vector.broadcast %mul3A_3102 : i32 to vector<16xi32>
      %mul3A_3104 = arith.muli %iota3A, %mul3A_3103 : vector<16xi32>
      %add3A_3105 = arith.constant 966 : i32
      %add3A_3106 = vector.broadcast %add3A_3105 : i32 to vector<16xi32>
      %add3A_3107 = arith.addi %mul3A_3104, %add3A_3106 : vector<16xi32>
      %mul3A_3108 = arith.constant 20 : i32
      %mul3A_3109 = vector.broadcast %mul3A_3108 : i32 to vector<16xi32>
      %mul3A_3110 = arith.muli %iota3A, %mul3A_3109 : vector<16xi32>
      %add3A_3111 = arith.constant 967 : i32
      %add3A_3112 = vector.broadcast %add3A_3111 : i32 to vector<16xi32>
      %add3A_3113 = arith.addi %mul3A_3110, %add3A_3112 : vector<16xi32>
      %mul3A_3114 = arith.constant 20 : i32
      %mul3A_3115 = vector.broadcast %mul3A_3114 : i32 to vector<16xi32>
      %mul3A_3116 = arith.muli %iota3A, %mul3A_3115 : vector<16xi32>
      %add3A_3117 = arith.constant 968 : i32
      %add3A_3118 = vector.broadcast %add3A_3117 : i32 to vector<16xi32>
      %add3A_3119 = arith.addi %mul3A_3116, %add3A_3118 : vector<16xi32>
      %mul3A_3120 = arith.constant 20 : i32
      %mul3A_3121 = vector.broadcast %mul3A_3120 : i32 to vector<16xi32>
      %mul3A_3122 = arith.muli %iota3A, %mul3A_3121 : vector<16xi32>
      %add3A_3123 = arith.constant 969 : i32
      %add3A_3124 = vector.broadcast %add3A_3123 : i32 to vector<16xi32>
      %add3A_3125 = arith.addi %mul3A_3122, %add3A_3124 : vector<16xi32>
      %mul3A_3126 = arith.constant 20 : i32
      %mul3A_3127 = vector.broadcast %mul3A_3126 : i32 to vector<16xi32>
      %mul3A_3128 = arith.muli %iota3A, %mul3A_3127 : vector<16xi32>
      %add3A_3129 = arith.constant 970 : i32
      %add3A_3130 = vector.broadcast %add3A_3129 : i32 to vector<16xi32>
      %add3A_3131 = arith.addi %mul3A_3128, %add3A_3130 : vector<16xi32>
      %mul3A_3132 = arith.constant 20 : i32
      %mul3A_3133 = vector.broadcast %mul3A_3132 : i32 to vector<16xi32>
      %mul3A_3134 = arith.muli %iota3A, %mul3A_3133 : vector<16xi32>
      %add3A_3135 = arith.constant 971 : i32
      %add3A_3136 = vector.broadcast %add3A_3135 : i32 to vector<16xi32>
      %add3A_3137 = arith.addi %mul3A_3134, %add3A_3136 : vector<16xi32>
      %mul3A_3138 = arith.constant 20 : i32
      %mul3A_3139 = vector.broadcast %mul3A_3138 : i32 to vector<16xi32>
      %mul3A_3140 = arith.muli %iota3A, %mul3A_3139 : vector<16xi32>
      %add3A_3141 = arith.constant 972 : i32
      %add3A_3142 = vector.broadcast %add3A_3141 : i32 to vector<16xi32>
      %add3A_3143 = arith.addi %mul3A_3140, %add3A_3142 : vector<16xi32>
      %mul3A_3144 = arith.constant 20 : i32
      %mul3A_3145 = vector.broadcast %mul3A_3144 : i32 to vector<16xi32>
      %mul3A_3146 = arith.muli %iota3A, %mul3A_3145 : vector<16xi32>
      %add3A_3147 = arith.constant 973 : i32
      %add3A_3148 = vector.broadcast %add3A_3147 : i32 to vector<16xi32>
      %add3A_3149 = arith.addi %mul3A_3146, %add3A_3148 : vector<16xi32>
      %mul3A_3150 = arith.constant 20 : i32
      %mul3A_3151 = vector.broadcast %mul3A_3150 : i32 to vector<16xi32>
      %mul3A_3152 = arith.muli %iota3A, %mul3A_3151 : vector<16xi32>
      %add3A_3153 = arith.constant 974 : i32
      %add3A_3154 = vector.broadcast %add3A_3153 : i32 to vector<16xi32>
      %add3A_3155 = arith.addi %mul3A_3152, %add3A_3154 : vector<16xi32>
      %mul3A_3156 = arith.constant 20 : i32
      %mul3A_3157 = vector.broadcast %mul3A_3156 : i32 to vector<16xi32>
      %mul3A_3158 = arith.muli %iota3A, %mul3A_3157 : vector<16xi32>
      %add3A_3159 = arith.constant 975 : i32
      %add3A_3160 = vector.broadcast %add3A_3159 : i32 to vector<16xi32>
      %add3A_3161 = arith.addi %mul3A_3158, %add3A_3160 : vector<16xi32>
      %mul3A_3162 = arith.constant 20 : i32
      %mul3A_3163 = vector.broadcast %mul3A_3162 : i32 to vector<16xi32>
      %mul3A_3164 = arith.muli %iota3A, %mul3A_3163 : vector<16xi32>
      %add3A_3165 = arith.constant 976 : i32
      %add3A_3166 = vector.broadcast %add3A_3165 : i32 to vector<16xi32>
      %add3A_3167 = arith.addi %mul3A_3164, %add3A_3166 : vector<16xi32>
      %mul3A_3168 = arith.constant 20 : i32
      %mul3A_3169 = vector.broadcast %mul3A_3168 : i32 to vector<16xi32>
      %mul3A_3170 = arith.muli %iota3A, %mul3A_3169 : vector<16xi32>
      %add3A_3171 = arith.constant 977 : i32
      %add3A_3172 = vector.broadcast %add3A_3171 : i32 to vector<16xi32>
      %add3A_3173 = arith.addi %mul3A_3170, %add3A_3172 : vector<16xi32>
      %mul3A_3174 = arith.constant 20 : i32
      %mul3A_3175 = vector.broadcast %mul3A_3174 : i32 to vector<16xi32>
      %mul3A_3176 = arith.muli %iota3A, %mul3A_3175 : vector<16xi32>
      %add3A_3177 = arith.constant 978 : i32
      %add3A_3178 = vector.broadcast %add3A_3177 : i32 to vector<16xi32>
      %add3A_3179 = arith.addi %mul3A_3176, %add3A_3178 : vector<16xi32>
      %mul3A_3180 = arith.constant 20 : i32
      %mul3A_3181 = vector.broadcast %mul3A_3180 : i32 to vector<16xi32>
      %mul3A_3182 = arith.muli %iota3A, %mul3A_3181 : vector<16xi32>
      %add3A_3183 = arith.constant 979 : i32
      %add3A_3184 = vector.broadcast %add3A_3183 : i32 to vector<16xi32>
      %add3A_3185 = arith.addi %mul3A_3182, %add3A_3184 : vector<16xi32>
      %broadcast_in_dim3A_3186 = arith.constant 0.000000e+00 : f32
      %broadcast_in_dim3A_3187 = vector.broadcast %broadcast_in_dim3A_3186 : f32 to vector<16xf32>
      %broadcast_in_dim3A_3188 = arith.constant 0.000000e+00 : f32
      %broadcast_in_dim3A_3189 = vector.broadcast %broadcast_in_dim3A_3188 : f32 to vector<16xf32>
      %broadcast_in_dim3A_3190 = arith.constant 0.000000e+00 : f32
      %broadcast_in_dim3A_3191 = vector.broadcast %broadcast_in_dim3A_3190 : f32 to vector<16xf32>
      %broadcast_in_dim3A_3192 = arith.constant 0.000000e+00 : f32
      %broadcast_in_dim3A_3193 = vector.broadcast %broadcast_in_dim3A_3192 : f32 to vector<16xf32>
      %broadcast_in_dim3A_3194 = arith.constant 0.000000e+00 : f32
      %broadcast_in_dim3A_3195 = vector.broadcast %broadcast_in_dim3A_3194 : f32 to vector<16xf32>
      %broadcast_in_dim3A_3196 = arith.constant 0.000000e+00 : f32
      %broadcast_in_dim3A_3197 = vector.broadcast %broadcast_in_dim3A_3196 : f32 to vector<16xf32>
      %broadcast_in_dim3A_3198 = arith.constant 0.000000e+00 : f32
      %broadcast_in_dim3A_3199 = vector.broadcast %broadcast_in_dim3A_3198 : f32 to vector<16xf32>
      %broadcast_in_dim3A_3200 = arith.constant 0.000000e+00 : f32
      %broadcast_in_dim3A_3201 = vector.broadcast %broadcast_in_dim3A_3200 : f32 to vector<16xf32>
      %broadcast_in_dim3A_3202 = arith.constant 0.000000e+00 : f32
      %broadcast_in_dim3A_3203 = vector.broadcast %broadcast_in_dim3A_3202 : f32 to vector<16xf32>
      %broadcast_in_dim3A_3204 = arith.constant 0.000000e+00 : f32
      %broadcast_in_dim3A_3205 = vector.broadcast %broadcast_in_dim3A_3204 : f32 to vector<16xf32>
      %broadcast_in_dim3A_3206 = arith.constant 0.000000e+00 : f32
      %broadcast_in_dim3A_3207 = vector.broadcast %broadcast_in_dim3A_3206 : f32 to vector<16xf32>
      %broadcast_in_dim3A_3208 = arith.constant 0.000000e+00 : f32
      %broadcast_in_dim3A_3209 = vector.broadcast %broadcast_in_dim3A_3208 : f32 to vector<16xf32>
      %broadcast_in_dim3A_3210 = arith.constant 0.000000e+00 : f32
      %broadcast_in_dim3A_3211 = vector.broadcast %broadcast_in_dim3A_3210 : f32 to vector<16xf32>
      %broadcast_in_dim3A_3212 = arith.constant 0.000000e+00 : f32
      %broadcast_in_dim3A_3213 = vector.broadcast %broadcast_in_dim3A_3212 : f32 to vector<16xf32>
      %broadcast_in_dim3A_3214 = arith.constant 0.000000e+00 : f32
      %broadcast_in_dim3A_3215 = vector.broadcast %broadcast_in_dim3A_3214 : f32 to vector<16xf32>
      %broadcast_in_dim3A_3216 = arith.constant 0.000000e+00 : f32
      %broadcast_in_dim3A_3217 = vector.broadcast %broadcast_in_dim3A_3216 : f32 to vector<16xf32>
      %broadcast_in_dim3A_3218 = arith.constant 0.000000e+00 : f32
      %broadcast_in_dim3A_3219 = vector.broadcast %broadcast_in_dim3A_3218 : f32 to vector<16xf32>
      %broadcast_in_dim3A_3220 = arith.constant 0.000000e+00 : f32
      %broadcast_in_dim3A_3221 = vector.broadcast %broadcast_in_dim3A_3220 : f32 to vector<16xf32>
      %broadcast_in_dim3A_3222 = arith.constant 0.000000e+00 : f32
      %broadcast_in_dim3A_3223 = vector.broadcast %broadcast_in_dim3A_3222 : f32 to vector<16xf32>
      %broadcast_in_dim3A_3224 = arith.constant 0.000000e+00 : f32
      %broadcast_in_dim3A_3225 = vector.broadcast %broadcast_in_dim3A_3224 : f32 to vector<16xf32>
      %scan3A_3226 = arith.constant 0 : i32
      %scan3A_3227 = arith.constant 64 : i32
      %scan3A_3228 = arith.addi %scan3A_3226, %scan3A_3227 : i32
      %scan3A_3229 = arith.constant 1 : i32
      %scan3A_3230:20 = scf.for %scan3A_3234 = %scan3A_3226 to %scan3A_3228 step %scan3A_3229 iter_args(%scan3A_3235 = %broadcast_in_dim3A_3187, %scan3A_3236 = %broadcast_in_dim3A_3189, %scan3A_3237 = %broadcast_in_dim3A_3191, %scan3A_3238 = %broadcast_in_dim3A_3193, %scan3A_3239 = %broadcast_in_dim3A_3195, %scan3A_3240 = %broadcast_in_dim3A_3197, %scan3A_3241 = %broadcast_in_dim3A_3199, %scan3A_3242 = %broadcast_in_dim3A_3201, %scan3A_3243 = %broadcast_in_dim3A_3203, %scan3A_3244 = %broadcast_in_dim3A_3205, %scan3A_3245 = %broadcast_in_dim3A_3207, %scan3A_3246 = %broadcast_in_dim3A_3209, %scan3A_3247 = %broadcast_in_dim3A_3211, %scan3A_3248 = %broadcast_in_dim3A_3213, %scan3A_3249 = %broadcast_in_dim3A_3215, %scan3A_3250 = %broadcast_in_dim3A_3217, %scan3A_3251 = %broadcast_in_dim3A_3219, %scan3A_3252 = %broadcast_in_dim3A_3221, %scan3A_3253 = %broadcast_in_dim3A_3223, %scan3A_3254 = %broadcast_in_dim3A_3225) -> (vector<16xf32>, vector<16xf32>, vector<16xf32>, vector<16xf32>, vector<16xf32>, vector<16xf32>, vector<16xf32>, vector<16xf32>, vector<16xf32>, vector<16xf32>, vector<16xf32>, vector<16xf32>, vector<16xf32>, vector<16xf32>, vector<16xf32>, vector<16xf32>, vector<16xf32>, vector<16xf32>, vector<16xf32>, vector<16xf32>)  : i32 {
        %mul3A_3255 = arith.constant 64 : i32
        %mul3A_3256 = arith.muli %scan3A_3234, %mul3A_3255 : i32
        %add3A_3257 = arith.constant 48 : i32
        %add3A_3258 = arith.addi %mul3A_3256, %add3A_3257 : i32
        %get3A_3259 = arith.index_cast %add3A_3258 : i32 to index
        %get3A_3260 = tpu.vector_load %arg9[%get3A_3259] {strides = array<i32>} : memref<4096xf32, #tpu.memory_space<vmem>>, vector<16xf32>,
        %broadcast_in_dim3A_3261 = vector.broadcast %scan3A_3234 : i32 to vector<16xi32>
        %gather3A = tpu.vector_load_idx %arg11[%add3A_3071, %broadcast_in_dim3A_3261] : memref<1280x64xf32, #tpu.memory_space<vmem>>[vector<16xi32>, vector<16xi32>], vector<16xf32>,
        %mul3A_3262 = arith.mulf %get3A_3260, %gather3A : vector<16xf32>
        %add3A_3263 = arith.addf %scan3A_3235, %mul3A_3262 : vector<16xf32>
        %gather3A_3264 = tpu.vector_load_idx %arg11[%add3A_3077, %broadcast_in_dim3A_3261] : memref<1280x64xf32, #tpu.memory_space<vmem>>[vector<16xi32>, vector<16xi32>], vector<16xf32>,
        %mul3A_3265 = arith.mulf %get3A_3260, %gather3A_3264 : vector<16xf32>
        %add3A_3266 = arith.addf %scan3A_3236, %mul3A_3265 : vector<16xf32>
        %gather3A_3267 = tpu.vector_load_idx %arg11[%add3A_3083, %broadcast_in_dim3A_3261] : memref<1280x64xf32, #tpu.memory_space<vmem>>[vector<16xi32>, vector<16xi32>], vector<16xf32>,
        %mul3A_3268 = arith.mulf %get3A_3260, %gather3A_3267 : vector<16xf32>
        %add3A_3269 = arith.addf %scan3A_3237, %mul3A_3268 : vector<16xf32>
        %gather3A_3270 = tpu.vector_load_idx %arg11[%add3A_3089, %broadcast_in_dim3A_3261] : memref<1280x64xf32, #tpu.memory_space<vmem>>[vector<16xi32>, vector<16xi32>], vector<16xf32>,
        %mul3A_3271 = arith.mulf %get3A_3260, %gather3A_3270 : vector<16xf32>
        %add3A_3272 = arith.addf %scan3A_3238, %mul3A_3271 : vector<16xf32>
        %gather3A_3273 = tpu.vector_load_idx %arg11[%add3A_3095, %broadcast_in_dim3A_3261] : memref<1280x64xf32, #tpu.memory_space<vmem>>[vector<16xi32>, vector<16xi32>], vector<16xf32>,
        %mul3A_3274 = arith.mulf %get3A_3260, %gather3A_3273 : vector<16xf32>
        %add3A_3275 = arith.addf %scan3A_3239, %mul3A_3274 : vector<16xf32>
        %gather3A_3276 = tpu.vector_load_idx %arg11[%add3A_3101, %broadcast_in_dim3A_3261] : memref<1280x64xf32, #tpu.memory_space<vmem>>[vector<16xi32>, vector<16xi32>], vector<16xf32>,
        %mul3A_3277 = arith.mulf %get3A_3260, %gather3A_3276 : vector<16xf32>
        %add3A_3278 = arith.addf %scan3A_3240, %mul3A_3277 : vector<16xf32>
        %gather3A_3279 = tpu.vector_load_idx %arg11[%add3A_3107, %broadcast_in_dim3A_3261] : memref<1280x64xf32, #tpu.memory_space<vmem>>[vector<16xi32>, vector<16xi32>], vector<16xf32>,
        %mul3A_3280 = arith.mulf %get3A_3260, %gather3A_3279 : vector<16xf32>
        %add3A_3281 = arith.addf %scan3A_3241, %mul3A_3280 : vector<16xf32>
        %gather3A_3282 = tpu.vector_load_idx %arg11[%add3A_3113, %broadcast_in_dim3A_3261] : memref<1280x64xf32, #tpu.memory_space<vmem>>[vector<16xi32>, vector<16xi32>], vector<16xf32>,
        %mul3A_3283 = arith.mulf %get3A_3260, %gather3A_3282 : vector<16xf32>
        %add3A_3284 = arith.addf %scan3A_3242, %mul3A_3283 : vector<16xf32>
        %gather3A_3285 = tpu.vector_load_idx %arg11[%add3A_3119, %broadcast_in_dim3A_3261] : memref<1280x64xf32, #tpu.memory_space<vmem>>[vector<16xi32>, vector<16xi32>], vector<16xf32>,
        %mul3A_3286 = arith.mulf %get3A_3260, %gather3A_3285 : vector<16xf32>
        %add3A_3287 = arith.addf %scan3A_3243, %mul3A_3286 : vector<16xf32>
        %gather3A_3288 = tpu.vector_load_idx %arg11[%add3A_3125, %broadcast_in_dim3A_3261] : memref<1280x64xf32, #tpu.memory_space<vmem>>[vector<16xi32>, vector<16xi32>], vector<16xf32>,
        %mul3A_3289 = arith.mulf %get3A_3260, %gather3A_3288 : vector<16xf32>
        %add3A_3290 = arith.addf %scan3A_3244, %mul3A_3289 : vector<16xf32>
        %gather3A_3291 = tpu.vector_load_idx %arg11[%add3A_3131, %broadcast_in_dim3A_3261] : memref<1280x64xf32, #tpu.memory_space<vmem>>[vector<16xi32>, vector<16xi32>], vector<16xf32>,
        %mul3A_3292 = arith.mulf %get3A_3260, %gather3A_3291 : vector<16xf32>
        %add3A_3293 = arith.addf %scan3A_3245, %mul3A_3292 : vector<16xf32>
        %gather3A_3294 = tpu.vector_load_idx %arg11[%add3A_3137, %broadcast_in_dim3A_3261] : memref<1280x64xf32, #tpu.memory_space<vmem>>[vector<16xi32>, vector<16xi32>], vector<16xf32>,
        %mul3A_3295 = arith.mulf %get3A_3260, %gather3A_3294 : vector<16xf32>
        %add3A_3296 = arith.addf %scan3A_3246, %mul3A_3295 : vector<16xf32>
        %gather3A_3297 = tpu.vector_load_idx %arg11[%add3A_3143, %broadcast_in_dim3A_3261] : memref<1280x64xf32, #tpu.memory_space<vmem>>[vector<16xi32>, vector<16xi32>], vector<16xf32>,
        %mul3A_3298 = arith.mulf %get3A_3260, %gather3A_3297 : vector<16xf32>
        %add3A_3299 = arith.addf %scan3A_3247, %mul3A_3298 : vector<16xf32>
        %gather3A_3300 = tpu.vector_load_idx %arg11[%add3A_3149, %broadcast_in_dim3A_3261] : memref<1280x64xf32, #tpu.memory_space<vmem>>[vector<16xi32>, vector<16xi32>], vector<16xf32>,
        %mul3A_3301 = arith.mulf %get3A_3260, %gather3A_3300 : vector<16xf32>
        %add3A_3302 = arith.addf %scan3A_3248, %mul3A_3301 : vector<16xf32>
        %gather3A_3303 = tpu.vector_load_idx %arg11[%add3A_3155, %broadcast_in_dim3A_3261] : memref<1280x64xf32, #tpu.memory_space<vmem>>[vector<16xi32>, vector<16xi32>], vector<16xf32>,
        %mul3A_3304 = arith.mulf %get3A_3260, %gather3A_3303 : vector<16xf32>
        %add3A_3305 = arith.addf %scan3A_3249, %mul3A_3304 : vector<16xf32>
        %gather3A_3306 = tpu.vector_load_idx %arg11[%add3A_3161, %broadcast_in_dim3A_3261] : memref<1280x64xf32, #tpu.memory_space<vmem>>[vector<16xi32>, vector<16xi32>], vector<16xf32>,
        %mul3A_3307 = arith.mulf %get3A_3260, %gather3A_3306 : vector<16xf32>
        %add3A_3308 = arith.addf %scan3A_3250, %mul3A_3307 : vector<16xf32>
        %gather3A_3309 = tpu.vector_load_idx %arg11[%add3A_3167, %broadcast_in_dim3A_3261] : memref<1280x64xf32, #tpu.memory_space<vmem>>[vector<16xi32>, vector<16xi32>], vector<16xf32>,
        %mul3A_3310 = arith.mulf %get3A_3260, %gather3A_3309 : vector<16xf32>
        %add3A_3311 = arith.addf %scan3A_3251, %mul3A_3310 : vector<16xf32>
        %gather3A_3312 = tpu.vector_load_idx %arg11[%add3A_3173, %broadcast_in_dim3A_3261] : memref<1280x64xf32, #tpu.memory_space<vmem>>[vector<16xi32>, vector<16xi32>], vector<16xf32>,
        %mul3A_3313 = arith.mulf %get3A_3260, %gather3A_3312 : vector<16xf32>
        %add3A_3314 = arith.addf %scan3A_3252, %mul3A_3313 : vector<16xf32>
        %gather3A_3315 = tpu.vector_load_idx %arg11[%add3A_3179, %broadcast_in_dim3A_3261] : memref<1280x64xf32, #tpu.memory_space<vmem>>[vector<16xi32>, vector<16xi32>], vector<16xf32>,
        %mul3A_3316 = arith.mulf %get3A_3260, %gather3A_3315 : vector<16xf32>
        %add3A_3317 = arith.addf %scan3A_3253, %mul3A_3316 : vector<16xf32>
        %gather3A_3318 = tpu.vector_load_idx %arg11[%add3A_3185, %broadcast_in_dim3A_3261] : memref<1280x64xf32, #tpu.memory_space<vmem>>[vector<16xi32>, vector<16xi32>], vector<16xf32>,
        %mul3A_3319 = arith.mulf %get3A_3260, %gather3A_3318 : vector<16xf32>
        %add3A_3320 = arith.addf %scan3A_3254, %mul3A_3319 : vector<16xf32>
        scf.yield %add3A_3263, %add3A_3266, %add3A_3269, %add3A_3272, %add3A_3275, %add3A_3278, %add3A_3281, %add3A_3284, %add3A_3287, %add3A_3290, %add3A_3293, %add3A_3296, %add3A_3299, %add3A_3302, %add3A_3305, %add3A_3308, %add3A_3311, %add3A_3314, %add3A_3317, %add3A_3320 : vector<16xf32>, vector<16xf32>, vector<16xf32>, vector<16xf32>, vector<16xf32>, vector<16xf32>, vector<16xf32>, vector<16xf32>, vector<16xf32>, vector<16xf32>, vector<16xf32>, vector<16xf32>, vector<16xf32>, vector<16xf32>, vector<16xf32>, vector<16xf32>, vector<16xf32>, vector<16xf32>, vector<16xf32>, vector<16xf32>
      }
      %scan3A_3231 = arith.constant 64 : i32
      tpu.vector_store_idx %arg12[%add3A_3071], %scan3A_3230#0 : memref<1280xf32, #tpu.memory_space<vmem>>[vector<16xi32>], vector<16xf32>,
      tpu.vector_store_idx %arg12[%add3A_3077], %scan3A_3230#1 : memref<1280xf32, #tpu.memory_space<vmem>>[vector<16xi32>], vector<16xf32>,
      tpu.vector_store_idx %arg12[%add3A_3083], %scan3A_3230#2 : memref<1280xf32, #tpu.memory_space<vmem>>[vector<16xi32>], vector<16xf32>,
      tpu.vector_store_idx %arg12[%add3A_3089], %scan3A_3230#3 : memref<1280xf32, #tpu.memory_space<vmem>>[vector<16xi32>], vector<16xf32>,
      tpu.vector_store_idx %arg12[%add3A_3095], %scan3A_3230#4 : memref<1280xf32, #tpu.memory_space<vmem>>[vector<16xi32>], vector<16xf32>,
      tpu.vector_store_idx %arg12[%add3A_3101], %scan3A_3230#5 : memref<1280xf32, #tpu.memory_space<vmem>>[vector<16xi32>], vector<16xf32>,
      tpu.vector_store_idx %arg12[%add3A_3107], %scan3A_3230#6 : memref<1280xf32, #tpu.memory_space<vmem>>[vector<16xi32>], vector<16xf32>,
      tpu.vector_store_idx %arg12[%add3A_3113], %scan3A_3230#7 : memref<1280xf32, #tpu.memory_space<vmem>>[vector<16xi32>], vector<16xf32>,
      tpu.vector_store_idx %arg12[%add3A_3119], %scan3A_3230#8 : memref<1280xf32, #tpu.memory_space<vmem>>[vector<16xi32>], vector<16xf32>,
      tpu.vector_store_idx %arg12[%add3A_3125], %scan3A_3230#9 : memref<1280xf32, #tpu.memory_space<vmem>>[vector<16xi32>], vector<16xf32>,
      tpu.vector_store_idx %arg12[%add3A_3131], %scan3A_3230#10 : memref<1280xf32, #tpu.memory_space<vmem>>[vector<16xi32>], vector<16xf32>,
      tpu.vector_store_idx %arg12[%add3A_3137], %scan3A_3230#11 : memref<1280xf32, #tpu.memory_space<vmem>>[vector<16xi32>], vector<16xf32>,
      tpu.vector_store_idx %arg12[%add3A_3143], %scan3A_3230#12 : memref<1280xf32, #tpu.memory_space<vmem>>[vector<16xi32>], vector<16xf32>,
      tpu.vector_store_idx %arg12[%add3A_3149], %scan3A_3230#13 : memref<1280xf32, #tpu.memory_space<vmem>>[vector<16xi32>], vector<16xf32>,
      tpu.vector_store_idx %arg12[%add3A_3155], %scan3A_3230#14 : memref<1280xf32, #tpu.memory_space<vmem>>[vector<16xi32>], vector<16xf32>,
      tpu.vector_store_idx %arg12[%add3A_3161], %scan3A_3230#15 : memref<1280xf32, #tpu.memory_space<vmem>>[vector<16xi32>], vector<16xf32>,
      tpu.vector_store_idx %arg12[%add3A_3167], %scan3A_3230#16 : memref<1280xf32, #tpu.memory_space<vmem>>[vector<16xi32>], vector<16xf32>,
      tpu.vector_store_idx %arg12[%add3A_3173], %scan3A_3230#17 : memref<1280xf32, #tpu.memory_space<vmem>>[vector<16xi32>], vector<16xf32>,
      tpu.vector_store_idx %arg12[%add3A_3179], %scan3A_3230#18 : memref<1280xf32, #tpu.memory_space<vmem>>[vector<16xi32>], vector<16xf32>,
      tpu.vector_store_idx %arg12[%add3A_3185], %scan3A_3230#19 : memref<1280xf32, #tpu.memory_space<vmem>>[vector<16xi32>], vector<16xf32>,
      %mul3A_3232 = arith.constant 20 : i32
      %mul3A_3233 = arith.muli %add3A_11, %mul3A_3232 : i32
      "tpu.region"() ({
        %run_scoped3A_3234 = tpu.sem_alloc : memref<!tpu.dma_semaphore, #tpu.memory_space<semaphore_mem>>
        %dma_start3A_3235 = tpu.memref_slice %arg6[%mul3A_3233] : memref<327680xf32, #tpu.memory_space<hbm>> -> memref<1280xf32, #tpu.memory_space<hbm>>
        %dma_start3A_3236 = tpu.memref_slice %arg6[%mul3A_3233] : memref<327680xf32, #tpu.memory_space<hbm>> -> memref<1280xf32, #tpu.memory_space<hbm>>
        tpu.enqueue_dma source(%arg12 : memref<1280xf32, #tpu.memory_space<vmem>>) target(%dma_start3A_3236 : memref<1280xf32, #tpu.memory_space<hbm>>) target_semaphore(%run_scoped3A_3234 : memref<!tpu.dma_semaphore, #tpu.memory_space<semaphore_mem>>)
        %dma_wait3A_3237 = tpu.memref_slice %arg6[%mul3A_3233] : memref<327680xf32, #tpu.memory_space<hbm>> -> memref<1280xf32, #tpu.memory_space<hbm>>
        %dma_wait3A_3238 = tpu.memref_slice %arg6[%mul3A_3233] : memref<327680xf32, #tpu.memory_space<hbm>> -> memref<1280xf32, #tpu.memory_space<hbm>>
        tpu.wait_dma2 semaphore(%run_scoped3A_3234 : memref<!tpu.dma_semaphore, #tpu.memory_space<semaphore_mem>>) src(%arg12 : memref<1280xf32, #tpu.memory_space<vmem>>) dst(%dma_wait3A_3238 : memref<1280xf32, #tpu.memory_space<hbm>>)
        tpu.yield
      }) : () -> ()
    }
    %scan3A_5 = arith.constant 8 : i32
    return
  }
}

</mosaic_0001>

<sc_bundles>
// kernel: kernel.3.cloned.1.call-start
scs
__scs_entry_jumppad:
0x0: {  	(pc) =	sbr.rel $0x88, $3  }
0x1: {  	(tag) =	ssettag $0x0;
	lr =	simm.s32 $0x1  }
0x2: {  	[smem:$0x3F9D] =	sst lr;
	_ =	strace $0xD0000000  }
0x3: {  	_ = 	snop  }
0x4: {  	_ = 	snop  }
0x5: {  	_ = 	snop  }
0x6: {  	_ = 	snop  }
0x7: {  	_ = 	snop  }
__scs_overlays_trampoline_lowered:
0x8: {  	[smem:$0x3FAC] =	sst s0  }
0x9: {  	[smem:$0x3FAD] =	sst s1  }
0xa: {  	[smem:$0x3FAE] =	sst s2  }
0xb: {  	[smem:$0x3FAF] =	sst s3  }
0xc: {  	[smem:$0x3FB0] =	sst s4  }
0xd: {  	[smem:$0x3FB1] =	sst s5  }
0xe: {  	[smem:$0x3FB2] =	sst s6  }
0xf: {  	[smem:$0x3FB3] =	sst s7  }
0x10: {  	[smem:$0x3FB4] =	sst s8  }
0x11: {  	[smem:$0x3FB5] =	sst s9;
	s0 =	simm.s32 @!p0 $0x0  }
0x12: {  	s1 =	sld [smem:$0x3F9B];
	s0 =	simm.s32 @p0 $0x1  }
0x13: {  	[smem:$0x3FB6] =	sst s0;
	s0 =	simm.s32 @!p1 $0x0  }
0x14: {  	s2 =	sld [smem:$0x3F9A];
	s0 =	simm.s32 @p1 $0x1  }
0x15: {  	[smem:$0x3FB7] =	sst s0;
	s0 =	simm.s32 @!p2 $0x0  }
0x16: {  	s3 =	sld [smem:$0x3FDB];
	s0 =	simm.s32 @p2 $0x1  }
0x17: {  	s4 =	simm.s32 $0x1BF5;
	[smem:$0x3FB9] =	sst s0  }
0x18: {  	s0 =	sld [smem:$0x3F9C];
	_ =	swait.ge [sflag:s4], $0x0  }
0x19: {  	s7 =	sld [smem:$0x3F9D]  }
0x1a: {  	s8 =	sadd.s32 $0xFFFFE003, lr  }
0x1b: {  	s9 =	sadd.s32 $0xFFFFFEF7, lr;
	s5 =	simm.s32 $0xFFFFFFFF;
	p2 =	slt.u32 s8, $0xFFFFF086  }
0x1c: {  	p1 =	slt.u32 s9, $0xF7A;
	s5 =	simm.s32 @!p2 $0x0  }
0x1d: {  	s5 =	simm.s32 @p1 $0x1;
	p0 =	seq.s32 s7, s2  }
0x1e: {  	s7 =	smul.u32 @!p0 $0xF7A, s2;
	p2 =	seq.s32 @!p0 s5, $0x0  }
0x1f: {  	s9 =	smul.u32 $0xF7A, s1;
	s8 =	simm.s32 @!p0 $0x1BF5;
	p2 =	por !p2, p0  }
0x20: {  	[sflag:s8] =	ssyncset.s32 @!p0 $0xFFFFF086;
	s6 =	sadd.s32 @!p0 s3, s7;
	s7 =	simm.s32 @!p0 $0x108  }
0x21: {  	s3 =	sadd.s32 s3, s9;
	s6 =	sadd.s32 @!p0 $0x88, s6;
	s7 =	simm.s32 @p2 $0x1082  }
0x22: {  	[simem:s7], [sflag:s8] =	dma.local @!p0 [hbm:s6], $0xF7A  }
0x23: {  	s9 =	sor.u32 $0xD0000000, s2;
	s6 =	simm.s32 $0x108;
	_ =	swait.ge @!p0 [sflag:s8], $0x0  }
0x24: {  	s3 =	sadd.s32 $0x88, s3;
	s6 =	simm.s32 @!p1 $0x1082;
	[sflag:s4] =	ssyncset.s32 $0xFFFFF086  }
0x25: {  	[simem:s6], [sflag:s4] =	dma.local [hbm:s3], $0xF7A  }
0x26: {  	[smem:$0x3F9D] =	sst s1;
	(tag) =	ssettag s2;
	_ =	strace s9  }
0x27: {  	s1 =	sld [smem:$0x3FAD]  }
0x28: {  	s2 =	sld [smem:$0x3FAE]  }
0x29: {  	s4 =	sld [smem:$0x3FB0]  }
0x2a: {  	p0 =	seq.s32 s5, $0x0;
	s5 =	sld [smem:$0x3FB1]  }
0x2b: {  	s6 =	sld [smem:$0x3FB2]  }
0x2c: {  	s7 =	sld [smem:$0x3FB3]  }
0x2d: {  	s3 =	simm.s32 $0x108;
	s8 =	sld [smem:$0x3FB4]  }
0x2e: {  	s3 =	simm.s32 @!p0 $0x1082;
	s9 =	sld [smem:$0x3FB5]  }
0x2f: {  	lr =	sadd.s32 s0, s3;
	s0 =	sld [smem:$0x3FAC]  }
0x30: {  	s3 =	sld [smem:$0x3FAF]  }
0x31: {  	[smem:$0x3FB8] =	sst s10  }
0x32: {  	s10 =	sld [smem:$0x3FB6];
	_ =	sdelay $0x3  }
0x33: {  	p0 =	seq.s32 s10, $0x1;
	s10 =	sld [smem:$0x3FB8];
	_ =	sdelay $0x3  }
0x34: {  	[smem:$0x3FB8] =	sst s10  }
0x35: {  	s10 =	sld [smem:$0x3FB7];
	_ =	sdelay $0x3  }
0x36: {  	p1 =	seq.s32 s10, $0x1;
	s10 =	sld [smem:$0x3FB8];
	_ =	sdelay $0x3  }
0x37: {  	[smem:$0x3FB8] =	sst s10  }
0x38: {  	s10 =	sld [smem:$0x3FB9]  }
0x39: {  	_ = 	snop;
	(pc) =	sbr.ind lr, $3  }
0x3a: {  	_ = 	snop  }
0x3b: {  	_ = 	snop  }
0x3c: {  	p2 =	seq.s32 s10, $0x1;
	s10 =	sld [smem:$0x3FB8]  }
0x3d: {  	_ =	shalt  }
0x3e: {  	_ =	shalt  }
0x3f: {  	_ =	shalt  }
0x40: {  	_ =	shalt  }
0x41: {  	_ =	shalt  }
0x42: {  	_ =	shalt  }
0x43: {  	_ =	shalt  }
0x44: {  	_ =	shalt  }
0x45: {  	_ =	shalt  }
0x46: {  	_ =	shalt  }
0x47: {  	_ =	shalt  }
0x48: {  	_ =	shalt  }
0x49: {  	_ =	shalt  }
0x4a: {  	_ =	shalt  }
0x4b: {  	_ =	shalt  }
0x4c: {  	_ =	shalt  }
0x4d: {  	_ =	shalt  }
0x4e: {  	_ =	shalt  }
0x4f: {  	_ =	shalt  }
0x50: {  	_ =	shalt  }
0x51: {  	_ =	shalt  }
0x52: {  	_ =	shalt  }
0x53: {  	_ =	shalt  }
0x54: {  	_ =	shalt  }
0x55: {  	_ =	shalt  }
0x56: {  	_ =	shalt  }
0x57: {  	_ =	shalt  }
0x58: {  	_ =	shalt  }
0x59: {  	_ =	shalt  }
0x5a: {  	_ =	shalt  }
0x5b: {  	_ =	shalt  }
0x5c: {  	_ =	shalt  }
0x5d: {  	_ =	shalt  }
0x5e: {  	_ =	shalt  }
0x5f: {  	_ =	shalt  }
0x60: {  	_ =	shalt  }
0x61: {  	_ =	shalt  }
0x62: {  	_ =	shalt  }
0x63: {  	_ =	shalt  }
0x64: {  	_ =	shalt  }
0x65: {  	_ =	shalt  }
0x66: {  	_ =	shalt  }
0x67: {  	_ =	shalt  }
0x68: {  	_ =	shalt  }
0x69: {  	_ =	shalt  }
0x6a: {  	_ =	shalt  }
0x6b: {  	_ =	shalt  }
0x6c: {  	_ =	shalt  }
0x6d: {  	_ =	shalt  }
0x6e: {  	_ =	shalt  }
0x6f: {  	_ =	shalt  }
0x70: {  	_ =	shalt  }
0x71: {  	_ =	shalt  }
0x72: {  	_ =	shalt  }
0x73: {  	_ =	shalt  }
0x74: {  	_ =	shalt  }
0x75: {  	_ =	shalt  }
0x76: {  	_ =	shalt  }
0x77: {  	_ =	shalt  }
0x78: {  	_ =	shalt  }
0x79: {  	_ =	shalt  }
0x7a: {  	_ =	shalt  }
0x7b: {  	_ =	shalt  }
0x7c: {  	_ =	shalt  }
0x7d: {  	_ =	shalt  }
0x7e: {  	_ =	shalt  }
0x7f: {  	_ =	shalt  }
0x80: {  	_ =	shalt  }
0x81: {  	_ =	shalt  }
0x82: {  	_ =	shalt  }
0x83: {  	_ =	shalt  }
0x84: {  	_ =	shalt  }
0x85: {  	_ =	shalt  }
0x86: {  	_ =	shalt  }
0x87: {  	_ =	shalt  }
.Lfunc_end0:
.L_simem_size_0:
called_computation_lowered:
.L_overlay_start_0:
0x88: {  	s2 =	sld [smem:$0x3FD9]  }
0x89: {  	s3 =	sld [smem:$0x3FFE];
	_ =	sdelay $0x1  }
0x8a: {  	s1 =	srdreg.scid  }
0x8b: {  	s0 =	sand.u32 $0x1, s1  }
0x8c: {  	s17 =	sshll.u32 s0, $0xA;
	s2 =	sadd.s32 s3, s2  }
0x8d: {  	s2 =	sadd.s32 s2, s17  }
0x8e: {  	[smem:$0x3FC4] =	sst s2  }
0x8f: {  	_ = 	snop  }
0x90: {  	s2 =	sld [smem:$0x3FC9]  }
0x91: {  	s18 =	sld [smem:$0x3FD0];
	(tm) =	ssettm $0x1  }
0x92: {  	s4 =	sld [smem:$0x3FFB];
	_ =	sdelay $0x3  }
0x93: {  	_ =	strace s4  }
0x94: {  	s4 =	sld [smem:$0x3FFC];
	_ =	sdelay $0x3  }
0x95: {  	_ =	strace s4  }
0x96: {  	s4 =	sld [smem:$0x3FFD];
	_ =	sdelay $0x3  }
0x97: {  	_ =	strace s4  }
0x98: {  	_ =	strace $0x8FFFFFFF  }
0x99: {  	s19 =	sld [smem:$0x3FDB];
	_ =	sdelay $0x1  }
0x9a: {  	s5 =	simm.s32 $_scs_section_size  }
0x9b: {  	s6 =	simm.s32 $_size__tile_overlayer_lowered;
	s7 =	simm.s32 $_tile_overlayer_lowered  }
0x9c: {  	s22 =	simm.s32 $0x1BFF;
	s21 =	sshll.u32 s7, $0x1;
	s4 =	sadd.s32 s5, s19  }
0x9d: {  	s8 =	simm.s32 $0x0;
	s20 =	sshll.u32 s6, $0x1;
	s6 =	sadd.s32 s21, s4  }
0x9e: {  	[timem:s8], [sflag:s22] =	dma.local [hbm:s6], s20  }
0x9f: {  	_ =	swait.ge [sflag:s22], s20  }
0xa0: {  	s5 =	ssub.s32 $0x0, s20;
	[sflag:s22] =	ssyncset.done $0x0  }
0xa1: {  	[sflag:s22] =	ssyncadd.s32 s5;
	_ =	sdelay $0x1  }
0xa2: {  	s23 =	simm.s32 $0x1B8B  }
0xa3: {  	_ =	swait.ge [sflag:s23], $0x1  }
0xa4: {  	[sflag:s23] =	ssyncset.done $0x0  }
0xa5: {  	s25 =	simm.s32 $0x1B8E;
	s24 =	sld [smem:$0x3FFE];
	[sflag:s23] =	ssyncadd.s32 $0xFFFFFFFF  }
0xa6: {  	s26 =	simm.s32 $execute0_lowered;
	[smem:$0x3FD2] =	sst s25  }
0xa7: {  	s6 =	sshll.u32 s26, $0x1;
	_ =	strace $0x80000046;
	[dreg:$0x1] =	wrdreg $0xFFFFFFFF  }
0xa8: {  	s28 =	simm.s32 $_size_execute0_lowered;
	s4 =	sadd.s32 s4, s6;
	[dreg:$0x0] =	wrdreg $0x0  }
0xa9: {  	s6 =	sshll.u32 s28, $0x1;
	[dreg:$0x2] =	wrdreg s4  }
0xaa: {  	[dreg:$0x3] =	wrdreg s6  }
0xab: {  	[dreg:$0x4] =	wrdreg $0xC0  }
0xac: {  	_ =	task [dreg:s8], $0x5FFFF  }
0xad: {  	[dreg:$0x1] =	wrdreg $0xFFFFFFFF  }
0xae: {  	[dreg:$0x0] =	wrdreg $0x60  }
0xaf: {  	[dreg:$0x2] =	wrdreg s2  }
0xb0: {  	[dreg:$0x3] =	wrdreg s18  }
0xb1: {  	[dreg:$0x4] =	wrdreg s24  }
0xb2: {  	[dreg:$0x5] =	wrdreg $0x9  }
0xb3: {  	_ =	task.clear_ibuf [dreg:s8], $0x6FFFF;
	_ =	strace $0x90000046  }
0xb4: {  	s29 =	simm.s32 $0x9;
	_ =	strace $0x80000048  }
0xb5: {  	_ =	swait.ge [sflag:s29], $0x1  }
0xb6: {  	[sflag:s29] =	ssyncadd.s32 $0xFFFFFFFF  }
0xb7: {  	_ =	strace $0x90000048  }
0xb8: {  	_ =	sfence  }
0xb9: {  	s30 =	sld [smem:$0x0];
	_ =	sdelay $0x2  }
0xba: {  	s31 =	sshll.u32 s1, $0xD;
	s1 =	sshrl.u32 s1, $0x2  }
0xbb: {  	s3 =	sand.u32 $0x4000, s31;
	s1 =	sadd.s32 s1, s30  }
0xbc: {  	s0 =	sor.u32 s3, s0;
	s1 =	sshll.u32 s1, $0x11  }
0xbd: {  	s0 =	sor.u32 s1, s0  }
0xbe: {  	s0 =	sadd.s32 $0x8F2B, s0  }
0xbf: {  	[sflag:s0] =	ssyncadd.remote.s32 $0x1  }
0xc0: {  	_ =	sfence.sel $0xFFFF  }
0xc1: {  	[dreg:$0x0] =	wrdreg $0xFFFFFFFF;
	(pc) =	sbr.abs _section_cstart, $3  }
0xc2: {  	[dreg:$0x1] =	wrdreg $0xFFFFFFFF  }
0xc3: {  	_ =	task.clear_ibuf [dreg:s8], $0x2FFFF;
	_ =	strace $0x9FFFFFFF  }
0xc4: {  	(tm) =	ssettm $0x7FFFFFFF  }
0xc5: {  	_ =	shalt  }
tec
execute0_lowered:
.L_overlay_start_1:
0x0: {  	(tag) =	ssettag $0x1  }
0x1: {  	v1 =	vlaneseq.u32  }
0x2: {  	s9 =	rddreg [dreg:$0x1];
	s1 =	simm.s32 $0x0;
	v30 =	vmul.u32 $0x500, v1;
	v1 =	vmul.u32 $0x14, v1  }
0x3: {  	[smem:$0x7FF] =	sst s1  }
0x4: {  	s0 =	rddreg [dreg:$0x2];
	_ =	strace $0x80000047;
	[tilespmem:$0x1FDA0] =	vst v1  }
0x5: {  	v2 =	vor.u32 $0x1, v1;
	[tilespmem:$0x1FEC0] =	vst v30  }
0x6: {  	v31 =	vor.u32 $0x40, v30;
	[tilespmem:$0x1FC80] =	vst v2  }
0x7: {  	v32 =	vor.u32 $0x80, v30;
	[tilespmem:$0x1FED0] =	vst v31  }
0x8: {  	v33 =	vor.u32 $0xC0, v30;
	[tilespmem:$0x1FEE0] =	vst v32  }
0x9: {  	v34 =	vadd.s32 $0x100, v30;
	[tilespmem:$0x1FEF0] =	vst v33  }
0xa: {  	v35 =	vadd.s32 $0x140, v30;
	[tilespmem:$0x1FF00] =	vst v34  }
0xb: {  	v36 =	vadd.s32 $0x180, v30;
	[tilespmem:$0x1FF10] =	vst v35  }
0xc: {  	v37 =	vadd.s32 $0x1C0, v30;
	[tilespmem:$0x1FF20] =	vst v36  }
0xd: {  	v47 =	vadd.s32 $0x200, v30;
	[tilespmem:$0x1FF30] =	vst v37  }
0xe: {  	v0 =	vadd.s32 $0x240, v30;
	[tilespmem:$0x1FF40] =	vst v47  }
0xf: {  	v41 =	vadd.s32 $0x280, v30;
	[tilespmem:$0x1FF50] =	vst v0  }
0x10: {  	v42 =	vadd.s32 $0x2C0, v30;
	[tilespmem:$0x1FF60] =	vst v41  }
0x11: {  	v43 =	vadd.s32 $0x300, v30;
	[tilespmem:$0x1FF70] =	vst v42  }
0x12: {  	v51 =	vadd.s32 $0x340, v30;
	[tilespmem:$0x1FF80] =	vst v43  }
0x13: {  	v54 =	vadd.s32 $0x380, v30;
	[tilespmem:$0x1FF90] =	vst v51  }
0x14: {  	v46 =	vadd.s32 $0x3C0, v30;
	[tilespmem:$0x1FFA0] =	vst v54  }
0x15: {  	v53 =	vadd.s32 $0x400, v30;
	[tilespmem:$0x1FFB0] =	vst v46  }
0x16: {  	v50 =	vadd.s32 $0x440, v30;
	[tilespmem:$0x1FFC0] =	vst v53  }
0x17: {  	v52 =	vadd.s32 $0x480, v30;
	[tilespmem:$0x1FFD0] =	vst v50  }
0x18: {  	v63 =	vadd.s32 $0x4C0, v30;
	[tilespmem:$0x1FFE0] =	vst v52  }
0x19: {  	v2 =	vor.u32 $0x2, v1;
	[tilespmem:$0x1FFF0] =	vst v63  }
0x1a: {  	[tilespmem:$0x1FC90] =	vst v2;
	v2 =	vor.u32 $0x3, v1  }
0x1b: {  	[tilespmem:$0x1FCA0] =	vst v2;
	v2 =	vadd.s32 $0x4, v1  }
0x1c: {  	[tilespmem:$0x1FCB0] =	vst v2;
	v2 =	vadd.s32 $0x5, v1  }
0x1d: {  	[tilespmem:$0x1FCC0] =	vst v2;
	v2 =	vadd.s32 $0x6, v1  }
0x1e: {  	[tilespmem:$0x1FCD0] =	vst v2;
	v2 =	vadd.s32 $0x7, v1  }
0x1f: {  	[tilespmem:$0x1FCE0] =	vst v2;
	v2 =	vadd.s32 $0x8, v1  }
0x20: {  	[tilespmem:$0x1FCF0] =	vst v2;
	v2 =	vadd.s32 $0x9, v1  }
0x21: {  	[tilespmem:$0x1FD00] =	vst v2;
	v2 =	vadd.s32 $0xA, v1  }
0x22: {  	[tilespmem:$0x1FD10] =	vst v2;
	v2 =	vadd.s32 $0xB, v1  }
0x23: {  	[tilespmem:$0x1FD20] =	vst v2;
	v2 =	vadd.s32 $0xC, v1  }
0x24: {  	[tilespmem:$0x1FD30] =	vst v2;
	v2 =	vadd.s32 $0xD, v1  }
0x25: {  	[tilespmem:$0x1FD40] =	vst v2;
	v2 =	vadd.s32 $0xE, v1  }
0x26: {  	[tilespmem:$0x1FD50] =	vst v2;
	v2 =	vadd.s32 $0xF, v1  }
0x27: {  	[tilespmem:$0x1FD60] =	vst v2;
	v2 =	vadd.s32 $0x10, v1  }
0x28: {  	[tilespmem:$0x1FD70] =	vst v2;
	v2 =	vadd.s32 $0x11, v1  }
0x29: {  	[tilespmem:$0x1FD80] =	vst v2;
	v2 =	vadd.s32 $0x12, v1  }
0x2a: {  	v1 =	vadd.s32 $0x13, v1;
	[tilespmem:$0x1FD90] =	vst v2  }
0x2b: {  	[tilespmem:$0x1FDB0] =	vst v1;
	v1 =	vadd.s32 $0x5000, v30  }
0x2c: {  	[tilespmem:$0x1FDC0] =	vst v1;
	v1 =	vadd.s32 $0x5040, v30  }
0x2d: {  	[tilespmem:$0x1FDD0] =	vst v1;
	v1 =	vadd.s32 $0x5080, v30  }
0x2e: {  	[tilespmem:$0x1FDE0] =	vst v1;
	v1 =	vadd.s32 $0x50C0, v30  }
0x2f: {  	[tilespmem:$0x1FDF0] =	vst v1;
	v1 =	vadd.s32 $0x5100, v30  }
0x30: {  	s29 =	srdreg.scid;
	s4 =	stileid.u32;
	s11 =	simm.s32 $0x2;
	[tilespmem:$0x1FE00] =	vst v1;
	v1 =	vadd.s32 $0x5140, v30  }
0x31: {  	s12 =	simm.s32 $0x2040;
	s13 =	simm.s32 $0x20C0;
	s14 =	simm.s32 $0x2140;
	[tilespmem:$0x1FE10] =	vst v1;
	v1 =	vadd.s32 $0x5180, v30  }
0x32: {  	s15 =	simm.s32 $0x21C0;
	s16 =	simm.s32 $0x2240;
	s17 =	simm.s32 $0x22C0;
	[tilespmem:$0x1FE20] =	vst v1;
	v1 =	vadd.s32 $0x51C0, v30  }
0x33: {  	s18 =	simm.s32 $0x2340;
	s19 =	simm.s32 $0x23C0;
	s20 =	simm.s32 $0x2440;
	[tilespmem:$0x1FE30] =	vst v1;
	v1 =	vadd.s32 $0x5200, v30  }
0x34: {  	s21 =	simm.s32 $0x24C0;
	s22 =	simm.s32 $0x80;
	s31 =	simm.s32 $0x2540;
	[tilespmem:$0x1FE40] =	vst v1;
	v1 =	vadd.s32 $0x5240, v30  }
0x35: {  	s23 =	simm.s32 $0x10540;
	s24 =	simm.s32 $0x12540;
	s25 =	simm.s32 $0x14540;
	[tilespmem:$0x1FE50] =	vst v1;
	v1 =	vadd.s32 $0x5280, v30  }
0x36: {  	s26 =	simm.s32 $0x1;
	s28 =	simm.s32 $0x16540;
	s1 =	sand.u32 $0x1, s29;
	[tilespmem:$0x1FE60] =	vst v1;
	v1 =	vadd.s32 $0x52C0, v30  }
0x37: {  	s5 =	sadd.s32 $0x400, s0;
	s6 =	sadd.s32 $0x16E3A00, s0;
	s2 =	ssub.s32 $0x2, s1;
	[tilespmem:$0x1FE70] =	vst v1;
	v1 =	vadd.s32 $0x5300, v30  }
0x38: {  	s4 =	sshll.u32 s4, $0xA;
	s7 =	sadd.s32 $0x7A1600, s0;
	s3 =	sshrl.u32 s2, $0x1;
	[tilespmem:$0x1FE80] =	vst v1;
	v1 =	vadd.s32 $0x5340, v30  }
0x39: {  	s9 =	sadd.s32 $0x10, s9;
	s1 =	sshll.u32 s1, $0x9;
	s30 =	ssub.s32 s2, s3;
	[tilespmem:$0x1FE90] =	vst v1;
	v1 =	vadd.s32 $0x5380, v30  }
0x3a: {  	s8 =	sor.u32 s1, s4;
	s1 =	simm.s32 $0x0;
	s0 =	smax.u32 s30, $0x1;
	[tilespmem:$0x1FEA0] =	vst v1;
	v1 =	vadd.s32 $0x53C0, v30  }
0x3b: {  	s2 =	simm.s32 $0xC540;
	s3 =	simm.s32 $0xE540;
	[dreg:$0x4] =	wrdreg s0;
	[tilespmem:$0x1FEB0] =	vst v1  }
.LBB2_1:
0x3c: {  	[dreg:$0x5] =	wrdreg s1;
	s29 =	simm.s32 $0x0  }
.LBB2_2:
0x3d: {  	s0 =	sshll.u32 s29, $0x6  }
0x3e: {  	s4 =	sadd.s32 s8, s0  }
0x3f: {  	s10 =	rddreg [dreg:$0x0];
	s0 =	sshrl.u32 s4, $0x3  }
0x40: {  	s30 =	sadd.s32 s10, s0;
	s0 =	simm.s32 $0x0  }
0x41: {  	[tilespmem:s0], [sflag:$0x2] =	stream.linear.gather [hbm4b:s30+s0], $0x40, $0x38;
	[tilespmem:$0x16A40] =	vst v63  }
0x42: {  	_ =	swait.ge [sflag:s11], $0x40  }
0x43: {  	s4 =	smul.u32 $0x14, s4;
	[sflag:s11] =	ssyncset.done $0x0  }
0x44: {  	[sflag:s11] =	ssyncadd.s32 $0xFFFFFFC0  }
0x45: {  	s30 =	sshrl.u32 s4, $0x3;
	s10 =	rddreg [dreg:$0x1]  }
0x46: {  	s4 =	sadd.s32 s10, s30  }
0x47: {  	[tilespmem:s12], [sflag:$0x2] =	stream.linear.gather [hbm4b:s4+s0], $0x80, $0x38;
	[tilespmem:$0x16A40] =	vst v63  }
0x48: {  	_ =	swait.ge [sflag:s11], $0x80  }
0x49: {  	[sflag:s11] =	ssyncset.done $0x0  }
0x4a: {  	s1 =	sadd.s32 s30, s9;
	[sflag:s11] =	ssyncadd.s32 $0xFFFFFF80  }
0x4b: {  	[tilespmem:s13], [sflag:$0x2] =	stream.linear.gather [hbm4b:s1+s0], $0x80, $0x38;
	[tilespmem:$0x16A40] =	vst v63  }
0x4c: {  	_ =	swait.ge [sflag:s11], $0x80  }
0x4d: {  	[sflag:s11] =	ssyncset.done $0x0  }
0x4e: {  	s1 =	sadd.s32 $0x20, s4;
	[sflag:s11] =	ssyncadd.s32 $0xFFFFFF80  }
0x4f: {  	[tilespmem:s14], [sflag:$0x2] =	stream.linear.gather [hbm4b:s1+s0], $0x80, $0x38;
	[tilespmem:$0x16A40] =	vst v63  }
0x50: {  	_ =	swait.ge [sflag:s11], $0x80  }
0x51: {  	[sflag:s11] =	ssyncset.done $0x0  }
0x52: {  	s1 =	sadd.s32 $0x30, s4;
	[sflag:s11] =	ssyncadd.s32 $0xFFFFFF80  }
0x53: {  	[tilespmem:s15], [sflag:$0x2] =	stream.linear.gather [hbm4b:s1+s0], $0x80, $0x38;
	[tilespmem:$0x16A40] =	vst v63  }
0x54: {  	_ =	swait.ge [sflag:s11], $0x80  }
0x55: {  	[sflag:s11] =	ssyncset.done $0x0  }
0x56: {  	s1 =	sadd.s32 $0x40, s4;
	[sflag:s11] =	ssyncadd.s32 $0xFFFFFF80  }
0x57: {  	[tilespmem:s16], [sflag:$0x2] =	stream.linear.gather [hbm4b:s1+s0], $0x80, $0x38;
	[tilespmem:$0x16A40] =	vst v63  }
0x58: {  	_ =	swait.ge [sflag:s11], $0x80  }
0x59: {  	[sflag:s11] =	ssyncset.done $0x0  }
0x5a: {  	s1 =	sadd.s32 $0x50, s4;
	[sflag:s11] =	ssyncadd.s32 $0xFFFFFF80  }
0x5b: {  	[tilespmem:s17], [sflag:$0x2] =	stream.linear.gather [hbm4b:s1+s0], $0x80, $0x38;
	[tilespmem:$0x16A40] =	vst v63  }
0x5c: {  	_ =	swait.ge [sflag:s11], $0x80  }
0x5d: {  	[sflag:s11] =	ssyncset.done $0x0  }
0x5e: {  	s1 =	sadd.s32 $0x60, s4;
	[sflag:s11] =	ssyncadd.s32 $0xFFFFFF80  }
0x5f: {  	[tilespmem:s18], [sflag:$0x2] =	stream.linear.gather [hbm4b:s1+s0], $0x80, $0x38;
	[tilespmem:$0x16A40] =	vst v63  }
0x60: {  	_ =	swait.ge [sflag:s11], $0x80  }
0x61: {  	[sflag:s11] =	ssyncset.done $0x0  }
0x62: {  	s1 =	sadd.s32 $0x70, s4;
	[sflag:s11] =	ssyncadd.s32 $0xFFFFFF80  }
0x63: {  	[tilespmem:s19], [sflag:$0x2] =	stream.linear.gather [hbm4b:s1+s0], $0x80, $0x38;
	[tilespmem:$0x16A40] =	vst v63  }
0x64: {  	_ =	swait.ge [sflag:s11], $0x80  }
0x65: {  	[sflag:s11] =	ssyncset.done $0x0  }
0x66: {  	s1 =	sadd.s32 $0x80, s4;
	[sflag:s11] =	ssyncadd.s32 $0xFFFFFF80  }
0x67: {  	[tilespmem:s20], [sflag:$0x2] =	stream.linear.gather [hbm4b:s1+s0], $0x80, $0x38;
	[tilespmem:$0x16A40] =	vst v63  }
0x68: {  	_ =	swait.ge [sflag:s11], $0x80  }
0x69: {  	[sflag:s11] =	ssyncset.done $0x0  }
0x6a: {  	s4 =	sadd.s32 $0x90, s4;
	[sflag:s11] =	ssyncadd.s32 $0xFFFFFF80  }
0x6b: {  	[tilespmem:s21], [sflag:$0x2] =	stream.linear.gather [hbm4b:s4+s0], $0x80, $0x38;
	[tilespmem:$0x16A40] =	vst v63  }
0x6c: {  	_ =	swait.ge [sflag:s11], $0x80  }
0x6d: {  	[sflag:s11] =	ssyncset.done $0x0  }
0x6e: {  	[sflag:s11] =	ssyncadd.s32 $0xFFFFFF80  }
0x6f: {  	v2 =	vld [tilespmem:$0x0];
	_ =	sdelay $0x4  }
0x70: {  	[tilespmem:$0x40] =	vst v2;
	v1 =	vadd.s32 $0xF4240, v2  }
0x71: {  	[tilespmem:$0x80] =	vst v1;
	v1 =	vadd.s32 $0x1E8480, v2  }
0x72: {  	[tilespmem:$0xC0] =	vst v1;
	v1 =	vadd.s32 $0x2DC6C0, v2  }
0x73: {  	[tilespmem:$0x100] =	vst v1;
	v1 =	vadd.s32 $0x3D0900, v2  }
0x74: {  	[tilespmem:$0x140] =	vst v1;
	v1 =	vadd.s32 $0x4C4B40, v2  }
0x75: {  	[tilespmem:$0x180] =	vst v1;
	v1 =	vadd.s32 $0x5B8D80, v2  }
0x76: {  	[tilespmem:$0x1C0] =	vst v1;
	v1 =	vadd.s32 $0x6ACFC0, v2  }
0x77: {  	[tilespmem:$0x200] =	vst v1;
	v1 =	vadd.s32 $0x7A1200, v2  }
0x78: {  	[tilespmem:$0x240] =	vst v1;
	v1 =	vadd.s32 $0x895440, v2  }
0x79: {  	[tilespmem:$0x280] =	vst v1;
	v1 =	vadd.s32 $0x989680, v2  }
0x7a: {  	[tilespmem:$0x2C0] =	vst v1;
	v1 =	vadd.s32 $0xA7D8C0, v2  }
0x7b: {  	[tilespmem:$0x300] =	vst v1;
	v1 =	vadd.s32 $0xB71B00, v2  }
0x7c: {  	[tilespmem:$0x340] =	vst v1;
	v1 =	vadd.s32 $0xC65D40, v2  }
0x7d: {  	[tilespmem:$0x380] =	vst v1;
	v1 =	vadd.s32 $0xD59F80, v2  }
0x7e: {  	[tilespmem:$0x3C0] =	vst v1;
	v1 =	vadd.s32 $0xE4E1C0, v2  }
0x7f: {  	[tilespmem:$0x400] =	vst v1;
	v1 =	vadd.s32 $0xF42400, v2  }
0x80: {  	[tilespmem:$0x440] =	vst v1;
	v1 =	vadd.s32 $0x1036640, v2  }
0x81: {  	[tilespmem:$0x480] =	vst v1;
	v1 =	vadd.s32 $0x112A880, v2  }
0x82: {  	[tilespmem:$0x4C0] =	vst v1;
	v1 =	vadd.s32 $0x121EAC0, v2  }
0x83: {  	[tilespmem:$0x500] =	vst v1;
	v1 =	vadd.s32 $0x1312D00, v2  }
0x84: {  	[tilespmem:$0x540] =	vst v1;
	v1 =	vadd.s32 $0x1406F40, v2  }
0x85: {  	[tilespmem:$0x580] =	vst v1;
	v1 =	vadd.s32 $0x14FB180, v2  }
0x86: {  	[tilespmem:$0x5C0] =	vst v1;
	v1 =	vadd.s32 $0x15EF3C0, v2  }
0x87: {  	[tilespmem:$0x600] =	vst v1;
	v1 =	vadd.s32 $0x16E3600, v2  }
0x88: {  	[tilespmem:$0x640] =	vst v1;
	v1 =	vadd.s32 $0x17D7840, v2  }
0x89: {  	[tilespmem:$0x680] =	vst v1;
	v1 =	vadd.s32 $0x18CBA80, v2  }
0x8a: {  	[tilespmem:$0x6C0] =	vst v1;
	v1 =	vadd.s32 $0x19BFCC0, v2  }
0x8b: {  	[tilespmem:$0x700] =	vst v1;
	v1 =	vadd.s32 $0x1AB3F00, v2  }
0x8c: {  	[tilespmem:$0x740] =	vst v1;
	v1 =	vadd.s32 $0x1BA8140, v2  }
0x8d: {  	[tilespmem:$0x780] =	vst v1;
	v1 =	vadd.s32 $0x1C9C380, v2  }
0x8e: {  	[tilespmem:$0x7C0] =	vst v1;
	v1 =	vadd.s32 $0x1D905C0, v2  }
0x8f: {  	[tilespmem:$0x800] =	vst v1;
	v1 =	vadd.s32 $0x1E84800, v2  }
0x90: {  	[tilespmem:$0x840] =	vst v1;
	v1 =	vadd.s32 $0x1F78A40, v2  }
0x91: {  	[tilespmem:$0x880] =	vst v1;
	v1 =	vadd.s32 $0x206CC80, v2  }
0x92: {  	[tilespmem:$0x8C0] =	vst v1;
	v1 =	vadd.s32 $0x2160EC0, v2  }
0x93: {  	[tilespmem:$0x900] =	vst v1;
	v1 =	vadd.s32 $0x2255100, v2  }
0x94: {  	[tilespmem:$0x940] =	vst v1;
	v1 =	vadd.s32 $0x2349340, v2  }
0x95: {  	[tilespmem:$0x980] =	vst v1;
	v1 =	vadd.s32 $0x243D580, v2  }
0x96: {  	[tilespmem:$0x9C0] =	vst v1;
	v1 =	vadd.s32 $0x25317C0, v2  }
0x97: {  	[tilespmem:$0xA00] =	vst v1;
	v1 =	vadd.s32 $0x2625A00, v2  }
0x98: {  	[tilespmem:$0xA40] =	vst v1;
	v1 =	vadd.s32 $0x2719C40, v2  }
0x99: {  	[tilespmem:$0xA80] =	vst v1;
	v1 =	vadd.s32 $0x280DE80, v2  }
0x9a: {  	[tilespmem:$0xAC0] =	vst v1;
	v1 =	vadd.s32 $0x29020C0, v2  }
0x9b: {  	[tilespmem:$0xB00] =	vst v1;
	v1 =	vadd.s32 $0x29F6300, v2  }
0x9c: {  	[tilespmem:$0xB40] =	vst v1;
	v1 =	vadd.s32 $0x2AEA540, v2  }
0x9d: {  	[tilespmem:$0xB80] =	vst v1;
	v1 =	vadd.s32 $0x2BDE780, v2  }
0x9e: {  	[tilespmem:$0xBC0] =	vst v1;
	v1 =	vadd.s32 $0x2CD29C0, v2  }
0x9f: {  	[tilespmem:$0xC00] =	vst v1;
	v1 =	vadd.s32 $0x2DC6C00, v2  }
0xa0: {  	[tilespmem:$0xC40] =	vst v1;
	v1 =	vadd.s32 $0x2EBAE40, v2  }
0xa1: {  	[tilespmem:$0xC80] =	vst v1;
	v1 =	vadd.s32 $0x2FAF080, v2  }
0xa2: {  	[tilespmem:$0xCC0] =	vst v1;
	v1 =	vadd.s32 $0x30A32C0, v2  }
0xa3: {  	[tilespmem:$0xD00] =	vst v1;
	v1 =	vadd.s32 $0x3197500, v2  }
0xa4: {  	[tilespmem:$0xD40] =	vst v1;
	v1 =	vadd.s32 $0x328B740, v2  }
0xa5: {  	[tilespmem:$0xD80] =	vst v1;
	v1 =	vadd.s32 $0x337F980, v2  }
0xa6: {  	[tilespmem:$0xDC0] =	vst v1;
	v1 =	vadd.s32 $0x3473BC0, v2  }
0xa7: {  	[tilespmem:$0xE00] =	vst v1;
	v1 =	vadd.s32 $0x3567E00, v2  }
0xa8: {  	[tilespmem:$0xE40] =	vst v1;
	v1 =	vadd.s32 $0x365C040, v2  }
0xa9: {  	[tilespmem:$0xE80] =	vst v1;
	v1 =	vadd.s32 $0x3750280, v2  }
0xaa: {  	[tilespmem:$0xEC0] =	vst v1;
	v1 =	vadd.s32 $0x38444C0, v2  }
0xab: {  	v3 =	vadd.s32 $0x3938700, v2;
	[tilespmem:$0xF00] =	vst v1;
	v1 =	vld [tilespmem:$0x10]  }
0xac: {  	[tilespmem:$0xF40] =	vst v3;
	v3 =	vadd.s32 $0x3A2C940, v2  }
0xad: {  	[tilespmem:$0xF80] =	vst v3;
	v3 =	vadd.s32 $0x3B20B80, v2  }
0xae: {  	[tilespmem:$0xFC0] =	vst v3;
	v2 =	vadd.s32 $0x3C14DC0, v2  }
0xaf: {  	[tilespmem:$0x1000] =	vst v2  }
0xb0: {  	[tilespmem:$0x50] =	vst v1;
	v2 =	vadd.s32 $0xF4240, v1  }
0xb1: {  	[tilespmem:$0x90] =	vst v2;
	v2 =	vadd.s32 $0x1E8480, v1  }
0xb2: {  	[tilespmem:$0xD0] =	vst v2;
	v2 =	vadd.s32 $0x2DC6C0, v1  }
0xb3: {  	[tilespmem:$0x110] =	vst v2;
	v2 =	vadd.s32 $0x3D0900, v1  }
0xb4: {  	[tilespmem:$0x150] =	vst v2;
	v2 =	vadd.s32 $0x4C4B40, v1  }
0xb5: {  	[tilespmem:$0x190] =	vst v2;
	v2 =	vadd.s32 $0x5B8D80, v1  }
0xb6: {  	[tilespmem:$0x1D0] =	vst v2;
	v2 =	vadd.s32 $0x6ACFC0, v1  }
0xb7: {  	[tilespmem:$0x210] =	vst v2;
	v2 =	vadd.s32 $0x7A1200, v1  }
0xb8: {  	[tilespmem:$0x250] =	vst v2;
	v2 =	vadd.s32 $0x895440, v1  }
0xb9: {  	[tilespmem:$0x290] =	vst v2;
	v2 =	vadd.s32 $0x989680, v1  }
0xba: {  	[tilespmem:$0x2D0] =	vst v2;
	v2 =	vadd.s32 $0xA7D8C0, v1  }
0xbb: {  	[tilespmem:$0x310] =	vst v2;
	v2 =	vadd.s32 $0xB71B00, v1  }
0xbc: {  	[tilespmem:$0x350] =	vst v2;
	v2 =	vadd.s32 $0xC65D40, v1  }
0xbd: {  	[tilespmem:$0x390] =	vst v2;
	v2 =	vadd.s32 $0xD59F80, v1  }
0xbe: {  	[tilespmem:$0x3D0] =	vst v2;
	v2 =	vadd.s32 $0xE4E1C0, v1  }
0xbf: {  	[tilespmem:$0x410] =	vst v2;
	v2 =	vadd.s32 $0xF42400, v1  }
0xc0: {  	[tilespmem:$0x450] =	vst v2;
	v2 =	vadd.s32 $0x1036640, v1  }
0xc1: {  	[tilespmem:$0x490] =	vst v2;
	v2 =	vadd.s32 $0x112A880, v1  }
0xc2: {  	[tilespmem:$0x4D0] =	vst v2;
	v2 =	vadd.s32 $0x121EAC0, v1  }
0xc3: {  	[tilespmem:$0x510] =	vst v2;
	v2 =	vadd.s32 $0x1312D00, v1  }
0xc4: {  	[tilespmem:$0x550] =	vst v2;
	v2 =	vadd.s32 $0x1406F40, v1  }
0xc5: {  	[tilespmem:$0x590] =	vst v2;
	v2 =	vadd.s32 $0x14FB180, v1  }
0xc6: {  	[tilespmem:$0x5D0] =	vst v2;
	v2 =	vadd.s32 $0x15EF3C0, v1  }
0xc7: {  	[tilespmem:$0x610] =	vst v2;
	v2 =	vadd.s32 $0x16E3600, v1  }
0xc8: {  	[tilespmem:$0x650] =	vst v2;
	v2 =	vadd.s32 $0x17D7840, v1  }
0xc9: {  	[tilespmem:$0x690] =	vst v2;
	v2 =	vadd.s32 $0x18CBA80, v1  }
0xca: {  	[tilespmem:$0x6D0] =	vst v2;
	v2 =	vadd.s32 $0x19BFCC0, v1  }
0xcb: {  	[tilespmem:$0x710] =	vst v2;
	v2 =	vadd.s32 $0x1AB3F00, v1  }
0xcc: {  	[tilespmem:$0x750] =	vst v2;
	v2 =	vadd.s32 $0x1BA8140, v1  }
0xcd: {  	[tilespmem:$0x790] =	vst v2;
	v2 =	vadd.s32 $0x1C9C380, v1  }
0xce: {  	[tilespmem:$0x7D0] =	vst v2;
	v2 =	vadd.s32 $0x1D905C0, v1  }
0xcf: {  	[tilespmem:$0x810] =	vst v2;
	v2 =	vadd.s32 $0x1E84800, v1  }
0xd0: {  	[tilespmem:$0x850] =	vst v2;
	v2 =	vadd.s32 $0x1F78A40, v1  }
0xd1: {  	[tilespmem:$0x890] =	vst v2;
	v2 =	vadd.s32 $0x206CC80, v1  }
0xd2: {  	[tilespmem:$0x8D0] =	vst v2;
	v2 =	vadd.s32 $0x2160EC0, v1  }
0xd3: {  	[tilespmem:$0x910] =	vst v2;
	v2 =	vadd.s32 $0x2255100, v1  }
0xd4: {  	[tilespmem:$0x950] =	vst v2;
	v2 =	vadd.s32 $0x2349340, v1  }
0xd5: {  	[tilespmem:$0x990] =	vst v2;
	v2 =	vadd.s32 $0x243D580, v1  }
0xd6: {  	[tilespmem:$0x9D0] =	vst v2;
	v2 =	vadd.s32 $0x25317C0, v1  }
0xd7: {  	[tilespmem:$0xA10] =	vst v2;
	v2 =	vadd.s32 $0x2625A00, v1  }
0xd8: {  	[tilespmem:$0xA50] =	vst v2;
	v2 =	vadd.s32 $0x2719C40, v1  }
0xd9: {  	[tilespmem:$0xA90] =	vst v2;
	v2 =	vadd.s32 $0x280DE80, v1  }
0xda: {  	[tilespmem:$0xAD0] =	vst v2;
	v2 =	vadd.s32 $0x29020C0, v1  }
0xdb: {  	[tilespmem:$0xB10] =	vst v2;
	v2 =	vadd.s32 $0x29F6300, v1  }
0xdc: {  	[tilespmem:$0xB50] =	vst v2;
	v2 =	vadd.s32 $0x2AEA540, v1  }
0xdd: {  	[tilespmem:$0xB90] =	vst v2;
	v2 =	vadd.s32 $0x2BDE780, v1  }
0xde: {  	[tilespmem:$0xBD0] =	vst v2;
	v2 =	vadd.s32 $0x2CD29C0, v1  }
0xdf: {  	[tilespmem:$0xC10] =	vst v2;
	v2 =	vadd.s32 $0x2DC6C00, v1  }
0xe0: {  	[tilespmem:$0xC50] =	vst v2;
	v2 =	vadd.s32 $0x2EBAE40, v1  }
0xe1: {  	[tilespmem:$0xC90] =	vst v2;
	v2 =	vadd.s32 $0x2FAF080, v1  }
0xe2: {  	[tilespmem:$0xCD0] =	vst v2;
	v2 =	vadd.s32 $0x30A32C0, v1  }
0xe3: {  	[tilespmem:$0xD10] =	vst v2;
	v2 =	vadd.s32 $0x3197500, v1  }
0xe4: {  	[tilespmem:$0xD50] =	vst v2;
	v2 =	vadd.s32 $0x328B740, v1  }
0xe5: {  	[tilespmem:$0xD90] =	vst v2;
	v2 =	vadd.s32 $0x337F980, v1  }
0xe6: {  	[tilespmem:$0xDD0] =	vst v2;
	v2 =	vadd.s32 $0x3473BC0, v1  }
0xe7: {  	[tilespmem:$0xE10] =	vst v2;
	v2 =	vadd.s32 $0x3567E00, v1  }
0xe8: {  	[tilespmem:$0xE50] =	vst v2;
	v2 =	vadd.s32 $0x365C040, v1  }
0xe9: {  	[tilespmem:$0xE90] =	vst v2;
	v2 =	vadd.s32 $0x3750280, v1  }
0xea: {  	[tilespmem:$0xED0] =	vst v2;
	v2 =	vadd.s32 $0x38444C0, v1  }
0xeb: {  	v3 =	vadd.s32 $0x3938700, v1;
	[tilespmem:$0xF10] =	vst v2;
	v2 =	vld [tilespmem:$0x20]  }
0xec: {  	[tilespmem:$0xF50] =	vst v3;
	v3 =	vadd.s32 $0x3A2C940, v1  }
0xed: {  	[tilespmem:$0xF90] =	vst v3;
	v3 =	vadd.s32 $0x3B20B80, v1  }
0xee: {  	[tilespmem:$0xFD0] =	vst v3;
	v1 =	vadd.s32 $0x3C14DC0, v1  }
0xef: {  	[tilespmem:$0x1010] =	vst v1  }
0xf0: {  	[tilespmem:$0x60] =	vst v2;
	v1 =	vadd.s32 $0xF4240, v2  }
0xf1: {  	[tilespmem:$0xA0] =	vst v1;
	v1 =	vadd.s32 $0x1E8480, v2  }
0xf2: {  	[tilespmem:$0xE0] =	vst v1;
	v1 =	vadd.s32 $0x2DC6C0, v2  }
0xf3: {  	[tilespmem:$0x120] =	vst v1;
	v1 =	vadd.s32 $0x3D0900, v2  }
0xf4: {  	[tilespmem:$0x160] =	vst v1;
	v1 =	vadd.s32 $0x4C4B40, v2  }
0xf5: {  	[tilespmem:$0x1A0] =	vst v1;
	v1 =	vadd.s32 $0x5B8D80, v2  }
0xf6: {  	[tilespmem:$0x1E0] =	vst v1;
	v1 =	vadd.s32 $0x6ACFC0, v2  }
0xf7: {  	[tilespmem:$0x220] =	vst v1;
	v1 =	vadd.s32 $0x7A1200, v2  }
0xf8: {  	[tilespmem:$0x260] =	vst v1;
	v1 =	vadd.s32 $0x895440, v2  }
0xf9: {  	[tilespmem:$0x2A0] =	vst v1;
	v1 =	vadd.s32 $0x989680, v2  }
0xfa: {  	[tilespmem:$0x2E0] =	vst v1;
	v1 =	vadd.s32 $0xA7D8C0, v2  }
0xfb: {  	[tilespmem:$0x320] =	vst v1;
	v1 =	vadd.s32 $0xB71B00, v2  }
0xfc: {  	[tilespmem:$0x360] =	vst v1;
	v1 =	vadd.s32 $0xC65D40, v2  }
0xfd: {  	[tilespmem:$0x3A0] =	vst v1;
	v1 =	vadd.s32 $0xD59F80, v2  }
0xfe: {  	[tilespmem:$0x3E0] =	vst v1;
	v1 =	vadd.s32 $0xE4E1C0, v2  }
0xff: {  	[tilespmem:$0x420] =	vst v1;
	v1 =	vadd.s32 $0xF42400, v2  }
0x100: {  	[tilespmem:$0x460] =	vst v1;
	v1 =	vadd.s32 $0x1036640, v2  }
0x101: {  	[tilespmem:$0x4A0] =	vst v1;
	v1 =	vadd.s32 $0x112A880, v2  }
0x102: {  	[tilespmem:$0x4E0] =	vst v1;
	v1 =	vadd.s32 $0x121EAC0, v2  }
0x103: {  	[tilespmem:$0x520] =	vst v1;
	v1 =	vadd.s32 $0x1312D00, v2  }
0x104: {  	[tilespmem:$0x560] =	vst v1;
	v1 =	vadd.s32 $0x1406F40, v2  }
0x105: {  	[tilespmem:$0x5A0] =	vst v1;
	v1 =	vadd.s32 $0x14FB180, v2  }
0x106: {  	[tilespmem:$0x5E0] =	vst v1;
	v1 =	vadd.s32 $0x15EF3C0, v2  }
0x107: {  	[tilespmem:$0x620] =	vst v1;
	v1 =	vadd.s32 $0x16E3600, v2  }
0x108: {  	[tilespmem:$0x660] =	vst v1;
	v1 =	vadd.s32 $0x17D7840, v2  }
0x109: {  	[tilespmem:$0x6A0] =	vst v1;
	v1 =	vadd.s32 $0x18CBA80, v2  }
0x10a: {  	[tilespmem:$0x6E0] =	vst v1;
	v1 =	vadd.s32 $0x19BFCC0, v2  }
0x10b: {  	[tilespmem:$0x720] =	vst v1;
	v1 =	vadd.s32 $0x1AB3F00, v2  }
0x10c: {  	[tilespmem:$0x760] =	vst v1;
	v1 =	vadd.s32 $0x1BA8140, v2  }
0x10d: {  	[tilespmem:$0x7A0] =	vst v1;
	v1 =	vadd.s32 $0x1C9C380, v2  }
0x10e: {  	[tilespmem:$0x7E0] =	vst v1;
	v1 =	vadd.s32 $0x1D905C0, v2  }
0x10f: {  	[tilespmem:$0x820] =	vst v1;
	v1 =	vadd.s32 $0x1E84800, v2  }
0x110: {  	[tilespmem:$0x860] =	vst v1;
	v1 =	vadd.s32 $0x1F78A40, v2  }
0x111: {  	[tilespmem:$0x8A0] =	vst v1;
	v1 =	vadd.s32 $0x206CC80, v2  }
0x112: {  	[tilespmem:$0x8E0] =	vst v1;
	v1 =	vadd.s32 $0x2160EC0, v2  }
0x113: {  	[tilespmem:$0x920] =	vst v1;
	v1 =	vadd.s32 $0x2255100, v2  }
0x114: {  	[tilespmem:$0x960] =	vst v1;
	v1 =	vadd.s32 $0x2349340, v2  }
0x115: {  	[tilespmem:$0x9A0] =	vst v1;
	v1 =	vadd.s32 $0x243D580, v2  }
0x116: {  	[tilespmem:$0x9E0] =	vst v1;
	v1 =	vadd.s32 $0x25317C0, v2  }
0x117: {  	[tilespmem:$0xA20] =	vst v1;
	v1 =	vadd.s32 $0x2625A00, v2  }
0x118: {  	[tilespmem:$0xA60] =	vst v1;
	v1 =	vadd.s32 $0x2719C40, v2  }
0x119: {  	[tilespmem:$0xAA0] =	vst v1;
	v1 =	vadd.s32 $0x280DE80, v2  }
0x11a: {  	[tilespmem:$0xAE0] =	vst v1;
	v1 =	vadd.s32 $0x29020C0, v2  }
0x11b: {  	[tilespmem:$0xB20] =	vst v1;
	v1 =	vadd.s32 $0x29F6300, v2  }
0x11c: {  	[tilespmem:$0xB60] =	vst v1;
	v1 =	vadd.s32 $0x2AEA540, v2  }
0x11d: {  	[tilespmem:$0xBA0] =	vst v1;
	v1 =	vadd.s32 $0x2BDE780, v2  }
0x11e: {  	[tilespmem:$0xBE0] =	vst v1;
	v1 =	vadd.s32 $0x2CD29C0, v2  }
0x11f: {  	[tilespmem:$0xC20] =	vst v1;
	v1 =	vadd.s32 $0x2DC6C00, v2  }
0x120: {  	[tilespmem:$0xC60] =	vst v1;
	v1 =	vadd.s32 $0x2EBAE40, v2  }
0x121: {  	[tilespmem:$0xCA0] =	vst v1;
	v1 =	vadd.s32 $0x2FAF080, v2  }
0x122: {  	[tilespmem:$0xCE0] =	vst v1;
	v1 =	vadd.s32 $0x30A32C0, v2  }
0x123: {  	[tilespmem:$0xD20] =	vst v1;
	v1 =	vadd.s32 $0x3197500, v2  }
0x124: {  	[tilespmem:$0xD60] =	vst v1;
	v1 =	vadd.s32 $0x328B740, v2  }
0x125: {  	[tilespmem:$0xDA0] =	vst v1;
	v1 =	vadd.s32 $0x337F980, v2  }
0x126: {  	[tilespmem:$0xDE0] =	vst v1;
	v1 =	vadd.s32 $0x3473BC0, v2  }
0x127: {  	[tilespmem:$0xE20] =	vst v1;
	v1 =	vadd.s32 $0x3567E00, v2  }
0x128: {  	[tilespmem:$0xE60] =	vst v1;
	v1 =	vadd.s32 $0x365C040, v2  }
0x129: {  	[tilespmem:$0xEA0] =	vst v1;
	v1 =	vadd.s32 $0x3750280, v2  }
0x12a: {  	[tilespmem:$0xEE0] =	vst v1;
	v1 =	vadd.s32 $0x38444C0, v2  }
0x12b: {  	v3 =	vadd.s32 $0x3938700, v2;
	[tilespmem:$0xF20] =	vst v1;
	v1 =	vld [tilespmem:$0x30]  }
0x12c: {  	[tilespmem:$0xF60] =	vst v3;
	v3 =	vadd.s32 $0x3A2C940, v2  }
0x12d: {  	[tilespmem:$0xFA0] =	vst v3;
	v3 =	vadd.s32 $0x3B20B80, v2  }
0x12e: {  	[tilespmem:$0xFE0] =	vst v3;
	v2 =	vadd.s32 $0x3C14DC0, v2  }
0x12f: {  	[tilespmem:$0x1020] =	vst v2  }
0x130: {  	[tilespmem:$0x70] =	vst v1;
	v2 =	vadd.s32 $0xF4240, v1  }
0x131: {  	[tilespmem:$0xB0] =	vst v2;
	v2 =	vadd.s32 $0x1E8480, v1  }
0x132: {  	[tilespmem:$0xF0] =	vst v2;
	v2 =	vadd.s32 $0x2DC6C0, v1  }
0x133: {  	[tilespmem:$0x130] =	vst v2;
	v2 =	vadd.s32 $0x3D0900, v1  }
0x134: {  	[tilespmem:$0x170] =	vst v2;
	v2 =	vadd.s32 $0x4C4B40, v1  }
0x135: {  	[tilespmem:$0x1B0] =	vst v2;
	v2 =	vadd.s32 $0x5B8D80, v1  }
0x136: {  	[tilespmem:$0x1F0] =	vst v2;
	v2 =	vadd.s32 $0x6ACFC0, v1  }
0x137: {  	[tilespmem:$0x230] =	vst v2;
	v2 =	vadd.s32 $0x7A1200, v1  }
0x138: {  	[tilespmem:$0x270] =	vst v2;
	v2 =	vadd.s32 $0x895440, v1  }
0x139: {  	[tilespmem:$0x2B0] =	vst v2;
	v2 =	vadd.s32 $0x989680, v1  }
0x13a: {  	[tilespmem:$0x2F0] =	vst v2;
	v2 =	vadd.s32 $0xA7D8C0, v1  }
0x13b: {  	[tilespmem:$0x330] =	vst v2;
	v2 =	vadd.s32 $0xB71B00, v1  }
0x13c: {  	[tilespmem:$0x370] =	vst v2;
	v2 =	vadd.s32 $0xC65D40, v1  }
0x13d: {  	[tilespmem:$0x3B0] =	vst v2;
	v2 =	vadd.s32 $0xD59F80, v1  }
0x13e: {  	[tilespmem:$0x3F0] =	vst v2;
	v2 =	vadd.s32 $0xE4E1C0, v1  }
0x13f: {  	[tilespmem:$0x430] =	vst v2;
	v2 =	vadd.s32 $0xF42400, v1  }
0x140: {  	[tilespmem:$0x470] =	vst v2;
	v2 =	vadd.s32 $0x1036640, v1  }
0x141: {  	[tilespmem:$0x4B0] =	vst v2;
	v2 =	vadd.s32 $0x112A880, v1  }
0x142: {  	[tilespmem:$0x4F0] =	vst v2;
	v2 =	vadd.s32 $0x121EAC0, v1  }
0x143: {  	[tilespmem:$0x530] =	vst v2;
	v2 =	vadd.s32 $0x1312D00, v1  }
0x144: {  	[tilespmem:$0x570] =	vst v2;
	v2 =	vadd.s32 $0x1406F40, v1  }
0x145: {  	[tilespmem:$0x5B0] =	vst v2;
	v2 =	vadd.s32 $0x14FB180, v1  }
0x146: {  	[tilespmem:$0x5F0] =	vst v2;
	v2 =	vadd.s32 $0x15EF3C0, v1  }
0x147: {  	[tilespmem:$0x630] =	vst v2;
	v2 =	vadd.s32 $0x16E3600, v1  }
0x148: {  	[tilespmem:$0x670] =	vst v2;
	v2 =	vadd.s32 $0x17D7840, v1  }
0x149: {  	[tilespmem:$0x6B0] =	vst v2;
	v2 =	vadd.s32 $0x18CBA80, v1  }
0x14a: {  	[tilespmem:$0x6F0] =	vst v2;
	v2 =	vadd.s32 $0x19BFCC0, v1  }
0x14b: {  	[tilespmem:$0x730] =	vst v2;
	v2 =	vadd.s32 $0x1AB3F00, v1  }
0x14c: {  	[tilespmem:$0x770] =	vst v2;
	v2 =	vadd.s32 $0x1BA8140, v1  }
0x14d: {  	[tilespmem:$0x7B0] =	vst v2;
	v2 =	vadd.s32 $0x1C9C380, v1  }
0x14e: {  	[tilespmem:$0x7F0] =	vst v2;
	v2 =	vadd.s32 $0x1D905C0, v1  }
0x14f: {  	[tilespmem:$0x830] =	vst v2;
	v2 =	vadd.s32 $0x1E84800, v1  }
0x150: {  	[tilespmem:$0x870] =	vst v2;
	v2 =	vadd.s32 $0x1F78A40, v1  }
0x151: {  	[tilespmem:$0x8B0] =	vst v2;
	v2 =	vadd.s32 $0x206CC80, v1  }
0x152: {  	[tilespmem:$0x8F0] =	vst v2;
	v2 =	vadd.s32 $0x2160EC0, v1  }
0x153: {  	[tilespmem:$0x930] =	vst v2;
	v2 =	vadd.s32 $0x2255100, v1  }
0x154: {  	[tilespmem:$0x970] =	vst v2;
	v2 =	vadd.s32 $0x2349340, v1  }
0x155: {  	[tilespmem:$0x9B0] =	vst v2;
	v2 =	vadd.s32 $0x243D580, v1  }
0x156: {  	[tilespmem:$0x9F0] =	vst v2;
	v2 =	vadd.s32 $0x25317C0, v1  }
0x157: {  	[tilespmem:$0xA30] =	vst v2;
	v2 =	vadd.s32 $0x2625A00, v1  }
0x158: {  	[tilespmem:$0xA70] =	vst v2;
	v2 =	vadd.s32 $0x2719C40, v1  }
0x159: {  	[tilespmem:$0xAB0] =	vst v2;
	v2 =	vadd.s32 $0x280DE80, v1  }
0x15a: {  	[tilespmem:$0xAF0] =	vst v2;
	v2 =	vadd.s32 $0x29020C0, v1  }
0x15b: {  	[tilespmem:$0xB30] =	vst v2;
	v2 =	vadd.s32 $0x29F6300, v1  }
0x15c: {  	[tilespmem:$0xB70] =	vst v2;
	v2 =	vadd.s32 $0x2AEA540, v1  }
0x15d: {  	[tilespmem:$0xBB0] =	vst v2;
	v2 =	vadd.s32 $0x2BDE780, v1  }
0x15e: {  	[tilespmem:$0xBF0] =	vst v2;
	v2 =	vadd.s32 $0x2CD29C0, v1  }
0x15f: {  	[tilespmem:$0xC30] =	vst v2;
	v2 =	vadd.s32 $0x2DC6C00, v1  }
0x160: {  	[tilespmem:$0xC70] =	vst v2;
	v2 =	vadd.s32 $0x2EBAE40, v1  }
0x161: {  	[tilespmem:$0xCB0] =	vst v2;
	v2 =	vadd.s32 $0x2FAF080, v1  }
0x162: {  	[tilespmem:$0xCF0] =	vst v2;
	v2 =	vadd.s32 $0x30A32C0, v1  }
0x163: {  	[tilespmem:$0xD30] =	vst v2;
	v2 =	vadd.s32 $0x3197500, v1  }
0x164: {  	[tilespmem:$0xD70] =	vst v2;
	v2 =	vadd.s32 $0x328B740, v1  }
0x165: {  	[tilespmem:$0xDB0] =	vst v2;
	v2 =	vadd.s32 $0x337F980, v1  }
0x166: {  	[tilespmem:$0xDF0] =	vst v2;
	v2 =	vadd.s32 $0x3473BC0, v1  }
0x167: {  	[tilespmem:$0xE30] =	vst v2;
	v2 =	vadd.s32 $0x3567E00, v1  }
0x168: {  	[tilespmem:$0xE70] =	vst v2;
	v2 =	vadd.s32 $0x365C040, v1  }
0x169: {  	[tilespmem:$0xEB0] =	vst v2;
	v2 =	vadd.s32 $0x3750280, v1  }
0x16a: {  	[tilespmem:$0xEF0] =	vst v2;
	v2 =	vadd.s32 $0x38444C0, v1  }
0x16b: {  	[tilespmem:$0xF30] =	vst v2;
	v2 =	vadd.s32 $0x3938700, v1  }
0x16c: {  	[tilespmem:$0xF70] =	vst v2;
	v2 =	vadd.s32 $0x3A2C940, v1  }
0x16d: {  	[tilespmem:$0xFB0] =	vst v2;
	v2 =	vadd.s32 $0x3B20B80, v1  }
0x16e: {  	v1 =	vadd.s32 $0x3C14DC0, v1;
	[tilespmem:$0xFF0] =	vst v2  }
0x16f: {  	s1 =	simm.s32 $0x40;
	s4 =	simm.s32 $0x1040;
	[tilespmem:$0x1030] =	vst v1  }
0x170: {  	[tilespmem:s4], [sflag:$0x1] =	stream.indirect.gather [hbm4b:s5+s22], $0x1, s1, s22, $0xb8;
	[tilespmem:$0x16A40] =	vst v63  }
0x171: {  	s10 =	simm.s32 $0xC0;
	s1 =	simm.s32 $0x10C0  }
0x172: {  	[tilespmem:s1], [sflag:$0x1] =	stream.indirect.gather [hbm4b:s5+s22], $0x1, s10, s22, $0xb8;
	[tilespmem:$0x16A40] =	vst v63  }
0x173: {  	s1 =	simm.s32 $0x140;
	s10 =	simm.s32 $0x1140  }
0x174: {  	[tilespmem:s10], [sflag:$0x1] =	stream.indirect.gather [hbm4b:s5+s22], $0x1, s1, s22, $0xb8;
	[tilespmem:$0x16A40] =	vst v63  }
0x175: {  	s1 =	simm.s32 $0x1C0;
	s10 =	simm.s32 $0x11C0  }
0x176: {  	[tilespmem:s10], [sflag:$0x1] =	stream.indirect.gather [hbm4b:s5+s22], $0x1, s1, s22, $0xb8;
	[tilespmem:$0x16A40] =	vst v63  }
0x177: {  	s1 =	simm.s32 $0x240;
	s10 =	simm.s32 $0x1240  }
0x178: {  	[tilespmem:s10], [sflag:$0x1] =	stream.indirect.gather [hbm4b:s5+s22], $0x1, s1, s22, $0xb8;
	[tilespmem:$0x16A40] =	vst v63  }
0x179: {  	s1 =	simm.s32 $0x2C0;
	s10 =	simm.s32 $0x12C0  }
0x17a: {  	[tilespmem:s10], [sflag:$0x1] =	stream.indirect.gather [hbm4b:s5+s22], $0x1, s1, s22, $0xb8;
	[tilespmem:$0x16A40] =	vst v63  }
0x17b: {  	s1 =	simm.s32 $0x340;
	s10 =	simm.s32 $0x1340  }
0x17c: {  	[tilespmem:s10], [sflag:$0x1] =	stream.indirect.gather [hbm4b:s5+s22], $0x1, s1, s22, $0xb8;
	[tilespmem:$0x16A40] =	vst v63  }
0x17d: {  	s1 =	simm.s32 $0x3C0;
	s10 =	simm.s32 $0x13C0  }
0x17e: {  	[tilespmem:s10], [sflag:$0x1] =	stream.indirect.gather [hbm4b:s5+s22], $0x1, s1, s22, $0xb8;
	[tilespmem:$0x16A40] =	vst v63  }
0x17f: {  	s1 =	simm.s32 $0x440;
	s10 =	simm.s32 $0x1440  }
0x180: {  	[tilespmem:s10], [sflag:$0x1] =	stream.indirect.gather [hbm4b:s5+s22], $0x1, s1, s22, $0xb8;
	[tilespmem:$0x16A40] =	vst v63  }
0x181: {  	s1 =	simm.s32 $0x4C0;
	s10 =	simm.s32 $0x14C0  }
0x182: {  	[tilespmem:s10], [sflag:$0x1] =	stream.indirect.gather [hbm4b:s5+s22], $0x1, s1, s22, $0xb8;
	[tilespmem:$0x16A40] =	vst v63  }
0x183: {  	s1 =	simm.s32 $0x540;
	s10 =	simm.s32 $0x1540  }
0x184: {  	[tilespmem:s10], [sflag:$0x1] =	stream.indirect.gather [hbm4b:s5+s22], $0x1, s1, s22, $0xb8;
	[tilespmem:$0x16A40] =	vst v63  }
0x185: {  	s1 =	simm.s32 $0x5C0;
	s10 =	simm.s32 $0x15C0  }
0x186: {  	[tilespmem:s10], [sflag:$0x1] =	stream.indirect.gather [hbm4b:s5+s22], $0x1, s1, s22, $0xb8;
	[tilespmem:$0x16A40] =	vst v63  }
0x187: {  	s1 =	simm.s32 $0x640;
	s10 =	simm.s32 $0x1640  }
0x188: {  	[tilespmem:s10], [sflag:$0x1] =	stream.indirect.gather [hbm4b:s5+s22], $0x1, s1, s22, $0xb8;
	[tilespmem:$0x16A40] =	vst v63  }
0x189: {  	s1 =	simm.s32 $0x6C0;
	s10 =	simm.s32 $0x16C0  }
0x18a: {  	[tilespmem:s10], [sflag:$0x1] =	stream.indirect.gather [hbm4b:s5+s22], $0x1, s1, s22, $0xb8;
	[tilespmem:$0x16A40] =	vst v63  }
0x18b: {  	s1 =	simm.s32 $0x740;
	s10 =	simm.s32 $0x1740  }
0x18c: {  	[tilespmem:s10], [sflag:$0x1] =	stream.indirect.gather [hbm4b:s5+s22], $0x1, s1, s22, $0xb8;
	[tilespmem:$0x16A40] =	vst v63  }
0x18d: {  	s1 =	simm.s32 $0x7C0;
	s10 =	simm.s32 $0x17C0  }
0x18e: {  	[tilespmem:s10], [sflag:$0x1] =	stream.indirect.gather [hbm4b:s5+s22], $0x1, s1, s22, $0xb8;
	[tilespmem:$0x16A40] =	vst v63  }
0x18f: {  	s1 =	simm.s32 $0x840;
	s10 =	simm.s32 $0x1840  }
0x190: {  	[tilespmem:s10], [sflag:$0x1] =	stream.indirect.gather [hbm4b:s5+s22], $0x1, s1, s22, $0xb8;
	[tilespmem:$0x16A40] =	vst v63  }
0x191: {  	s1 =	simm.s32 $0x8C0;
	s10 =	simm.s32 $0x18C0  }
0x192: {  	[tilespmem:s10], [sflag:$0x1] =	stream.indirect.gather [hbm4b:s5+s22], $0x1, s1, s22, $0xb8;
	[tilespmem:$0x16A40] =	vst v63  }
0x193: {  	s1 =	simm.s32 $0x940;
	s10 =	simm.s32 $0x1940  }
0x194: {  	[tilespmem:s10], [sflag:$0x1] =	stream.indirect.gather [hbm4b:s5+s22], $0x1, s1, s22, $0xb8;
	[tilespmem:$0x16A40] =	vst v63  }
0x195: {  	s1 =	simm.s32 $0x9C0;
	s10 =	simm.s32 $0x19C0  }
0x196: {  	[tilespmem:s10], [sflag:$0x1] =	stream.indirect.gather [hbm4b:s5+s22], $0x1, s1, s22, $0xb8;
	[tilespmem:$0x16A40] =	vst v63  }
0x197: {  	s1 =	simm.s32 $0xA40;
	s10 =	simm.s32 $0x1A40  }
0x198: {  	[tilespmem:s10], [sflag:$0x1] =	stream.indirect.gather [hbm4b:s5+s22], $0x1, s1, s22, $0xb8;
	[tilespmem:$0x16A40] =	vst v63  }
0x199: {  	s1 =	simm.s32 $0xAC0;
	s10 =	simm.s32 $0x1AC0  }
0x19a: {  	[tilespmem:s10], [sflag:$0x1] =	stream.indirect.gather [hbm4b:s5+s22], $0x1, s1, s22, $0xb8;
	[tilespmem:$0x16A40] =	vst v63  }
0x19b: {  	s1 =	simm.s32 $0xB40;
	s10 =	simm.s32 $0x1B40  }
0x19c: {  	[tilespmem:s10], [sflag:$0x1] =	stream.indirect.gather [hbm4b:s5+s22], $0x1, s1, s22, $0xb8;
	[tilespmem:$0x16A40] =	vst v63  }
0x19d: {  	s1 =	simm.s32 $0xBC0;
	s10 =	simm.s32 $0x1BC0  }
0x19e: {  	[tilespmem:s10], [sflag:$0x1] =	stream.indirect.gather [hbm4b:s5+s22], $0x1, s1, s22, $0xb8;
	[tilespmem:$0x16A40] =	vst v63  }
0x19f: {  	s1 =	simm.s32 $0xC40;
	s10 =	simm.s32 $0x1C40  }
0x1a0: {  	[tilespmem:s10], [sflag:$0x1] =	stream.indirect.gather [hbm4b:s5+s22], $0x1, s1, s22, $0xb8;
	[tilespmem:$0x16A40] =	vst v63  }
0x1a1: {  	s1 =	simm.s32 $0xCC0;
	s10 =	simm.s32 $0x1CC0  }
0x1a2: {  	[tilespmem:s10], [sflag:$0x1] =	stream.indirect.gather [hbm4b:s5+s22], $0x1, s1, s22, $0xb8;
	[tilespmem:$0x16A40] =	vst v63  }
0x1a3: {  	s1 =	simm.s32 $0xD40;
	s10 =	simm.s32 $0x1D40  }
0x1a4: {  	[tilespmem:s10], [sflag:$0x1] =	stream.indirect.gather [hbm4b:s5+s22], $0x1, s1, s22, $0xb8;
	[tilespmem:$0x16A40] =	vst v63  }
0x1a5: {  	s1 =	simm.s32 $0xDC0;
	s10 =	simm.s32 $0x1DC0  }
0x1a6: {  	[tilespmem:s10], [sflag:$0x1] =	stream.indirect.gather [hbm4b:s5+s22], $0x1, s1, s22, $0xb8;
	[tilespmem:$0x16A40] =	vst v63  }
0x1a7: {  	s1 =	simm.s32 $0xE40;
	s10 =	simm.s32 $0x1E40  }
0x1a8: {  	[tilespmem:s10], [sflag:$0x1] =	stream.indirect.gather [hbm4b:s5+s22], $0x1, s1, s22, $0xb8;
	[tilespmem:$0x16A40] =	vst v63  }
0x1a9: {  	s1 =	simm.s32 $0xEC0;
	s10 =	simm.s32 $0x1EC0  }
0x1aa: {  	[tilespmem:s10], [sflag:$0x1] =	stream.indirect.gather [hbm4b:s5+s22], $0x1, s1, s22, $0xb8;
	[tilespmem:$0x16A40] =	vst v63  }
0x1ab: {  	s1 =	simm.s32 $0xF40;
	s10 =	simm.s32 $0x1F40  }
0x1ac: {  	[tilespmem:s10], [sflag:$0x1] =	stream.indirect.gather [hbm4b:s5+s22], $0x1, s1, s22, $0xb8;
	[tilespmem:$0x16A40] =	vst v63  }
0x1ad: {  	s1 =	simm.s32 $0xFC0;
	s10 =	simm.s32 $0x1FC0  }
0x1ae: {  	[tilespmem:s10], [sflag:$0x1] =	stream.indirect.gather [hbm4b:s5+s22], $0x1, s1, s22, $0xb8;
	[tilespmem:$0x16A40] =	vst v63  }
0x1af: {  	_ = 	snop  }
0x1b0: {  	[tilespmem:s31], [sflag:$0x1] =	stream.indirect.gather [hbm4b:s6+s22], $0x40, s12, s22, $0xb8;
	[tilespmem:$0x16A40] =	vst v63  }
0x1b1: {  	s10 =	simm.s32 $0x4540  }
0x1b2: {  	[tilespmem:s10], [sflag:$0x1] =	stream.indirect.gather [hbm4b:s6+s22], $0x40, s13, s22, $0xb8;
	[tilespmem:$0x16A40] =	vst v63  }
0x1b3: {  	s10 =	simm.s32 $0x6540  }
0x1b4: {  	[tilespmem:s10], [sflag:$0x1] =	stream.indirect.gather [hbm4b:s6+s22], $0x40, s14, s22, $0xb8;
	[tilespmem:$0x16A40] =	vst v63  }
0x1b5: {  	s10 =	simm.s32 $0x8540  }
0x1b6: {  	[tilespmem:s10], [sflag:$0x1] =	stream.indirect.gather [hbm4b:s6+s22], $0x40, s15, s22, $0xb8;
	[tilespmem:$0x16A40] =	vst v63  }
0x1b7: {  	s10 =	simm.s32 $0xA540  }
0x1b8: {  	[tilespmem:s10], [sflag:$0x1] =	stream.indirect.gather [hbm4b:s6+s22], $0x40, s16, s22, $0xb8;
	[tilespmem:$0x16A40] =	vst v63  }
0x1b9: {  	_ = 	snop  }
0x1ba: {  	[tilespmem:s2], [sflag:$0x1] =	stream.indirect.gather [hbm4b:s6+s22], $0x40, s17, s22, $0xb8;
	[tilespmem:$0x16A40] =	vst v63  }
0x1bb: {  	_ = 	snop  }
0x1bc: {  	[tilespmem:s3], [sflag:$0x1] =	stream.indirect.gather [hbm4b:s6+s22], $0x40, s18, s22, $0xb8;
	[tilespmem:$0x16A40] =	vst v63  }
0x1bd: {  	_ = 	snop  }
0x1be: {  	[tilespmem:s23], [sflag:$0x1] =	stream.indirect.gather [hbm4b:s6+s22], $0x40, s19, s22, $0xb8;
	[tilespmem:$0x16A40] =	vst v63  }
0x1bf: {  	_ = 	snop  }
0x1c0: {  	[tilespmem:s24], [sflag:$0x1] =	stream.indirect.gather [hbm4b:s6+s22], $0x40, s20, s22, $0xb8;
	[tilespmem:$0x16A40] =	vst v63  }
0x1c1: {  	_ = 	snop  }
0x1c2: {  	[tilespmem:s25], [sflag:$0x1] =	stream.indirect.gather [hbm4b:s6+s22], $0x40, s21, s22, $0xb8;
	[tilespmem:$0x16A40] =	vst v63  }
0x1c3: {  	_ =	swait.ge [sflag:s26], $0x80  }
0x1c4: {  	[sflag:s26] =	ssyncset.done $0x0  }
0x1c5: {  	[sflag:s26] =	ssyncadd.s32 $0xFFFFFF80  }
0x1c6: {  	_ =	swait.ge [sflag:s26], $0x80  }
0x1c7: {  	[sflag:s26] =	ssyncset.done $0x0  }
0x1c8: {  	[sflag:s26] =	ssyncadd.s32 $0xFFFFFF80  }
0x1c9: {  	_ =	swait.ge [sflag:s26], $0x80  }
0x1ca: {  	[sflag:s26] =	ssyncset.done $0x0  }
0x1cb: {  	[sflag:s26] =	ssyncadd.s32 $0xFFFFFF80  }
0x1cc: {  	_ =	swait.ge [sflag:s26], $0x80  }
0x1cd: {  	[sflag:s26] =	ssyncset.done $0x0  }
0x1ce: {  	[sflag:s26] =	ssyncadd.s32 $0xFFFFFF80  }
0x1cf: {  	_ =	swait.ge [sflag:s26], $0x80  }
0x1d0: {  	[sflag:s26] =	ssyncset.done $0x0  }
0x1d1: {  	[sflag:s26] =	ssyncadd.s32 $0xFFFFFF80  }
0x1d2: {  	_ =	swait.ge [sflag:s26], $0x80  }
0x1d3: {  	[sflag:s26] =	ssyncset.done $0x0  }
0x1d4: {  	[sflag:s26] =	ssyncadd.s32 $0xFFFFFF80  }
0x1d5: {  	_ =	swait.ge [sflag:s26], $0x80  }
0x1d6: {  	[sflag:s26] =	ssyncset.done $0x0  }
0x1d7: {  	[sflag:s26] =	ssyncadd.s32 $0xFFFFFF80  }
0x1d8: {  	_ =	swait.ge [sflag:s26], $0x80  }
0x1d9: {  	[sflag:s26] =	ssyncset.done $0x0  }
0x1da: {  	[sflag:s26] =	ssyncadd.s32 $0xFFFFFF80  }
0x1db: {  	_ =	swait.ge [sflag:s26], $0x80  }
0x1dc: {  	[sflag:s26] =	ssyncset.done $0x0  }
0x1dd: {  	[sflag:s26] =	ssyncadd.s32 $0xFFFFFF80  }
0x1de: {  	_ =	swait.ge [sflag:s26], $0x80  }
0x1df: {  	[sflag:s26] =	ssyncset.done $0x0  }
0x1e0: {  	[sflag:s26] =	ssyncadd.s32 $0xFFFFFF80  }
0x1e1: {  	_ =	swait.ge [sflag:s26], $0x80  }
0x1e2: {  	[sflag:s26] =	ssyncset.done $0x0  }
0x1e3: {  	[sflag:s26] =	ssyncadd.s32 $0xFFFFFF80  }
0x1e4: {  	_ =	swait.ge [sflag:s26], $0x80  }
0x1e5: {  	[sflag:s26] =	ssyncset.done $0x0  }
0x1e6: {  	[sflag:s26] =	ssyncadd.s32 $0xFFFFFF80  }
0x1e7: {  	_ =	swait.ge [sflag:s26], $0x80  }
0x1e8: {  	[sflag:s26] =	ssyncset.done $0x0  }
0x1e9: {  	[sflag:s26] =	ssyncadd.s32 $0xFFFFFF80  }
0x1ea: {  	_ =	swait.ge [sflag:s26], $0x80  }
0x1eb: {  	[sflag:s26] =	ssyncset.done $0x0  }
0x1ec: {  	[sflag:s26] =	ssyncadd.s32 $0xFFFFFF80  }
0x1ed: {  	_ =	swait.ge [sflag:s26], $0x80  }
0x1ee: {  	[sflag:s26] =	ssyncset.done $0x0  }
0x1ef: {  	[sflag:s26] =	ssyncadd.s32 $0xFFFFFF80  }
0x1f0: {  	_ =	swait.ge [sflag:s26], $0x80  }
0x1f1: {  	[sflag:s26] =	ssyncset.done $0x0  }
0x1f2: {  	[sflag:s26] =	ssyncadd.s32 $0xFFFFFF80  }
0x1f3: {  	_ =	swait.ge [sflag:s26], $0x80  }
0x1f4: {  	[sflag:s26] =	ssyncset.done $0x0  }
0x1f5: {  	[sflag:s26] =	ssyncadd.s32 $0xFFFFFF80  }
0x1f6: {  	_ =	swait.ge [sflag:s26], $0x80  }
0x1f7: {  	[sflag:s26] =	ssyncset.done $0x0  }
0x1f8: {  	[sflag:s26] =	ssyncadd.s32 $0xFFFFFF80  }
0x1f9: {  	_ =	swait.ge [sflag:s26], $0x80  }
0x1fa: {  	[sflag:s26] =	ssyncset.done $0x0  }
0x1fb: {  	[sflag:s26] =	ssyncadd.s32 $0xFFFFFF80  }
0x1fc: {  	_ =	swait.ge [sflag:s26], $0x80  }
0x1fd: {  	[sflag:s26] =	ssyncset.done $0x0  }
0x1fe: {  	[sflag:s26] =	ssyncadd.s32 $0xFFFFFF80  }
0x1ff: {  	_ =	swait.ge [sflag:s26], $0x80  }
0x200: {  	[sflag:s26] =	ssyncset.done $0x0  }
0x201: {  	[sflag:s26] =	ssyncadd.s32 $0xFFFFFF80  }
0x202: {  	_ =	swait.ge [sflag:s26], $0x80  }
0x203: {  	[sflag:s26] =	ssyncset.done $0x0  }
0x204: {  	[sflag:s26] =	ssyncadd.s32 $0xFFFFFF80  }
0x205: {  	_ =	swait.ge [sflag:s26], $0x80  }
0x206: {  	[sflag:s26] =	ssyncset.done $0x0  }
0x207: {  	[sflag:s26] =	ssyncadd.s32 $0xFFFFFF80  }
0x208: {  	_ =	swait.ge [sflag:s26], $0x80  }
0x209: {  	[sflag:s26] =	ssyncset.done $0x0  }
0x20a: {  	[sflag:s26] =	ssyncadd.s32 $0xFFFFFF80  }
0x20b: {  	_ =	swait.ge [sflag:s26], $0x80  }
0x20c: {  	[sflag:s26] =	ssyncset.done $0x0  }
0x20d: {  	[sflag:s26] =	ssyncadd.s32 $0xFFFFFF80  }
0x20e: {  	_ =	swait.ge [sflag:s26], $0x80  }
0x20f: {  	[sflag:s26] =	ssyncset.done $0x0  }
0x210: {  	[sflag:s26] =	ssyncadd.s32 $0xFFFFFF80  }
0x211: {  	_ =	swait.ge [sflag:s26], $0x80  }
0x212: {  	[sflag:s26] =	ssyncset.done $0x0  }
0x213: {  	[sflag:s26] =	ssyncadd.s32 $0xFFFFFF80  }
0x214: {  	_ =	swait.ge [sflag:s26], $0x80  }
0x215: {  	[sflag:s26] =	ssyncset.done $0x0  }
0x216: {  	[sflag:s26] =	ssyncadd.s32 $0xFFFFFF80  }
0x217: {  	_ =	swait.ge [sflag:s26], $0x80  }
0x218: {  	[sflag:s26] =	ssyncset.done $0x0  }
0x219: {  	[sflag:s26] =	ssyncadd.s32 $0xFFFFFF80  }
0x21a: {  	_ =	swait.ge [sflag:s26], $0x80  }
0x21b: {  	[sflag:s26] =	ssyncset.done $0x0  }
0x21c: {  	[sflag:s26] =	ssyncadd.s32 $0xFFFFFF80  }
0x21d: {  	_ =	swait.ge [sflag:s26], $0x80  }
0x21e: {  	[sflag:s26] =	ssyncset.done $0x0  }
0x21f: {  	[sflag:s26] =	ssyncadd.s32 $0xFFFFFF80  }
0x220: {  	_ =	swait.ge [sflag:s26], $0x80  }
0x221: {  	[sflag:s26] =	ssyncset.done $0x0  }
0x222: {  	[sflag:s26] =	ssyncadd.s32 $0xFFFFFF80  }
0x223: {  	_ =	swait.ge [sflag:s26], $0x2000  }
0x224: {  	[sflag:s26] =	ssyncset.done $0x0  }
0x225: {  	[sflag:s26] =	ssyncadd.s32 $0xFFFFE000  }
0x226: {  	_ =	swait.ge [sflag:s26], $0x2000  }
0x227: {  	[sflag:s26] =	ssyncset.done $0x0  }
0x228: {  	[sflag:s26] =	ssyncadd.s32 $0xFFFFE000  }
0x229: {  	_ =	swait.ge [sflag:s26], $0x2000  }
0x22a: {  	[sflag:s26] =	ssyncset.done $0x0  }
0x22b: {  	[sflag:s26] =	ssyncadd.s32 $0xFFFFE000  }
0x22c: {  	_ =	swait.ge [sflag:s26], $0x2000  }
0x22d: {  	[sflag:s26] =	ssyncset.done $0x0  }
0x22e: {  	[sflag:s26] =	ssyncadd.s32 $0xFFFFE000  }
0x22f: {  	_ =	swait.ge [sflag:s26], $0x2000  }
0x230: {  	[sflag:s26] =	ssyncset.done $0x0  }
0x231: {  	[sflag:s26] =	ssyncadd.s32 $0xFFFFE000  }
0x232: {  	_ =	swait.ge [sflag:s26], $0x2000  }
0x233: {  	[sflag:s26] =	ssyncset.done $0x0  }
0x234: {  	[sflag:s26] =	ssyncadd.s32 $0xFFFFE000  }
0x235: {  	_ =	swait.ge [sflag:s26], $0x2000  }
0x236: {  	[sflag:s26] =	ssyncset.done $0x0  }
0x237: {  	[sflag:s26] =	ssyncadd.s32 $0xFFFFE000  }
0x238: {  	v1 =	vmov s0;
	_ =	swait.ge [sflag:s26], $0x2000  }
0x239: {  	v1 =	vand.u32 $0x3F, v1;
	[sflag:s26] =	ssyncset.done $0x0  }
0x23a: {  	v1 =	vbroadcast v1, $0x0;
	[sflag:s26] =	ssyncadd.s32 $0xFFFFE000  }
0x23b: {  	_ =	swait.ge [sflag:s26], $0x2000  }
0x23c: {  	v2 =	vor.u32 v63, v1;
	[sflag:s26] =	ssyncset.done $0x0  }
0x23d: {  	[sflag:s26] =	ssyncadd.s32 $0xFFFFE000  }
0x23e: {  	v3 =	vor.u32 v30, v1;
	_ =	swait.ge [sflag:s26], $0x2000  }
0x23f: {  	v4 =	vor.u32 v31, v1;
	[sflag:s26] =	ssyncset.done $0x0  }
0x240: {  	v5 =	vor.u32 v32, v1;
	[sflag:s26] =	ssyncadd.s32 $0xFFFFE000  }
0x241: {  	v6 =	vor.u32 v33, v1;
	v2 =	vld.idx.msk [tilespmem:v2+s31+$0x0], $0xffff  }
0x242: {  	v7 =	vor.u32 v34, v1;
	v14 =	vld [tilespmem:s4+$0x0]  }
0x243: {  	v8 =	vor.u32 v35, v1;
	v3 =	vld.idx.msk [tilespmem:v3+s31+$0x0], $0xffff  }
0x244: {  	v9 =	vor.u32 v36, v1;
	v4 =	vld.idx.msk [tilespmem:v4+s31+$0x0], $0xffff  }
0x245: {  	v10 =	vor.u32 v37, v1;
	v5 =	vld.idx.msk [tilespmem:v5+s31+$0x0], $0xffff  }
0x246: {  	v15 =	vor.u32 v42, v1;
	v6 =	vld.idx.msk [tilespmem:v6+s31+$0x0], $0xffff  }
0x247: {  	v16 =	vor.u32 v43, v1;
	v7 =	vld.idx.msk [tilespmem:v7+s31+$0x0], $0xffff  }
0x248: {  	v18 =	vor.u32 v54, v1;
	v8 =	vld.idx.msk [tilespmem:v8+s31+$0x0], $0xffff  }
0x249: {  	v19 =	vor.u32 v46, v1;
	v9 =	vld.idx.msk [tilespmem:v9+s31+$0x0], $0xffff  }
0x24a: {  	v20 =	vor.u32 v53, v1;
	v10 =	vld.idx.msk [tilespmem:v10+s31+$0x0], $0xffff  }
0x24b: {  	v15 =	vld.idx.msk [tilespmem:v15+s31+$0x0], $0xffff  }
0x24c: {  	v57 =	vimm.f32 $0.0e+00;
	v11 =	vor.u32 v47, v1;
	v16 =	vld.idx.msk [tilespmem:v16+s31+$0x0], $0xffff  }
0x24d: {  	v12 =	vor.u32 v0, v1;
	v18 =	vld.idx.msk [tilespmem:v18+s31+$0x0], $0xffff;
	v2 =	vmul.f32 v2, v14;
	v3 =	vmul.f32 v3, v14  }
0x24e: {  	v13 =	vor.u32 v41, v1;
	v19 =	vld.idx.msk [tilespmem:v19+s31+$0x0], $0xffff;
	v4 =	vmul.f32 v4, v14;
	v5 =	vmul.f32 v5, v14  }
0x24f: {  	v17 =	vor.u32 v51, v1;
	v20 =	vld.idx.msk [tilespmem:v20+s31+$0x0], $0xffff;
	v6 =	vmul.f32 v6, v14;
	v7 =	vmul.f32 v7, v14  }
0x250: {  	v24 =	vor.u32 v50, v1;
	s4 =	simm.s32 $0x1;
	v8 =	vmul.f32 v8, v14;
	v28 =	vmul.f32 v9, v14  }
0x251: {  	v25 =	vld.idx.msk [tilespmem:v11+s31+$0x0], $0xffff;
	v11 =	vmov s4;
	v29 =	vmul.f32 v10, v14;
	v15 =	vmul.f32 v15, v14  }
0x252: {  	v16 =	vmul.f32 v16, v14;
	v38 =	vadd.f32 v5, v57;
	v5 =	vand.u32 $0x3F, v11  }
0x253: {  	v1 =	vor.u32 v52, v1;
	v60 =	vmul.f32 v18, v14;
	v5 =	vbroadcast v5, $0x0  }
0x254: {  	v26 =	vld.idx.msk [tilespmem:v12+s31+$0x0], $0xffff;
	v19 =	vmul.f32 v19, v14;
	v20 =	vmul.f32 v20, v14;
	v2 =	vadd.f32 v2, v57  }
0x255: {  	v27 =	vld.idx.msk [tilespmem:v13+s31+$0x0], $0xffff;
	v3 =	vadd.f32 v3, v57;
	v21 =	vadd.f32 v6, v57;
	v6 =	vor.u32 v63, v5  }
0x256: {  	v17 =	vld.idx.msk [tilespmem:v17+s31+$0x0], $0xffff;
	v4 =	vadd.f32 v4, v57;
	v23 =	vadd.f32 v7, v57;
	v30 =	vor.u32 v30, v5  }
0x257: {  	v24 =	vld.idx.msk [tilespmem:v24+s31+$0x0], $0xffff;
	v22 =	vadd.f32 v8, v57;
	v28 =	vadd.f32 v28, v57;
	v31 =	vor.u32 v31, v5  }
0x258: {  	s0 =	simm.s32 $0x1080;
	v45 =	vld.idx.msk [tilespmem:v1+s31+$0x0], $0xffff;
	v62 =	vor.u32 v32, v5;
	v33 =	vor.u32 v33, v5;
	v49 =	vor.u32 v34, v5  }
0x259: {  	v55 =	vmovc v32;
	v1 =	vld [tilespmem:s0+$0x0];
	v35 =	vor.u32 v35, v5;
	v36 =	vor.u32 v36, v5;
	v37 =	vor.u32 v37, v5  }
0x25a: {  	v39 =	vor.u32 v47, v5;
	v40 =	vor.u32 v0, v5;
	v41 =	vor.u32 v41, v5;
	v48 =	vld.idx.msk [tilespmem:v6+s31+$0x0], $0xffff  }
0x25b: {  	v13 =	vor.u32 v42, v5;
	v12 =	vor.u32 v43, v5;
	v11 =	vor.u32 v51, v5;
	v56 =	vld.idx.msk [tilespmem:v30+s31+$0x0], $0xffff  }
0x25c: {  	v10 =	vor.u32 v54, v5;
	v9 =	vor.u32 v46, v5;
	v7 =	vor.u32 v53, v5;
	v58 =	vld.idx.msk [tilespmem:v31+s31+$0x0], $0xffff  }
0x25d: {  	v8 =	vor.u32 v50, v5;
	v32 =	vadd.f32 v15, v57;
	v15 =	vmul.f32 v45, v14;
	v59 =	vld.idx.msk [tilespmem:v62+s31+$0x0], $0xffff  }
0x25e: {  	v6 =	vor.u32 v52, v5;
	v5 =	vmul.f32 v25, v14;
	v25 =	vmul.f32 v26, v14;
	v61 =	vld.idx.msk [tilespmem:v33+s31+$0x0], $0xffff  }
0x25f: {  	v29 =	vadd.f32 v29, v57;
	v26 =	vmul.f32 v27, v14;
	v62 =	vld.idx.msk [tilespmem:v49+s31+$0x0], $0xffff;
	v49 =	vmul.f32 v24, v14  }
0x260: {  	v18 =	vld.idx.msk [tilespmem:v35+s31+$0x0], $0xffff;
	v24 =	vadd.f32 v19, v57;
	v30 =	vadd.f32 v5, v57;
	v5 =	vmul.f32 v17, v14  }
0x261: {  	v34 =	vld.idx.msk [tilespmem:v39+s31+$0x0], $0xffff;
	v31 =	vadd.f32 v25, v57;
	v33 =	vadd.f32 v26, v57;
	v27 =	vmul.f32 v48, v1  }
0x262: {  	v35 =	vld.idx.msk [tilespmem:v40+s31+$0x0], $0xffff;
	v25 =	vadd.f32 v16, v57;
	v26 =	vadd.f32 v60, v57;
	v14 =	vmul.f32 v56, v1  }
0x263: {  	v17 =	vld.idx.msk [tilespmem:v36+s31+$0x0], $0xffff;
	v16 =	vmul.f32 v58, v1;
	v56 =	vadd.f32 v27, v2;
	v27 =	vadd.f32 v5, v57  }
0x264: {  	v36 =	vld.idx.msk [tilespmem:v37+s31+$0x0], $0xffff;
	v2 =	vadd.f32 v14, v3;
	v3 =	vmul.f32 v59, v1;
	v5 =	vadd.f32 v20, v57  }
0x265: {  	s10 =	simm.s32 $0x2;
	v19 =	vmul.f32 v61, v1;
	v48 =	vmovc v50;
	v16 =	vadd.f32 v16, v4;
	v4 =	vadd.f32 v49, v57  }
0x266: {  	s4 =	simm.s32 $0x3;
	v37 =	vmov s10;
	v50 =	vmovc v0;
	v20 =	vmul.f32 v62, v1;
	v14 =	vld.idx.msk [tilespmem:v41+s31+$0x0], $0xffff;
	v49 =	vmovc v46;
	v3 =	vadd.f32 v3, v38  }
.LBB2_3:
0x267: {  	v0 =	vld [tilespmem:$0x1FEC0];
	_ =	sdelay $0x1  }
0x268: {  	v37 =	vand.u32 $0x3F, v37  }
0x269: {  	v37 =	vbroadcast v37, $0x0;
	_ =	sdelay $0x1  }
0x26a: {  	v57 =	vadd.f32 v15, v57;
	v15 =	vor.u32 v0, v37;
	v0 =	vld [tilespmem:$0x1FED0];
	_ =	sdelay $0x4  }
0x26b: {  	v38 =	vor.u32 v0, v37;
	v0 =	vld [tilespmem:$0x1FEF0];
	_ =	sdelay $0x4  }
0x26c: {  	v42 =	vor.u32 v0, v37;
	v0 =	vld [tilespmem:$0x1FF00];
	_ =	sdelay $0x4  }
0x26d: {  	v43 =	vor.u32 v0, v37;
	v0 =	vld [tilespmem:$0x1FF10];
	_ =	sdelay $0x4  }
0x26e: {  	v59 =	vor.u32 v0, v37;
	v0 =	vld [tilespmem:$0x1FF20];
	_ =	sdelay $0x4  }
0x26f: {  	v60 =	vor.u32 v0, v37;
	v0 =	vld [tilespmem:$0x1FF30];
	_ =	sdelay $0x4  }
0x270: {  	v61 =	vor.u32 v0, v37;
	v0 =	vld [tilespmem:$0x1FF60]  }
0x271: {  	v40 =	vld.idx.msk [tilespmem:v10+s31+$0x0], $0xffff  }
0x272: {  	v58 =	vld.idx.msk [tilespmem:v9+s31+$0x0], $0xffff  }
0x273: {  	v21 =	vadd.f32 v19, v21;
	v19 =	vld.idx.msk [tilespmem:v13+s31+$0x0], $0xffff  }
0x274: {  	v23 =	vadd.f32 v20, v23;
	v20 =	vld.idx.msk [tilespmem:v12+s31+$0x0], $0xffff;
	v18 =	vmul.f32 v18, v1  }
0x275: {  	v45 =	vor.u32 v0, v37;
	v0 =	vld [tilespmem:$0x1FF70]  }
0x276: {  	v41 =	vor.u32 v55, v37;
	v22 =	vadd.f32 v18, v22;
	v18 =	vmul.f32 v36, v1;
	v36 =	vld.idx.msk [tilespmem:v11+s31+$0x0], $0xffff  }
0x277: {  	v62 =	vld.idx.msk [tilespmem:v7+s31+$0x0], $0xffff;
	v39 =	vor.u32 v63, v37  }
0x278: {  	v46 =	vld.idx.msk [tilespmem:v8+s31+$0x0], $0xffff;
	v17 =	vmul.f32 v17, v1;
	v63 =	vor.u32 v47, v37  }
0x279: {  	v47 =	vld.idx.msk [tilespmem:v6+s31+$0x0], $0xffff;
	v34 =	vmul.f32 v34, v1  }
0x27a: {  	v28 =	vadd.f32 v17, v28;
	v17 =	vmul.f32 v19, v1;
	v13 =	vor.u32 v0, v37;
	v0 =	vld [tilespmem:$0x1FF80]  }
0x27b: {  	v19 =	vmul.f32 v20, v1;
	v30 =	vadd.f32 v34, v30;
	v20 =	vld.idx.msk [tilespmem:v41+s31+$0x0], $0xffff;
	v34 =	vmul.f32 v36, v1  }
0x27c: {  	v39 =	vld.idx.msk [tilespmem:v39+s31+$0x0], $0xffff  }
0x27d: {  	v27 =	vadd.f32 v34, v27;
	v34 =	vld.idx.msk [tilespmem:v63+s31+$0x0], $0xffff  }
0x27e: {  	s0 =	sadd.s32 $0x40, s0;
	v44 =	vor.u32 v50, v37;
	v10 =	vor.u32 v54, v37;
	v9 =	vor.u32 v49, v37;
	v63 =	vld [tilespmem:$0x1FFF0]  }
0x27f: {  	v7 =	vor.u32 v53, v37;
	v14 =	vmul.f32 v14, v1;
	v12 =	vor.u32 v0, v37;
	v0 =	vld [tilespmem:s0+$0x0]  }
0x280: {  	v8 =	vor.u32 v48, v37;
	v11 =	vor.u32 v51, v37;
	v6 =	vor.u32 v52, v37;
	v37 =	vld.idx.msk [tilespmem:v15+s31+$0x0], $0xffff  }
0x281: {  	v29 =	vadd.f32 v18, v29;
	v33 =	vadd.f32 v14, v33;
	v14 =	vmul.f32 v46, v1;
	v43 =	vld.idx.msk [tilespmem:v43+s31+$0x0], $0xffff  }
0x282: {  	v41 =	vmul.f32 v58, v1;
	v32 =	vadd.f32 v17, v32;
	v15 =	vmul.f32 v35, v1;
	v35 =	vld.idx.msk [tilespmem:v38+s31+$0x0], $0xffff  }
0x283: {  	v25 =	vadd.f32 v19, v25;
	v4 =	vadd.f32 v14, v4;
	v18 =	vld.idx.msk [tilespmem:v59+s31+$0x0], $0xffff  }
0x284: {  	p0 =	sne.s32 s4, $0x3F;
	v24 =	vadd.f32 v41, v24;
	v38 =	vmul.f32 v40, v1;
	v40 =	vld.idx.msk [tilespmem:v42+s31+$0x0], $0xffff;
	v42 =	vmul.f32 v62, v1  }
.Ltmp0:
0x285: {  	v17 =	vld.idx.msk [tilespmem:v60+s31+$0x0], $0xffff;
	v31 =	vadd.f32 v15, v31;
	v15 =	vmul.f32 v47, v1;
	v1 =	vmul.f32 v37, v0;
	(pc) =	sbr.rel @p0 .LBB2_3-.Ltmp0, $4  }
0x286: {  	v36 =	vld.idx.msk [tilespmem:v61+s31+$0x0], $0xffff;
	v26 =	vadd.f32 v38, v26;
	v5 =	vadd.f32 v42, v5;
	v58 =	vmul.f32 v39, v0  }
0x287: {  	v14 =	vld.idx.msk [tilespmem:v45+s31+$0x0], $0xffff;
	v19 =	vmul.f32 v35, v0;
	v59 =	vmul.f32 v20, v0;
	v37 =	vmov s4  }
0x288: {  	v35 =	vld.idx.msk [tilespmem:v44+s31+$0x0], $0xffff;
	v20 =	vmul.f32 v43, v0;
	v56 =	vadd.f32 v58, v56;
	v2 =	vadd.f32 v1, v2  }
0x289: {  	v47 =	vld [tilespmem:$0x1FF40];
	s4 =	sadd.s32 $0x1, s4;
	v16 =	vadd.f32 v19, v16;
	v19 =	vmul.f32 v40, v0;
	v3 =	vadd.f32 v59, v3;
	v1 =	vmovc v0  }
0x28a: {  	_ =	sdelay $0x3  }
0x28b: {  	v13 =	vld.idx.msk [tilespmem:v13+s31+$0x0], $0xffff  }
0x28c: {  	v12 =	vld.idx.msk [tilespmem:v12+s31+$0x0], $0xffff  }
0x28d: {  	v11 =	vld.idx.msk [tilespmem:v11+s31+$0x0], $0xffff  }
0x28e: {  	v10 =	vld.idx.msk [tilespmem:v10+s31+$0x0], $0xffff  }
0x28f: {  	v9 =	vld.idx.msk [tilespmem:v9+s31+$0x0], $0xffff  }
0x290: {  	v58 =	vld [tilespmem:$0x1FEC0]  }
0x291: {  	v7 =	vld.idx.msk [tilespmem:v7+s31+$0x0], $0xffff  }
0x292: {  	v39 =	vld [tilespmem:$0x1FED0]  }
0x293: {  	v8 =	vld.idx.msk [tilespmem:v8+s31+$0x0], $0xffff  }
0x294: {  	v6 =	vld.idx.msk [tilespmem:v6+s31+$0x0], $0xffff  }
0x295: {  	v0 =	vand.u32 $0x3F, v37;
	v41 =	vld [tilespmem:$0x1FEF0]  }
0x296: {  	v42 =	vld [tilespmem:$0x1FF00];
	v0 =	vbroadcast v0, $0x0  }
0x297: {  	v44 =	vld [tilespmem:$0x1FF10]  }
0x298: {  	v45 =	vld [tilespmem:$0x1FF20];
	v46 =	vor.u32 v63, v0  }
0x299: {  	s0 =	sadd.s32 $0x40, s0;
	v18 =	vmul.f32 v18, v1;
	v17 =	vmul.f32 v17, v1;
	v15 =	vadd.f32 v15, v57;
	v57 =	vld [tilespmem:$0x1FF80]  }
0x29a: {  	v43 =	vld [tilespmem:s0+$0x0];
	v40 =	vor.u32 v55, v0  }
0x29b: {  	v18 =	vadd.f32 v18, v22;
	v17 =	vadd.f32 v17, v28;
	v28 =	vld [tilespmem:$0x1FF70];
	v22 =	vor.u32 v50, v0  }
0x29c: {  	v55 =	vld [tilespmem:$0x1FF60];
	v59 =	vor.u32 v51, v0  }
0x29d: {  	v60 =	vor.u32 v54, v0;
	v37 =	vld.idx.msk [tilespmem:v46+s31+$0x0], $0xffff  }
0x29e: {  	v34 =	vmul.f32 v34, v1;
	v61 =	vor.u32 v49, v0;
	v46 =	vld [tilespmem:$0x1FF30]  }
0x29f: {  	v19 =	vadd.f32 v19, v21;
	v38 =	vor.u32 v58, v0;
	v11 =	vmul.f32 v11, v1;
	v40 =	vld.idx.msk [tilespmem:v40+s31+$0x0], $0xffff  }
0x2a0: {  	v36 =	vmul.f32 v36, v1;
	v14 =	vmul.f32 v14, v1;
	v62 =	vor.u32 v53, v0;
	v22 =	vld.idx.msk [tilespmem:v22+s31+$0x0], $0xffff  }
0x2a1: {  	v35 =	vmul.f32 v35, v1;
	v21 =	vor.u32 v47, v0;
	v11 =	vadd.f32 v11, v27;
	v27 =	vld.idx.msk [tilespmem:v59+s31+$0x0], $0xffff  }
0x2a2: {  	v14 =	vadd.f32 v14, v33;
	v39 =	vor.u32 v39, v0;
	v13 =	vmul.f32 v13, v1;
	v63 =	vld.idx.msk [tilespmem:v60+s31+$0x0], $0xffff  }
0x2a3: {  	v41 =	vor.u32 v41, v0;
	v12 =	vmul.f32 v12, v1;
	v10 =	vmul.f32 v10, v1;
	v33 =	vld.idx.msk [tilespmem:v61+s31+$0x0], $0xffff  }
0x2a4: {  	v42 =	vor.u32 v42, v0;
	v9 =	vmul.f32 v9, v1;
	v7 =	vmul.f32 v7, v1;
	v38 =	vld.idx.msk [tilespmem:v38+s31+$0x0], $0xffff  }
0x2a5: {  	v44 =	vor.u32 v44, v0;
	v8 =	vmul.f32 v8, v1;
	v1 =	vmul.f32 v6, v1;
	v6 =	vld.idx.msk [tilespmem:v62+s31+$0x0], $0xffff  }
0x2a6: {  	v21 =	vld.idx.msk [tilespmem:v21+s31+$0x0], $0xffff  }
0x2a7: {  	v45 =	vor.u32 v45, v0;
	v39 =	vld.idx.msk [tilespmem:v39+s31+$0x0], $0xffff  }
0x2a8: {  	v20 =	vadd.f32 v20, v23;
	v29 =	vadd.f32 v36, v29;
	v36 =	vor.u32 v57, v0;
	v23 =	vld.idx.msk [tilespmem:v41+s31+$0x0], $0xffff  }
0x2a9: {  	v28 =	vor.u32 v28, v0;
	v10 =	vadd.f32 v10, v26;
	v50 =	vld.idx.msk [tilespmem:v42+s31+$0x0], $0xffff;
	v26 =	vmul.f32 v38, v43  }
0x2aa: {  	v12 =	vadd.f32 v12, v25;
	v25 =	vor.u32 v48, v0;
	v44 =	vld.idx.msk [tilespmem:v44+s31+$0x0], $0xffff  }
0x2ab: {  	v42 =	vor.u32 v55, v0;
	v2 =	vadd.f32 v26, v2;
	v26 =	vld [tilespmem:$0x1FDA0]  }
0x2ac: {  	v45 =	vld.idx.msk [tilespmem:v45+s31+$0x0], $0xffff;
	v46 =	vor.u32 v46, v0  }
0x2ad: {  	v36 =	vld.idx.msk [tilespmem:v36+s31+$0x0], $0xffff;
	v0 =	vor.u32 v52, v0  }
0x2ae: {  	v28 =	vld.idx.msk [tilespmem:v28+s31+$0x0], $0xffff  }
0x2af: {  	v25 =	vld.idx.msk [tilespmem:v25+s31+$0x0], $0xffff  }
0x2b0: {  	v42 =	vld.idx.msk [tilespmem:v42+s31+$0x0], $0xffff  }
0x2b1: {  	v8 =	vadd.f32 v8, v4;
	v4 =	vmul.f32 v23, v43;
	v46 =	vld.idx.msk [tilespmem:v46+s31+$0x0], $0xffff  }
0x2b2: {  	v0 =	vld.idx.msk [tilespmem:v0+s31+$0x0], $0xffff  }
0x2b3: {  	[tilespmem:v26+s28+$0x0] =	vst.idx.msk $0xffff, v2;
	v2 =	vadd.f32 v4, v19;
	v19 =	vld [tilespmem:$0x1FC80];
	_ =	sdelay $0x3  }
0x2b4: {  	v9 =	vadd.f32 v9, v24;
	v24 =	vmul.f32 v39, v43;
	_ =	sdelay $0x1  }
0x2b5: {  	v5 =	vadd.f32 v7, v5;
	v7 =	vadd.f32 v24, v16;
	_ =	sdelay $0x1  }
0x2b6: {  	[tilespmem:v19+s28+$0x0] =	vst.idx.msk $0xffff, v7;
	v19 =	vld [tilespmem:$0x1FC90]  }
0x2b7: {  	v1 =	vadd.f32 v1, v15;
	v15 =	vld [tilespmem:$0x1FCA0];
	_ =	sdelay $0x2  }
0x2b8: {  	v24 =	vmul.f32 v40, v43;
	_ =	sdelay $0x1  }
0x2b9: {  	v3 =	vadd.f32 v24, v3;
	_ =	sdelay $0x1  }
0x2ba: {  	[tilespmem:v19+s28+$0x0] =	vst.idx.msk $0xffff, v3  }
0x2bb: {  	[tilespmem:v15+s28+$0x0] =	vst.idx.msk $0xffff, v2;
	v15 =	vld [tilespmem:$0x1FCB0];
	_ =	sdelay $0x3  }
0x2bc: {  	v23 =	vmul.f32 v50, v43;
	_ =	sdelay $0x1  }
0x2bd: {  	v4 =	vadd.f32 v23, v20  }
0x2be: {  	v7 =	vmul.f32 v45, v43  }
0x2bf: {  	[tilespmem:v15+s28+$0x0] =	vst.idx.msk $0xffff, v4;
	v15 =	vld [tilespmem:$0x1FCC0]  }
0x2c0: {  	v7 =	vadd.f32 v7, v17;
	v17 =	vld [tilespmem:$0x1FCD0];
	_ =	sdelay $0x2  }
0x2c1: {  	v24 =	vmul.f32 v44, v43;
	_ =	sdelay $0x1  }
0x2c2: {  	v18 =	vadd.f32 v24, v18;
	_ =	sdelay $0x1  }
0x2c3: {  	[tilespmem:v15+s28+$0x0] =	vst.idx.msk $0xffff, v18;
	v15 =	vmul.f32 v42, v43  }
0x2c4: {  	v13 =	vadd.f32 v13, v32;
	[tilespmem:v17+s28+$0x0] =	vst.idx.msk $0xffff, v7;
	v7 =	vmul.f32 v28, v43;
	v17 =	vld [tilespmem:$0x1FCE0]  }
0x2c5: {  	v14 =	vadd.f32 v15, v14;
	v15 =	vld [tilespmem:$0x1FCF0]  }
0x2c6: {  	v7 =	vadd.f32 v7, v13;
	v13 =	vld [tilespmem:$0x1FD00];
	_ =	sdelay $0x1  }
0x2c7: {  	v3 =	vmul.f32 v46, v43  }
0x2c8: {  	v30 =	vadd.f32 v34, v30;
	v2 =	vmul.f32 v21, v43  }
0x2c9: {  	v31 =	vadd.f32 v35, v31;
	v3 =	vadd.f32 v3, v29;
	v4 =	vmul.f32 v22, v43  }
0x2ca: {  	v2 =	vadd.f32 v2, v30  }
0x2cb: {  	v4 =	vadd.f32 v4, v31;
	[tilespmem:v17+s28+$0x0] =	vst.idx.msk $0xffff, v3;
	v3 =	vmul.f32 v36, v43  }
0x2cc: {  	[tilespmem:v15+s28+$0x0] =	vst.idx.msk $0xffff, v2;
	v2 =	vmul.f32 v27, v43  }
0x2cd: {  	[tilespmem:v13+s28+$0x0] =	vst.idx.msk $0xffff, v4;
	v4 =	vmul.f32 v63, v43;
	v3 =	vadd.f32 v3, v12;
	v12 =	vld [tilespmem:$0x1FD10]  }
0x2ce: {  	v2 =	vadd.f32 v2, v11;
	v11 =	vld [tilespmem:$0x1FD20]  }
0x2cf: {  	v4 =	vadd.f32 v4, v10;
	v10 =	vld [tilespmem:$0x1FD30];
	_ =	sdelay $0x5  }
0x2d0: {  	[tilespmem:v12+s28+$0x0] =	vst.idx.msk $0xffff, v14  }
0x2d1: {  	[tilespmem:v11+s28+$0x0] =	vst.idx.msk $0xffff, v7  }
0x2d2: {  	[tilespmem:v10+s28+$0x0] =	vst.idx.msk $0xffff, v3;
	v10 =	vld [tilespmem:$0x1FD40];
	_ =	sdelay $0x4  }
0x2d3: {  	s10 =	simm.s32 $0x0  }
0x2d4: {  	v7 =	vmov s10  }
0x2d5: {  	v6 =	vmul.f32 v6, v43;
	v3 =	vand.u32 $0x3F, v7  }
0x2d6: {  	v0 =	vmul.f32 v0, v43;
	[tilespmem:v10+s28+$0x0] =	vst.idx.msk $0xffff, v2;
	v10 =	vbroadcast v3, $0x0;
	v3 =	vld [tilespmem:$0x1FD50]  }
0x2d7: {  	v2 =	vadd.f32 v6, v5;
	v5 =	vld [tilespmem:$0x1FD60]  }
0x2d8: {  	v0 =	vadd.f32 v0, v1;
	v1 =	vld [tilespmem:$0x1FD70];
	_ =	sdelay $0x2  }
0x2d9: {  	v12 =	vmul.f32 v33, v43;
	_ =	sdelay $0x1  }
0x2da: {  	v9 =	vadd.f32 v12, v9  }
0x2db: {  	[tilespmem:v3+s28+$0x0] =	vst.idx.msk $0xffff, v4  }
0x2dc: {  	[tilespmem:v5+s28+$0x0] =	vst.idx.msk $0xffff, v9  }
0x2dd: {  	[tilespmem:v1+s28+$0x0] =	vst.idx.msk $0xffff, v2;
	v2 =	vld [tilespmem:$0x1FD80];
	_ =	sdelay $0x3  }
0x2de: {  	v7 =	vmul.f32 v25, v43;
	_ =	sdelay $0x1  }
0x2df: {  	v3 =	vadd.f32 v7, v8  }
0x2e0: {  	v12 =	vld [tilespmem:$0x1FE40]  }
0x2e1: {  	[tilespmem:v2+s28+$0x0] =	vst.idx.msk $0xffff, v3;
	v3 =	vld [tilespmem:$0x1FD90];
	_ =	sdelay $0x3  }
0x2e2: {  	v51 =	vld [tilespmem:$0x1FDD0]  }
0x2e3: {  	v17 =	vor.u32 v12, v10;
	v12 =	vld [tilespmem:$0x1FE50]  }
0x2e4: {  	v53 =	vld [tilespmem:$0x1FDF0]  }
0x2e5: {  	v54 =	vld [tilespmem:$0x1FE00]  }
0x2e6: {  	[tilespmem:v3+s28+$0x0] =	vst.idx.msk $0xffff, v0;
	v3 =	vld [tilespmem:$0x1FDB0]  }
0x2e7: {  	v50 =	vld [tilespmem:$0x1FDC0]  }
0x2e8: {  	v27 =	vor.u32 v12, v10;
	v12 =	vld [tilespmem:$0x1FE60]  }
0x2e9: {  	v52 =	vld [tilespmem:$0x1FDE0];
	v6 =	vadd.s32 $0x54C0, v58  }
0x2ea: {  	v49 =	vld [tilespmem:$0x1FE30];
	v16 =	vmul.f32 v37, v43;
	v5 =	vor.u32 v6, v10  }
0x2eb: {  	v48 =	vld [tilespmem:$0x1FE20]  }
0x2ec: {  	v55 =	vld [tilespmem:$0x1FE10];
	v1 =	vadd.f32 v16, v56;
	v2 =	vor.u32 v50, v10  }
0x2ed: {  	v28 =	vor.u32 v12, v10;
	v12 =	vld [tilespmem:$0x1FE70];
	v0 =	vor.u32 v51, v10  }
0x2ee: {  	v4 =	vmov v6;
	v6 =	vor.u32 v52, v10;
	[tilespmem:v3+s28+$0x0] =	vst.idx.msk $0xffff, v1;
	v1 =	vld [tilespmem:$0x1FE80]  }
0x2ef: {  	s0 =	simm.s32 $0x1050;
	v7 =	vor.u32 v53, v10;
	v8 =	vld.idx.msk [tilespmem:v5+s31+$0x0], $0xffff  }
0x2f0: {  	v21 =	vld [tilespmem:s0+$0x0]  }
0x2f1: {  	v9 =	vor.u32 v54, v10;
	v14 =	vld.idx.msk [tilespmem:v2+s31+$0x0], $0xffff  }
0x2f2: {  	v11 =	vor.u32 v55, v10;
	v0 =	vld.idx.msk [tilespmem:v0+s31+$0x0], $0xffff  }
0x2f3: {  	v15 =	vor.u32 v48, v10;
	v6 =	vld.idx.msk [tilespmem:v6+s31+$0x0], $0xffff  }
0x2f4: {  	v7 =	vld.idx.msk [tilespmem:v7+s31+$0x0], $0xffff  }
0x2f5: {  	v2 =	vld [tilespmem:$0x1FE90]  }
0x2f6: {  	v9 =	vld.idx.msk [tilespmem:v9+s31+$0x0], $0xffff  }
0x2f7: {  	s4 =	simm.s32 $0x1;
	v32 =	vimm.f32 $0.0e+00;
	v29 =	vor.u32 v12, v10;
	v19 =	vld.idx.msk [tilespmem:v11+s31+$0x0], $0xffff  }
0x2f8: {  	v39 =	vmov s4;
	v31 =	vimm.f32 $0.0e+00;
	v18 =	vadd.s32 $0x5480, v58;
	v20 =	vld.idx.msk [tilespmem:v15+s31+$0x0], $0xffff  }
0x2f9: {  	v13 =	vadd.s32 $0x5400, v58;
	v33 =	vimm.f32 $0.0e+00;
	v16 =	vor.u32 v49, v10;
	v15 =	vld.idx.msk [tilespmem:v17+s31+$0x0], $0xffff  }
0x2fa: {  	v12 =	vor.u32 v13, v10;
	v3 =	vadd.s32 $0x5440, v58;
	v36 =	vor.u32 v2, v10;
	v2 =	vld [tilespmem:$0x1FEA0]  }
0x2fb: {  	[tilespmem:$0x1FC70] =	vst v13;
	v5 =	vimm.f32 $0.0e+00;
	v13 =	vor.u32 v3, v10;
	v11 =	vor.u32 v18, v10;
	v37 =	vld.idx.msk [tilespmem:v28+s31+$0x0], $0xffff  }
0x2fc: {  	v38 =	vld.idx.msk [tilespmem:v29+s31+$0x0], $0xffff;
	v28 =	vimm.f32 $0.0e+00;
	v29 =	vimm.f32 $0.0e+00;
	v8 =	vmul.f32 v8, v21  }
0x2fd: {  	v17 =	vld.idx.msk [tilespmem:v27+s31+$0x0], $0xffff;
	v27 =	vimm.f32 $0.0e+00;
	v14 =	vmul.f32 v14, v21;
	v0 =	vmul.f32 v0, v21  }
0x2fe: {  	v30 =	vor.u32 v1, v10;
	v6 =	vmul.f32 v6, v21;
	v7 =	vmul.f32 v7, v21  }
0x2ff: {  	v19 =	vmul.f32 v19, v21;
	v56 =	vadd.f32 v8, v5;
	v35 =	vor.u32 v2, v10;
	v2 =	vld [tilespmem:$0x1FEB0]  }
0x300: {  	v20 =	vmul.f32 v20, v21;
	v26 =	vadd.f32 v14, v5;
	v25 =	vadd.f32 v0, v5  }
0x301: {  	v24 =	vadd.f32 v6, v5;
	v0 =	vmul.f32 v9, v21;
	v22 =	vadd.f32 v7, v5  }
0x302: {  	v9 =	vimm.f32 $0.0e+00;
	v8 =	vimm.f32 $0.0e+00;
	v7 =	vimm.f32 $0.0e+00  }
0x303: {  	v6 =	vimm.f32 $0.0e+00;
	v23 =	vadd.f32 v0, v5;
	v14 =	vld.idx.msk [tilespmem:v30+s31+$0x0], $0xffff;
	v30 =	vimm.f32 $0.0e+00  }
0x304: {  	s4 =	simm.s32 $0x2;
	v34 =	vor.u32 v2, v10;
	v2 =	vmovc v3;
	v3 =	vmovc v18;
	v18 =	vld.idx.msk [tilespmem:v16+s31+$0x0], $0xffff;
	v10 =	vimm.f32 $0.0e+00;
	v16 =	vimm.f32 $0.0e+00  }
.LBB2_5:
0x305: {  	v59 =	vld.idx.msk [tilespmem:v11+s31+$0x0], $0xffff  }
0x306: {  	v11 =	vld [tilespmem:$0x1FE40];
	_ =	sdelay $0x1  }
0x307: {  	v0 =	vand.u32 $0x3F, v39  }
0x308: {  	v0 =	vbroadcast v0, $0x0;
	_ =	sdelay $0x1  }
0x309: {  	v60 =	vor.u32 v11, v0;
	v11 =	vld [tilespmem:$0x1FE50];
	_ =	sdelay $0x4  }
0x30a: {  	v61 =	vor.u32 v11, v0;
	v11 =	vld [tilespmem:$0x1FE60];
	_ =	sdelay $0x4  }
0x30b: {  	v62 =	vor.u32 v11, v0;
	v11 =	vld [tilespmem:$0x1FE70];
	_ =	sdelay $0x4  }
0x30c: {  	v63 =	vor.u32 v11, v0;
	v11 =	vld [tilespmem:$0x1FE90];
	_ =	sdelay $0x2  }
0x30d: {  	v42 =	vld.idx.msk [tilespmem:v12+s31+$0x0], $0xffff  }
0x30e: {  	v5 =	vadd.f32 v19, v5;
	v19 =	vld.idx.msk [tilespmem:v36+s31+$0x0], $0xffff  }
0x30f: {  	v36 =	vor.u32 v11, v0;
	v11 =	vld [tilespmem:$0x1FEA0]  }
0x310: {  	v46 =	vld.idx.msk [tilespmem:v13+s31+$0x0], $0xffff;
	v41 =	vor.u32 v4, v0  }
0x311: {  	s0 =	sadd.s32 $0x40, s0;
	v10 =	vadd.f32 v20, v10;
	v20 =	vld.idx.msk [tilespmem:v35+s31+$0x0], $0xffff;
	v40 =	vor.u32 v51, v0;
	v18 =	vmul.f32 v18, v21  }
0x312: {  	v43 =	vor.u32 v52, v0;
	v58 =	vor.u32 v49, v0;
	v49 =	vld [tilespmem:s0+$0x0]  }
0x313: {  	v47 =	vor.u32 v55, v0;
	v9 =	vadd.f32 v18, v9;
	v18 =	vld.idx.msk [tilespmem:v34+s31+$0x0], $0xffff  }
0x314: {  	v15 =	vmul.f32 v15, v21;
	v35 =	vor.u32 v11, v0;
	v11 =	vld [tilespmem:$0x1FEB0]  }
0x315: {  	v17 =	vmul.f32 v17, v21;
	v57 =	vor.u32 v48, v0;
	v41 =	vld.idx.msk [tilespmem:v41+s31+$0x0], $0xffff  }
0x316: {  	v14 =	vmul.f32 v14, v21;
	v8 =	vadd.f32 v15, v8;
	v15 =	vmul.f32 v38, v21;
	v38 =	vld.idx.msk [tilespmem:v40+s31+$0x0], $0xffff  }
0x317: {  	v7 =	vadd.f32 v17, v7;
	v17 =	vmul.f32 v19, v21;
	v19 =	vmul.f32 v20, v21;
	v20 =	vld.idx.msk [tilespmem:v43+s31+$0x0], $0xffff  }
0x318: {  	v31 =	vadd.f32 v14, v31;
	v14 =	vld.idx.msk [tilespmem:v47+s31+$0x0], $0xffff  }
0x319: {  	v39 =	vor.u32 v50, v0;
	v34 =	vor.u32 v11, v0;
	v11 =	vld [tilespmem:$0x1FC70]  }
0x31a: {  	v47 =	vld [tilespmem:$0x1FE50]  }
0x31b: {  	v44 =	vor.u32 v53, v0;
	v33 =	vadd.f32 v15, v33;
	v15 =	vmul.f32 v46, v21;
	v43 =	vld.idx.msk [tilespmem:v57+s31+$0x0], $0xffff  }
0x31c: {  	v45 =	vor.u32 v54, v0;
	v13 =	vor.u32 v2, v0;
	v57 =	vld [tilespmem:$0x1FE60]  }
0x31d: {  	v48 =	vor.u32 v1, v0;
	v46 =	vmul.f32 v59, v21;
	v16 =	vadd.f32 v15, v16;
	v15 =	vld.idx.msk [tilespmem:v60+s31+$0x0], $0xffff  }
0x31e: {  	v12 =	vor.u32 v11, v0;
	v11 =	vor.u32 v3, v0;
	v0 =	vmul.f32 v37, v21;
	v37 =	vld.idx.msk [tilespmem:v39+s31+$0x0], $0xffff  }
0x31f: {  	v27 =	vadd.f32 v46, v27;
	v46 =	vld [tilespmem:$0x1FE40]  }
0x320: {  	v39 =	vld.idx.msk [tilespmem:v44+s31+$0x0], $0xffff  }
0x321: {  	v6 =	vadd.f32 v0, v6;
	v0 =	vmul.f32 v18, v21;
	v18 =	vmul.f32 v42, v21;
	v42 =	vld.idx.msk [tilespmem:v45+s31+$0x0], $0xffff  }
0x322: {  	v32 =	vadd.f32 v17, v32;
	v41 =	vmul.f32 v41, v49;
	v21 =	vmov v49;
	v49 =	vld [tilespmem:$0x1FE30]  }
0x323: {  	v17 =	vmul.f32 v38, v21;
	v38 =	vld.idx.msk [tilespmem:v63+s31+$0x0], $0xffff;
	v29 =	vadd.f32 v0, v29;
	v0 =	vmul.f32 v37, v21  }
0x324: {  	p0 =	sne.s32 s4, $0x3F;
	v30 =	vadd.f32 v18, v30;
	v18 =	vld.idx.msk [tilespmem:v58+s31+$0x0], $0xffff  }
.Ltmp1:
0x325: {  	v58 =	vld [tilespmem:$0x1FE70];
	v26 =	vadd.f32 v0, v26;
	v0 =	vmul.f32 v20, v21;
	(pc) =	sbr.rel @p0 .LBB2_5-.Ltmp1, $4  }
0x326: {  	v28 =	vadd.f32 v19, v28;
	v25 =	vadd.f32 v17, v25;
	v19 =	vmul.f32 v39, v21;
	v17 =	vld.idx.msk [tilespmem:v61+s31+$0x0], $0xffff  }
0x327: {  	v37 =	vld.idx.msk [tilespmem:v62+s31+$0x0], $0xffff;
	v24 =	vadd.f32 v0, v24;
	v0 =	vmul.f32 v42, v21  }
0x328: {  	v56 =	vadd.f32 v41, v56;
	v22 =	vadd.f32 v19, v22;
	v19 =	vmul.f32 v14, v21;
	v14 =	vld.idx.msk [tilespmem:v48+s31+$0x0], $0xffff  }
0x329: {  	v39 =	vmov s4;
	s4 =	sadd.s32 $0x1, s4;
	v20 =	vmul.f32 v43, v21;
	v48 =	vld [tilespmem:$0x1FE20];
	v23 =	vadd.f32 v0, v23  }
0x32a: {  	_ =	sdelay $0x3  }
0x32b: {  	v36 =	vld.idx.msk [tilespmem:v36+s31+$0x0], $0xffff  }
0x32c: {  	v35 =	vld.idx.msk [tilespmem:v35+s31+$0x0], $0xffff  }
0x32d: {  	v0 =	vand.u32 $0x3F, v39;
	v34 =	vld.idx.msk [tilespmem:v34+s31+$0x0], $0xffff  }
0x32e: {  	v12 =	vld.idx.msk [tilespmem:v12+s31+$0x0], $0xffff;
	v0 =	vbroadcast v0, $0x0  }
0x32f: {  	v13 =	vld.idx.msk [tilespmem:v13+s31+$0x0], $0xffff  }
0x330: {  	v11 =	vld.idx.msk [tilespmem:v11+s31+$0x0], $0xffff;
	s0 =	sadd.s32 $0x40, s0;
	v43 =	vor.u32 v4, v0  }
0x331: {  	v44 =	vld [tilespmem:s0+$0x0];
	v60 =	vor.u32 v50, v0;
	v40 =	vor.u32 v51, v0  }
0x332: {  	v61 =	vor.u32 v54, v0;
	v54 =	vor.u32 v57, v0;
	v57 =	vor.u32 v1, v0;
	v1 =	vld [tilespmem:$0x1FE90]  }
0x333: {  	v41 =	vor.u32 v52, v0;
	v59 =	vor.u32 v2, v0;
	v2 =	vor.u32 v3, v0;
	v3 =	vld [tilespmem:$0x1FEB0]  }
0x334: {  	v42 =	vor.u32 v53, v0;
	v62 =	vor.u32 v46, v0;
	v46 =	vld [tilespmem:$0x1FDA0]  }
0x335: {  	v50 =	vld.idx.msk [tilespmem:v43+s31+$0x0], $0xffff  }
0x336: {  	v18 =	vmul.f32 v18, v21;
	v39 =	vld.idx.msk [tilespmem:v60+s31+$0x0], $0xffff  }
0x337: {  	v10 =	vadd.f32 v20, v10;
	v45 =	vor.u32 v55, v0;
	v20 =	vld.idx.msk [tilespmem:v40+s31+$0x0], $0xffff  }
0x338: {  	v15 =	vmul.f32 v15, v21;
	v9 =	vadd.f32 v18, v9;
	v18 =	vor.u32 v49, v0;
	v40 =	vld.idx.msk [tilespmem:v41+s31+$0x0], $0xffff  }
0x339: {  	v42 =	vld.idx.msk [tilespmem:v42+s31+$0x0], $0xffff  }
0x33a: {  	v17 =	vmul.f32 v17, v21;
	v8 =	vadd.f32 v15, v8;
	v15 =	vor.u32 v1, v0;
	v1 =	vld [tilespmem:$0x1FEA0]  }
0x33b: {  	v63 =	vor.u32 v47, v0;
	v43 =	vld.idx.msk [tilespmem:v61+s31+$0x0], $0xffff  }
0x33c: {  	v38 =	vmul.f32 v38, v21;
	v7 =	vadd.f32 v17, v7;
	v17 =	vld.idx.msk [tilespmem:v45+s31+$0x0], $0xffff  }
0x33d: {  	v5 =	vadd.f32 v19, v5;
	v55 =	vor.u32 v58, v0;
	v18 =	vld.idx.msk [tilespmem:v18+s31+$0x0], $0xffff  }
0x33e: {  	v37 =	vmul.f32 v37, v21;
	v33 =	vadd.f32 v38, v33;
	v19 =	vor.u32 v48, v0;
	v41 =	vld.idx.msk [tilespmem:v62+s31+$0x0], $0xffff  }
0x33f: {  	v14 =	vmul.f32 v14, v21;
	v36 =	vmul.f32 v36, v21;
	v58 =	vor.u32 v1, v0;
	v1 =	vld [tilespmem:$0x1FC70]  }
0x340: {  	v6 =	vadd.f32 v37, v6;
	v35 =	vmul.f32 v35, v21;
	v12 =	vmul.f32 v12, v21;
	v60 =	vld.idx.msk [tilespmem:v63+s31+$0x0], $0xffff  }
0x341: {  	v13 =	vmul.f32 v13, v21;
	v11 =	vmul.f32 v11, v21;
	v14 =	vadd.f32 v14, v31;
	v61 =	vld.idx.msk [tilespmem:v54+s31+$0x0], $0xffff  }
0x342: {  	v34 =	vmul.f32 v34, v21;
	v21 =	vadd.f32 v36, v32;
	v12 =	vadd.f32 v12, v30;
	v31 =	vld.idx.msk [tilespmem:v55+s31+$0x0], $0xffff  }
0x343: {  	v13 =	vadd.f32 v13, v16;
	v11 =	vadd.f32 v11, v27;
	v19 =	vld.idx.msk [tilespmem:v19+s31+$0x0], $0xffff  }
0x344: {  	v62 =	vld.idx.msk [tilespmem:v57+s31+$0x0], $0xffff;
	v27 =	vadd.s32 $0x140, v46;
	v1 =	vor.u32 v1, v0;
	v0 =	vor.u32 v3, v0  }
0x345: {  	v47 =	vadd.s32 $0x141, v46;
	v48 =	vadd.s32 $0x142, v46;
	v2 =	vld.idx.msk [tilespmem:v2+s31+$0x0], $0xffff;
	v20 =	vmul.f32 v20, v44  }
0x346: {  	v49 =	vadd.s32 $0x143, v46;
	v63 =	vmul.f32 v39, v44;
	v15 =	vld.idx.msk [tilespmem:v15+s31+$0x0], $0xffff;
	v30 =	vmul.f32 v40, v44  }
0x347: {  	v17 =	vmul.f32 v17, v44;
	v20 =	vadd.f32 v20, v25;
	v25 =	vmul.f32 v42, v44;
	v16 =	vld.idx.msk [tilespmem:v58+s31+$0x0], $0xffff  }
0x348: {  	v19 =	vmul.f32 v19, v44;
	v26 =	vadd.f32 v63, v26;
	v24 =	vadd.f32 v30, v24;
	v3 =	vld.idx.msk [tilespmem:v59+s31+$0x0], $0xffff  }
0x349: {  	v30 =	vmul.f32 v43, v44;
	v22 =	vadd.f32 v25, v22;
	v25 =	vadd.s32 $0x144, v46;
	v0 =	vld.idx.msk [tilespmem:v0+s31+$0x0], $0xffff  }
0x34a: {  	v5 =	vadd.f32 v17, v5;
	v1 =	vld.idx.msk [tilespmem:v1+s31+$0x0], $0xffff;
	[tilespmem:v27+s28+$0x0] =	vst.idx.msk $0xffff, v26;
	v26 =	vadd.s32 $0x145, v46  }
0x34b: {  	v17 =	vmul.f32 v18, v44;
	v18 =	vadd.s32 $0x146, v46;
	v10 =	vadd.f32 v19, v10;
	[tilespmem:v47+s28+$0x0] =	vst.idx.msk $0xffff, v20  }
0x34c: {  	v19 =	vmul.f32 v41, v44;
	v23 =	vadd.f32 v30, v23;
	v20 =	vadd.s32 $0x147, v46;
	[tilespmem:v48+s28+$0x0] =	vst.idx.msk $0xffff, v24  }
0x34d: {  	v28 =	vadd.f32 v35, v28;
	v29 =	vadd.f32 v34, v29;
	[tilespmem:v49+s28+$0x0] =	vst.idx.msk $0xffff, v22;
	v22 =	vadd.s32 $0x148, v46  }
0x34e: {  	v4 =	vmul.f32 v50, v44;
	v8 =	vadd.f32 v19, v8;
	v19 =	vadd.s32 $0x149, v46;
	[tilespmem:v25+s28+$0x0] =	vst.idx.msk $0xffff, v23  }
0x34f: {  	v9 =	vadd.f32 v17, v9;
	v17 =	vmul.f32 v60, v44;
	[tilespmem:v26+s28+$0x0] =	vst.idx.msk $0xffff, v5;
	v5 =	vadd.s32 $0x14A, v46  }
0x350: {  	v15 =	vmul.f32 v15, v44;
	v24 =	vmul.f32 v61, v44;
	[tilespmem:v18+s28+$0x0] =	vst.idx.msk $0xffff, v10;
	v10 =	vadd.s32 $0x14B, v46  }
0x351: {  	v7 =	vadd.f32 v17, v7;
	v23 =	vmul.f32 v31, v44;
	[tilespmem:v20+s28+$0x0] =	vst.idx.msk $0xffff, v9;
	v9 =	vadd.s32 $0x14C, v46  }
0x352: {  	v25 =	vmul.f32 v62, v44;
	v6 =	vadd.f32 v24, v6;
	[tilespmem:v22+s28+$0x0] =	vst.idx.msk $0xffff, v8;
	v8 =	vadd.s32 $0x14D, v46  }
0x353: {  	v16 =	vmul.f32 v16, v44;
	v17 =	vadd.f32 v23, v33;
	[tilespmem:v19+s28+$0x0] =	vst.idx.msk $0xffff, v7;
	v7 =	vadd.s32 $0x14E, v46  }
0x354: {  	v3 =	vmul.f32 v3, v44;
	v14 =	vadd.f32 v25, v14;
	v18 =	vld [tilespmem:$0x1FEC0];
	[tilespmem:v5+s28+$0x0] =	vst.idx.msk $0xffff, v6;
	v5 =	vadd.s32 $0x14F, v46  }
0x355: {  	s10 =	simm.s32 $0x0;
	v0 =	vmul.f32 v0, v44;
	v6 =	vadd.f32 v15, v21;
	[tilespmem:v10+s28+$0x0] =	vst.idx.msk $0xffff, v17;
	v10 =	vadd.s32 $0x150, v46  }
0x356: {  	v16 =	vadd.f32 v16, v28;
	v1 =	vmul.f32 v1, v44;
	v15 =	vmov s10;
	[tilespmem:v9+s28+$0x0] =	vst.idx.msk $0xffff, v14  }
0x357: {  	v0 =	vadd.f32 v0, v29;
	v9 =	vadd.s32 $0x151, v46;
	v14 =	vand.u32 $0x3F, v15;
	[tilespmem:v8+s28+$0x0] =	vst.idx.msk $0xffff, v6  }
0x358: {  	v1 =	vadd.f32 v1, v12;
	v6 =	vadd.s32 $0x152, v46;
	v8 =	vbroadcast v14, $0x0;
	[tilespmem:v7+s28+$0x0] =	vst.idx.msk $0xffff, v16  }
0x359: {  	v2 =	vmul.f32 v2, v44;
	v12 =	vadd.s32 $0xA4C0, v18;
	v7 =	vadd.s32 $0x153, v46;
	[tilespmem:v5+s28+$0x0] =	vst.idx.msk $0xffff, v0  }
0x35a: {  	v3 =	vadd.f32 v3, v13;
	v0 =	vor.u32 v12, v8;
	v5 =	vadd.s32 $0xA000, v18;
	[tilespmem:v10+s28+$0x0] =	vst.idx.msk $0xffff, v1  }
0x35b: {  	s4 =	simm.s32 $0x1;
	v2 =	vadd.f32 v2, v11;
	v11 =	vadd.s32 $0xA140, v18;
	[tilespmem:$0x1FC30] =	vst v5  }
0x35c: {  	v43 =	vmov s4;
	v34 =	vmovc v11;
	v11 =	vor.u32 v11, v8;
	v1 =	vadd.f32 v4, v56;
	[tilespmem:v9+s28+$0x0] =	vst.idx.msk $0xffff, v3  }
0x35d: {  	v17 =	vadd.s32 $0xA240, v18;
	v4 =	vadd.s32 $0xA040, v18;
	v5 =	vor.u32 v5, v8;
	[tilespmem:v6+s28+$0x0] =	vst.idx.msk $0xffff, v2  }
0x35e: {  	v27 =	vadd.s32 $0xA280, v18;
	v2 =	vadd.s32 $0xA080, v18;
	v6 =	vor.u32 v4, v8;
	[tilespmem:v7+s28+$0x0] =	vst.idx.msk $0xffff, v1  }
0x35f: {  	s0 =	simm.s32 $0x1060;
	v19 =	vadd.s32 $0xA2C0, v18;
	[tilespmem:$0x1FC40] =	vst v4;
	v4 =	vadd.s32 $0xA100, v18;
	v7 =	vor.u32 v2, v8;
	v0 =	vld.idx.msk [tilespmem:v0+s31+$0x0], $0xffff  }
0x360: {  	v20 =	vadd.s32 $0xA300, v18;
	v1 =	vadd.s32 $0xA0C0, v18;
	v10 =	vor.u32 v4, v8;
	v57 =	vld [tilespmem:s0+$0x0]  }
0x361: {  	v21 =	vadd.s32 $0xA340, v18;
	[tilespmem:$0x1FC20] =	vst v12;
	v3 =	vmovc v4;
	v4 =	vadd.s32 $0xA180, v18;
	v9 =	vor.u32 v1, v8;
	v11 =	vld.idx.msk [tilespmem:v11+s31+$0x0], $0xffff  }
0x362: {  	v24 =	vadd.s32 $0xA380, v18;
	[tilespmem:$0x1FC60] =	vst v1;
	v1 =	vadd.s32 $0xA1C0, v18;
	v13 =	vor.u32 v4, v8;
	v12 =	vld.idx.msk [tilespmem:v5+s31+$0x0], $0xffff  }
0x363: {  	v23 =	vadd.s32 $0xA3C0, v18;
	v5 =	vadd.s32 $0xA200, v18;
	v14 =	vor.u32 v1, v8;
	v6 =	vld.idx.msk [tilespmem:v6+s31+$0x0], $0xffff  }
0x364: {  	v25 =	vadd.s32 $0xA400, v18;
	v26 =	vadd.s32 $0xA440, v18;
	v15 =	vor.u32 v5, v8;
	v7 =	vld.idx.msk [tilespmem:v7+s31+$0x0], $0xffff  }
0x365: {  	v22 =	vadd.s32 $0xA480, v18;
	v39 =	vmovc v19;
	v36 =	vmovc v4;
	v4 =	vmov v17;
	v17 =	vor.u32 v17, v8;
	v10 =	vld.idx.msk [tilespmem:v10+s31+$0x0], $0xffff  }
0x366: {  	v60 =	vimm.f32 $0.0e+00;
	v37 =	vmovc v20;
	v33 =	vmovc v21;
	v19 =	vor.u32 v19, v8;
	v20 =	vor.u32 v20, v8;
	v9 =	vld.idx.msk [tilespmem:v9+s31+$0x0], $0xffff  }
0x367: {  	v21 =	vor.u32 v21, v8;
	v50 =	vor.u32 v24, v8;
	v51 =	vor.u32 v23, v8;
	v13 =	vld.idx.msk [tilespmem:v13+s31+$0x0], $0xffff  }
0x368: {  	v18 =	vor.u32 v27, v8;
	v0 =	vmul.f32 v0, v57;
	v14 =	vld.idx.msk [tilespmem:v14+s31+$0x0], $0xffff;
	v12 =	vmul.f32 v12, v57  }
0x369: {  	v52 =	vor.u32 v25, v8;
	v53 =	vor.u32 v26, v8;
	v15 =	vld.idx.msk [tilespmem:v15+s31+$0x0], $0xffff;
	v6 =	vmul.f32 v6, v57  }
0x36a: {  	[tilespmem:$0x1FC50] =	vst v2;
	v2 =	vmovc v5;
	v17 =	vld.idx.msk [tilespmem:v17+s31+$0x0], $0xffff;
	v56 =	vadd.f32 v0, v60;
	v31 =	vadd.f32 v12, v60;
	v12 =	vimm.f32 $0.0e+00  }
0x36b: {  	v5 =	vmovc v27;
	v7 =	vmul.f32 v7, v57;
	v0 =	vmul.f32 v9, v57;
	v27 =	vadd.f32 v6, v60  }
0x36c: {  	v38 =	vmovc v24;
	v32 =	vmovc v25;
	v6 =	vmul.f32 v10, v57;
	v9 =	vld.idx.msk [tilespmem:v19+s31+$0x0], $0xffff;
	v10 =	vmul.f32 v13, v57;
	v13 =	vimm.f32 $0.0e+00  }
0x36d: {  	v25 =	vadd.f32 v7, v60;
	v7 =	vld.idx.msk [tilespmem:v18+s31+$0x0], $0xffff;
	v24 =	vadd.f32 v0, v60;
	v0 =	vmul.f32 v11, v57  }
0x36e: {  	v40 =	vld.idx.msk [tilespmem:v20+s31+$0x0], $0xffff;
	v62 =	vadd.f32 v6, v60;
	v6 =	vmul.f32 v14, v57;
	v11 =	vmul.f32 v15, v57  }
0x36f: {  	v20 =	vld.idx.msk [tilespmem:v50+s31+$0x0], $0xffff;
	v63 =	vadd.f32 v0, v60;
	v0 =	vmul.f32 v17, v57;
	v17 =	vor.u32 v22, v8  }
0x370: {  	v19 =	vld.idx.msk [tilespmem:v21+s31+$0x0], $0xffff;
	v61 =	vadd.f32 v10, v60;
	v10 =	vimm.f32 $0.0e+00;
	v21 =	vadd.f32 v6, v60  }
0x371: {  	v18 =	vld.idx.msk [tilespmem:v53+s31+$0x0], $0xffff;
	v58 =	vadd.f32 v11, v60;
	v11 =	vimm.f32 $0.0e+00;
	v6 =	vimm.f32 $0.0e+00  }
0x372: {  	v35 =	vmovc v23;
	v30 =	vmovc v22;
	v14 =	vld.idx.msk [tilespmem:v51+s31+$0x0], $0xffff;
	v8 =	vimm.f32 $0.0e+00;
	v42 =	vmul.f32 v9, v57;
	v41 =	vmul.f32 v7, v57  }
0x373: {  	s4 =	simm.s32 $0x2;
	v16 =	vmovc v1;
	v1 =	vmovc v26;
	v15 =	vld.idx.msk [tilespmem:v52+s31+$0x0], $0xffff;
	v9 =	vimm.f32 $0.0e+00;
	v59 =	vadd.f32 v0, v60;
	v7 =	vimm.f32 $0.0e+00  }
.LBB2_7:
0x374: {  	v60 =	vadd.f32 v41, v60;
	v41 =	vld.idx.msk [tilespmem:v17+s31+$0x0], $0xffff  }
0x375: {  	v17 =	vld [tilespmem:$0x1FC30];
	_ =	sdelay $0x1  }
0x376: {  	v0 =	vand.u32 $0x3F, v43  }
0x377: {  	v0 =	vbroadcast v0, $0x0;
	v40 =	vmul.f32 v40, v57;
	_ =	sdelay $0x1  }
0x378: {  	v12 =	vadd.f32 v40, v12;
	v40 =	vor.u32 v17, v0;
	v17 =	vld [tilespmem:$0x1FC40];
	_ =	sdelay $0x2  }
0x379: {  	v22 =	vld [tilespmem:$0x1FC50];
	_ =	sdelay $0x1  }
0x37a: {  	v13 =	vadd.f32 v42, v13;
	v42 =	vor.u32 v17, v0;
	v17 =	vld [tilespmem:$0x1FC20];
	_ =	sdelay $0x2  }
0x37b: {  	v51 =	vor.u32 v5, v0;
	v43 =	vor.u32 v22, v0;
	v22 =	vld [tilespmem:$0x1FC60]  }
0x37c: {  	v45 =	vor.u32 v3, v0;
	v46 =	vor.u32 v34, v0  }
0x37d: {  	v47 =	vor.u32 v36, v0;
	v48 =	vor.u32 v16, v0;
	v17 =	vor.u32 v17, v0  }
0x37e: {  	s0 =	sadd.s32 $0x40, s0;
	v49 =	vor.u32 v2, v0;
	v50 =	vor.u32 v4, v0;
	v52 =	vor.u32 v39, v0  }
0x37f: {  	v28 =	vld [tilespmem:s0+$0x0];
	v53 =	vor.u32 v37, v0;
	v54 =	vor.u32 v33, v0;
	v20 =	vmul.f32 v20, v57  }
0x380: {  	v55 =	vor.u32 v38, v0;
	v23 =	vor.u32 v32, v0;
	v51 =	vld.idx.msk [tilespmem:v51+s31+$0x0], $0xffff;
	v44 =	vor.u32 v22, v0  }
0x381: {  	v29 =	vor.u32 v1, v0;
	v19 =	vmul.f32 v19, v57;
	v10 =	vadd.f32 v20, v10;
	v20 =	vld.idx.msk [tilespmem:v43+s31+$0x0], $0xffff  }
0x382: {  	v22 =	vor.u32 v35, v0;
	v26 =	vld.idx.msk [tilespmem:v17+s31+$0x0], $0xffff;
	v17 =	vor.u32 v30, v0;
	v0 =	vmul.f32 v14, v57  }
0x383: {  	v15 =	vmul.f32 v15, v57;
	v14 =	vld.idx.msk [tilespmem:v40+s31+$0x0], $0xffff  }
0x384: {  	v11 =	vadd.f32 v19, v11;
	v19 =	vld.idx.msk [tilespmem:v42+s31+$0x0], $0xffff;
	v6 =	vadd.f32 v0, v6;
	v0 =	vmul.f32 v41, v57  }
0x385: {  	v18 =	vmul.f32 v18, v57;
	v9 =	vadd.f32 v15, v9;
	v15 =	vld.idx.msk [tilespmem:v44+s31+$0x0], $0xffff  }
0x386: {  	v8 =	vadd.f32 v0, v8;
	v0 =	vld.idx.msk [tilespmem:v45+s31+$0x0], $0xffff  }
0x387: {  	v7 =	vadd.f32 v18, v7;
	v57 =	vmov v28;
	v18 =	vmul.f32 v26, v28;
	v26 =	vld.idx.msk [tilespmem:v46+s31+$0x0], $0xffff  }
0x388: {  	v14 =	vmul.f32 v14, v57;
	v28 =	vld.idx.msk [tilespmem:v47+s31+$0x0], $0xffff  }
0x389: {  	v56 =	vadd.f32 v18, v56;
	v18 =	vmul.f32 v19, v57;
	v19 =	vld.idx.msk [tilespmem:v48+s31+$0x0], $0xffff  }
0x38a: {  	v31 =	vadd.f32 v14, v31;
	v14 =	vmul.f32 v20, v57;
	v20 =	vld.idx.msk [tilespmem:v49+s31+$0x0], $0xffff  }
0x38b: {  	v27 =	vadd.f32 v18, v27;
	v18 =	vld.idx.msk [tilespmem:v50+s31+$0x0], $0xffff  }
0x38c: {  	v40 =	vld.idx.msk [tilespmem:v53+s31+$0x0], $0xffff;
	v15 =	vmul.f32 v15, v57;
	v0 =	vmul.f32 v0, v57  }
0x38d: {  	p0 =	sne.s32 s4, $0x3F;
	v25 =	vadd.f32 v14, v25;
	v14 =	vmul.f32 v26, v57;
	v26 =	vld.idx.msk [tilespmem:v52+s31+$0x0], $0xffff  }
.Ltmp2:
0x38e: {  	v24 =	vadd.f32 v15, v24;
	v15 =	vld.idx.msk [tilespmem:v23+s31+$0x0], $0xffff;
	v62 =	vadd.f32 v0, v62;
	v0 =	vmul.f32 v28, v57;
	(pc) =	sbr.rel @p0 .LBB2_7-.Ltmp2, $4  }
0x38f: {  	v63 =	vadd.f32 v14, v63;
	v14 =	vmul.f32 v19, v57;
	v19 =	vld.idx.msk [tilespmem:v54+s31+$0x0], $0xffff  }
0x390: {  	v61 =	vadd.f32 v0, v61;
	v0 =	vmul.f32 v20, v57;
	v20 =	vld.idx.msk [tilespmem:v55+s31+$0x0], $0xffff;
	v18 =	vmul.f32 v18, v57  }
0x391: {  	v43 =	vmov s4;
	v41 =	vmul.f32 v51, v57;
	v21 =	vadd.f32 v14, v21;
	v14 =	vld.idx.msk [tilespmem:v22+s31+$0x0], $0xffff  }
0x392: {  	s4 =	sadd.s32 $0x1, s4;
	v58 =	vadd.f32 v0, v58;
	v42 =	vmul.f32 v26, v57;
	v59 =	vadd.f32 v18, v59;
	v18 =	vld.idx.msk [tilespmem:v29+s31+$0x0], $0xffff  }
0x393: {  	_ = 	snop  }
0x394: {  	v0 =	vand.u32 $0x3F, v43;
	v22 =	vld [tilespmem:$0x1FC20]  }
0x395: {  	v23 =	vld [tilespmem:$0x1FC30];
	v0 =	vbroadcast v0, $0x0  }
0x396: {  	v26 =	vld [tilespmem:$0x1FC40]  }
0x397: {  	v17 =	vld.idx.msk [tilespmem:v17+s31+$0x0], $0xffff;
	v3 =	vor.u32 v3, v0  }
0x398: {  	v28 =	vld [tilespmem:$0x1FC50];
	v54 =	vor.u32 v34, v0  }
0x399: {  	v29 =	vld [tilespmem:$0x1FC60];
	v46 =	vor.u32 v36, v0  }
0x39a: {  	s0 =	sadd.s32 $0x40, s0;
	v43 =	vld [tilespmem:$0x1FDA0];
	v55 =	vor.u32 v16, v0  }
0x39b: {  	v44 =	vld [tilespmem:s0+$0x0];
	v47 =	vor.u32 v2, v0  }
0x39c: {  	v2 =	vor.u32 v4, v0;
	v45 =	vld.idx.msk [tilespmem:v3+s31+$0x0], $0xffff  }
0x39d: {  	v49 =	vor.u32 v39, v0;
	v16 =	vld.idx.msk [tilespmem:v54+s31+$0x0], $0xffff  }
0x39e: {  	v50 =	vor.u32 v37, v0;
	v4 =	vld.idx.msk [tilespmem:v46+s31+$0x0], $0xffff  }
0x39f: {  	v52 =	vor.u32 v33, v0;
	v51 =	vld.idx.msk [tilespmem:v55+s31+$0x0], $0xffff  }
0x3a0: {  	v19 =	vmul.f32 v19, v57;
	v23 =	vor.u32 v23, v0;
	v3 =	vor.u32 v5, v0;
	v5 =	vld.idx.msk [tilespmem:v47+s31+$0x0], $0xffff  }
0x3a1: {  	v14 =	vmul.f32 v14, v57;
	v26 =	vor.u32 v26, v0;
	v2 =	vld.idx.msk [tilespmem:v2+s31+$0x0], $0xffff  }
0x3a2: {  	v11 =	vadd.f32 v19, v11;
	v22 =	vor.u32 v22, v0;
	v17 =	vmul.f32 v17, v57;
	v19 =	vld.idx.msk [tilespmem:v49+s31+$0x0], $0xffff  }
0x3a3: {  	v29 =	vor.u32 v29, v0;
	v6 =	vadd.f32 v14, v6;
	v14 =	vld.idx.msk [tilespmem:v50+s31+$0x0], $0xffff  }
0x3a4: {  	v28 =	vor.u32 v28, v0;
	v8 =	vadd.f32 v17, v8;
	v17 =	vld.idx.msk [tilespmem:v52+s31+$0x0], $0xffff  }
0x3a5: {  	v48 =	vmul.f32 v40, v57;
	v40 =	vadd.f32 v41, v60;
	v60 =	vor.u32 v1, v0;
	v23 =	vld.idx.msk [tilespmem:v23+s31+$0x0], $0xffff  }
0x3a6: {  	v53 =	vor.u32 v38, v0;
	v26 =	vld.idx.msk [tilespmem:v26+s31+$0x0], $0xffff  }
0x3a7: {  	v54 =	vor.u32 v35, v0;
	v55 =	vor.u32 v32, v0;
	v0 =	vor.u32 v30, v0;
	v22 =	vld.idx.msk [tilespmem:v22+s31+$0x0], $0xffff  }
0x3a8: {  	v15 =	vmul.f32 v15, v57;
	v20 =	vmul.f32 v20, v57;
	v29 =	vld.idx.msk [tilespmem:v29+s31+$0x0], $0xffff  }
0x3a9: {  	v13 =	vadd.f32 v42, v13;
	v18 =	vmul.f32 v18, v57;
	v28 =	vld.idx.msk [tilespmem:v28+s31+$0x0], $0xffff  }
0x3aa: {  	v9 =	vadd.f32 v15, v9;
	v10 =	vadd.f32 v20, v10;
	v47 =	vld.idx.msk [tilespmem:v60+s31+$0x0], $0xffff;
	v15 =	vmul.f32 v23, v44  }
0x3ab: {  	v7 =	vadd.f32 v18, v7;
	v3 =	vld.idx.msk [tilespmem:v3+s31+$0x0], $0xffff;
	v20 =	vmul.f32 v26, v44;
	v23 =	vadd.s32 $0x280, v43  }
0x3ac: {  	v30 =	vadd.s32 $0x281, v43;
	v0 =	vld.idx.msk [tilespmem:v0+s31+$0x0], $0xffff;
	v18 =	vmul.f32 v22, v44;
	v15 =	vadd.f32 v15, v31  }
0x3ad: {  	v22 =	vld.idx.msk [tilespmem:v53+s31+$0x0], $0xffff;
	v20 =	vadd.f32 v20, v27;
	v27 =	vmul.f32 v29, v44;
	v31 =	vadd.s32 $0x282, v43  }
0x3ae: {  	v12 =	vadd.f32 v48, v12;
	v48 =	vadd.s32 $0x283, v43;
	v26 =	vmul.f32 v28, v44;
	v28 =	vld.idx.msk [tilespmem:v54+s31+$0x0], $0xffff  }
0x3af: {  	v16 =	vmul.f32 v16, v44;
	v29 =	vld.idx.msk [tilespmem:v55+s31+$0x0], $0xffff;
	v24 =	vadd.f32 v27, v24;
	v27 =	vadd.s32 $0x284, v43  }
0x3b0: {  	v25 =	vadd.f32 v26, v25;
	v26 =	vmul.f32 v45, v44;
	[tilespmem:v23+s28+$0x0] =	vst.idx.msk $0xffff, v15;
	v15 =	vadd.s32 $0x285, v43  }
0x3b1: {  	v4 =	vmul.f32 v4, v44;
	v1 =	vmul.f32 v51, v44;
	[tilespmem:v30+s28+$0x0] =	vst.idx.msk $0xffff, v20;
	v20 =	vadd.s32 $0x286, v43  }
0x3b2: {  	v5 =	vmul.f32 v5, v44;
	v26 =	vadd.f32 v26, v62;
	v23 =	vadd.s32 $0x287, v43;
	[tilespmem:v31+s28+$0x0] =	vst.idx.msk $0xffff, v25  }
0x3b3: {  	v16 =	vadd.f32 v16, v63;
	v1 =	vadd.f32 v1, v21;
	v21 =	vadd.s32 $0x288, v43;
	[tilespmem:v48+s28+$0x0] =	vst.idx.msk $0xffff, v24  }
0x3b4: {  	v2 =	vmul.f32 v2, v44;
	v4 =	vadd.f32 v4, v61;
	v24 =	vadd.s32 $0x289, v43;
	[tilespmem:v27+s28+$0x0] =	vst.idx.msk $0xffff, v26  }
0x3b5: {  	v19 =	vmul.f32 v19, v44;
	v14 =	vmul.f32 v14, v44;
	[tilespmem:v15+s28+$0x0] =	vst.idx.msk $0xffff, v16;
	v15 =	vadd.s32 $0x28A, v43  }
0x3b6: {  	v5 =	vadd.f32 v5, v58;
	v3 =	vmul.f32 v3, v44;
	[tilespmem:v20+s28+$0x0] =	vst.idx.msk $0xffff, v4;
	v4 =	vadd.s32 $0x28B, v43  }
0x3b7: {  	v2 =	vadd.f32 v2, v59;
	v13 =	vadd.f32 v19, v13;
	[tilespmem:v23+s28+$0x0] =	vst.idx.msk $0xffff, v1;
	v1 =	vadd.s32 $0x28C, v43  }
0x3b8: {  	v12 =	vadd.f32 v14, v12;
	v3 =	vadd.f32 v3, v40;
	[tilespmem:v21+s28+$0x0] =	vst.idx.msk $0xffff, v5;
	v5 =	vadd.s32 $0x28D, v43  }
0x3b9: {  	v19 =	vmul.f32 v47, v44;
	v16 =	vmul.f32 v17, v44;
	[tilespmem:v24+s28+$0x0] =	vst.idx.msk $0xffff, v2;
	v2 =	vadd.s32 $0x28E, v43  }
0x3ba: {  	v0 =	vmul.f32 v0, v44;
	v14 =	vmul.f32 v22, v44;
	v20 =	vld [tilespmem:$0x1FEC0];
	[tilespmem:v15+s28+$0x0] =	vst.idx.msk $0xffff, v3;
	v3 =	vadd.s32 $0x28F, v43  }
0x3bb: {  	s10 =	simm.s32 $0x0;
	v17 =	vmul.f32 v28, v44;
	v11 =	vadd.f32 v16, v11;
	[tilespmem:v4+s28+$0x0] =	vst.idx.msk $0xffff, v13;
	v4 =	vadd.s32 $0x290, v43  }
0x3bc: {  	v10 =	vadd.f32 v14, v10;
	v16 =	vmul.f32 v29, v44;
	v13 =	vmov s10;
	[tilespmem:v1+s28+$0x0] =	vst.idx.msk $0xffff, v12  }
0x3bd: {  	v6 =	vadd.f32 v17, v6;
	v1 =	vadd.s32 $0x291, v43;
	v12 =	vand.u32 $0x3F, v13;
	[tilespmem:v5+s28+$0x0] =	vst.idx.msk $0xffff, v11  }
0x3be: {  	v9 =	vadd.f32 v16, v9;
	v5 =	vadd.s32 $0x292, v43;
	v11 =	vbroadcast v12, $0x0;
	[tilespmem:v2+s28+$0x0] =	vst.idx.msk $0xffff, v10  }
0x3bf: {  	v7 =	vadd.f32 v19, v7;
	v2 =	vadd.s32 $0x293, v43;
	v10 =	vadd.s32 $0xF4C0, v20;
	[tilespmem:v3+s28+$0x0] =	vst.idx.msk $0xffff, v6  }
0x3c0: {  	v0 =	vadd.f32 v0, v8;
	v3 =	vor.u32 v10, v11;
	v6 =	vadd.s32 $0xF000, v20;
	[tilespmem:v4+s28+$0x0] =	vst.idx.msk $0xffff, v9  }
0x3c1: {  	v14 =	vadd.s32 $0xF1C0, v20;
	v19 =	vadd.s32 $0xF2C0, v20;
	v27 =	vadd.s32 $0xF300, v20;
	[tilespmem:$0x1FBE0] =	vst v6  }
0x3c2: {  	v34 =	vmov v14;
	v14 =	vor.u32 v14, v11;
	v4 =	vadd.f32 v18, v56;
	[tilespmem:v1+s28+$0x0] =	vst.idx.msk $0xffff, v7  }
0x3c3: {  	v26 =	vadd.s32 $0xF340, v20;
	v6 =	vor.u32 v6, v11;
	v1 =	vadd.s32 $0xF040, v20;
	[tilespmem:v5+s28+$0x0] =	vst.idx.msk $0xffff, v0  }
0x3c4: {  	v25 =	vadd.s32 $0xF380, v20;
	v5 =	vadd.s32 $0xF080, v20;
	v0 =	vor.u32 v1, v11;
	[tilespmem:v2+s28+$0x0] =	vst.idx.msk $0xffff, v4  }
0x3c5: {  	s0 =	simm.s32 $0x1070;
	v21 =	vadd.s32 $0xF3C0, v20;
	v2 =	vadd.s32 $0xF0C0, v20;
	v7 =	vor.u32 v5, v11;
	v9 =	vld.idx.msk [tilespmem:v3+s31+$0x0], $0xffff  }
0x3c6: {  	v22 =	vadd.s32 $0xF400, v20;
	[tilespmem:$0x1FBD0] =	vst v10;
	v4 =	vadd.s32 $0xF100, v20;
	v8 =	vor.u32 v2, v11;
	v57 =	vld [tilespmem:s0+$0x0]  }
0x3c7: {  	v23 =	vadd.s32 $0xF440, v20;
	[tilespmem:$0x1FC00] =	vst v5;
	v5 =	vadd.s32 $0xF200, v20;
	v10 =	vor.u32 v4, v11;
	v14 =	vld.idx.msk [tilespmem:v14+s31+$0x0], $0xffff  }
0x3c8: {  	v49 =	vor.u32 v26, v11;
	v3 =	vadd.s32 $0xF140, v20;
	v15 =	vor.u32 v5, v11;
	v6 =	vld.idx.msk [tilespmem:v6+s31+$0x0], $0xffff  }
0x3c9: {  	v24 =	vadd.s32 $0xF480, v20;
	[tilespmem:$0x1FC10] =	vst v2;
	v12 =	vor.u32 v3, v11;
	v2 =	vmovc v4;
	v4 =	vadd.s32 $0xF180, v20;
	v0 =	vld.idx.msk [tilespmem:v0+s31+$0x0], $0xffff  }
0x3ca: {  	v50 =	vor.u32 v25, v11;
	v16 =	vmovc v3;
	v3 =	vadd.s32 $0xF240, v20;
	v13 =	vor.u32 v4, v11;
	v7 =	vld.idx.msk [tilespmem:v7+s31+$0x0], $0xffff  }
0x3cb: {  	v51 =	vor.u32 v21, v11;
	v18 =	vadd.s32 $0xF280, v20;
	v17 =	vor.u32 v3, v11;
	v8 =	vld.idx.msk [tilespmem:v8+s31+$0x0], $0xffff  }
0x3cc: {  	v31 =	vmovc v25;
	v52 =	vor.u32 v22, v11;
	v53 =	vor.u32 v23, v11;
	v37 =	vmov v18;
	v10 =	vld.idx.msk [tilespmem:v10+s31+$0x0], $0xffff  }
0x3cd: {  	v18 =	vor.u32 v18, v11;
	v39 =	vmovc v5;
	v5 =	vmov v19;
	v19 =	vor.u32 v19, v11;
	v15 =	vld.idx.msk [tilespmem:v15+s31+$0x0], $0xffff  }
0x3ce: {  	s4 =	simm.s32 $0x1;
	v60 =	vimm.f32 $0.0e+00;
	v33 =	vmovc v21;
	v20 =	vor.u32 v27, v11;
	v38 =	vmovc v4;
	v12 =	vld.idx.msk [tilespmem:v12+s31+$0x0], $0xffff;
	v6 =	vmul.f32 v6, v57  }
0x3cf: {  	v43 =	vmov s4;
	v4 =	vmovc v3;
	v3 =	vmovc v26;
	v9 =	vmul.f32 v9, v57;
	v13 =	vld.idx.msk [tilespmem:v13+s31+$0x0], $0xffff;
	v0 =	vmul.f32 v0, v57  }
0x3d0: {  	v17 =	vld.idx.msk [tilespmem:v17+s31+$0x0], $0xffff;
	v26 =	vadd.f32 v6, v60;
	v7 =	vmul.f32 v7, v57;
	v6 =	vmul.f32 v8, v57  }
0x3d1: {  	v36 =	vmovc v23;
	v56 =	vadd.f32 v9, v60;
	v25 =	vadd.f32 v0, v60;
	v0 =	vmul.f32 v10, v57  }
0x3d2: {  	v8 =	vld.idx.msk [tilespmem:v19+s31+$0x0], $0xffff;
	v10 =	vmul.f32 v15, v57;
	v23 =	vadd.f32 v7, v60;
	v63 =	vadd.f32 v6, v60  }
0x3d3: {  	v7 =	vld.idx.msk [tilespmem:v18+s31+$0x0], $0xffff;
	v6 =	vmul.f32 v12, v57;
	v21 =	vadd.f32 v0, v60;
	v0 =	vmul.f32 v14, v57  }
0x3d4: {  	v35 =	vmovc v22;
	v40 =	vld.idx.msk [tilespmem:v50+s31+$0x0], $0xffff;
	v58 =	vadd.f32 v10, v60;
	v12 =	vimm.f32 $0.0e+00;
	v9 =	vmul.f32 v13, v57  }
0x3d5: {  	v19 =	vld.idx.msk [tilespmem:v20+s31+$0x0], $0xffff;
	v22 =	vadd.f32 v6, v60;
	v6 =	vmul.f32 v17, v57;
	v17 =	vor.u32 v24, v11  }
0x3d6: {  	v20 =	vld.idx.msk [tilespmem:v49+s31+$0x0], $0xffff;
	v10 =	vimm.f32 $0.0e+00;
	v13 =	vimm.f32 $0.0e+00;
	v62 =	vadd.f32 v0, v60  }
0x3d7: {  	v15 =	vld.idx.msk [tilespmem:v52+s31+$0x0], $0xffff;
	v11 =	vimm.f32 $0.0e+00;
	v61 =	vadd.f32 v9, v60;
	v42 =	vmul.f32 v8, v57  }
0x3d8: {  	v18 =	vld.idx.msk [tilespmem:v53+s31+$0x0], $0xffff;
	v8 =	vimm.f32 $0.0e+00;
	v9 =	vimm.f32 $0.0e+00;
	v41 =	vmul.f32 v7, v57  }
0x3d9: {  	v32 =	vmovc v24;
	s4 =	simm.s32 $0x2;
	[tilespmem:$0x1FBF0] =	vst v1;
	v1 =	vmovc v27;
	v14 =	vld.idx.msk [tilespmem:v51+s31+$0x0], $0xffff;
	v59 =	vadd.f32 v6, v60;
	v7 =	vimm.f32 $0.0e+00;
	v6 =	vimm.f32 $0.0e+00  }
.LBB2_9:
0x3da: {  	v60 =	vadd.f32 v41, v60;
	v41 =	vld.idx.msk [tilespmem:v17+s31+$0x0], $0xffff  }
0x3db: {  	v17 =	vld [tilespmem:$0x1FBE0];
	_ =	sdelay $0x1  }
0x3dc: {  	v0 =	vand.u32 $0x3F, v43  }
0x3dd: {  	v0 =	vbroadcast v0, $0x0;
	v19 =	vmul.f32 v19, v57;
	_ =	sdelay $0x1  }
0x3de: {  	v12 =	vadd.f32 v19, v12;
	v19 =	vmul.f32 v40, v57;
	v40 =	vor.u32 v17, v0;
	v17 =	vld [tilespmem:$0x1FBF0];
	_ =	sdelay $0x3  }
0x3df: {  	v24 =	vld [tilespmem:$0x1FC00]  }
0x3e0: {  	v13 =	vadd.f32 v42, v13;
	v42 =	vor.u32 v17, v0;
	v17 =	vld [tilespmem:$0x1FBD0];
	_ =	sdelay $0x2  }
0x3e1: {  	v49 =	vor.u32 v39, v0  }
0x3e2: {  	v51 =	vor.u32 v37, v0;
	v43 =	vor.u32 v24, v0;
	v24 =	vld [tilespmem:$0x1FC10]  }
0x3e3: {  	v17 =	vor.u32 v17, v0  }
0x3e4: {  	s0 =	sadd.s32 $0x40, s0;
	v45 =	vor.u32 v2, v0;
	v46 =	vor.u32 v16, v0  }
0x3e5: {  	v29 =	vld [tilespmem:s0+$0x0];
	v47 =	vor.u32 v38, v0;
	v48 =	vor.u32 v34, v0;
	v50 =	vor.u32 v4, v0  }
0x3e6: {  	v52 =	vor.u32 v5, v0;
	v53 =	vor.u32 v1, v0;
	v20 =	vmul.f32 v20, v57;
	v49 =	vld.idx.msk [tilespmem:v49+s31+$0x0], $0xffff  }
0x3e7: {  	v54 =	vor.u32 v3, v0;
	v55 =	vor.u32 v31, v0;
	v51 =	vld.idx.msk [tilespmem:v51+s31+$0x0], $0xffff;
	v44 =	vor.u32 v24, v0  }
0x3e8: {  	v27 =	vor.u32 v35, v0;
	v30 =	vor.u32 v36, v0;
	v11 =	vadd.f32 v20, v11;
	v28 =	vld.idx.msk [tilespmem:v17+s31+$0x0], $0xffff  }
0x3e9: {  	v24 =	vor.u32 v33, v0;
	v20 =	vld.idx.msk [tilespmem:v42+s31+$0x0], $0xffff;
	v17 =	vor.u32 v32, v0;
	v0 =	vmul.f32 v14, v57  }
0x3ea: {  	v15 =	vmul.f32 v15, v57;
	v18 =	vmul.f32 v18, v57;
	v14 =	vld.idx.msk [tilespmem:v40+s31+$0x0], $0xffff  }
0x3eb: {  	v8 =	vadd.f32 v19, v8;
	v19 =	vld.idx.msk [tilespmem:v43+s31+$0x0], $0xffff;
	v9 =	vadd.f32 v0, v9;
	v0 =	vmul.f32 v41, v57  }
0x3ec: {  	v10 =	vadd.f32 v15, v10;
	v15 =	vld.idx.msk [tilespmem:v44+s31+$0x0], $0xffff  }
0x3ed: {  	v7 =	vadd.f32 v18, v7;
	v6 =	vadd.f32 v0, v6;
	v0 =	vld.idx.msk [tilespmem:v45+s31+$0x0], $0xffff;
	v18 =	vmul.f32 v28, v29  }
0x3ee: {  	v57 =	vmov v29;
	v28 =	vld.idx.msk [tilespmem:v46+s31+$0x0], $0xffff  }
0x3ef: {  	v14 =	vmul.f32 v14, v57;
	v29 =	vld.idx.msk [tilespmem:v47+s31+$0x0], $0xffff;
	v56 =	vadd.f32 v18, v56;
	v18 =	vmul.f32 v20, v57  }
0x3f0: {  	v20 =	vld.idx.msk [tilespmem:v48+s31+$0x0], $0xffff  }
0x3f1: {  	v26 =	vadd.f32 v14, v26;
	v14 =	vmul.f32 v19, v57;
	v25 =	vadd.f32 v18, v25;
	v18 =	vld.idx.msk [tilespmem:v50+s31+$0x0], $0xffff  }
0x3f2: {  	v40 =	vld.idx.msk [tilespmem:v55+s31+$0x0], $0xffff;
	v15 =	vmul.f32 v15, v57;
	v0 =	vmul.f32 v0, v57  }
0x3f3: {  	p0 =	sne.s32 s4, $0x3F;
	v23 =	vadd.f32 v14, v23;
	v14 =	vmul.f32 v28, v57;
	v28 =	vld.idx.msk [tilespmem:v52+s31+$0x0], $0xffff  }
.Ltmp3:
0x3f4: {  	v63 =	vadd.f32 v15, v63;
	v15 =	vld.idx.msk [tilespmem:v27+s31+$0x0], $0xffff;
	v21 =	vadd.f32 v0, v21;
	v0 =	vmul.f32 v29, v57;
	(pc) =	sbr.rel @p0 .LBB2_9-.Ltmp3, $4  }
0x3f5: {  	v19 =	vld.idx.msk [tilespmem:v53+s31+$0x0], $0xffff;
	v22 =	vadd.f32 v14, v22;
	v14 =	vmul.f32 v20, v57  }
0x3f6: {  	v20 =	vld.idx.msk [tilespmem:v54+s31+$0x0], $0xffff;
	v61 =	vadd.f32 v0, v61;
	v0 =	vmul.f32 v49, v57;
	v18 =	vmul.f32 v18, v57  }
0x3f7: {  	v43 =	vmov s4;
	v41 =	vmul.f32 v51, v57;
	v62 =	vadd.f32 v14, v62;
	v14 =	vld.idx.msk [tilespmem:v24+s31+$0x0], $0xffff  }
0x3f8: {  	s4 =	sadd.s32 $0x1, s4;
	v58 =	vadd.f32 v0, v58;
	v42 =	vmul.f32 v28, v57;
	v59 =	vadd.f32 v18, v59;
	v18 =	vld.idx.msk [tilespmem:v30+s31+$0x0], $0xffff  }
0x3f9: {  	_ = 	snop  }
0x3fa: {  	v0 =	vand.u32 $0x3F, v43;
	v24 =	vld [tilespmem:$0x1FBD0]  }
0x3fb: {  	v27 =	vld [tilespmem:$0x1FBE0];
	v0 =	vbroadcast v0, $0x0  }
0x3fc: {  	v28 =	vld [tilespmem:$0x1FBF0]  }
0x3fd: {  	v17 =	vld.idx.msk [tilespmem:v17+s31+$0x0], $0xffff;
	v53 =	vor.u32 v2, v0  }
0x3fe: {  	v29 =	vld [tilespmem:$0x1FC00];
	v16 =	vor.u32 v16, v0  }
0x3ff: {  	v30 =	vld [tilespmem:$0x1FC10];
	s0 =	sadd.s32 $0x40, s0;
	v47 =	vor.u32 v38, v0  }
0x400: {  	v44 =	vld [tilespmem:s0+$0x0];
	v2 =	vor.u32 v34, v0  }
0x401: {  	v54 =	vor.u32 v39, v0;
	v45 =	vor.u32 v37, v0;
	v37 =	vld [tilespmem:$0x1FDA0]  }
0x402: {  	v46 =	vor.u32 v4, v0;
	v43 =	vld.idx.msk [tilespmem:v53+s31+$0x0], $0xffff  }
0x403: {  	v48 =	vld.idx.msk [tilespmem:v16+s31+$0x0], $0xffff  }
0x404: {  	v55 =	vor.u32 v5, v0;
	v4 =	vld.idx.msk [tilespmem:v47+s31+$0x0], $0xffff  }
0x405: {  	v49 =	vor.u32 v3, v0;
	v2 =	vld.idx.msk [tilespmem:v2+s31+$0x0], $0xffff  }
0x406: {  	v50 =	vor.u32 v31, v0;
	v5 =	vld.idx.msk [tilespmem:v54+s31+$0x0], $0xffff  }
0x407: {  	v27 =	vor.u32 v27, v0;
	v3 =	vld.idx.msk [tilespmem:v46+s31+$0x0], $0xffff  }
0x408: {  	v14 =	vmul.f32 v14, v57;
	v28 =	vor.u32 v28, v0;
	v53 =	vld.idx.msk [tilespmem:v45+s31+$0x0], $0xffff  }
0x409: {  	v15 =	vmul.f32 v15, v57;
	v29 =	vor.u32 v29, v0;
	v16 =	vld.idx.msk [tilespmem:v55+s31+$0x0], $0xffff  }
0x40a: {  	v51 =	vmul.f32 v40, v57;
	v30 =	vor.u32 v30, v0;
	v9 =	vadd.f32 v14, v9;
	v14 =	vld.idx.msk [tilespmem:v49+s31+$0x0], $0xffff  }
0x40b: {  	v19 =	vmul.f32 v19, v57;
	v10 =	vadd.f32 v15, v10;
	v52 =	vor.u32 v33, v0;
	v15 =	vld.idx.msk [tilespmem:v50+s31+$0x0], $0xffff  }
0x40c: {  	v13 =	vadd.f32 v42, v13;
	v20 =	vmul.f32 v20, v57;
	v24 =	vor.u32 v24, v0;
	v27 =	vld.idx.msk [tilespmem:v27+s31+$0x0], $0xffff  }
0x40d: {  	v8 =	vadd.f32 v51, v8;
	v39 =	vadd.f32 v41, v60;
	v31 =	vor.u32 v35, v0;
	v28 =	vld.idx.msk [tilespmem:v28+s31+$0x0], $0xffff  }
0x40e: {  	v12 =	vadd.f32 v19, v12;
	v18 =	vmul.f32 v18, v57;
	v47 =	vor.u32 v1, v0;
	v29 =	vld.idx.msk [tilespmem:v29+s31+$0x0], $0xffff  }
0x40f: {  	v17 =	vmul.f32 v17, v57;
	v54 =	vor.u32 v36, v0;
	v0 =	vor.u32 v32, v0;
	v30 =	vld.idx.msk [tilespmem:v30+s31+$0x0], $0xffff  }
0x410: {  	v11 =	vadd.f32 v20, v11;
	v7 =	vadd.f32 v18, v7;
	v55 =	vadd.s32 $0x3C0, v37;
	v60 =	vld.idx.msk [tilespmem:v52+s31+$0x0], $0xffff  }
0x411: {  	v6 =	vadd.f32 v17, v6;
	v36 =	vadd.s32 $0x3C1, v37;
	v24 =	vld.idx.msk [tilespmem:v24+s31+$0x0], $0xffff;
	v57 =	vmul.f32 v27, v44  }
0x412: {  	v41 =	vadd.s32 $0x3C3, v37;
	v38 =	vmul.f32 v28, v44;
	v28 =	vld.idx.msk [tilespmem:v31+s31+$0x0], $0xffff;
	v31 =	vadd.s32 $0x3C2, v37  }
0x413: {  	v46 =	vadd.s32 $0x3C5, v37;
	v20 =	vld.idx.msk [tilespmem:v47+s31+$0x0], $0xffff;
	v40 =	vmul.f32 v29, v44;
	v18 =	vadd.f32 v57, v26  }
0x414: {  	v0 =	vld.idx.msk [tilespmem:v0+s31+$0x0], $0xffff;
	v42 =	vmul.f32 v30, v44;
	v30 =	vadd.s32 $0x3C4, v37;
	v17 =	vadd.f32 v38, v25  }
0x415: {  	v45 =	vmul.f32 v43, v44;
	v29 =	vld.idx.msk [tilespmem:v54+s31+$0x0], $0xffff;
	v23 =	vadd.f32 v40, v23;
	[tilespmem:v55+s28+$0x0] =	vst.idx.msk $0xffff, v18  }
0x416: {  	v1 =	vmul.f32 v48, v44;
	v48 =	vadd.s32 $0x3C6, v37;
	v47 =	vadd.f32 v42, v63;
	[tilespmem:v36+s28+$0x0] =	vst.idx.msk $0xffff, v17  }
0x417: {  	v49 =	vadd.s32 $0x3C7, v37;
	v4 =	vmul.f32 v4, v44;
	v21 =	vadd.f32 v45, v21;
	[tilespmem:v31+s28+$0x0] =	vst.idx.msk $0xffff, v23  }
0x418: {  	v50 =	vadd.s32 $0x3C8, v37;
	v2 =	vmul.f32 v2, v44;
	v1 =	vadd.f32 v1, v22;
	[tilespmem:v41+s28+$0x0] =	vst.idx.msk $0xffff, v47  }
0x419: {  	v51 =	vadd.s32 $0x3C9, v37;
	v5 =	vmul.f32 v5, v44;
	v4 =	vadd.f32 v4, v61;
	[tilespmem:v30+s28+$0x0] =	vst.idx.msk $0xffff, v21  }
0x41a: {  	v3 =	vmul.f32 v3, v44;
	v2 =	vadd.f32 v2, v62;
	[tilespmem:v46+s28+$0x0] =	vst.idx.msk $0xffff, v1;
	v1 =	vadd.s32 $0x3CA, v37  }
0x41b: {  	v52 =	vmul.f32 v53, v44;
	v53 =	vadd.s32 $0x3CB, v37;
	v5 =	vadd.f32 v5, v58;
	[tilespmem:v48+s28+$0x0] =	vst.idx.msk $0xffff, v4  }
0x41c: {  	v16 =	vmul.f32 v16, v44;
	v3 =	vadd.f32 v3, v59;
	[tilespmem:v49+s28+$0x0] =	vst.idx.msk $0xffff, v2;
	v2 =	vadd.s32 $0x3CC, v37  }
0x41d: {  	v54 =	vadd.f32 v52, v39;
	v57 =	vadd.s32 $0x3CD, v37;
	v55 =	vmul.f32 v20, v44;
	[tilespmem:v50+s28+$0x0] =	vst.idx.msk $0xffff, v5  }
0x41e: {  	v14 =	vmul.f32 v14, v44;
	v13 =	vadd.f32 v16, v13;
	[tilespmem:v51+s28+$0x0] =	vst.idx.msk $0xffff, v3;
	v3 =	vadd.s32 $0x3CE, v37  }
0x41f: {  	v15 =	vmul.f32 v15, v44;
	v12 =	vadd.f32 v55, v12;
	[tilespmem:v1+s28+$0x0] =	vst.idx.msk $0xffff, v54;
	v1 =	vadd.s32 $0x3CF, v37  }
0x420: {  	v58 =	vmul.f32 v60, v44;
	v11 =	vadd.f32 v14, v11;
	v59 =	vadd.s32 $0x3D0, v37;
	[tilespmem:v53+s28+$0x0] =	vst.idx.msk $0xffff, v13  }
0x421: {  	v8 =	vadd.f32 v15, v8;
	v60 =	vmul.f32 v28, v44;
	[tilespmem:v2+s28+$0x0] =	vst.idx.msk $0xffff, v12;
	v2 =	vadd.s32 $0x3D1, v37  }
0x422: {  	v62 =	vadd.s32 $0x3D2, v37;
	v9 =	vadd.f32 v58, v9;
	v61 =	vmul.f32 v29, v44;
	[tilespmem:v57+s28+$0x0] =	vst.idx.msk $0xffff, v11  }
0x423: {  	v0 =	vmul.f32 v0, v44;
	v10 =	vadd.f32 v60, v10;
	[tilespmem:v3+s28+$0x0] =	vst.idx.msk $0xffff, v8;
	v3 =	vadd.s32 $0x3D3, v37  }
0x424: {  	v63 =	vmul.f32 v24, v44;
	v7 =	vadd.f32 v61, v7;
	[tilespmem:v1+s28+$0x0] =	vst.idx.msk $0xffff, v9  }
0x425: {  	v0 =	vadd.f32 v0, v6;
	[tilespmem:v59+s28+$0x0] =	vst.idx.msk $0xffff, v10  }
0x426: {  	v1 =	vadd.f32 v63, v56;
	[tilespmem:v2+s28+$0x0] =	vst.idx.msk $0xffff, v7  }
0x427: {  	[tilespmem:v62+s28+$0x0] =	vst.idx.msk $0xffff, v0  }
0x428: {  	s30 =	sadd.s32 s7, s30;
	s4 =	simm.s32 $0x0;
	[tilespmem:v3+s28+$0x0] =	vst.idx.msk $0xffff, v1  }
0x429: {  	[hbm4b:s30+s4] =	stream.linear.scatter [tilespmem:s28], [sflag:$0x2], $0x500, $0x38;
	[tilespmem:$0x16A40] =	vst v63  }
0x42a: {  	_ =	swait.ge [sflag:s11], $0x500  }
0x42b: {  	v30 =	vld [tilespmem:$0x1FEC0]  }
0x42c: {  	v31 =	vld [tilespmem:$0x1FED0]  }
0x42d: {  	v32 =	vld [tilespmem:$0x1FEE0]  }
0x42e: {  	v33 =	vld [tilespmem:$0x1FEF0]  }
0x42f: {  	v34 =	vld [tilespmem:$0x1FF00]  }
0x430: {  	v35 =	vld [tilespmem:$0x1FF10]  }
0x431: {  	v36 =	vld [tilespmem:$0x1FF20]  }
0x432: {  	v37 =	vld [tilespmem:$0x1FF30]  }
0x433: {  	v47 =	vld [tilespmem:$0x1FF40]  }
0x434: {  	v0 =	vld [tilespmem:$0x1FF50]  }
0x435: {  	v41 =	vld [tilespmem:$0x1FF60]  }
0x436: {  	v42 =	vld [tilespmem:$0x1FF70]  }
0x437: {  	v43 =	vld [tilespmem:$0x1FF80]  }
0x438: {  	s29 =	sadd.s32 $0x1, s29;
	v51 =	vld [tilespmem:$0x1FF90]  }
0x439: {  	p0 =	sne.s32 s29, $0x8;
	v54 =	vld [tilespmem:$0x1FFA0]  }
.Ltmp4:
0x43a: {  	v46 =	vld [tilespmem:$0x1FFB0];
	(pc) =	sbr.rel @p0 .LBB2_2-.Ltmp4, $4  }
0x43b: {  	v53 =	vld [tilespmem:$0x1FFC0]  }
0x43c: {  	v50 =	vld [tilespmem:$0x1FFD0]  }
0x43d: {  	[sflag:s11] =	ssyncset.done $0x0;
	v52 =	vld [tilespmem:$0x1FFE0]  }
0x43e: {  	v63 =	vld [tilespmem:$0x1FFF0];
	[sflag:s11] =	ssyncadd.s32 $0xFFFFFB00  }
0x43f: {  	s1 =	rddreg [dreg:$0x5]  }
0x440: {  	s0 =	rddreg [dreg:$0x4];
	s1 =	sadd.s32 $0x1, s1  }
0x441: {  	p0 =	sne.s32 s1, s0  }
.Ltmp5:
0x442: {  	_ = 	snop;
	(pc) =	sbr.rel @p0 .LBB2_1-.Ltmp5, $1  }
0x443: {  	_ =	sdelay $0x3  }
0x444: {  	_ =	sfence.sel $0x180000  }
0x445: {  	[bflag:$0x0] =	sbarrier.arrive $0xFFFF  }
0x446: {  	_ =	strace $0x90000047  }
0x447: {  	s0 =	stileid.u32;
	[bflag:$0x2] =	sbarrier.arrive $0xFFFF  }
0x448: {  	p0 =	sne.s32 s0, $0x0;
	s0 =	rddreg [dreg:$0x3]  }
0x449: {  	s0 =	sadd.s32 @!p0 $0x100000, s0  }
0x44a: {  	[sflag:s0] =	ssyncadd.tile.s32 @!p0 $0x1;
	_ =	shalt  }
.Lfunc_end2:
_tile_overlayer_lowered:
.L_overlay_start_2:
0x44b: {  	(tag) =	ssettag $0x2  }
0x44c: {  	s0 =	rddreg [dreg:$0x0];
	s2 =	stileid.u32  }
0x44d: {  	s1 =	rddreg [dreg:$0x1];
	p0 =	sne.s32 s2, $0x0  }
0x44e: {  	s3 =	rddreg [dreg:$0x2];
	[bflag:$0x3] =	sbarrier.arrive $0xFFFF;
	s2 =	simm.s32 @!p0 $0x1C02  }
0x44f: {  	[timem:s3], [sflag:s2] =	dma.local @!p0 [hbm:s0], s1  }
0x450: {  	s0 =	simm.s32 @!p0 $0x2  }
0x451: {  	_ =	swait.ge @!p0 [sflag:s0], s1  }
0x452: {  	s1 =	ssub.s32 @!p0 $0x0, s1;
	[sflag:s0] =	ssyncset.done @!p0 $0x0  }
0x453: {  	[sflag:s0] =	ssyncadd.s32 @!p0 s1  }
0x454: {  	[bflag:$0x3] =	sbarrier.arrive $0xFFFF  }
0x455: {  	_ =	shalt  }

</sc_bundles>
